<compile_context>
chip_gen: v7x
topology: tpu7x:2x2x1
jax: 0.10.2.dev20260603
libtpu: 0.0.44.dev20260713+nightly
codegen_flags: <defaults>
</compile_context>

<pallas_src>
import functools

import jax
import jax.numpy as jnp
from jax import lax
from jax.experimental import pallas as pl
from jax.experimental.pallas import tpu as pltpu
from jax.experimental.pallas import tpu_sc as plsc

B, E, K, D, C = 64, 64, 8, 1024, 100
E_BLK = 16
N_STEPS = E // E_BLK
TANH_FACTOR = 10.0

_NC, _NS = 2, 16
_NW = _NC * _NS
_RPW = B // _NW


def _cos_kernel(x_ref, keys_ref, cos_ref):
    x = x_ref[...]
    norm = jnp.sqrt(jnp.sum(x * x, axis=1, keepdims=True))
    xn = x / jnp.maximum(norm, 1e-12)
    cos_ref[...] = jax.lax.dot_general(xn, keys_ref[...],
                                       (((1,), (1,)), ((), ())),
                                       preferred_element_type=jnp.float32)


def _sc_topk(cos_hbm, w_hbm, row_v, w_v, tmpf_v, tmpi_v):
    wid = lax.axis_index("s") * _NC + lax.axis_index("c")
    base = wid * _RPW
    pltpu.sync_copy(cos_hbm.at[pl.ds(base, _RPW)], row_v)
    idx16 = lax.broadcasted_iota(jnp.int32, (16,), 0)
    last = jnp.full((16,), 15, jnp.int32)
    nv = E // 16
    for b in range(_RPW):
        vs = [row_v[b, pl.ds(j * 16, 16)] for j in range(nv)]
        gidx = [idx16 + 16 * j for j in range(nv)]
        zf = jnp.zeros((16,), jnp.float32)
        zi = jnp.zeros((16,), jnp.int32)
        sims = []
        es = []
        for k in range(K):
            mm = vs[0]
            for v in vs[1:]:
                mm = jnp.maximum(mm, v)
            lanes = [mm[l] for l in range(16)]
            while len(lanes) > 1:
                lanes = [jnp.maximum(lanes[2 * t], lanes[2 * t + 1])
                         for t in range(len(lanes) // 2)]
            rm_s = lanes[0]
            rm = zf + rm_s
            cand = jnp.full((16,), 2 * E, jnp.int32)
            for j, v in enumerate(vs):
                cand = jnp.minimum(cand, jnp.where(v == rm, gidx[j], 2 * E))
            cl = [cand[l] for l in range(16)]
            while len(cl) > 1:
                cl = [jnp.minimum(cl[2 * t], cl[2 * t + 1])
                      for t in range(len(cl) // 2)]
            e_s = cl[0]
            e = zi + e_s
            es.append(e_s)
            sims.append(rm_s)
            vs = [jnp.where(gidx[j] == e, -1e30, v)
                  for j, v in enumerate(vs)]
        den = sims[0]
        for s in sims[1:]:
            den = den + s
        den_v = zf + den
        ws = [(zf + s) / den_v for s in sims]
        se = list(es)
        for (a, c) in ((0, 1), (2, 3), (4, 5), (6, 7),
                       (0, 2), (1, 3), (4, 6), (5, 7),
                       (1, 2), (5, 6), (0, 4), (3, 7),
                       (1, 5), (2, 6),
                       (1, 4), (3, 6),
                       (2, 4), (3, 5),
                       (3, 4)):
            lo = jnp.minimum(se[a], se[c])
            hi = jnp.maximum(se[a], se[c])
            se[a], se[c] = lo, hi
        for j in range(nv):
            wj = zf
            for k in range(K):
                wj = jnp.where(gidx[j] == zi + se[k], ws[k], wj)
            w_v[b, pl.ds(j * 16, 16)] = wj
    pltpu.sync_copy(w_v, w_hbm.at[pl.ds(base, _RPW)])


def _ens_kernel(x_ref, keys_ref, w_ref, ew_ref, eb_ref, vw_ref, vb_ref,
                tw_ref, tb_ref, ens_ref, tanh_ref, van_ref, acc_ref):
    i = pl.program_id(0)

    @pl.when(i == 0)
    def _heads():
        x0 = x_ref[...]
        acc_ref[...] = jnp.zeros((B, C), jnp.float32)
        v = jax.lax.dot_general(x0, vw_ref[...], (((1,), (1,)), ((), ())),
                                preferred_element_type=jnp.float32) + vb_ref[...]
        m2 = jnp.max(v, axis=1, keepdims=True)
        s = v - m2
        lse = jnp.log(jnp.sum(jnp.exp(s), axis=1, keepdims=True))
        van_ref[...] = s - lse
        th = jax.lax.dot_general(x0, tw_ref[...], (((1,), (1,)), ((), ())),
                                 preferred_element_type=jnp.float32) + tb_ref[...]
        tanh_ref[...] = jnp.tanh(th * (1.0 / TANH_FACTOR)) * TANH_FACTOR

    x = x_ref[...]
    w = w_ref[...]
    idxs = jax.lax.broadcasted_iota(jnp.int32, (B, E), 1)
    acc = acc_ref[...]
    for j in range(E_BLK):
        e_idx = i * E_BLK + j
        wj = ew_ref[j]
        y = jax.lax.dot_general(x, wj, (((1,), (1,)), ((), ())),
                                preferred_element_type=jnp.float32)
        y = y + eb_ref[j][None, :]
        t = jnp.tanh(y * (1.0 / TANH_FACTOR)) * TANH_FACTOR
        wcol = jnp.sum(jnp.where(idxs == e_idx, w, 0.0), axis=1, keepdims=True)
        acc = acc + wcol * t
    acc_ref[...] = acc

    @pl.when(i == N_STEPS - 1)
    def _finish():
        ens_ref[...] = acc_ref[...]


def _run(x, keys, expert_W, expert_b, vanilla_W, vb2, tanh_W, tb2):
    cos = pl.pallas_call(
        _cos_kernel,
        out_shape=jax.ShapeDtypeStruct((B, E), jnp.float32),
    )(x, keys)

    mesh = plsc.VectorSubcoreMesh(core_axis_name="c", subcore_axis_name="s",
                                  num_cores=_NC)
    w = functools.partial(
        pl.kernel, mesh=mesh,
        out_type=jax.ShapeDtypeStruct((B, E), jnp.float32),
        scratch_types=[pltpu.VMEM((_RPW, E), jnp.float32),
                       pltpu.VMEM((_RPW, E), jnp.float32),
                       pltpu.VMEM((16,), jnp.float32),
                       pltpu.VMEM((16,), jnp.int32)],
    )(_sc_topk)(cos)

    return pl.pallas_call(
        _ens_kernel,
        grid=(N_STEPS,),
        in_specs=[
            pl.BlockSpec((B, D), lambda i: (0, 0)),
            pl.BlockSpec((E, D), lambda i: (0, 0)),
            pl.BlockSpec((B, E), lambda i: (0, 0)),
            pl.BlockSpec((E_BLK, C, D), lambda i: (i, 0, 0)),
            pl.BlockSpec((E_BLK, C), lambda i: (i, 0)),
            pl.BlockSpec((C, D), lambda i: (0, 0)),
            pl.BlockSpec((1, C), lambda i: (0, 0)),
            pl.BlockSpec((C, D), lambda i: (0, 0)),
            pl.BlockSpec((1, C), lambda i: (0, 0)),
        ],
        out_specs=[
            pl.BlockSpec((B, C), lambda i: (0, 0)),
            pl.BlockSpec((B, C), lambda i: (0, 0)),
            pl.BlockSpec((B, C), lambda i: (0, 0)),
        ],
        out_shape=[
            jax.ShapeDtypeStruct((B, C), jnp.float32),
            jax.ShapeDtypeStruct((B, C), jnp.float32),
            jax.ShapeDtypeStruct((B, C), jnp.float32),
        ],
        scratch_shapes=[
            pltpu.VMEM((B, C), jnp.float32),
        ],
    )(x, keys, w, expert_W, expert_b, vanilla_W, vb2, tanh_W, tb2)


def kernel(x, keys, expert_W, expert_b, vanilla_W, vanilla_b, tanh_W, tanh_b,
           x_is_encoded=1):
    ens, tanh_out, van = _run(x, keys, expert_W, expert_b,
                              vanilla_W, vanilla_b.reshape(1, C),
                              tanh_W, tanh_b.reshape(1, C))
    return (ens, tanh_out, van)

# --- scband reference (transcript-rebuilt; emitter-appended) ---
"""Pipeline reference for scband-ensemble-e2-emodule-19756849562150 (READ-ONLY COPY).

The authoritative reference and input builder live on the scoring server;
editing this copy changes nothing except your own understanding.
"""

import jax, jax.numpy as jnp
import numpy as np

B = 64
E = 64
K = 8
D = 1024
C = 100
TANH_FACTOR = 10.0


def setup_inputs(seed: int = 0) -> dict:
    key = jax.random.key(seed)
    ks = jax.random.split(key, 9)
    x = jax.random.normal(ks[0], (B, D), dtype=jnp.float32)
    keys_raw = jax.random.normal(ks[1], (E, D), dtype=jnp.float32)
    keys = keys_raw / jnp.maximum(jnp.linalg.norm(keys_raw, axis=1, keepdims=True), 1e-12)
    expert_W = jax.random.normal(ks[2], (E, C, D), dtype=jnp.float32) * np.sqrt(1.0 / D)
    expert_b = jax.random.uniform(ks[3], (E, C), dtype=jnp.float32, minval=-1.0, maxval=1.0) * np.sqrt(1.0 / D)
    vanilla_W = jax.random.normal(ks[4], (C, D), dtype=jnp.float32) * np.sqrt(0.1 / D)
    vanilla_b = jax.random.uniform(ks[5], (C,), dtype=jnp.float32, minval=-1.0, maxval=1.0) * np.sqrt(1.0 / D)
    tanh_W = jax.random.normal(ks[6], (C, D), dtype=jnp.float32) * np.sqrt(0.1 / D)
    tanh_b = jax.random.uniform(ks[7], (C,), dtype=jnp.float32, minval=-1.0, maxval=1.0) * np.sqrt(1.0 / D)
    return {"x": x, "keys": keys, "expert_W": expert_W, "expert_b": expert_b,
            "vanilla_W": vanilla_W, "vanilla_b": vanilla_b,
            "tanh_W": tanh_W, "tanh_b": tanh_b, "x_is_encoded": 1}


def reference(x, keys, expert_W, expert_b, vanilla_W, vanilla_b, tanh_W, tanh_b, x_is_encoded=1):
    # lookup_memory: l2-normalize input, cosine sim vs keys, top-k (descending)
    x_norm = x / jnp.maximum(jnp.linalg.norm(x, axis=1, keepdims=True), 1e-12)
    cos = x_norm @ keys.T  # [B, E]
    order = jnp.flip(jnp.argsort(cos, axis=1), axis=1)
    cos_sorted = jnp.take_along_axis(cos, order, axis=1)
    idx = order[:, :K]          # selected expert indexes, descending-sim order
    sims = cos_sorted[:, :K]    # descending similarities
    # ensemble_forward iterates models in model-index order (`if index in single_indexes`),
    # so expert outputs are in ascending model-index order while sims stay descending
    idx_model = jnp.sort(idx, axis=1)  # [B, K]
    Wk = expert_W[idx_model]           # [B, K, C, D] gather of expert weights
    bk = expert_b[idx_model]           # [B, K, C]
    raw = jnp.einsum('bd,bkcd->bkc', x, Wk) + bk
    expert_out = jnp.tanh(raw / TANH_FACTOR) * TANH_FACTOR
    sims3 = sims[:, :, None]
    ensemble = jnp.sum(expert_out * sims3, axis=1) / jnp.sum(sims3, axis=1)
    # vanilla classifier
    vanilla = jax.nn.log_softmax(x @ vanilla_W.T + vanilla_b, axis=1)
    # tanh classifier
    tanh_out = jnp.tanh((x @ tanh_W.T + tanh_b) / TANH_FACTOR) * TANH_FACTOR
    return (ensemble, tanh_out, vanilla)

if __name__ == "__main__":
    import jax
    _d = setup_inputs()
    print(jax.jit(kernel)(*tuple(_d.values())))

</pallas_src>

<mosaic_0001>
#map = affine_map<(d0, d1) -> (0, 0)>
module attributes {stable_mosaic.version = 14 : i64} {
  func.func @_sc_topk(%arg0: i32, %arg1: i32, %arg2: memref<64x64xf32, #tpu.memory_space<hbm>>, %arg3: memref<64x64xf32, #tpu.memory_space<hbm>>, %arg4: memref<2x64xf32, #tpu.memory_space<vmem>>, %arg5: memref<2x64xf32, #tpu.memory_space<vmem>>, %arg6: memref<16xf32, #tpu.memory_space<vmem>>, %arg7: memref<16xi32, #tpu.memory_space<vmem>>) attributes {dimension_semantics = [#tpu.dimension_semantics<core_parallel>, #tpu.dimension_semantics<subcore_parallel>], iteration_bounds = array<i64: 2, 16>, scalar_prefetch = 0 : i64, scratch_operands = 4 : i64, tpu.core_type = #tpu.core_type<sc_vector_subcore>, window_params = [{transform_indices = #map}, {transform_indices = #map}]} {
    %mul3A = arith.constant 2 : i32
    %mul3A_0 = arith.muli %arg1, %mul3A : i32
    %add3A = arith.addi %mul3A_0, %arg0 : i32
    %mul3A_1 = arith.constant 2 : i32
    %mul3A_2 = arith.muli %add3A, %mul3A_1 : i32
    "tpu.region"() ({
      %run_scoped3A = tpu.sem_alloc : memref<!tpu.dma_semaphore, #tpu.memory_space<semaphore_mem>>
      %dma_start3A = arith.constant 0 : i32
      %dma_start3A_2736 = tpu.memref_slice %arg2[%mul3A_2, %dma_start3A] : memref<64x64xf32, #tpu.memory_space<hbm>> -> memref<2x64xf32, #tpu.memory_space<hbm>>
      %dma_start3A_2737 = arith.constant 0 : i32
      %dma_start3A_2738 = tpu.memref_slice %arg2[%mul3A_2, %dma_start3A_2737] : memref<64x64xf32, #tpu.memory_space<hbm>> -> memref<2x64xf32, #tpu.memory_space<hbm>>
      tpu.enqueue_dma source(%dma_start3A_2738 : memref<2x64xf32, #tpu.memory_space<hbm>>) target(%arg4 : memref<2x64xf32, #tpu.memory_space<vmem>>) target_semaphore(%run_scoped3A : memref<!tpu.dma_semaphore, #tpu.memory_space<semaphore_mem>>)
      %dma_wait3A = arith.constant 0 : i32
      %dma_wait3A_2739 = tpu.memref_slice %arg2[%mul3A_2, %dma_wait3A] : memref<64x64xf32, #tpu.memory_space<hbm>> -> memref<2x64xf32, #tpu.memory_space<hbm>>
      %dma_wait3A_2740 = arith.constant 0 : i32
      %dma_wait3A_2741 = tpu.memref_slice %arg2[%mul3A_2, %dma_wait3A_2740] : memref<64x64xf32, #tpu.memory_space<hbm>> -> memref<2x64xf32, #tpu.memory_space<hbm>>
      tpu.wait_dma2 semaphore(%run_scoped3A : memref<!tpu.dma_semaphore, #tpu.memory_space<semaphore_mem>>) src(%dma_wait3A_2741 : memref<2x64xf32, #tpu.memory_space<hbm>>) dst(%arg4 : memref<2x64xf32, #tpu.memory_space<vmem>>)
      tpu.yield
    }) : () -> ()
    %iota3A = tpu.iota {dimensions = array<i32: 0>} : vector<16xi32>
    %broadcast_in_dim3A = arith.constant 15 : i32
    %broadcast_in_dim3A_3 = vector.broadcast %broadcast_in_dim3A : i32 to vector<16xi32>
    %get3A = arith.constant 0 : i32
    %get3A_4 = arith.index_cast %get3A : i32 to index
    %get3A_5 = arith.constant 0 : index
    %get3A_6 = tpu.vector_load %arg4[%get3A_4, %get3A_5] {strides = array<i32>} : memref<2x64xf32, #tpu.memory_space<vmem>>, vector<1x16xf32>,
    %get3A_7 = vector.shape_cast %get3A_6 : vector<1x16xf32> to vector<16xf32>
    %get3A_8 = arith.constant 0 : i32
    %get3A_9 = arith.index_cast %get3A_8 : i32 to index
    %get3A_10 = arith.constant 16 : index
    %get3A_11 = tpu.vector_load %arg4[%get3A_9, %get3A_10] {strides = array<i32>} : memref<2x64xf32, #tpu.memory_space<vmem>>, vector<1x16xf32>,
    %get3A_12 = vector.shape_cast %get3A_11 : vector<1x16xf32> to vector<16xf32>
    %get3A_13 = arith.constant 0 : i32
    %get3A_14 = arith.index_cast %get3A_13 : i32 to index
    %get3A_15 = arith.constant 32 : index
    %get3A_16 = tpu.vector_load %arg4[%get3A_14, %get3A_15] {strides = array<i32>} : memref<2x64xf32, #tpu.memory_space<vmem>>, vector<1x16xf32>,
    %get3A_17 = vector.shape_cast %get3A_16 : vector<1x16xf32> to vector<16xf32>
    %get3A_18 = arith.constant 0 : i32
    %get3A_19 = arith.index_cast %get3A_18 : i32 to index
    %get3A_20 = arith.constant 48 : index
    %get3A_21 = tpu.vector_load %arg4[%get3A_19, %get3A_20] {strides = array<i32>} : memref<2x64xf32, #tpu.memory_space<vmem>>, vector<1x16xf32>,
    %get3A_22 = vector.shape_cast %get3A_21 : vector<1x16xf32> to vector<16xf32>
    %add3A_23 = arith.constant 0 : i32
    %add3A_24 = vector.broadcast %add3A_23 : i32 to vector<16xi32>
    %add3A_25 = arith.addi %iota3A, %add3A_24 : vector<16xi32>
    %add3A_26 = arith.constant 16 : i32
    %add3A_27 = vector.broadcast %add3A_26 : i32 to vector<16xi32>
    %add3A_28 = arith.addi %iota3A, %add3A_27 : vector<16xi32>
    %add3A_29 = arith.constant 32 : i32
    %add3A_30 = vector.broadcast %add3A_29 : i32 to vector<16xi32>
    %add3A_31 = arith.addi %iota3A, %add3A_30 : vector<16xi32>
    %add3A_32 = arith.constant 48 : i32
    %add3A_33 = vector.broadcast %add3A_32 : i32 to vector<16xi32>
    %add3A_34 = arith.addi %iota3A, %add3A_33 : vector<16xi32>
    %broadcast_in_dim3A_35 = arith.constant 0.000000e+00 : f32
    %broadcast_in_dim3A_36 = vector.broadcast %broadcast_in_dim3A_35 : f32 to vector<16xf32>
    %broadcast_in_dim3A_37 = arith.constant 0 : i32
    %broadcast_in_dim3A_38 = vector.broadcast %broadcast_in_dim3A_37 : i32 to vector<16xi32>
    %max3A = arith.maximumf %get3A_7, %get3A_12 : vector<16xf32>
    %max3A_39 = arith.maximumf %max3A, %get3A_17 : vector<16xf32>
    %max3A_40 = arith.maximumf %max3A_39, %get3A_22 : vector<16xf32>
    %slice3A = vector.extract_strided_slice %max3A_40 {offsets = [0], sizes = [1], strides = [1]} : vector<16xf32> to vector<1xf32>
    %squeeze3A = vector.extract %slice3A[0] : f32 from vector<1xf32>
    %slice3A_41 = vector.extract_strided_slice %max3A_40 {offsets = [1], sizes = [1], strides = [1]} : vector<16xf32> to vector<1xf32>
    %squeeze3A_42 = vector.extract %slice3A_41[0] : f32 from vector<1xf32>
    %slice3A_43 = vector.extract_strided_slice %max3A_40 {offsets = [2], sizes = [1], strides = [1]} : vector<16xf32> to vector<1xf32>
    %squeeze3A_44 = vector.extract %slice3A_43[0] : f32 from vector<1xf32>
    %slice3A_45 = vector.extract_strided_slice %max3A_40 {offsets = [3], sizes = [1], strides = [1]} : vector<16xf32> to vector<1xf32>
    %squeeze3A_46 = vector.extract %slice3A_45[0] : f32 from vector<1xf32>
    %slice3A_47 = vector.extract_strided_slice %max3A_40 {offsets = [4], sizes = [1], strides = [1]} : vector<16xf32> to vector<1xf32>
    %squeeze3A_48 = vector.extract %slice3A_47[0] : f32 from vector<1xf32>
    %slice3A_49 = vector.extract_strided_slice %max3A_40 {offsets = [5], sizes = [1], strides = [1]} : vector<16xf32> to vector<1xf32>
    %squeeze3A_50 = vector.extract %slice3A_49[0] : f32 from vector<1xf32>
    %slice3A_51 = vector.extract_strided_slice %max3A_40 {offsets = [6], sizes = [1], strides = [1]} : vector<16xf32> to vector<1xf32>
    %squeeze3A_52 = vector.extract %slice3A_51[0] : f32 from vector<1xf32>
    %slice3A_53 = vector.extract_strided_slice %max3A_40 {offsets = [7], sizes = [1], strides = [1]} : vector<16xf32> to vector<1xf32>
    %squeeze3A_54 = vector.extract %slice3A_53[0] : f32 from vector<1xf32>
    %slice3A_55 = vector.extract_strided_slice %max3A_40 {offsets = [8], sizes = [1], strides = [1]} : vector<16xf32> to vector<1xf32>
    %squeeze3A_56 = vector.extract %slice3A_55[0] : f32 from vector<1xf32>
    %slice3A_57 = vector.extract_strided_slice %max3A_40 {offsets = [9], sizes = [1], strides = [1]} : vector<16xf32> to vector<1xf32>
    %squeeze3A_58 = vector.extract %slice3A_57[0] : f32 from vector<1xf32>
    %slice3A_59 = vector.extract_strided_slice %max3A_40 {offsets = [10], sizes = [1], strides = [1]} : vector<16xf32> to vector<1xf32>
    %squeeze3A_60 = vector.extract %slice3A_59[0] : f32 from vector<1xf32>
    %slice3A_61 = vector.extract_strided_slice %max3A_40 {offsets = [11], sizes = [1], strides = [1]} : vector<16xf32> to vector<1xf32>
    %squeeze3A_62 = vector.extract %slice3A_61[0] : f32 from vector<1xf32>
    %slice3A_63 = vector.extract_strided_slice %max3A_40 {offsets = [12], sizes = [1], strides = [1]} : vector<16xf32> to vector<1xf32>
    %squeeze3A_64 = vector.extract %slice3A_63[0] : f32 from vector<1xf32>
    %slice3A_65 = vector.extract_strided_slice %max3A_40 {offsets = [13], sizes = [1], strides = [1]} : vector<16xf32> to vector<1xf32>
    %squeeze3A_66 = vector.extract %slice3A_65[0] : f32 from vector<1xf32>
    %slice3A_67 = vector.extract_strided_slice %max3A_40 {offsets = [14], sizes = [1], strides = [1]} : vector<16xf32> to vector<1xf32>
    %squeeze3A_68 = vector.extract %slice3A_67[0] : f32 from vector<1xf32>
    %slice3A_69 = vector.extract_strided_slice %max3A_40 {offsets = [15], sizes = [1], strides = [1]} : vector<16xf32> to vector<1xf32>
    %squeeze3A_70 = vector.extract %slice3A_69[0] : f32 from vector<1xf32>
    %max3A_71 = arith.maximumf %squeeze3A, %squeeze3A_42 : f32
    %max3A_72 = arith.maximumf %squeeze3A_44, %squeeze3A_46 : f32
    %max3A_73 = arith.maximumf %squeeze3A_48, %squeeze3A_50 : f32
    %max3A_74 = arith.maximumf %squeeze3A_52, %squeeze3A_54 : f32
    %max3A_75 = arith.maximumf %squeeze3A_56, %squeeze3A_58 : f32
    %max3A_76 = arith.maximumf %squeeze3A_60, %squeeze3A_62 : f32
    %max3A_77 = arith.maximumf %squeeze3A_64, %squeeze3A_66 : f32
    %max3A_78 = arith.maximumf %squeeze3A_68, %squeeze3A_70 : f32
    %max3A_79 = arith.maximumf %max3A_71, %max3A_72 : f32
    %max3A_80 = arith.maximumf %max3A_73, %max3A_74 : f32
    %max3A_81 = arith.maximumf %max3A_75, %max3A_76 : f32
    %max3A_82 = arith.maximumf %max3A_77, %max3A_78 : f32
    %max3A_83 = arith.maximumf %max3A_79, %max3A_80 : f32
    %max3A_84 = arith.maximumf %max3A_81, %max3A_82 : f32
    %max3A_85 = arith.maximumf %max3A_83, %max3A_84 : f32
    %add3A_86 = vector.broadcast %max3A_85 : f32 to vector<16xf32>
    %add3A_87 = arith.addf %broadcast_in_dim3A_36, %add3A_86 : vector<16xf32>
    %broadcast_in_dim3A_88 = arith.constant 128 : i32
    %broadcast_in_dim3A_89 = vector.broadcast %broadcast_in_dim3A_88 : i32 to vector<16xi32>
    %eq3A = arith.cmpf oeq, %get3A_7, %add3A_87 : vector<16xf32>
    %jit3A = arith.constant 128 : i32
    %broadcast_in_dim3A_90 = vector.broadcast %jit3A : i32 to vector<16xi32>
    %select_n3A = arith.select %eq3A, %add3A_25, %broadcast_in_dim3A_90 : vector<16xi1>, vector<16xi32>
    %min3A = arith.minsi %broadcast_in_dim3A_89, %select_n3A : vector<16xi32>
    %eq3A_91 = arith.cmpf oeq, %get3A_12, %add3A_87 : vector<16xf32>
    %jit3A_92 = arith.constant 128 : i32
    %broadcast_in_dim3A_93 = vector.broadcast %jit3A_92 : i32 to vector<16xi32>
    %select_n3A_94 = arith.select %eq3A_91, %add3A_28, %broadcast_in_dim3A_93 : vector<16xi1>, vector<16xi32>
    %min3A_95 = arith.minsi %min3A, %select_n3A_94 : vector<16xi32>
    %eq3A_96 = arith.cmpf oeq, %get3A_17, %add3A_87 : vector<16xf32>
    %jit3A_97 = arith.constant 128 : i32
    %broadcast_in_dim3A_98 = vector.broadcast %jit3A_97 : i32 to vector<16xi32>
    %select_n3A_99 = arith.select %eq3A_96, %add3A_31, %broadcast_in_dim3A_98 : vector<16xi1>, vector<16xi32>
    %min3A_100 = arith.minsi %min3A_95, %select_n3A_99 : vector<16xi32>
    %eq3A_101 = arith.cmpf oeq, %get3A_22, %add3A_87 : vector<16xf32>
    %jit3A_102 = arith.constant 128 : i32
    %broadcast_in_dim3A_103 = vector.broadcast %jit3A_102 : i32 to vector<16xi32>
    %select_n3A_104 = arith.select %eq3A_101, %add3A_34, %broadcast_in_dim3A_103 : vector<16xi1>, vector<16xi32>
    %min3A_105 = arith.minsi %min3A_100, %select_n3A_104 : vector<16xi32>
    %slice3A_106 = vector.extract_strided_slice %min3A_105 {offsets = [0], sizes = [1], strides = [1]} : vector<16xi32> to vector<1xi32>
    %squeeze3A_107 = vector.extract %slice3A_106[0] : i32 from vector<1xi32>
    %slice3A_108 = vector.extract_strided_slice %min3A_105 {offsets = [1], sizes = [1], strides = [1]} : vector<16xi32> to vector<1xi32>
    %squeeze3A_109 = vector.extract %slice3A_108[0] : i32 from vector<1xi32>
    %slice3A_110 = vector.extract_strided_slice %min3A_105 {offsets = [2], sizes = [1], strides = [1]} : vector<16xi32> to vector<1xi32>
    %squeeze3A_111 = vector.extract %slice3A_110[0] : i32 from vector<1xi32>
    %slice3A_112 = vector.extract_strided_slice %min3A_105 {offsets = [3], sizes = [1], strides = [1]} : vector<16xi32> to vector<1xi32>
    %squeeze3A_113 = vector.extract %slice3A_112[0] : i32 from vector<1xi32>
    %slice3A_114 = vector.extract_strided_slice %min3A_105 {offsets = [4], sizes = [1], strides = [1]} : vector<16xi32> to vector<1xi32>
    %squeeze3A_115 = vector.extract %slice3A_114[0] : i32 from vector<1xi32>
    %slice3A_116 = vector.extract_strided_slice %min3A_105 {offsets = [5], sizes = [1], strides = [1]} : vector<16xi32> to vector<1xi32>
    %squeeze3A_117 = vector.extract %slice3A_116[0] : i32 from vector<1xi32>
    %slice3A_118 = vector.extract_strided_slice %min3A_105 {offsets = [6], sizes = [1], strides = [1]} : vector<16xi32> to vector<1xi32>
    %squeeze3A_119 = vector.extract %slice3A_118[0] : i32 from vector<1xi32>
    %slice3A_120 = vector.extract_strided_slice %min3A_105 {offsets = [7], sizes = [1], strides = [1]} : vector<16xi32> to vector<1xi32>
    %squeeze3A_121 = vector.extract %slice3A_120[0] : i32 from vector<1xi32>
    %slice3A_122 = vector.extract_strided_slice %min3A_105 {offsets = [8], sizes = [1], strides = [1]} : vector<16xi32> to vector<1xi32>
    %squeeze3A_123 = vector.extract %slice3A_122[0] : i32 from vector<1xi32>
    %slice3A_124 = vector.extract_strided_slice %min3A_105 {offsets = [9], sizes = [1], strides = [1]} : vector<16xi32> to vector<1xi32>
    %squeeze3A_125 = vector.extract %slice3A_124[0] : i32 from vector<1xi32>
    %slice3A_126 = vector.extract_strided_slice %min3A_105 {offsets = [10], sizes = [1], strides = [1]} : vector<16xi32> to vector<1xi32>
    %squeeze3A_127 = vector.extract %slice3A_126[0] : i32 from vector<1xi32>
    %slice3A_128 = vector.extract_strided_slice %min3A_105 {offsets = [11], sizes = [1], strides = [1]} : vector<16xi32> to vector<1xi32>
    %squeeze3A_129 = vector.extract %slice3A_128[0] : i32 from vector<1xi32>
    %slice3A_130 = vector.extract_strided_slice %min3A_105 {offsets = [12], sizes = [1], strides = [1]} : vector<16xi32> to vector<1xi32>
    %squeeze3A_131 = vector.extract %slice3A_130[0] : i32 from vector<1xi32>
    %slice3A_132 = vector.extract_strided_slice %min3A_105 {offsets = [13], sizes = [1], strides = [1]} : vector<16xi32> to vector<1xi32>
    %squeeze3A_133 = vector.extract %slice3A_132[0] : i32 from vector<1xi32>
    %slice3A_134 = vector.extract_strided_slice %min3A_105 {offsets = [14], sizes = [1], strides = [1]} : vector<16xi32> to vector<1xi32>
    %squeeze3A_135 = vector.extract %slice3A_134[0] : i32 from vector<1xi32>
    %slice3A_136 = vector.extract_strided_slice %min3A_105 {offsets = [15], sizes = [1], strides = [1]} : vector<16xi32> to vector<1xi32>
    %squeeze3A_137 = vector.extract %slice3A_136[0] : i32 from vector<1xi32>
    %min3A_138 = arith.minsi %squeeze3A_107, %squeeze3A_109 : i32
    %min3A_139 = arith.minsi %squeeze3A_111, %squeeze3A_113 : i32
    %min3A_140 = arith.minsi %squeeze3A_115, %squeeze3A_117 : i32
    %min3A_141 = arith.minsi %squeeze3A_119, %squeeze3A_121 : i32
    %min3A_142 = arith.minsi %squeeze3A_123, %squeeze3A_125 : i32
    %min3A_143 = arith.minsi %squeeze3A_127, %squeeze3A_129 : i32
    %min3A_144 = arith.minsi %squeeze3A_131, %squeeze3A_133 : i32
    %min3A_145 = arith.minsi %squeeze3A_135, %squeeze3A_137 : i32
    %min3A_146 = arith.minsi %min3A_138, %min3A_139 : i32
    %min3A_147 = arith.minsi %min3A_140, %min3A_141 : i32
    %min3A_148 = arith.minsi %min3A_142, %min3A_143 : i32
    %min3A_149 = arith.minsi %min3A_144, %min3A_145 : i32
    %min3A_150 = arith.minsi %min3A_146, %min3A_147 : i32
    %min3A_151 = arith.minsi %min3A_148, %min3A_149 : i32
    %min3A_152 = arith.minsi %min3A_150, %min3A_151 : i32
    %add3A_153 = vector.broadcast %min3A_152 : i32 to vector<16xi32>
    %add3A_154 = arith.addi %broadcast_in_dim3A_38, %add3A_153 : vector<16xi32>
    %eq3A_155 = arith.cmpi eq, %add3A_25, %add3A_154 : vector<16xi32>
    %jit3A_156 = arith.constant -1.000000e+30 : f32
    %broadcast_in_dim3A_157 = vector.broadcast %jit3A_156 : f32 to vector<16xf32>
    %select_n3A_158 = arith.select %eq3A_155, %broadcast_in_dim3A_157, %get3A_7 : vector<16xi1>, vector<16xf32>
    %eq3A_159 = arith.cmpi eq, %add3A_28, %add3A_154 : vector<16xi32>
    %jit3A_160 = arith.constant -1.000000e+30 : f32
    %broadcast_in_dim3A_161 = vector.broadcast %jit3A_160 : f32 to vector<16xf32>
    %select_n3A_162 = arith.select %eq3A_159, %broadcast_in_dim3A_161, %get3A_12 : vector<16xi1>, vector<16xf32>
    %eq3A_163 = arith.cmpi eq, %add3A_31, %add3A_154 : vector<16xi32>
    %jit3A_164 = arith.constant -1.000000e+30 : f32
    %broadcast_in_dim3A_165 = vector.broadcast %jit3A_164 : f32 to vector<16xf32>
    %select_n3A_166 = arith.select %eq3A_163, %broadcast_in_dim3A_165, %get3A_17 : vector<16xi1>, vector<16xf32>
    %eq3A_167 = arith.cmpi eq, %add3A_34, %add3A_154 : vector<16xi32>
    %jit3A_168 = arith.constant -1.000000e+30 : f32
    %broadcast_in_dim3A_169 = vector.broadcast %jit3A_168 : f32 to vector<16xf32>
    %select_n3A_170 = arith.select %eq3A_167, %broadcast_in_dim3A_169, %get3A_22 : vector<16xi1>, vector<16xf32>
    %max3A_171 = arith.maximumf %select_n3A_158, %select_n3A_162 : vector<16xf32>
    %max3A_172 = arith.maximumf %max3A_171, %select_n3A_166 : vector<16xf32>
    %max3A_173 = arith.maximumf %max3A_172, %select_n3A_170 : vector<16xf32>
    %slice3A_174 = vector.extract_strided_slice %max3A_173 {offsets = [0], sizes = [1], strides = [1]} : vector<16xf32> to vector<1xf32>
    %squeeze3A_175 = vector.extract %slice3A_174[0] : f32 from vector<1xf32>
    %slice3A_176 = vector.extract_strided_slice %max3A_173 {offsets = [1], sizes = [1], strides = [1]} : vector<16xf32> to vector<1xf32>
    %squeeze3A_177 = vector.extract %slice3A_176[0] : f32 from vector<1xf32>
    %slice3A_178 = vector.extract_strided_slice %max3A_173 {offsets = [2], sizes = [1], strides = [1]} : vector<16xf32> to vector<1xf32>
    %squeeze3A_179 = vector.extract %slice3A_178[0] : f32 from vector<1xf32>
    %slice3A_180 = vector.extract_strided_slice %max3A_173 {offsets = [3], sizes = [1], strides = [1]} : vector<16xf32> to vector<1xf32>
    %squeeze3A_181 = vector.extract %slice3A_180[0] : f32 from vector<1xf32>
    %slice3A_182 = vector.extract_strided_slice %max3A_173 {offsets = [4], sizes = [1], strides = [1]} : vector<16xf32> to vector<1xf32>
    %squeeze3A_183 = vector.extract %slice3A_182[0] : f32 from vector<1xf32>
    %slice3A_184 = vector.extract_strided_slice %max3A_173 {offsets = [5], sizes = [1], strides = [1]} : vector<16xf32> to vector<1xf32>
    %squeeze3A_185 = vector.extract %slice3A_184[0] : f32 from vector<1xf32>
    %slice3A_186 = vector.extract_strided_slice %max3A_173 {offsets = [6], sizes = [1], strides = [1]} : vector<16xf32> to vector<1xf32>
    %squeeze3A_187 = vector.extract %slice3A_186[0] : f32 from vector<1xf32>
    %slice3A_188 = vector.extract_strided_slice %max3A_173 {offsets = [7], sizes = [1], strides = [1]} : vector<16xf32> to vector<1xf32>
    %squeeze3A_189 = vector.extract %slice3A_188[0] : f32 from vector<1xf32>
    %slice3A_190 = vector.extract_strided_slice %max3A_173 {offsets = [8], sizes = [1], strides = [1]} : vector<16xf32> to vector<1xf32>
    %squeeze3A_191 = vector.extract %slice3A_190[0] : f32 from vector<1xf32>
    %slice3A_192 = vector.extract_strided_slice %max3A_173 {offsets = [9], sizes = [1], strides = [1]} : vector<16xf32> to vector<1xf32>
    %squeeze3A_193 = vector.extract %slice3A_192[0] : f32 from vector<1xf32>
    %slice3A_194 = vector.extract_strided_slice %max3A_173 {offsets = [10], sizes = [1], strides = [1]} : vector<16xf32> to vector<1xf32>
    %squeeze3A_195 = vector.extract %slice3A_194[0] : f32 from vector<1xf32>
    %slice3A_196 = vector.extract_strided_slice %max3A_173 {offsets = [11], sizes = [1], strides = [1]} : vector<16xf32> to vector<1xf32>
    %squeeze3A_197 = vector.extract %slice3A_196[0] : f32 from vector<1xf32>
    %slice3A_198 = vector.extract_strided_slice %max3A_173 {offsets = [12], sizes = [1], strides = [1]} : vector<16xf32> to vector<1xf32>
    %squeeze3A_199 = vector.extract %slice3A_198[0] : f32 from vector<1xf32>
    %slice3A_200 = vector.extract_strided_slice %max3A_173 {offsets = [13], sizes = [1], strides = [1]} : vector<16xf32> to vector<1xf32>
    %squeeze3A_201 = vector.extract %slice3A_200[0] : f32 from vector<1xf32>
    %slice3A_202 = vector.extract_strided_slice %max3A_173 {offsets = [14], sizes = [1], strides = [1]} : vector<16xf32> to vector<1xf32>
    %squeeze3A_203 = vector.extract %slice3A_202[0] : f32 from vector<1xf32>
    %slice3A_204 = vector.extract_strided_slice %max3A_173 {offsets = [15], sizes = [1], strides = [1]} : vector<16xf32> to vector<1xf32>
    %squeeze3A_205 = vector.extract %slice3A_204[0] : f32 from vector<1xf32>
    %max3A_206 = arith.maximumf %squeeze3A_175, %squeeze3A_177 : f32
    %max3A_207 = arith.maximumf %squeeze3A_179, %squeeze3A_181 : f32
    %max3A_208 = arith.maximumf %squeeze3A_183, %squeeze3A_185 : f32
    %max3A_209 = arith.maximumf %squeeze3A_187, %squeeze3A_189 : f32
    %max3A_210 = arith.maximumf %squeeze3A_191, %squeeze3A_193 : f32
    %max3A_211 = arith.maximumf %squeeze3A_195, %squeeze3A_197 : f32
    %max3A_212 = arith.maximumf %squeeze3A_199, %squeeze3A_201 : f32
    %max3A_213 = arith.maximumf %squeeze3A_203, %squeeze3A_205 : f32
    %max3A_214 = arith.maximumf %max3A_206, %max3A_207 : f32
    %max3A_215 = arith.maximumf %max3A_208, %max3A_209 : f32
    %max3A_216 = arith.maximumf %max3A_210, %max3A_211 : f32
    %max3A_217 = arith.maximumf %max3A_212, %max3A_213 : f32
    %max3A_218 = arith.maximumf %max3A_214, %max3A_215 : f32
    %max3A_219 = arith.maximumf %max3A_216, %max3A_217 : f32
    %max3A_220 = arith.maximumf %max3A_218, %max3A_219 : f32
    %add3A_221 = vector.broadcast %max3A_220 : f32 to vector<16xf32>
    %add3A_222 = arith.addf %broadcast_in_dim3A_36, %add3A_221 : vector<16xf32>
    %broadcast_in_dim3A_223 = arith.constant 128 : i32
    %broadcast_in_dim3A_224 = vector.broadcast %broadcast_in_dim3A_223 : i32 to vector<16xi32>
    %eq3A_225 = arith.cmpf oeq, %select_n3A_158, %add3A_222 : vector<16xf32>
    %jit3A_226 = arith.constant 128 : i32
    %broadcast_in_dim3A_227 = vector.broadcast %jit3A_226 : i32 to vector<16xi32>
    %select_n3A_228 = arith.select %eq3A_225, %add3A_25, %broadcast_in_dim3A_227 : vector<16xi1>, vector<16xi32>
    %min3A_229 = arith.minsi %broadcast_in_dim3A_224, %select_n3A_228 : vector<16xi32>
    %eq3A_230 = arith.cmpf oeq, %select_n3A_162, %add3A_222 : vector<16xf32>
    %jit3A_231 = arith.constant 128 : i32
    %broadcast_in_dim3A_232 = vector.broadcast %jit3A_231 : i32 to vector<16xi32>
    %select_n3A_233 = arith.select %eq3A_230, %add3A_28, %broadcast_in_dim3A_232 : vector<16xi1>, vector<16xi32>
    %min3A_234 = arith.minsi %min3A_229, %select_n3A_233 : vector<16xi32>
    %eq3A_235 = arith.cmpf oeq, %select_n3A_166, %add3A_222 : vector<16xf32>
    %jit3A_236 = arith.constant 128 : i32
    %broadcast_in_dim3A_237 = vector.broadcast %jit3A_236 : i32 to vector<16xi32>
    %select_n3A_238 = arith.select %eq3A_235, %add3A_31, %broadcast_in_dim3A_237 : vector<16xi1>, vector<16xi32>
    %min3A_239 = arith.minsi %min3A_234, %select_n3A_238 : vector<16xi32>
    %eq3A_240 = arith.cmpf oeq, %select_n3A_170, %add3A_222 : vector<16xf32>
    %jit3A_241 = arith.constant 128 : i32
    %broadcast_in_dim3A_242 = vector.broadcast %jit3A_241 : i32 to vector<16xi32>
    %select_n3A_243 = arith.select %eq3A_240, %add3A_34, %broadcast_in_dim3A_242 : vector<16xi1>, vector<16xi32>
    %min3A_244 = arith.minsi %min3A_239, %select_n3A_243 : vector<16xi32>
    %slice3A_245 = vector.extract_strided_slice %min3A_244 {offsets = [0], sizes = [1], strides = [1]} : vector<16xi32> to vector<1xi32>
    %squeeze3A_246 = vector.extract %slice3A_245[0] : i32 from vector<1xi32>
    %slice3A_247 = vector.extract_strided_slice %min3A_244 {offsets = [1], sizes = [1], strides = [1]} : vector<16xi32> to vector<1xi32>
    %squeeze3A_248 = vector.extract %slice3A_247[0] : i32 from vector<1xi32>
    %slice3A_249 = vector.extract_strided_slice %min3A_244 {offsets = [2], sizes = [1], strides = [1]} : vector<16xi32> to vector<1xi32>
    %squeeze3A_250 = vector.extract %slice3A_249[0] : i32 from vector<1xi32>
    %slice3A_251 = vector.extract_strided_slice %min3A_244 {offsets = [3], sizes = [1], strides = [1]} : vector<16xi32> to vector<1xi32>
    %squeeze3A_252 = vector.extract %slice3A_251[0] : i32 from vector<1xi32>
    %slice3A_253 = vector.extract_strided_slice %min3A_244 {offsets = [4], sizes = [1], strides = [1]} : vector<16xi32> to vector<1xi32>
    %squeeze3A_254 = vector.extract %slice3A_253[0] : i32 from vector<1xi32>
    %slice3A_255 = vector.extract_strided_slice %min3A_244 {offsets = [5], sizes = [1], strides = [1]} : vector<16xi32> to vector<1xi32>
    %squeeze3A_256 = vector.extract %slice3A_255[0] : i32 from vector<1xi32>
    %slice3A_257 = vector.extract_strided_slice %min3A_244 {offsets = [6], sizes = [1], strides = [1]} : vector<16xi32> to vector<1xi32>
    %squeeze3A_258 = vector.extract %slice3A_257[0] : i32 from vector<1xi32>
    %slice3A_259 = vector.extract_strided_slice %min3A_244 {offsets = [7], sizes = [1], strides = [1]} : vector<16xi32> to vector<1xi32>
    %squeeze3A_260 = vector.extract %slice3A_259[0] : i32 from vector<1xi32>
    %slice3A_261 = vector.extract_strided_slice %min3A_244 {offsets = [8], sizes = [1], strides = [1]} : vector<16xi32> to vector<1xi32>
    %squeeze3A_262 = vector.extract %slice3A_261[0] : i32 from vector<1xi32>
    %slice3A_263 = vector.extract_strided_slice %min3A_244 {offsets = [9], sizes = [1], strides = [1]} : vector<16xi32> to vector<1xi32>
    %squeeze3A_264 = vector.extract %slice3A_263[0] : i32 from vector<1xi32>
    %slice3A_265 = vector.extract_strided_slice %min3A_244 {offsets = [10], sizes = [1], strides = [1]} : vector<16xi32> to vector<1xi32>
    %squeeze3A_266 = vector.extract %slice3A_265[0] : i32 from vector<1xi32>
    %slice3A_267 = vector.extract_strided_slice %min3A_244 {offsets = [11], sizes = [1], strides = [1]} : vector<16xi32> to vector<1xi32>
    %squeeze3A_268 = vector.extract %slice3A_267[0] : i32 from vector<1xi32>
    %slice3A_269 = vector.extract_strided_slice %min3A_244 {offsets = [12], sizes = [1], strides = [1]} : vector<16xi32> to vector<1xi32>
    %squeeze3A_270 = vector.extract %slice3A_269[0] : i32 from vector<1xi32>
    %slice3A_271 = vector.extract_strided_slice %min3A_244 {offsets = [13], sizes = [1], strides = [1]} : vector<16xi32> to vector<1xi32>
    %squeeze3A_272 = vector.extract %slice3A_271[0] : i32 from vector<1xi32>
    %slice3A_273 = vector.extract_strided_slice %min3A_244 {offsets = [14], sizes = [1], strides = [1]} : vector<16xi32> to vector<1xi32>
    %squeeze3A_274 = vector.extract %slice3A_273[0] : i32 from vector<1xi32>
    %slice3A_275 = vector.extract_strided_slice %min3A_244 {offsets = [15], sizes = [1], strides = [1]} : vector<16xi32> to vector<1xi32>
    %squeeze3A_276 = vector.extract %slice3A_275[0] : i32 from vector<1xi32>
    %min3A_277 = arith.minsi %squeeze3A_246, %squeeze3A_248 : i32
    %min3A_278 = arith.minsi %squeeze3A_250, %squeeze3A_252 : i32
    %min3A_279 = arith.minsi %squeeze3A_254, %squeeze3A_256 : i32
    %min3A_280 = arith.minsi %squeeze3A_258, %squeeze3A_260 : i32
    %min3A_281 = arith.minsi %squeeze3A_262, %squeeze3A_264 : i32
    %min3A_282 = arith.minsi %squeeze3A_266, %squeeze3A_268 : i32
    %min3A_283 = arith.minsi %squeeze3A_270, %squeeze3A_272 : i32
    %min3A_284 = arith.minsi %squeeze3A_274, %squeeze3A_276 : i32
    %min3A_285 = arith.minsi %min3A_277, %min3A_278 : i32
    %min3A_286 = arith.minsi %min3A_279, %min3A_280 : i32
    %min3A_287 = arith.minsi %min3A_281, %min3A_282 : i32
    %min3A_288 = arith.minsi %min3A_283, %min3A_284 : i32
    %min3A_289 = arith.minsi %min3A_285, %min3A_286 : i32
    %min3A_290 = arith.minsi %min3A_287, %min3A_288 : i32
    %min3A_291 = arith.minsi %min3A_289, %min3A_290 : i32
    %add3A_292 = vector.broadcast %min3A_291 : i32 to vector<16xi32>
    %add3A_293 = arith.addi %broadcast_in_dim3A_38, %add3A_292 : vector<16xi32>
    %eq3A_294 = arith.cmpi eq, %add3A_25, %add3A_293 : vector<16xi32>
    %jit3A_295 = arith.constant -1.000000e+30 : f32
    %broadcast_in_dim3A_296 = vector.broadcast %jit3A_295 : f32 to vector<16xf32>
    %select_n3A_297 = arith.select %eq3A_294, %broadcast_in_dim3A_296, %select_n3A_158 : vector<16xi1>, vector<16xf32>
    %eq3A_298 = arith.cmpi eq, %add3A_28, %add3A_293 : vector<16xi32>
    %jit3A_299 = arith.constant -1.000000e+30 : f32
    %broadcast_in_dim3A_300 = vector.broadcast %jit3A_299 : f32 to vector<16xf32>
    %select_n3A_301 = arith.select %eq3A_298, %broadcast_in_dim3A_300, %select_n3A_162 : vector<16xi1>, vector<16xf32>
    %eq3A_302 = arith.cmpi eq, %add3A_31, %add3A_293 : vector<16xi32>
    %jit3A_303 = arith.constant -1.000000e+30 : f32
    %broadcast_in_dim3A_304 = vector.broadcast %jit3A_303 : f32 to vector<16xf32>
    %select_n3A_305 = arith.select %eq3A_302, %broadcast_in_dim3A_304, %select_n3A_166 : vector<16xi1>, vector<16xf32>
    %eq3A_306 = arith.cmpi eq, %add3A_34, %add3A_293 : vector<16xi32>
    %jit3A_307 = arith.constant -1.000000e+30 : f32
    %broadcast_in_dim3A_308 = vector.broadcast %jit3A_307 : f32 to vector<16xf32>
    %select_n3A_309 = arith.select %eq3A_306, %broadcast_in_dim3A_308, %select_n3A_170 : vector<16xi1>, vector<16xf32>
    %max3A_310 = arith.maximumf %select_n3A_297, %select_n3A_301 : vector<16xf32>
    %max3A_311 = arith.maximumf %max3A_310, %select_n3A_305 : vector<16xf32>
    %max3A_312 = arith.maximumf %max3A_311, %select_n3A_309 : vector<16xf32>
    %slice3A_313 = vector.extract_strided_slice %max3A_312 {offsets = [0], sizes = [1], strides = [1]} : vector<16xf32> to vector<1xf32>
    %squeeze3A_314 = vector.extract %slice3A_313[0] : f32 from vector<1xf32>
    %slice3A_315 = vector.extract_strided_slice %max3A_312 {offsets = [1], sizes = [1], strides = [1]} : vector<16xf32> to vector<1xf32>
    %squeeze3A_316 = vector.extract %slice3A_315[0] : f32 from vector<1xf32>
    %slice3A_317 = vector.extract_strided_slice %max3A_312 {offsets = [2], sizes = [1], strides = [1]} : vector<16xf32> to vector<1xf32>
    %squeeze3A_318 = vector.extract %slice3A_317[0] : f32 from vector<1xf32>
    %slice3A_319 = vector.extract_strided_slice %max3A_312 {offsets = [3], sizes = [1], strides = [1]} : vector<16xf32> to vector<1xf32>
    %squeeze3A_320 = vector.extract %slice3A_319[0] : f32 from vector<1xf32>
    %slice3A_321 = vector.extract_strided_slice %max3A_312 {offsets = [4], sizes = [1], strides = [1]} : vector<16xf32> to vector<1xf32>
    %squeeze3A_322 = vector.extract %slice3A_321[0] : f32 from vector<1xf32>
    %slice3A_323 = vector.extract_strided_slice %max3A_312 {offsets = [5], sizes = [1], strides = [1]} : vector<16xf32> to vector<1xf32>
    %squeeze3A_324 = vector.extract %slice3A_323[0] : f32 from vector<1xf32>
    %slice3A_325 = vector.extract_strided_slice %max3A_312 {offsets = [6], sizes = [1], strides = [1]} : vector<16xf32> to vector<1xf32>
    %squeeze3A_326 = vector.extract %slice3A_325[0] : f32 from vector<1xf32>
    %slice3A_327 = vector.extract_strided_slice %max3A_312 {offsets = [7], sizes = [1], strides = [1]} : vector<16xf32> to vector<1xf32>
    %squeeze3A_328 = vector.extract %slice3A_327[0] : f32 from vector<1xf32>
    %slice3A_329 = vector.extract_strided_slice %max3A_312 {offsets = [8], sizes = [1], strides = [1]} : vector<16xf32> to vector<1xf32>
    %squeeze3A_330 = vector.extract %slice3A_329[0] : f32 from vector<1xf32>
    %slice3A_331 = vector.extract_strided_slice %max3A_312 {offsets = [9], sizes = [1], strides = [1]} : vector<16xf32> to vector<1xf32>
    %squeeze3A_332 = vector.extract %slice3A_331[0] : f32 from vector<1xf32>
    %slice3A_333 = vector.extract_strided_slice %max3A_312 {offsets = [10], sizes = [1], strides = [1]} : vector<16xf32> to vector<1xf32>
    %squeeze3A_334 = vector.extract %slice3A_333[0] : f32 from vector<1xf32>
    %slice3A_335 = vector.extract_strided_slice %max3A_312 {offsets = [11], sizes = [1], strides = [1]} : vector<16xf32> to vector<1xf32>
    %squeeze3A_336 = vector.extract %slice3A_335[0] : f32 from vector<1xf32>
    %slice3A_337 = vector.extract_strided_slice %max3A_312 {offsets = [12], sizes = [1], strides = [1]} : vector<16xf32> to vector<1xf32>
    %squeeze3A_338 = vector.extract %slice3A_337[0] : f32 from vector<1xf32>
    %slice3A_339 = vector.extract_strided_slice %max3A_312 {offsets = [13], sizes = [1], strides = [1]} : vector<16xf32> to vector<1xf32>
    %squeeze3A_340 = vector.extract %slice3A_339[0] : f32 from vector<1xf32>
    %slice3A_341 = vector.extract_strided_slice %max3A_312 {offsets = [14], sizes = [1], strides = [1]} : vector<16xf32> to vector<1xf32>
    %squeeze3A_342 = vector.extract %slice3A_341[0] : f32 from vector<1xf32>
    %slice3A_343 = vector.extract_strided_slice %max3A_312 {offsets = [15], sizes = [1], strides = [1]} : vector<16xf32> to vector<1xf32>
    %squeeze3A_344 = vector.extract %slice3A_343[0] : f32 from vector<1xf32>
    %max3A_345 = arith.maximumf %squeeze3A_314, %squeeze3A_316 : f32
    %max3A_346 = arith.maximumf %squeeze3A_318, %squeeze3A_320 : f32
    %max3A_347 = arith.maximumf %squeeze3A_322, %squeeze3A_324 : f32
    %max3A_348 = arith.maximumf %squeeze3A_326, %squeeze3A_328 : f32
    %max3A_349 = arith.maximumf %squeeze3A_330, %squeeze3A_332 : f32
    %max3A_350 = arith.maximumf %squeeze3A_334, %squeeze3A_336 : f32
    %max3A_351 = arith.maximumf %squeeze3A_338, %squeeze3A_340 : f32
    %max3A_352 = arith.maximumf %squeeze3A_342, %squeeze3A_344 : f32
    %max3A_353 = arith.maximumf %max3A_345, %max3A_346 : f32
    %max3A_354 = arith.maximumf %max3A_347, %max3A_348 : f32
    %max3A_355 = arith.maximumf %max3A_349, %max3A_350 : f32
    %max3A_356 = arith.maximumf %max3A_351, %max3A_352 : f32
    %max3A_357 = arith.maximumf %max3A_353, %max3A_354 : f32
    %max3A_358 = arith.maximumf %max3A_355, %max3A_356 : f32
    %max3A_359 = arith.maximumf %max3A_357, %max3A_358 : f32
    %add3A_360 = vector.broadcast %max3A_359 : f32 to vector<16xf32>
    %add3A_361 = arith.addf %broadcast_in_dim3A_36, %add3A_360 : vector<16xf32>
    %broadcast_in_dim3A_362 = arith.constant 128 : i32
    %broadcast_in_dim3A_363 = vector.broadcast %broadcast_in_dim3A_362 : i32 to vector<16xi32>
    %eq3A_364 = arith.cmpf oeq, %select_n3A_297, %add3A_361 : vector<16xf32>
    %jit3A_365 = arith.constant 128 : i32
    %broadcast_in_dim3A_366 = vector.broadcast %jit3A_365 : i32 to vector<16xi32>
    %select_n3A_367 = arith.select %eq3A_364, %add3A_25, %broadcast_in_dim3A_366 : vector<16xi1>, vector<16xi32>
    %min3A_368 = arith.minsi %broadcast_in_dim3A_363, %select_n3A_367 : vector<16xi32>
    %eq3A_369 = arith.cmpf oeq, %select_n3A_301, %add3A_361 : vector<16xf32>
    %jit3A_370 = arith.constant 128 : i32
    %broadcast_in_dim3A_371 = vector.broadcast %jit3A_370 : i32 to vector<16xi32>
    %select_n3A_372 = arith.select %eq3A_369, %add3A_28, %broadcast_in_dim3A_371 : vector<16xi1>, vector<16xi32>
    %min3A_373 = arith.minsi %min3A_368, %select_n3A_372 : vector<16xi32>
    %eq3A_374 = arith.cmpf oeq, %select_n3A_305, %add3A_361 : vector<16xf32>
    %jit3A_375 = arith.constant 128 : i32
    %broadcast_in_dim3A_376 = vector.broadcast %jit3A_375 : i32 to vector<16xi32>
    %select_n3A_377 = arith.select %eq3A_374, %add3A_31, %broadcast_in_dim3A_376 : vector<16xi1>, vector<16xi32>
    %min3A_378 = arith.minsi %min3A_373, %select_n3A_377 : vector<16xi32>
    %eq3A_379 = arith.cmpf oeq, %select_n3A_309, %add3A_361 : vector<16xf32>
    %jit3A_380 = arith.constant 128 : i32
    %broadcast_in_dim3A_381 = vector.broadcast %jit3A_380 : i32 to vector<16xi32>
    %select_n3A_382 = arith.select %eq3A_379, %add3A_34, %broadcast_in_dim3A_381 : vector<16xi1>, vector<16xi32>
    %min3A_383 = arith.minsi %min3A_378, %select_n3A_382 : vector<16xi32>
    %slice3A_384 = vector.extract_strided_slice %min3A_383 {offsets = [0], sizes = [1], strides = [1]} : vector<16xi32> to vector<1xi32>
    %squeeze3A_385 = vector.extract %slice3A_384[0] : i32 from vector<1xi32>
    %slice3A_386 = vector.extract_strided_slice %min3A_383 {offsets = [1], sizes = [1], strides = [1]} : vector<16xi32> to vector<1xi32>
    %squeeze3A_387 = vector.extract %slice3A_386[0] : i32 from vector<1xi32>
    %slice3A_388 = vector.extract_strided_slice %min3A_383 {offsets = [2], sizes = [1], strides = [1]} : vector<16xi32> to vector<1xi32>
    %squeeze3A_389 = vector.extract %slice3A_388[0] : i32 from vector<1xi32>
    %slice3A_390 = vector.extract_strided_slice %min3A_383 {offsets = [3], sizes = [1], strides = [1]} : vector<16xi32> to vector<1xi32>
    %squeeze3A_391 = vector.extract %slice3A_390[0] : i32 from vector<1xi32>
    %slice3A_392 = vector.extract_strided_slice %min3A_383 {offsets = [4], sizes = [1], strides = [1]} : vector<16xi32> to vector<1xi32>
    %squeeze3A_393 = vector.extract %slice3A_392[0] : i32 from vector<1xi32>
    %slice3A_394 = vector.extract_strided_slice %min3A_383 {offsets = [5], sizes = [1], strides = [1]} : vector<16xi32> to vector<1xi32>
    %squeeze3A_395 = vector.extract %slice3A_394[0] : i32 from vector<1xi32>
    %slice3A_396 = vector.extract_strided_slice %min3A_383 {offsets = [6], sizes = [1], strides = [1]} : vector<16xi32> to vector<1xi32>
    %squeeze3A_397 = vector.extract %slice3A_396[0] : i32 from vector<1xi32>
    %slice3A_398 = vector.extract_strided_slice %min3A_383 {offsets = [7], sizes = [1], strides = [1]} : vector<16xi32> to vector<1xi32>
    %squeeze3A_399 = vector.extract %slice3A_398[0] : i32 from vector<1xi32>
    %slice3A_400 = vector.extract_strided_slice %min3A_383 {offsets = [8], sizes = [1], strides = [1]} : vector<16xi32> to vector<1xi32>
    %squeeze3A_401 = vector.extract %slice3A_400[0] : i32 from vector<1xi32>
    %slice3A_402 = vector.extract_strided_slice %min3A_383 {offsets = [9], sizes = [1], strides = [1]} : vector<16xi32> to vector<1xi32>
    %squeeze3A_403 = vector.extract %slice3A_402[0] : i32 from vector<1xi32>
    %slice3A_404 = vector.extract_strided_slice %min3A_383 {offsets = [10], sizes = [1], strides = [1]} : vector<16xi32> to vector<1xi32>
    %squeeze3A_405 = vector.extract %slice3A_404[0] : i32 from vector<1xi32>
    %slice3A_406 = vector.extract_strided_slice %min3A_383 {offsets = [11], sizes = [1], strides = [1]} : vector<16xi32> to vector<1xi32>
    %squeeze3A_407 = vector.extract %slice3A_406[0] : i32 from vector<1xi32>
    %slice3A_408 = vector.extract_strided_slice %min3A_383 {offsets = [12], sizes = [1], strides = [1]} : vector<16xi32> to vector<1xi32>
    %squeeze3A_409 = vector.extract %slice3A_408[0] : i32 from vector<1xi32>
    %slice3A_410 = vector.extract_strided_slice %min3A_383 {offsets = [13], sizes = [1], strides = [1]} : vector<16xi32> to vector<1xi32>
    %squeeze3A_411 = vector.extract %slice3A_410[0] : i32 from vector<1xi32>
    %slice3A_412 = vector.extract_strided_slice %min3A_383 {offsets = [14], sizes = [1], strides = [1]} : vector<16xi32> to vector<1xi32>
    %squeeze3A_413 = vector.extract %slice3A_412[0] : i32 from vector<1xi32>
    %slice3A_414 = vector.extract_strided_slice %min3A_383 {offsets = [15], sizes = [1], strides = [1]} : vector<16xi32> to vector<1xi32>
    %squeeze3A_415 = vector.extract %slice3A_414[0] : i32 from vector<1xi32>
    %min3A_416 = arith.minsi %squeeze3A_385, %squeeze3A_387 : i32
    %min3A_417 = arith.minsi %squeeze3A_389, %squeeze3A_391 : i32
    %min3A_418 = arith.minsi %squeeze3A_393, %squeeze3A_395 : i32
    %min3A_419 = arith.minsi %squeeze3A_397, %squeeze3A_399 : i32
    %min3A_420 = arith.minsi %squeeze3A_401, %squeeze3A_403 : i32
    %min3A_421 = arith.minsi %squeeze3A_405, %squeeze3A_407 : i32
    %min3A_422 = arith.minsi %squeeze3A_409, %squeeze3A_411 : i32
    %min3A_423 = arith.minsi %squeeze3A_413, %squeeze3A_415 : i32
    %min3A_424 = arith.minsi %min3A_416, %min3A_417 : i32
    %min3A_425 = arith.minsi %min3A_418, %min3A_419 : i32
    %min3A_426 = arith.minsi %min3A_420, %min3A_421 : i32
    %min3A_427 = arith.minsi %min3A_422, %min3A_423 : i32
    %min3A_428 = arith.minsi %min3A_424, %min3A_425 : i32
    %min3A_429 = arith.minsi %min3A_426, %min3A_427 : i32
    %min3A_430 = arith.minsi %min3A_428, %min3A_429 : i32
    %add3A_431 = vector.broadcast %min3A_430 : i32 to vector<16xi32>
    %add3A_432 = arith.addi %broadcast_in_dim3A_38, %add3A_431 : vector<16xi32>
    %eq3A_433 = arith.cmpi eq, %add3A_25, %add3A_432 : vector<16xi32>
    %jit3A_434 = arith.constant -1.000000e+30 : f32
    %broadcast_in_dim3A_435 = vector.broadcast %jit3A_434 : f32 to vector<16xf32>
    %select_n3A_436 = arith.select %eq3A_433, %broadcast_in_dim3A_435, %select_n3A_297 : vector<16xi1>, vector<16xf32>
    %eq3A_437 = arith.cmpi eq, %add3A_28, %add3A_432 : vector<16xi32>
    %jit3A_438 = arith.constant -1.000000e+30 : f32
    %broadcast_in_dim3A_439 = vector.broadcast %jit3A_438 : f32 to vector<16xf32>
    %select_n3A_440 = arith.select %eq3A_437, %broadcast_in_dim3A_439, %select_n3A_301 : vector<16xi1>, vector<16xf32>
    %eq3A_441 = arith.cmpi eq, %add3A_31, %add3A_432 : vector<16xi32>
    %jit3A_442 = arith.constant -1.000000e+30 : f32
    %broadcast_in_dim3A_443 = vector.broadcast %jit3A_442 : f32 to vector<16xf32>
    %select_n3A_444 = arith.select %eq3A_441, %broadcast_in_dim3A_443, %select_n3A_305 : vector<16xi1>, vector<16xf32>
    %eq3A_445 = arith.cmpi eq, %add3A_34, %add3A_432 : vector<16xi32>
    %jit3A_446 = arith.constant -1.000000e+30 : f32
    %broadcast_in_dim3A_447 = vector.broadcast %jit3A_446 : f32 to vector<16xf32>
    %select_n3A_448 = arith.select %eq3A_445, %broadcast_in_dim3A_447, %select_n3A_309 : vector<16xi1>, vector<16xf32>
    %max3A_449 = arith.maximumf %select_n3A_436, %select_n3A_440 : vector<16xf32>
    %max3A_450 = arith.maximumf %max3A_449, %select_n3A_444 : vector<16xf32>
    %max3A_451 = arith.maximumf %max3A_450, %select_n3A_448 : vector<16xf32>
    %slice3A_452 = vector.extract_strided_slice %max3A_451 {offsets = [0], sizes = [1], strides = [1]} : vector<16xf32> to vector<1xf32>
    %squeeze3A_453 = vector.extract %slice3A_452[0] : f32 from vector<1xf32>
    %slice3A_454 = vector.extract_strided_slice %max3A_451 {offsets = [1], sizes = [1], strides = [1]} : vector<16xf32> to vector<1xf32>
    %squeeze3A_455 = vector.extract %slice3A_454[0] : f32 from vector<1xf32>
    %slice3A_456 = vector.extract_strided_slice %max3A_451 {offsets = [2], sizes = [1], strides = [1]} : vector<16xf32> to vector<1xf32>
    %squeeze3A_457 = vector.extract %slice3A_456[0] : f32 from vector<1xf32>
    %slice3A_458 = vector.extract_strided_slice %max3A_451 {offsets = [3], sizes = [1], strides = [1]} : vector<16xf32> to vector<1xf32>
    %squeeze3A_459 = vector.extract %slice3A_458[0] : f32 from vector<1xf32>
    %slice3A_460 = vector.extract_strided_slice %max3A_451 {offsets = [4], sizes = [1], strides = [1]} : vector<16xf32> to vector<1xf32>
    %squeeze3A_461 = vector.extract %slice3A_460[0] : f32 from vector<1xf32>
    %slice3A_462 = vector.extract_strided_slice %max3A_451 {offsets = [5], sizes = [1], strides = [1]} : vector<16xf32> to vector<1xf32>
    %squeeze3A_463 = vector.extract %slice3A_462[0] : f32 from vector<1xf32>
    %slice3A_464 = vector.extract_strided_slice %max3A_451 {offsets = [6], sizes = [1], strides = [1]} : vector<16xf32> to vector<1xf32>
    %squeeze3A_465 = vector.extract %slice3A_464[0] : f32 from vector<1xf32>
    %slice3A_466 = vector.extract_strided_slice %max3A_451 {offsets = [7], sizes = [1], strides = [1]} : vector<16xf32> to vector<1xf32>
    %squeeze3A_467 = vector.extract %slice3A_466[0] : f32 from vector<1xf32>
    %slice3A_468 = vector.extract_strided_slice %max3A_451 {offsets = [8], sizes = [1], strides = [1]} : vector<16xf32> to vector<1xf32>
    %squeeze3A_469 = vector.extract %slice3A_468[0] : f32 from vector<1xf32>
    %slice3A_470 = vector.extract_strided_slice %max3A_451 {offsets = [9], sizes = [1], strides = [1]} : vector<16xf32> to vector<1xf32>
    %squeeze3A_471 = vector.extract %slice3A_470[0] : f32 from vector<1xf32>
    %slice3A_472 = vector.extract_strided_slice %max3A_451 {offsets = [10], sizes = [1], strides = [1]} : vector<16xf32> to vector<1xf32>
    %squeeze3A_473 = vector.extract %slice3A_472[0] : f32 from vector<1xf32>
    %slice3A_474 = vector.extract_strided_slice %max3A_451 {offsets = [11], sizes = [1], strides = [1]} : vector<16xf32> to vector<1xf32>
    %squeeze3A_475 = vector.extract %slice3A_474[0] : f32 from vector<1xf32>
    %slice3A_476 = vector.extract_strided_slice %max3A_451 {offsets = [12], sizes = [1], strides = [1]} : vector<16xf32> to vector<1xf32>
    %squeeze3A_477 = vector.extract %slice3A_476[0] : f32 from vector<1xf32>
    %slice3A_478 = vector.extract_strided_slice %max3A_451 {offsets = [13], sizes = [1], strides = [1]} : vector<16xf32> to vector<1xf32>
    %squeeze3A_479 = vector.extract %slice3A_478[0] : f32 from vector<1xf32>
    %slice3A_480 = vector.extract_strided_slice %max3A_451 {offsets = [14], sizes = [1], strides = [1]} : vector<16xf32> to vector<1xf32>
    %squeeze3A_481 = vector.extract %slice3A_480[0] : f32 from vector<1xf32>
    %slice3A_482 = vector.extract_strided_slice %max3A_451 {offsets = [15], sizes = [1], strides = [1]} : vector<16xf32> to vector<1xf32>
    %squeeze3A_483 = vector.extract %slice3A_482[0] : f32 from vector<1xf32>
    %max3A_484 = arith.maximumf %squeeze3A_453, %squeeze3A_455 : f32
    %max3A_485 = arith.maximumf %squeeze3A_457, %squeeze3A_459 : f32
    %max3A_486 = arith.maximumf %squeeze3A_461, %squeeze3A_463 : f32
    %max3A_487 = arith.maximumf %squeeze3A_465, %squeeze3A_467 : f32
    %max3A_488 = arith.maximumf %squeeze3A_469, %squeeze3A_471 : f32
    %max3A_489 = arith.maximumf %squeeze3A_473, %squeeze3A_475 : f32
    %max3A_490 = arith.maximumf %squeeze3A_477, %squeeze3A_479 : f32
    %max3A_491 = arith.maximumf %squeeze3A_481, %squeeze3A_483 : f32
    %max3A_492 = arith.maximumf %max3A_484, %max3A_485 : f32
    %max3A_493 = arith.maximumf %max3A_486, %max3A_487 : f32
    %max3A_494 = arith.maximumf %max3A_488, %max3A_489 : f32
    %max3A_495 = arith.maximumf %max3A_490, %max3A_491 : f32
    %max3A_496 = arith.maximumf %max3A_492, %max3A_493 : f32
    %max3A_497 = arith.maximumf %max3A_494, %max3A_495 : f32
    %max3A_498 = arith.maximumf %max3A_496, %max3A_497 : f32
    %add3A_499 = vector.broadcast %max3A_498 : f32 to vector<16xf32>
    %add3A_500 = arith.addf %broadcast_in_dim3A_36, %add3A_499 : vector<16xf32>
    %broadcast_in_dim3A_501 = arith.constant 128 : i32
    %broadcast_in_dim3A_502 = vector.broadcast %broadcast_in_dim3A_501 : i32 to vector<16xi32>
    %eq3A_503 = arith.cmpf oeq, %select_n3A_436, %add3A_500 : vector<16xf32>
    %jit3A_504 = arith.constant 128 : i32
    %broadcast_in_dim3A_505 = vector.broadcast %jit3A_504 : i32 to vector<16xi32>
    %select_n3A_506 = arith.select %eq3A_503, %add3A_25, %broadcast_in_dim3A_505 : vector<16xi1>, vector<16xi32>
    %min3A_507 = arith.minsi %broadcast_in_dim3A_502, %select_n3A_506 : vector<16xi32>
    %eq3A_508 = arith.cmpf oeq, %select_n3A_440, %add3A_500 : vector<16xf32>
    %jit3A_509 = arith.constant 128 : i32
    %broadcast_in_dim3A_510 = vector.broadcast %jit3A_509 : i32 to vector<16xi32>
    %select_n3A_511 = arith.select %eq3A_508, %add3A_28, %broadcast_in_dim3A_510 : vector<16xi1>, vector<16xi32>
    %min3A_512 = arith.minsi %min3A_507, %select_n3A_511 : vector<16xi32>
    %eq3A_513 = arith.cmpf oeq, %select_n3A_444, %add3A_500 : vector<16xf32>
    %jit3A_514 = arith.constant 128 : i32
    %broadcast_in_dim3A_515 = vector.broadcast %jit3A_514 : i32 to vector<16xi32>
    %select_n3A_516 = arith.select %eq3A_513, %add3A_31, %broadcast_in_dim3A_515 : vector<16xi1>, vector<16xi32>
    %min3A_517 = arith.minsi %min3A_512, %select_n3A_516 : vector<16xi32>
    %eq3A_518 = arith.cmpf oeq, %select_n3A_448, %add3A_500 : vector<16xf32>
    %jit3A_519 = arith.constant 128 : i32
    %broadcast_in_dim3A_520 = vector.broadcast %jit3A_519 : i32 to vector<16xi32>
    %select_n3A_521 = arith.select %eq3A_518, %add3A_34, %broadcast_in_dim3A_520 : vector<16xi1>, vector<16xi32>
    %min3A_522 = arith.minsi %min3A_517, %select_n3A_521 : vector<16xi32>
    %slice3A_523 = vector.extract_strided_slice %min3A_522 {offsets = [0], sizes = [1], strides = [1]} : vector<16xi32> to vector<1xi32>
    %squeeze3A_524 = vector.extract %slice3A_523[0] : i32 from vector<1xi32>
    %slice3A_525 = vector.extract_strided_slice %min3A_522 {offsets = [1], sizes = [1], strides = [1]} : vector<16xi32> to vector<1xi32>
    %squeeze3A_526 = vector.extract %slice3A_525[0] : i32 from vector<1xi32>
    %slice3A_527 = vector.extract_strided_slice %min3A_522 {offsets = [2], sizes = [1], strides = [1]} : vector<16xi32> to vector<1xi32>
    %squeeze3A_528 = vector.extract %slice3A_527[0] : i32 from vector<1xi32>
    %slice3A_529 = vector.extract_strided_slice %min3A_522 {offsets = [3], sizes = [1], strides = [1]} : vector<16xi32> to vector<1xi32>
    %squeeze3A_530 = vector.extract %slice3A_529[0] : i32 from vector<1xi32>
    %slice3A_531 = vector.extract_strided_slice %min3A_522 {offsets = [4], sizes = [1], strides = [1]} : vector<16xi32> to vector<1xi32>
    %squeeze3A_532 = vector.extract %slice3A_531[0] : i32 from vector<1xi32>
    %slice3A_533 = vector.extract_strided_slice %min3A_522 {offsets = [5], sizes = [1], strides = [1]} : vector<16xi32> to vector<1xi32>
    %squeeze3A_534 = vector.extract %slice3A_533[0] : i32 from vector<1xi32>
    %slice3A_535 = vector.extract_strided_slice %min3A_522 {offsets = [6], sizes = [1], strides = [1]} : vector<16xi32> to vector<1xi32>
    %squeeze3A_536 = vector.extract %slice3A_535[0] : i32 from vector<1xi32>
    %slice3A_537 = vector.extract_strided_slice %min3A_522 {offsets = [7], sizes = [1], strides = [1]} : vector<16xi32> to vector<1xi32>
    %squeeze3A_538 = vector.extract %slice3A_537[0] : i32 from vector<1xi32>
    %slice3A_539 = vector.extract_strided_slice %min3A_522 {offsets = [8], sizes = [1], strides = [1]} : vector<16xi32> to vector<1xi32>
    %squeeze3A_540 = vector.extract %slice3A_539[0] : i32 from vector<1xi32>
    %slice3A_541 = vector.extract_strided_slice %min3A_522 {offsets = [9], sizes = [1], strides = [1]} : vector<16xi32> to vector<1xi32>
    %squeeze3A_542 = vector.extract %slice3A_541[0] : i32 from vector<1xi32>
    %slice3A_543 = vector.extract_strided_slice %min3A_522 {offsets = [10], sizes = [1], strides = [1]} : vector<16xi32> to vector<1xi32>
    %squeeze3A_544 = vector.extract %slice3A_543[0] : i32 from vector<1xi32>
    %slice3A_545 = vector.extract_strided_slice %min3A_522 {offsets = [11], sizes = [1], strides = [1]} : vector<16xi32> to vector<1xi32>
    %squeeze3A_546 = vector.extract %slice3A_545[0] : i32 from vector<1xi32>
    %slice3A_547 = vector.extract_strided_slice %min3A_522 {offsets = [12], sizes = [1], strides = [1]} : vector<16xi32> to vector<1xi32>
    %squeeze3A_548 = vector.extract %slice3A_547[0] : i32 from vector<1xi32>
    %slice3A_549 = vector.extract_strided_slice %min3A_522 {offsets = [13], sizes = [1], strides = [1]} : vector<16xi32> to vector<1xi32>
    %squeeze3A_550 = vector.extract %slice3A_549[0] : i32 from vector<1xi32>
    %slice3A_551 = vector.extract_strided_slice %min3A_522 {offsets = [14], sizes = [1], strides = [1]} : vector<16xi32> to vector<1xi32>
    %squeeze3A_552 = vector.extract %slice3A_551[0] : i32 from vector<1xi32>
    %slice3A_553 = vector.extract_strided_slice %min3A_522 {offsets = [15], sizes = [1], strides = [1]} : vector<16xi32> to vector<1xi32>
    %squeeze3A_554 = vector.extract %slice3A_553[0] : i32 from vector<1xi32>
    %min3A_555 = arith.minsi %squeeze3A_524, %squeeze3A_526 : i32
    %min3A_556 = arith.minsi %squeeze3A_528, %squeeze3A_530 : i32
    %min3A_557 = arith.minsi %squeeze3A_532, %squeeze3A_534 : i32
    %min3A_558 = arith.minsi %squeeze3A_536, %squeeze3A_538 : i32
    %min3A_559 = arith.minsi %squeeze3A_540, %squeeze3A_542 : i32
    %min3A_560 = arith.minsi %squeeze3A_544, %squeeze3A_546 : i32
    %min3A_561 = arith.minsi %squeeze3A_548, %squeeze3A_550 : i32
    %min3A_562 = arith.minsi %squeeze3A_552, %squeeze3A_554 : i32
    %min3A_563 = arith.minsi %min3A_555, %min3A_556 : i32
    %min3A_564 = arith.minsi %min3A_557, %min3A_558 : i32
    %min3A_565 = arith.minsi %min3A_559, %min3A_560 : i32
    %min3A_566 = arith.minsi %min3A_561, %min3A_562 : i32
    %min3A_567 = arith.minsi %min3A_563, %min3A_564 : i32
    %min3A_568 = arith.minsi %min3A_565, %min3A_566 : i32
    %min3A_569 = arith.minsi %min3A_567, %min3A_568 : i32
    %add3A_570 = vector.broadcast %min3A_569 : i32 to vector<16xi32>
    %add3A_571 = arith.addi %broadcast_in_dim3A_38, %add3A_570 : vector<16xi32>
    %eq3A_572 = arith.cmpi eq, %add3A_25, %add3A_571 : vector<16xi32>
    %jit3A_573 = arith.constant -1.000000e+30 : f32
    %broadcast_in_dim3A_574 = vector.broadcast %jit3A_573 : f32 to vector<16xf32>
    %select_n3A_575 = arith.select %eq3A_572, %broadcast_in_dim3A_574, %select_n3A_436 : vector<16xi1>, vector<16xf32>
    %eq3A_576 = arith.cmpi eq, %add3A_28, %add3A_571 : vector<16xi32>
    %jit3A_577 = arith.constant -1.000000e+30 : f32
    %broadcast_in_dim3A_578 = vector.broadcast %jit3A_577 : f32 to vector<16xf32>
    %select_n3A_579 = arith.select %eq3A_576, %broadcast_in_dim3A_578, %select_n3A_440 : vector<16xi1>, vector<16xf32>
    %eq3A_580 = arith.cmpi eq, %add3A_31, %add3A_571 : vector<16xi32>
    %jit3A_581 = arith.constant -1.000000e+30 : f32
    %broadcast_in_dim3A_582 = vector.broadcast %jit3A_581 : f32 to vector<16xf32>
    %select_n3A_583 = arith.select %eq3A_580, %broadcast_in_dim3A_582, %select_n3A_444 : vector<16xi1>, vector<16xf32>
    %eq3A_584 = arith.cmpi eq, %add3A_34, %add3A_571 : vector<16xi32>
    %jit3A_585 = arith.constant -1.000000e+30 : f32
    %broadcast_in_dim3A_586 = vector.broadcast %jit3A_585 : f32 to vector<16xf32>
    %select_n3A_587 = arith.select %eq3A_584, %broadcast_in_dim3A_586, %select_n3A_448 : vector<16xi1>, vector<16xf32>
    %max3A_588 = arith.maximumf %select_n3A_575, %select_n3A_579 : vector<16xf32>
    %max3A_589 = arith.maximumf %max3A_588, %select_n3A_583 : vector<16xf32>
    %max3A_590 = arith.maximumf %max3A_589, %select_n3A_587 : vector<16xf32>
    %slice3A_591 = vector.extract_strided_slice %max3A_590 {offsets = [0], sizes = [1], strides = [1]} : vector<16xf32> to vector<1xf32>
    %squeeze3A_592 = vector.extract %slice3A_591[0] : f32 from vector<1xf32>
    %slice3A_593 = vector.extract_strided_slice %max3A_590 {offsets = [1], sizes = [1], strides = [1]} : vector<16xf32> to vector<1xf32>
    %squeeze3A_594 = vector.extract %slice3A_593[0] : f32 from vector<1xf32>
    %slice3A_595 = vector.extract_strided_slice %max3A_590 {offsets = [2], sizes = [1], strides = [1]} : vector<16xf32> to vector<1xf32>
    %squeeze3A_596 = vector.extract %slice3A_595[0] : f32 from vector<1xf32>
    %slice3A_597 = vector.extract_strided_slice %max3A_590 {offsets = [3], sizes = [1], strides = [1]} : vector<16xf32> to vector<1xf32>
    %squeeze3A_598 = vector.extract %slice3A_597[0] : f32 from vector<1xf32>
    %slice3A_599 = vector.extract_strided_slice %max3A_590 {offsets = [4], sizes = [1], strides = [1]} : vector<16xf32> to vector<1xf32>
    %squeeze3A_600 = vector.extract %slice3A_599[0] : f32 from vector<1xf32>
    %slice3A_601 = vector.extract_strided_slice %max3A_590 {offsets = [5], sizes = [1], strides = [1]} : vector<16xf32> to vector<1xf32>
    %squeeze3A_602 = vector.extract %slice3A_601[0] : f32 from vector<1xf32>
    %slice3A_603 = vector.extract_strided_slice %max3A_590 {offsets = [6], sizes = [1], strides = [1]} : vector<16xf32> to vector<1xf32>
    %squeeze3A_604 = vector.extract %slice3A_603[0] : f32 from vector<1xf32>
    %slice3A_605 = vector.extract_strided_slice %max3A_590 {offsets = [7], sizes = [1], strides = [1]} : vector<16xf32> to vector<1xf32>
    %squeeze3A_606 = vector.extract %slice3A_605[0] : f32 from vector<1xf32>
    %slice3A_607 = vector.extract_strided_slice %max3A_590 {offsets = [8], sizes = [1], strides = [1]} : vector<16xf32> to vector<1xf32>
    %squeeze3A_608 = vector.extract %slice3A_607[0] : f32 from vector<1xf32>
    %slice3A_609 = vector.extract_strided_slice %max3A_590 {offsets = [9], sizes = [1], strides = [1]} : vector<16xf32> to vector<1xf32>
    %squeeze3A_610 = vector.extract %slice3A_609[0] : f32 from vector<1xf32>
    %slice3A_611 = vector.extract_strided_slice %max3A_590 {offsets = [10], sizes = [1], strides = [1]} : vector<16xf32> to vector<1xf32>
    %squeeze3A_612 = vector.extract %slice3A_611[0] : f32 from vector<1xf32>
    %slice3A_613 = vector.extract_strided_slice %max3A_590 {offsets = [11], sizes = [1], strides = [1]} : vector<16xf32> to vector<1xf32>
    %squeeze3A_614 = vector.extract %slice3A_613[0] : f32 from vector<1xf32>
    %slice3A_615 = vector.extract_strided_slice %max3A_590 {offsets = [12], sizes = [1], strides = [1]} : vector<16xf32> to vector<1xf32>
    %squeeze3A_616 = vector.extract %slice3A_615[0] : f32 from vector<1xf32>
    %slice3A_617 = vector.extract_strided_slice %max3A_590 {offsets = [13], sizes = [1], strides = [1]} : vector<16xf32> to vector<1xf32>
    %squeeze3A_618 = vector.extract %slice3A_617[0] : f32 from vector<1xf32>
    %slice3A_619 = vector.extract_strided_slice %max3A_590 {offsets = [14], sizes = [1], strides = [1]} : vector<16xf32> to vector<1xf32>
    %squeeze3A_620 = vector.extract %slice3A_619[0] : f32 from vector<1xf32>
    %slice3A_621 = vector.extract_strided_slice %max3A_590 {offsets = [15], sizes = [1], strides = [1]} : vector<16xf32> to vector<1xf32>
    %squeeze3A_622 = vector.extract %slice3A_621[0] : f32 from vector<1xf32>
    %max3A_623 = arith.maximumf %squeeze3A_592, %squeeze3A_594 : f32
    %max3A_624 = arith.maximumf %squeeze3A_596, %squeeze3A_598 : f32
    %max3A_625 = arith.maximumf %squeeze3A_600, %squeeze3A_602 : f32
    %max3A_626 = arith.maximumf %squeeze3A_604, %squeeze3A_606 : f32
    %max3A_627 = arith.maximumf %squeeze3A_608, %squeeze3A_610 : f32
    %max3A_628 = arith.maximumf %squeeze3A_612, %squeeze3A_614 : f32
    %max3A_629 = arith.maximumf %squeeze3A_616, %squeeze3A_618 : f32
    %max3A_630 = arith.maximumf %squeeze3A_620, %squeeze3A_622 : f32
    %max3A_631 = arith.maximumf %max3A_623, %max3A_624 : f32
    %max3A_632 = arith.maximumf %max3A_625, %max3A_626 : f32
    %max3A_633 = arith.maximumf %max3A_627, %max3A_628 : f32
    %max3A_634 = arith.maximumf %max3A_629, %max3A_630 : f32
    %max3A_635 = arith.maximumf %max3A_631, %max3A_632 : f32
    %max3A_636 = arith.maximumf %max3A_633, %max3A_634 : f32
    %max3A_637 = arith.maximumf %max3A_635, %max3A_636 : f32
    %add3A_638 = vector.broadcast %max3A_637 : f32 to vector<16xf32>
    %add3A_639 = arith.addf %broadcast_in_dim3A_36, %add3A_638 : vector<16xf32>
    %broadcast_in_dim3A_640 = arith.constant 128 : i32
    %broadcast_in_dim3A_641 = vector.broadcast %broadcast_in_dim3A_640 : i32 to vector<16xi32>
    %eq3A_642 = arith.cmpf oeq, %select_n3A_575, %add3A_639 : vector<16xf32>
    %jit3A_643 = arith.constant 128 : i32
    %broadcast_in_dim3A_644 = vector.broadcast %jit3A_643 : i32 to vector<16xi32>
    %select_n3A_645 = arith.select %eq3A_642, %add3A_25, %broadcast_in_dim3A_644 : vector<16xi1>, vector<16xi32>
    %min3A_646 = arith.minsi %broadcast_in_dim3A_641, %select_n3A_645 : vector<16xi32>
    %eq3A_647 = arith.cmpf oeq, %select_n3A_579, %add3A_639 : vector<16xf32>
    %jit3A_648 = arith.constant 128 : i32
    %broadcast_in_dim3A_649 = vector.broadcast %jit3A_648 : i32 to vector<16xi32>
    %select_n3A_650 = arith.select %eq3A_647, %add3A_28, %broadcast_in_dim3A_649 : vector<16xi1>, vector<16xi32>
    %min3A_651 = arith.minsi %min3A_646, %select_n3A_650 : vector<16xi32>
    %eq3A_652 = arith.cmpf oeq, %select_n3A_583, %add3A_639 : vector<16xf32>
    %jit3A_653 = arith.constant 128 : i32
    %broadcast_in_dim3A_654 = vector.broadcast %jit3A_653 : i32 to vector<16xi32>
    %select_n3A_655 = arith.select %eq3A_652, %add3A_31, %broadcast_in_dim3A_654 : vector<16xi1>, vector<16xi32>
    %min3A_656 = arith.minsi %min3A_651, %select_n3A_655 : vector<16xi32>
    %eq3A_657 = arith.cmpf oeq, %select_n3A_587, %add3A_639 : vector<16xf32>
    %jit3A_658 = arith.constant 128 : i32
    %broadcast_in_dim3A_659 = vector.broadcast %jit3A_658 : i32 to vector<16xi32>
    %select_n3A_660 = arith.select %eq3A_657, %add3A_34, %broadcast_in_dim3A_659 : vector<16xi1>, vector<16xi32>
    %min3A_661 = arith.minsi %min3A_656, %select_n3A_660 : vector<16xi32>
    %slice3A_662 = vector.extract_strided_slice %min3A_661 {offsets = [0], sizes = [1], strides = [1]} : vector<16xi32> to vector<1xi32>
    %squeeze3A_663 = vector.extract %slice3A_662[0] : i32 from vector<1xi32>
    %slice3A_664 = vector.extract_strided_slice %min3A_661 {offsets = [1], sizes = [1], strides = [1]} : vector<16xi32> to vector<1xi32>
    %squeeze3A_665 = vector.extract %slice3A_664[0] : i32 from vector<1xi32>
    %slice3A_666 = vector.extract_strided_slice %min3A_661 {offsets = [2], sizes = [1], strides = [1]} : vector<16xi32> to vector<1xi32>
    %squeeze3A_667 = vector.extract %slice3A_666[0] : i32 from vector<1xi32>
    %slice3A_668 = vector.extract_strided_slice %min3A_661 {offsets = [3], sizes = [1], strides = [1]} : vector<16xi32> to vector<1xi32>
    %squeeze3A_669 = vector.extract %slice3A_668[0] : i32 from vector<1xi32>
    %slice3A_670 = vector.extract_strided_slice %min3A_661 {offsets = [4], sizes = [1], strides = [1]} : vector<16xi32> to vector<1xi32>
    %squeeze3A_671 = vector.extract %slice3A_670[0] : i32 from vector<1xi32>
    %slice3A_672 = vector.extract_strided_slice %min3A_661 {offsets = [5], sizes = [1], strides = [1]} : vector<16xi32> to vector<1xi32>
    %squeeze3A_673 = vector.extract %slice3A_672[0] : i32 from vector<1xi32>
    %slice3A_674 = vector.extract_strided_slice %min3A_661 {offsets = [6], sizes = [1], strides = [1]} : vector<16xi32> to vector<1xi32>
    %squeeze3A_675 = vector.extract %slice3A_674[0] : i32 from vector<1xi32>
    %slice3A_676 = vector.extract_strided_slice %min3A_661 {offsets = [7], sizes = [1], strides = [1]} : vector<16xi32> to vector<1xi32>
    %squeeze3A_677 = vector.extract %slice3A_676[0] : i32 from vector<1xi32>
    %slice3A_678 = vector.extract_strided_slice %min3A_661 {offsets = [8], sizes = [1], strides = [1]} : vector<16xi32> to vector<1xi32>
    %squeeze3A_679 = vector.extract %slice3A_678[0] : i32 from vector<1xi32>
    %slice3A_680 = vector.extract_strided_slice %min3A_661 {offsets = [9], sizes = [1], strides = [1]} : vector<16xi32> to vector<1xi32>
    %squeeze3A_681 = vector.extract %slice3A_680[0] : i32 from vector<1xi32>
    %slice3A_682 = vector.extract_strided_slice %min3A_661 {offsets = [10], sizes = [1], strides = [1]} : vector<16xi32> to vector<1xi32>
    %squeeze3A_683 = vector.extract %slice3A_682[0] : i32 from vector<1xi32>
    %slice3A_684 = vector.extract_strided_slice %min3A_661 {offsets = [11], sizes = [1], strides = [1]} : vector<16xi32> to vector<1xi32>
    %squeeze3A_685 = vector.extract %slice3A_684[0] : i32 from vector<1xi32>
    %slice3A_686 = vector.extract_strided_slice %min3A_661 {offsets = [12], sizes = [1], strides = [1]} : vector<16xi32> to vector<1xi32>
    %squeeze3A_687 = vector.extract %slice3A_686[0] : i32 from vector<1xi32>
    %slice3A_688 = vector.extract_strided_slice %min3A_661 {offsets = [13], sizes = [1], strides = [1]} : vector<16xi32> to vector<1xi32>
    %squeeze3A_689 = vector.extract %slice3A_688[0] : i32 from vector<1xi32>
    %slice3A_690 = vector.extract_strided_slice %min3A_661 {offsets = [14], sizes = [1], strides = [1]} : vector<16xi32> to vector<1xi32>
    %squeeze3A_691 = vector.extract %slice3A_690[0] : i32 from vector<1xi32>
    %slice3A_692 = vector.extract_strided_slice %min3A_661 {offsets = [15], sizes = [1], strides = [1]} : vector<16xi32> to vector<1xi32>
    %squeeze3A_693 = vector.extract %slice3A_692[0] : i32 from vector<1xi32>
    %min3A_694 = arith.minsi %squeeze3A_663, %squeeze3A_665 : i32
    %min3A_695 = arith.minsi %squeeze3A_667, %squeeze3A_669 : i32
    %min3A_696 = arith.minsi %squeeze3A_671, %squeeze3A_673 : i32
    %min3A_697 = arith.minsi %squeeze3A_675, %squeeze3A_677 : i32
    %min3A_698 = arith.minsi %squeeze3A_679, %squeeze3A_681 : i32
    %min3A_699 = arith.minsi %squeeze3A_683, %squeeze3A_685 : i32
    %min3A_700 = arith.minsi %squeeze3A_687, %squeeze3A_689 : i32
    %min3A_701 = arith.minsi %squeeze3A_691, %squeeze3A_693 : i32
    %min3A_702 = arith.minsi %min3A_694, %min3A_695 : i32
    %min3A_703 = arith.minsi %min3A_696, %min3A_697 : i32
    %min3A_704 = arith.minsi %min3A_698, %min3A_699 : i32
    %min3A_705 = arith.minsi %min3A_700, %min3A_701 : i32
    %min3A_706 = arith.minsi %min3A_702, %min3A_703 : i32
    %min3A_707 = arith.minsi %min3A_704, %min3A_705 : i32
    %min3A_708 = arith.minsi %min3A_706, %min3A_707 : i32
    %add3A_709 = vector.broadcast %min3A_708 : i32 to vector<16xi32>
    %add3A_710 = arith.addi %broadcast_in_dim3A_38, %add3A_709 : vector<16xi32>
    %eq3A_711 = arith.cmpi eq, %add3A_25, %add3A_710 : vector<16xi32>
    %jit3A_712 = arith.constant -1.000000e+30 : f32
    %broadcast_in_dim3A_713 = vector.broadcast %jit3A_712 : f32 to vector<16xf32>
    %select_n3A_714 = arith.select %eq3A_711, %broadcast_in_dim3A_713, %select_n3A_575 : vector<16xi1>, vector<16xf32>
    %eq3A_715 = arith.cmpi eq, %add3A_28, %add3A_710 : vector<16xi32>
    %jit3A_716 = arith.constant -1.000000e+30 : f32
    %broadcast_in_dim3A_717 = vector.broadcast %jit3A_716 : f32 to vector<16xf32>
    %select_n3A_718 = arith.select %eq3A_715, %broadcast_in_dim3A_717, %select_n3A_579 : vector<16xi1>, vector<16xf32>
    %eq3A_719 = arith.cmpi eq, %add3A_31, %add3A_710 : vector<16xi32>
    %jit3A_720 = arith.constant -1.000000e+30 : f32
    %broadcast_in_dim3A_721 = vector.broadcast %jit3A_720 : f32 to vector<16xf32>
    %select_n3A_722 = arith.select %eq3A_719, %broadcast_in_dim3A_721, %select_n3A_583 : vector<16xi1>, vector<16xf32>
    %eq3A_723 = arith.cmpi eq, %add3A_34, %add3A_710 : vector<16xi32>
    %jit3A_724 = arith.constant -1.000000e+30 : f32
    %broadcast_in_dim3A_725 = vector.broadcast %jit3A_724 : f32 to vector<16xf32>
    %select_n3A_726 = arith.select %eq3A_723, %broadcast_in_dim3A_725, %select_n3A_587 : vector<16xi1>, vector<16xf32>
    %max3A_727 = arith.maximumf %select_n3A_714, %select_n3A_718 : vector<16xf32>
    %max3A_728 = arith.maximumf %max3A_727, %select_n3A_722 : vector<16xf32>
    %max3A_729 = arith.maximumf %max3A_728, %select_n3A_726 : vector<16xf32>
    %slice3A_730 = vector.extract_strided_slice %max3A_729 {offsets = [0], sizes = [1], strides = [1]} : vector<16xf32> to vector<1xf32>
    %squeeze3A_731 = vector.extract %slice3A_730[0] : f32 from vector<1xf32>
    %slice3A_732 = vector.extract_strided_slice %max3A_729 {offsets = [1], sizes = [1], strides = [1]} : vector<16xf32> to vector<1xf32>
    %squeeze3A_733 = vector.extract %slice3A_732[0] : f32 from vector<1xf32>
    %slice3A_734 = vector.extract_strided_slice %max3A_729 {offsets = [2], sizes = [1], strides = [1]} : vector<16xf32> to vector<1xf32>
    %squeeze3A_735 = vector.extract %slice3A_734[0] : f32 from vector<1xf32>
    %slice3A_736 = vector.extract_strided_slice %max3A_729 {offsets = [3], sizes = [1], strides = [1]} : vector<16xf32> to vector<1xf32>
    %squeeze3A_737 = vector.extract %slice3A_736[0] : f32 from vector<1xf32>
    %slice3A_738 = vector.extract_strided_slice %max3A_729 {offsets = [4], sizes = [1], strides = [1]} : vector<16xf32> to vector<1xf32>
    %squeeze3A_739 = vector.extract %slice3A_738[0] : f32 from vector<1xf32>
    %slice3A_740 = vector.extract_strided_slice %max3A_729 {offsets = [5], sizes = [1], strides = [1]} : vector<16xf32> to vector<1xf32>
    %squeeze3A_741 = vector.extract %slice3A_740[0] : f32 from vector<1xf32>
    %slice3A_742 = vector.extract_strided_slice %max3A_729 {offsets = [6], sizes = [1], strides = [1]} : vector<16xf32> to vector<1xf32>
    %squeeze3A_743 = vector.extract %slice3A_742[0] : f32 from vector<1xf32>
    %slice3A_744 = vector.extract_strided_slice %max3A_729 {offsets = [7], sizes = [1], strides = [1]} : vector<16xf32> to vector<1xf32>
    %squeeze3A_745 = vector.extract %slice3A_744[0] : f32 from vector<1xf32>
    %slice3A_746 = vector.extract_strided_slice %max3A_729 {offsets = [8], sizes = [1], strides = [1]} : vector<16xf32> to vector<1xf32>
    %squeeze3A_747 = vector.extract %slice3A_746[0] : f32 from vector<1xf32>
    %slice3A_748 = vector.extract_strided_slice %max3A_729 {offsets = [9], sizes = [1], strides = [1]} : vector<16xf32> to vector<1xf32>
    %squeeze3A_749 = vector.extract %slice3A_748[0] : f32 from vector<1xf32>
    %slice3A_750 = vector.extract_strided_slice %max3A_729 {offsets = [10], sizes = [1], strides = [1]} : vector<16xf32> to vector<1xf32>
    %squeeze3A_751 = vector.extract %slice3A_750[0] : f32 from vector<1xf32>
    %slice3A_752 = vector.extract_strided_slice %max3A_729 {offsets = [11], sizes = [1], strides = [1]} : vector<16xf32> to vector<1xf32>
    %squeeze3A_753 = vector.extract %slice3A_752[0] : f32 from vector<1xf32>
    %slice3A_754 = vector.extract_strided_slice %max3A_729 {offsets = [12], sizes = [1], strides = [1]} : vector<16xf32> to vector<1xf32>
    %squeeze3A_755 = vector.extract %slice3A_754[0] : f32 from vector<1xf32>
    %slice3A_756 = vector.extract_strided_slice %max3A_729 {offsets = [13], sizes = [1], strides = [1]} : vector<16xf32> to vector<1xf32>
    %squeeze3A_757 = vector.extract %slice3A_756[0] : f32 from vector<1xf32>
    %slice3A_758 = vector.extract_strided_slice %max3A_729 {offsets = [14], sizes = [1], strides = [1]} : vector<16xf32> to vector<1xf32>
    %squeeze3A_759 = vector.extract %slice3A_758[0] : f32 from vector<1xf32>
    %slice3A_760 = vector.extract_strided_slice %max3A_729 {offsets = [15], sizes = [1], strides = [1]} : vector<16xf32> to vector<1xf32>
    %squeeze3A_761 = vector.extract %slice3A_760[0] : f32 from vector<1xf32>
    %max3A_762 = arith.maximumf %squeeze3A_731, %squeeze3A_733 : f32
    %max3A_763 = arith.maximumf %squeeze3A_735, %squeeze3A_737 : f32
    %max3A_764 = arith.maximumf %squeeze3A_739, %squeeze3A_741 : f32
    %max3A_765 = arith.maximumf %squeeze3A_743, %squeeze3A_745 : f32
    %max3A_766 = arith.maximumf %squeeze3A_747, %squeeze3A_749 : f32
    %max3A_767 = arith.maximumf %squeeze3A_751, %squeeze3A_753 : f32
    %max3A_768 = arith.maximumf %squeeze3A_755, %squeeze3A_757 : f32
    %max3A_769 = arith.maximumf %squeeze3A_759, %squeeze3A_761 : f32
    %max3A_770 = arith.maximumf %max3A_762, %max3A_763 : f32
    %max3A_771 = arith.maximumf %max3A_764, %max3A_765 : f32
    %max3A_772 = arith.maximumf %max3A_766, %max3A_767 : f32
    %max3A_773 = arith.maximumf %max3A_768, %max3A_769 : f32
    %max3A_774 = arith.maximumf %max3A_770, %max3A_771 : f32
    %max3A_775 = arith.maximumf %max3A_772, %max3A_773 : f32
    %max3A_776 = arith.maximumf %max3A_774, %max3A_775 : f32
    %add3A_777 = vector.broadcast %max3A_776 : f32 to vector<16xf32>
    %add3A_778 = arith.addf %broadcast_in_dim3A_36, %add3A_777 : vector<16xf32>
    %broadcast_in_dim3A_779 = arith.constant 128 : i32
    %broadcast_in_dim3A_780 = vector.broadcast %broadcast_in_dim3A_779 : i32 to vector<16xi32>
    %eq3A_781 = arith.cmpf oeq, %select_n3A_714, %add3A_778 : vector<16xf32>
    %jit3A_782 = arith.constant 128 : i32
    %broadcast_in_dim3A_783 = vector.broadcast %jit3A_782 : i32 to vector<16xi32>
    %select_n3A_784 = arith.select %eq3A_781, %add3A_25, %broadcast_in_dim3A_783 : vector<16xi1>, vector<16xi32>
    %min3A_785 = arith.minsi %broadcast_in_dim3A_780, %select_n3A_784 : vector<16xi32>
    %eq3A_786 = arith.cmpf oeq, %select_n3A_718, %add3A_778 : vector<16xf32>
    %jit3A_787 = arith.constant 128 : i32
    %broadcast_in_dim3A_788 = vector.broadcast %jit3A_787 : i32 to vector<16xi32>
    %select_n3A_789 = arith.select %eq3A_786, %add3A_28, %broadcast_in_dim3A_788 : vector<16xi1>, vector<16xi32>
    %min3A_790 = arith.minsi %min3A_785, %select_n3A_789 : vector<16xi32>
    %eq3A_791 = arith.cmpf oeq, %select_n3A_722, %add3A_778 : vector<16xf32>
    %jit3A_792 = arith.constant 128 : i32
    %broadcast_in_dim3A_793 = vector.broadcast %jit3A_792 : i32 to vector<16xi32>
    %select_n3A_794 = arith.select %eq3A_791, %add3A_31, %broadcast_in_dim3A_793 : vector<16xi1>, vector<16xi32>
    %min3A_795 = arith.minsi %min3A_790, %select_n3A_794 : vector<16xi32>
    %eq3A_796 = arith.cmpf oeq, %select_n3A_726, %add3A_778 : vector<16xf32>
    %jit3A_797 = arith.constant 128 : i32
    %broadcast_in_dim3A_798 = vector.broadcast %jit3A_797 : i32 to vector<16xi32>
    %select_n3A_799 = arith.select %eq3A_796, %add3A_34, %broadcast_in_dim3A_798 : vector<16xi1>, vector<16xi32>
    %min3A_800 = arith.minsi %min3A_795, %select_n3A_799 : vector<16xi32>
    %slice3A_801 = vector.extract_strided_slice %min3A_800 {offsets = [0], sizes = [1], strides = [1]} : vector<16xi32> to vector<1xi32>
    %squeeze3A_802 = vector.extract %slice3A_801[0] : i32 from vector<1xi32>
    %slice3A_803 = vector.extract_strided_slice %min3A_800 {offsets = [1], sizes = [1], strides = [1]} : vector<16xi32> to vector<1xi32>
    %squeeze3A_804 = vector.extract %slice3A_803[0] : i32 from vector<1xi32>
    %slice3A_805 = vector.extract_strided_slice %min3A_800 {offsets = [2], sizes = [1], strides = [1]} : vector<16xi32> to vector<1xi32>
    %squeeze3A_806 = vector.extract %slice3A_805[0] : i32 from vector<1xi32>
    %slice3A_807 = vector.extract_strided_slice %min3A_800 {offsets = [3], sizes = [1], strides = [1]} : vector<16xi32> to vector<1xi32>
    %squeeze3A_808 = vector.extract %slice3A_807[0] : i32 from vector<1xi32>
    %slice3A_809 = vector.extract_strided_slice %min3A_800 {offsets = [4], sizes = [1], strides = [1]} : vector<16xi32> to vector<1xi32>
    %squeeze3A_810 = vector.extract %slice3A_809[0] : i32 from vector<1xi32>
    %slice3A_811 = vector.extract_strided_slice %min3A_800 {offsets = [5], sizes = [1], strides = [1]} : vector<16xi32> to vector<1xi32>
    %squeeze3A_812 = vector.extract %slice3A_811[0] : i32 from vector<1xi32>
    %slice3A_813 = vector.extract_strided_slice %min3A_800 {offsets = [6], sizes = [1], strides = [1]} : vector<16xi32> to vector<1xi32>
    %squeeze3A_814 = vector.extract %slice3A_813[0] : i32 from vector<1xi32>
    %slice3A_815 = vector.extract_strided_slice %min3A_800 {offsets = [7], sizes = [1], strides = [1]} : vector<16xi32> to vector<1xi32>
    %squeeze3A_816 = vector.extract %slice3A_815[0] : i32 from vector<1xi32>
    %slice3A_817 = vector.extract_strided_slice %min3A_800 {offsets = [8], sizes = [1], strides = [1]} : vector<16xi32> to vector<1xi32>
    %squeeze3A_818 = vector.extract %slice3A_817[0] : i32 from vector<1xi32>
    %slice3A_819 = vector.extract_strided_slice %min3A_800 {offsets = [9], sizes = [1], strides = [1]} : vector<16xi32> to vector<1xi32>
    %squeeze3A_820 = vector.extract %slice3A_819[0] : i32 from vector<1xi32>
    %slice3A_821 = vector.extract_strided_slice %min3A_800 {offsets = [10], sizes = [1], strides = [1]} : vector<16xi32> to vector<1xi32>
    %squeeze3A_822 = vector.extract %slice3A_821[0] : i32 from vector<1xi32>
    %slice3A_823 = vector.extract_strided_slice %min3A_800 {offsets = [11], sizes = [1], strides = [1]} : vector<16xi32> to vector<1xi32>
    %squeeze3A_824 = vector.extract %slice3A_823[0] : i32 from vector<1xi32>
    %slice3A_825 = vector.extract_strided_slice %min3A_800 {offsets = [12], sizes = [1], strides = [1]} : vector<16xi32> to vector<1xi32>
    %squeeze3A_826 = vector.extract %slice3A_825[0] : i32 from vector<1xi32>
    %slice3A_827 = vector.extract_strided_slice %min3A_800 {offsets = [13], sizes = [1], strides = [1]} : vector<16xi32> to vector<1xi32>
    %squeeze3A_828 = vector.extract %slice3A_827[0] : i32 from vector<1xi32>
    %slice3A_829 = vector.extract_strided_slice %min3A_800 {offsets = [14], sizes = [1], strides = [1]} : vector<16xi32> to vector<1xi32>
    %squeeze3A_830 = vector.extract %slice3A_829[0] : i32 from vector<1xi32>
    %slice3A_831 = vector.extract_strided_slice %min3A_800 {offsets = [15], sizes = [1], strides = [1]} : vector<16xi32> to vector<1xi32>
    %squeeze3A_832 = vector.extract %slice3A_831[0] : i32 from vector<1xi32>
    %min3A_833 = arith.minsi %squeeze3A_802, %squeeze3A_804 : i32
    %min3A_834 = arith.minsi %squeeze3A_806, %squeeze3A_808 : i32
    %min3A_835 = arith.minsi %squeeze3A_810, %squeeze3A_812 : i32
    %min3A_836 = arith.minsi %squeeze3A_814, %squeeze3A_816 : i32
    %min3A_837 = arith.minsi %squeeze3A_818, %squeeze3A_820 : i32
    %min3A_838 = arith.minsi %squeeze3A_822, %squeeze3A_824 : i32
    %min3A_839 = arith.minsi %squeeze3A_826, %squeeze3A_828 : i32
    %min3A_840 = arith.minsi %squeeze3A_830, %squeeze3A_832 : i32
    %min3A_841 = arith.minsi %min3A_833, %min3A_834 : i32
    %min3A_842 = arith.minsi %min3A_835, %min3A_836 : i32
    %min3A_843 = arith.minsi %min3A_837, %min3A_838 : i32
    %min3A_844 = arith.minsi %min3A_839, %min3A_840 : i32
    %min3A_845 = arith.minsi %min3A_841, %min3A_842 : i32
    %min3A_846 = arith.minsi %min3A_843, %min3A_844 : i32
    %min3A_847 = arith.minsi %min3A_845, %min3A_846 : i32
    %add3A_848 = vector.broadcast %min3A_847 : i32 to vector<16xi32>
    %add3A_849 = arith.addi %broadcast_in_dim3A_38, %add3A_848 : vector<16xi32>
    %eq3A_850 = arith.cmpi eq, %add3A_25, %add3A_849 : vector<16xi32>
    %jit3A_851 = arith.constant -1.000000e+30 : f32
    %broadcast_in_dim3A_852 = vector.broadcast %jit3A_851 : f32 to vector<16xf32>
    %select_n3A_853 = arith.select %eq3A_850, %broadcast_in_dim3A_852, %select_n3A_714 : vector<16xi1>, vector<16xf32>
    %eq3A_854 = arith.cmpi eq, %add3A_28, %add3A_849 : vector<16xi32>
    %jit3A_855 = arith.constant -1.000000e+30 : f32
    %broadcast_in_dim3A_856 = vector.broadcast %jit3A_855 : f32 to vector<16xf32>
    %select_n3A_857 = arith.select %eq3A_854, %broadcast_in_dim3A_856, %select_n3A_718 : vector<16xi1>, vector<16xf32>
    %eq3A_858 = arith.cmpi eq, %add3A_31, %add3A_849 : vector<16xi32>
    %jit3A_859 = arith.constant -1.000000e+30 : f32
    %broadcast_in_dim3A_860 = vector.broadcast %jit3A_859 : f32 to vector<16xf32>
    %select_n3A_861 = arith.select %eq3A_858, %broadcast_in_dim3A_860, %select_n3A_722 : vector<16xi1>, vector<16xf32>
    %eq3A_862 = arith.cmpi eq, %add3A_34, %add3A_849 : vector<16xi32>
    %jit3A_863 = arith.constant -1.000000e+30 : f32
    %broadcast_in_dim3A_864 = vector.broadcast %jit3A_863 : f32 to vector<16xf32>
    %select_n3A_865 = arith.select %eq3A_862, %broadcast_in_dim3A_864, %select_n3A_726 : vector<16xi1>, vector<16xf32>
    %max3A_866 = arith.maximumf %select_n3A_853, %select_n3A_857 : vector<16xf32>
    %max3A_867 = arith.maximumf %max3A_866, %select_n3A_861 : vector<16xf32>
    %max3A_868 = arith.maximumf %max3A_867, %select_n3A_865 : vector<16xf32>
    %slice3A_869 = vector.extract_strided_slice %max3A_868 {offsets = [0], sizes = [1], strides = [1]} : vector<16xf32> to vector<1xf32>
    %squeeze3A_870 = vector.extract %slice3A_869[0] : f32 from vector<1xf32>
    %slice3A_871 = vector.extract_strided_slice %max3A_868 {offsets = [1], sizes = [1], strides = [1]} : vector<16xf32> to vector<1xf32>
    %squeeze3A_872 = vector.extract %slice3A_871[0] : f32 from vector<1xf32>
    %slice3A_873 = vector.extract_strided_slice %max3A_868 {offsets = [2], sizes = [1], strides = [1]} : vector<16xf32> to vector<1xf32>
    %squeeze3A_874 = vector.extract %slice3A_873[0] : f32 from vector<1xf32>
    %slice3A_875 = vector.extract_strided_slice %max3A_868 {offsets = [3], sizes = [1], strides = [1]} : vector<16xf32> to vector<1xf32>
    %squeeze3A_876 = vector.extract %slice3A_875[0] : f32 from vector<1xf32>
    %slice3A_877 = vector.extract_strided_slice %max3A_868 {offsets = [4], sizes = [1], strides = [1]} : vector<16xf32> to vector<1xf32>
    %squeeze3A_878 = vector.extract %slice3A_877[0] : f32 from vector<1xf32>
    %slice3A_879 = vector.extract_strided_slice %max3A_868 {offsets = [5], sizes = [1], strides = [1]} : vector<16xf32> to vector<1xf32>
    %squeeze3A_880 = vector.extract %slice3A_879[0] : f32 from vector<1xf32>
    %slice3A_881 = vector.extract_strided_slice %max3A_868 {offsets = [6], sizes = [1], strides = [1]} : vector<16xf32> to vector<1xf32>
    %squeeze3A_882 = vector.extract %slice3A_881[0] : f32 from vector<1xf32>
    %slice3A_883 = vector.extract_strided_slice %max3A_868 {offsets = [7], sizes = [1], strides = [1]} : vector<16xf32> to vector<1xf32>
    %squeeze3A_884 = vector.extract %slice3A_883[0] : f32 from vector<1xf32>
    %slice3A_885 = vector.extract_strided_slice %max3A_868 {offsets = [8], sizes = [1], strides = [1]} : vector<16xf32> to vector<1xf32>
    %squeeze3A_886 = vector.extract %slice3A_885[0] : f32 from vector<1xf32>
    %slice3A_887 = vector.extract_strided_slice %max3A_868 {offsets = [9], sizes = [1], strides = [1]} : vector<16xf32> to vector<1xf32>
    %squeeze3A_888 = vector.extract %slice3A_887[0] : f32 from vector<1xf32>
    %slice3A_889 = vector.extract_strided_slice %max3A_868 {offsets = [10], sizes = [1], strides = [1]} : vector<16xf32> to vector<1xf32>
    %squeeze3A_890 = vector.extract %slice3A_889[0] : f32 from vector<1xf32>
    %slice3A_891 = vector.extract_strided_slice %max3A_868 {offsets = [11], sizes = [1], strides = [1]} : vector<16xf32> to vector<1xf32>
    %squeeze3A_892 = vector.extract %slice3A_891[0] : f32 from vector<1xf32>
    %slice3A_893 = vector.extract_strided_slice %max3A_868 {offsets = [12], sizes = [1], strides = [1]} : vector<16xf32> to vector<1xf32>
    %squeeze3A_894 = vector.extract %slice3A_893[0] : f32 from vector<1xf32>
    %slice3A_895 = vector.extract_strided_slice %max3A_868 {offsets = [13], sizes = [1], strides = [1]} : vector<16xf32> to vector<1xf32>
    %squeeze3A_896 = vector.extract %slice3A_895[0] : f32 from vector<1xf32>
    %slice3A_897 = vector.extract_strided_slice %max3A_868 {offsets = [14], sizes = [1], strides = [1]} : vector<16xf32> to vector<1xf32>
    %squeeze3A_898 = vector.extract %slice3A_897[0] : f32 from vector<1xf32>
    %slice3A_899 = vector.extract_strided_slice %max3A_868 {offsets = [15], sizes = [1], strides = [1]} : vector<16xf32> to vector<1xf32>
    %squeeze3A_900 = vector.extract %slice3A_899[0] : f32 from vector<1xf32>
    %max3A_901 = arith.maximumf %squeeze3A_870, %squeeze3A_872 : f32
    %max3A_902 = arith.maximumf %squeeze3A_874, %squeeze3A_876 : f32
    %max3A_903 = arith.maximumf %squeeze3A_878, %squeeze3A_880 : f32
    %max3A_904 = arith.maximumf %squeeze3A_882, %squeeze3A_884 : f32
    %max3A_905 = arith.maximumf %squeeze3A_886, %squeeze3A_888 : f32
    %max3A_906 = arith.maximumf %squeeze3A_890, %squeeze3A_892 : f32
    %max3A_907 = arith.maximumf %squeeze3A_894, %squeeze3A_896 : f32
    %max3A_908 = arith.maximumf %squeeze3A_898, %squeeze3A_900 : f32
    %max3A_909 = arith.maximumf %max3A_901, %max3A_902 : f32
    %max3A_910 = arith.maximumf %max3A_903, %max3A_904 : f32
    %max3A_911 = arith.maximumf %max3A_905, %max3A_906 : f32
    %max3A_912 = arith.maximumf %max3A_907, %max3A_908 : f32
    %max3A_913 = arith.maximumf %max3A_909, %max3A_910 : f32
    %max3A_914 = arith.maximumf %max3A_911, %max3A_912 : f32
    %max3A_915 = arith.maximumf %max3A_913, %max3A_914 : f32
    %add3A_916 = vector.broadcast %max3A_915 : f32 to vector<16xf32>
    %add3A_917 = arith.addf %broadcast_in_dim3A_36, %add3A_916 : vector<16xf32>
    %broadcast_in_dim3A_918 = arith.constant 128 : i32
    %broadcast_in_dim3A_919 = vector.broadcast %broadcast_in_dim3A_918 : i32 to vector<16xi32>
    %eq3A_920 = arith.cmpf oeq, %select_n3A_853, %add3A_917 : vector<16xf32>
    %jit3A_921 = arith.constant 128 : i32
    %broadcast_in_dim3A_922 = vector.broadcast %jit3A_921 : i32 to vector<16xi32>
    %select_n3A_923 = arith.select %eq3A_920, %add3A_25, %broadcast_in_dim3A_922 : vector<16xi1>, vector<16xi32>
    %min3A_924 = arith.minsi %broadcast_in_dim3A_919, %select_n3A_923 : vector<16xi32>
    %eq3A_925 = arith.cmpf oeq, %select_n3A_857, %add3A_917 : vector<16xf32>
    %jit3A_926 = arith.constant 128 : i32
    %broadcast_in_dim3A_927 = vector.broadcast %jit3A_926 : i32 to vector<16xi32>
    %select_n3A_928 = arith.select %eq3A_925, %add3A_28, %broadcast_in_dim3A_927 : vector<16xi1>, vector<16xi32>
    %min3A_929 = arith.minsi %min3A_924, %select_n3A_928 : vector<16xi32>
    %eq3A_930 = arith.cmpf oeq, %select_n3A_861, %add3A_917 : vector<16xf32>
    %jit3A_931 = arith.constant 128 : i32
    %broadcast_in_dim3A_932 = vector.broadcast %jit3A_931 : i32 to vector<16xi32>
    %select_n3A_933 = arith.select %eq3A_930, %add3A_31, %broadcast_in_dim3A_932 : vector<16xi1>, vector<16xi32>
    %min3A_934 = arith.minsi %min3A_929, %select_n3A_933 : vector<16xi32>
    %eq3A_935 = arith.cmpf oeq, %select_n3A_865, %add3A_917 : vector<16xf32>
    %jit3A_936 = arith.constant 128 : i32
    %broadcast_in_dim3A_937 = vector.broadcast %jit3A_936 : i32 to vector<16xi32>
    %select_n3A_938 = arith.select %eq3A_935, %add3A_34, %broadcast_in_dim3A_937 : vector<16xi1>, vector<16xi32>
    %min3A_939 = arith.minsi %min3A_934, %select_n3A_938 : vector<16xi32>
    %slice3A_940 = vector.extract_strided_slice %min3A_939 {offsets = [0], sizes = [1], strides = [1]} : vector<16xi32> to vector<1xi32>
    %squeeze3A_941 = vector.extract %slice3A_940[0] : i32 from vector<1xi32>
    %slice3A_942 = vector.extract_strided_slice %min3A_939 {offsets = [1], sizes = [1], strides = [1]} : vector<16xi32> to vector<1xi32>
    %squeeze3A_943 = vector.extract %slice3A_942[0] : i32 from vector<1xi32>
    %slice3A_944 = vector.extract_strided_slice %min3A_939 {offsets = [2], sizes = [1], strides = [1]} : vector<16xi32> to vector<1xi32>
    %squeeze3A_945 = vector.extract %slice3A_944[0] : i32 from vector<1xi32>
    %slice3A_946 = vector.extract_strided_slice %min3A_939 {offsets = [3], sizes = [1], strides = [1]} : vector<16xi32> to vector<1xi32>
    %squeeze3A_947 = vector.extract %slice3A_946[0] : i32 from vector<1xi32>
    %slice3A_948 = vector.extract_strided_slice %min3A_939 {offsets = [4], sizes = [1], strides = [1]} : vector<16xi32> to vector<1xi32>
    %squeeze3A_949 = vector.extract %slice3A_948[0] : i32 from vector<1xi32>
    %slice3A_950 = vector.extract_strided_slice %min3A_939 {offsets = [5], sizes = [1], strides = [1]} : vector<16xi32> to vector<1xi32>
    %squeeze3A_951 = vector.extract %slice3A_950[0] : i32 from vector<1xi32>
    %slice3A_952 = vector.extract_strided_slice %min3A_939 {offsets = [6], sizes = [1], strides = [1]} : vector<16xi32> to vector<1xi32>
    %squeeze3A_953 = vector.extract %slice3A_952[0] : i32 from vector<1xi32>
    %slice3A_954 = vector.extract_strided_slice %min3A_939 {offsets = [7], sizes = [1], strides = [1]} : vector<16xi32> to vector<1xi32>
    %squeeze3A_955 = vector.extract %slice3A_954[0] : i32 from vector<1xi32>
    %slice3A_956 = vector.extract_strided_slice %min3A_939 {offsets = [8], sizes = [1], strides = [1]} : vector<16xi32> to vector<1xi32>
    %squeeze3A_957 = vector.extract %slice3A_956[0] : i32 from vector<1xi32>
    %slice3A_958 = vector.extract_strided_slice %min3A_939 {offsets = [9], sizes = [1], strides = [1]} : vector<16xi32> to vector<1xi32>
    %squeeze3A_959 = vector.extract %slice3A_958[0] : i32 from vector<1xi32>
    %slice3A_960 = vector.extract_strided_slice %min3A_939 {offsets = [10], sizes = [1], strides = [1]} : vector<16xi32> to vector<1xi32>
    %squeeze3A_961 = vector.extract %slice3A_960[0] : i32 from vector<1xi32>
    %slice3A_962 = vector.extract_strided_slice %min3A_939 {offsets = [11], sizes = [1], strides = [1]} : vector<16xi32> to vector<1xi32>
    %squeeze3A_963 = vector.extract %slice3A_962[0] : i32 from vector<1xi32>
    %slice3A_964 = vector.extract_strided_slice %min3A_939 {offsets = [12], sizes = [1], strides = [1]} : vector<16xi32> to vector<1xi32>
    %squeeze3A_965 = vector.extract %slice3A_964[0] : i32 from vector<1xi32>
    %slice3A_966 = vector.extract_strided_slice %min3A_939 {offsets = [13], sizes = [1], strides = [1]} : vector<16xi32> to vector<1xi32>
    %squeeze3A_967 = vector.extract %slice3A_966[0] : i32 from vector<1xi32>
    %slice3A_968 = vector.extract_strided_slice %min3A_939 {offsets = [14], sizes = [1], strides = [1]} : vector<16xi32> to vector<1xi32>
    %squeeze3A_969 = vector.extract %slice3A_968[0] : i32 from vector<1xi32>
    %slice3A_970 = vector.extract_strided_slice %min3A_939 {offsets = [15], sizes = [1], strides = [1]} : vector<16xi32> to vector<1xi32>
    %squeeze3A_971 = vector.extract %slice3A_970[0] : i32 from vector<1xi32>
    %min3A_972 = arith.minsi %squeeze3A_941, %squeeze3A_943 : i32
    %min3A_973 = arith.minsi %squeeze3A_945, %squeeze3A_947 : i32
    %min3A_974 = arith.minsi %squeeze3A_949, %squeeze3A_951 : i32
    %min3A_975 = arith.minsi %squeeze3A_953, %squeeze3A_955 : i32
    %min3A_976 = arith.minsi %squeeze3A_957, %squeeze3A_959 : i32
    %min3A_977 = arith.minsi %squeeze3A_961, %squeeze3A_963 : i32
    %min3A_978 = arith.minsi %squeeze3A_965, %squeeze3A_967 : i32
    %min3A_979 = arith.minsi %squeeze3A_969, %squeeze3A_971 : i32
    %min3A_980 = arith.minsi %min3A_972, %min3A_973 : i32
    %min3A_981 = arith.minsi %min3A_974, %min3A_975 : i32
    %min3A_982 = arith.minsi %min3A_976, %min3A_977 : i32
    %min3A_983 = arith.minsi %min3A_978, %min3A_979 : i32
    %min3A_984 = arith.minsi %min3A_980, %min3A_981 : i32
    %min3A_985 = arith.minsi %min3A_982, %min3A_983 : i32
    %min3A_986 = arith.minsi %min3A_984, %min3A_985 : i32
    %add3A_987 = vector.broadcast %min3A_986 : i32 to vector<16xi32>
    %add3A_988 = arith.addi %broadcast_in_dim3A_38, %add3A_987 : vector<16xi32>
    %eq3A_989 = arith.cmpi eq, %add3A_25, %add3A_988 : vector<16xi32>
    %jit3A_990 = arith.constant -1.000000e+30 : f32
    %broadcast_in_dim3A_991 = vector.broadcast %jit3A_990 : f32 to vector<16xf32>
    %select_n3A_992 = arith.select %eq3A_989, %broadcast_in_dim3A_991, %select_n3A_853 : vector<16xi1>, vector<16xf32>
    %eq3A_993 = arith.cmpi eq, %add3A_28, %add3A_988 : vector<16xi32>
    %jit3A_994 = arith.constant -1.000000e+30 : f32
    %broadcast_in_dim3A_995 = vector.broadcast %jit3A_994 : f32 to vector<16xf32>
    %select_n3A_996 = arith.select %eq3A_993, %broadcast_in_dim3A_995, %select_n3A_857 : vector<16xi1>, vector<16xf32>
    %eq3A_997 = arith.cmpi eq, %add3A_31, %add3A_988 : vector<16xi32>
    %jit3A_998 = arith.constant -1.000000e+30 : f32
    %broadcast_in_dim3A_999 = vector.broadcast %jit3A_998 : f32 to vector<16xf32>
    %select_n3A_1000 = arith.select %eq3A_997, %broadcast_in_dim3A_999, %select_n3A_861 : vector<16xi1>, vector<16xf32>
    %eq3A_1001 = arith.cmpi eq, %add3A_34, %add3A_988 : vector<16xi32>
    %jit3A_1002 = arith.constant -1.000000e+30 : f32
    %broadcast_in_dim3A_1003 = vector.broadcast %jit3A_1002 : f32 to vector<16xf32>
    %select_n3A_1004 = arith.select %eq3A_1001, %broadcast_in_dim3A_1003, %select_n3A_865 : vector<16xi1>, vector<16xf32>
    %max3A_1005 = arith.maximumf %select_n3A_992, %select_n3A_996 : vector<16xf32>
    %max3A_1006 = arith.maximumf %max3A_1005, %select_n3A_1000 : vector<16xf32>
    %max3A_1007 = arith.maximumf %max3A_1006, %select_n3A_1004 : vector<16xf32>
    %slice3A_1008 = vector.extract_strided_slice %max3A_1007 {offsets = [0], sizes = [1], strides = [1]} : vector<16xf32> to vector<1xf32>
    %squeeze3A_1009 = vector.extract %slice3A_1008[0] : f32 from vector<1xf32>
    %slice3A_1010 = vector.extract_strided_slice %max3A_1007 {offsets = [1], sizes = [1], strides = [1]} : vector<16xf32> to vector<1xf32>
    %squeeze3A_1011 = vector.extract %slice3A_1010[0] : f32 from vector<1xf32>
    %slice3A_1012 = vector.extract_strided_slice %max3A_1007 {offsets = [2], sizes = [1], strides = [1]} : vector<16xf32> to vector<1xf32>
    %squeeze3A_1013 = vector.extract %slice3A_1012[0] : f32 from vector<1xf32>
    %slice3A_1014 = vector.extract_strided_slice %max3A_1007 {offsets = [3], sizes = [1], strides = [1]} : vector<16xf32> to vector<1xf32>
    %squeeze3A_1015 = vector.extract %slice3A_1014[0] : f32 from vector<1xf32>
    %slice3A_1016 = vector.extract_strided_slice %max3A_1007 {offsets = [4], sizes = [1], strides = [1]} : vector<16xf32> to vector<1xf32>
    %squeeze3A_1017 = vector.extract %slice3A_1016[0] : f32 from vector<1xf32>
    %slice3A_1018 = vector.extract_strided_slice %max3A_1007 {offsets = [5], sizes = [1], strides = [1]} : vector<16xf32> to vector<1xf32>
    %squeeze3A_1019 = vector.extract %slice3A_1018[0] : f32 from vector<1xf32>
    %slice3A_1020 = vector.extract_strided_slice %max3A_1007 {offsets = [6], sizes = [1], strides = [1]} : vector<16xf32> to vector<1xf32>
    %squeeze3A_1021 = vector.extract %slice3A_1020[0] : f32 from vector<1xf32>
    %slice3A_1022 = vector.extract_strided_slice %max3A_1007 {offsets = [7], sizes = [1], strides = [1]} : vector<16xf32> to vector<1xf32>
    %squeeze3A_1023 = vector.extract %slice3A_1022[0] : f32 from vector<1xf32>
    %slice3A_1024 = vector.extract_strided_slice %max3A_1007 {offsets = [8], sizes = [1], strides = [1]} : vector<16xf32> to vector<1xf32>
    %squeeze3A_1025 = vector.extract %slice3A_1024[0] : f32 from vector<1xf32>
    %slice3A_1026 = vector.extract_strided_slice %max3A_1007 {offsets = [9], sizes = [1], strides = [1]} : vector<16xf32> to vector<1xf32>
    %squeeze3A_1027 = vector.extract %slice3A_1026[0] : f32 from vector<1xf32>
    %slice3A_1028 = vector.extract_strided_slice %max3A_1007 {offsets = [10], sizes = [1], strides = [1]} : vector<16xf32> to vector<1xf32>
    %squeeze3A_1029 = vector.extract %slice3A_1028[0] : f32 from vector<1xf32>
    %slice3A_1030 = vector.extract_strided_slice %max3A_1007 {offsets = [11], sizes = [1], strides = [1]} : vector<16xf32> to vector<1xf32>
    %squeeze3A_1031 = vector.extract %slice3A_1030[0] : f32 from vector<1xf32>
    %slice3A_1032 = vector.extract_strided_slice %max3A_1007 {offsets = [12], sizes = [1], strides = [1]} : vector<16xf32> to vector<1xf32>
    %squeeze3A_1033 = vector.extract %slice3A_1032[0] : f32 from vector<1xf32>
    %slice3A_1034 = vector.extract_strided_slice %max3A_1007 {offsets = [13], sizes = [1], strides = [1]} : vector<16xf32> to vector<1xf32>
    %squeeze3A_1035 = vector.extract %slice3A_1034[0] : f32 from vector<1xf32>
    %slice3A_1036 = vector.extract_strided_slice %max3A_1007 {offsets = [14], sizes = [1], strides = [1]} : vector<16xf32> to vector<1xf32>
    %squeeze3A_1037 = vector.extract %slice3A_1036[0] : f32 from vector<1xf32>
    %slice3A_1038 = vector.extract_strided_slice %max3A_1007 {offsets = [15], sizes = [1], strides = [1]} : vector<16xf32> to vector<1xf32>
    %squeeze3A_1039 = vector.extract %slice3A_1038[0] : f32 from vector<1xf32>
    %max3A_1040 = arith.maximumf %squeeze3A_1009, %squeeze3A_1011 : f32
    %max3A_1041 = arith.maximumf %squeeze3A_1013, %squeeze3A_1015 : f32
    %max3A_1042 = arith.maximumf %squeeze3A_1017, %squeeze3A_1019 : f32
    %max3A_1043 = arith.maximumf %squeeze3A_1021, %squeeze3A_1023 : f32
    %max3A_1044 = arith.maximumf %squeeze3A_1025, %squeeze3A_1027 : f32
    %max3A_1045 = arith.maximumf %squeeze3A_1029, %squeeze3A_1031 : f32
    %max3A_1046 = arith.maximumf %squeeze3A_1033, %squeeze3A_1035 : f32
    %max3A_1047 = arith.maximumf %squeeze3A_1037, %squeeze3A_1039 : f32
    %max3A_1048 = arith.maximumf %max3A_1040, %max3A_1041 : f32
    %max3A_1049 = arith.maximumf %max3A_1042, %max3A_1043 : f32
    %max3A_1050 = arith.maximumf %max3A_1044, %max3A_1045 : f32
    %max3A_1051 = arith.maximumf %max3A_1046, %max3A_1047 : f32
    %max3A_1052 = arith.maximumf %max3A_1048, %max3A_1049 : f32
    %max3A_1053 = arith.maximumf %max3A_1050, %max3A_1051 : f32
    %max3A_1054 = arith.maximumf %max3A_1052, %max3A_1053 : f32
    %add3A_1055 = vector.broadcast %max3A_1054 : f32 to vector<16xf32>
    %add3A_1056 = arith.addf %broadcast_in_dim3A_36, %add3A_1055 : vector<16xf32>
    %broadcast_in_dim3A_1057 = arith.constant 128 : i32
    %broadcast_in_dim3A_1058 = vector.broadcast %broadcast_in_dim3A_1057 : i32 to vector<16xi32>
    %eq3A_1059 = arith.cmpf oeq, %select_n3A_992, %add3A_1056 : vector<16xf32>
    %jit3A_1060 = arith.constant 128 : i32
    %broadcast_in_dim3A_1061 = vector.broadcast %jit3A_1060 : i32 to vector<16xi32>
    %select_n3A_1062 = arith.select %eq3A_1059, %add3A_25, %broadcast_in_dim3A_1061 : vector<16xi1>, vector<16xi32>
    %min3A_1063 = arith.minsi %broadcast_in_dim3A_1058, %select_n3A_1062 : vector<16xi32>
    %eq3A_1064 = arith.cmpf oeq, %select_n3A_996, %add3A_1056 : vector<16xf32>
    %jit3A_1065 = arith.constant 128 : i32
    %broadcast_in_dim3A_1066 = vector.broadcast %jit3A_1065 : i32 to vector<16xi32>
    %select_n3A_1067 = arith.select %eq3A_1064, %add3A_28, %broadcast_in_dim3A_1066 : vector<16xi1>, vector<16xi32>
    %min3A_1068 = arith.minsi %min3A_1063, %select_n3A_1067 : vector<16xi32>
    %eq3A_1069 = arith.cmpf oeq, %select_n3A_1000, %add3A_1056 : vector<16xf32>
    %jit3A_1070 = arith.constant 128 : i32
    %broadcast_in_dim3A_1071 = vector.broadcast %jit3A_1070 : i32 to vector<16xi32>
    %select_n3A_1072 = arith.select %eq3A_1069, %add3A_31, %broadcast_in_dim3A_1071 : vector<16xi1>, vector<16xi32>
    %min3A_1073 = arith.minsi %min3A_1068, %select_n3A_1072 : vector<16xi32>
    %eq3A_1074 = arith.cmpf oeq, %select_n3A_1004, %add3A_1056 : vector<16xf32>
    %jit3A_1075 = arith.constant 128 : i32
    %broadcast_in_dim3A_1076 = vector.broadcast %jit3A_1075 : i32 to vector<16xi32>
    %select_n3A_1077 = arith.select %eq3A_1074, %add3A_34, %broadcast_in_dim3A_1076 : vector<16xi1>, vector<16xi32>
    %min3A_1078 = arith.minsi %min3A_1073, %select_n3A_1077 : vector<16xi32>
    %slice3A_1079 = vector.extract_strided_slice %min3A_1078 {offsets = [0], sizes = [1], strides = [1]} : vector<16xi32> to vector<1xi32>
    %squeeze3A_1080 = vector.extract %slice3A_1079[0] : i32 from vector<1xi32>
    %slice3A_1081 = vector.extract_strided_slice %min3A_1078 {offsets = [1], sizes = [1], strides = [1]} : vector<16xi32> to vector<1xi32>
    %squeeze3A_1082 = vector.extract %slice3A_1081[0] : i32 from vector<1xi32>
    %slice3A_1083 = vector.extract_strided_slice %min3A_1078 {offsets = [2], sizes = [1], strides = [1]} : vector<16xi32> to vector<1xi32>
    %squeeze3A_1084 = vector.extract %slice3A_1083[0] : i32 from vector<1xi32>
    %slice3A_1085 = vector.extract_strided_slice %min3A_1078 {offsets = [3], sizes = [1], strides = [1]} : vector<16xi32> to vector<1xi32>
    %squeeze3A_1086 = vector.extract %slice3A_1085[0] : i32 from vector<1xi32>
    %slice3A_1087 = vector.extract_strided_slice %min3A_1078 {offsets = [4], sizes = [1], strides = [1]} : vector<16xi32> to vector<1xi32>
    %squeeze3A_1088 = vector.extract %slice3A_1087[0] : i32 from vector<1xi32>
    %slice3A_1089 = vector.extract_strided_slice %min3A_1078 {offsets = [5], sizes = [1], strides = [1]} : vector<16xi32> to vector<1xi32>
    %squeeze3A_1090 = vector.extract %slice3A_1089[0] : i32 from vector<1xi32>
    %slice3A_1091 = vector.extract_strided_slice %min3A_1078 {offsets = [6], sizes = [1], strides = [1]} : vector<16xi32> to vector<1xi32>
    %squeeze3A_1092 = vector.extract %slice3A_1091[0] : i32 from vector<1xi32>
    %slice3A_1093 = vector.extract_strided_slice %min3A_1078 {offsets = [7], sizes = [1], strides = [1]} : vector<16xi32> to vector<1xi32>
    %squeeze3A_1094 = vector.extract %slice3A_1093[0] : i32 from vector<1xi32>
    %slice3A_1095 = vector.extract_strided_slice %min3A_1078 {offsets = [8], sizes = [1], strides = [1]} : vector<16xi32> to vector<1xi32>
    %squeeze3A_1096 = vector.extract %slice3A_1095[0] : i32 from vector<1xi32>
    %slice3A_1097 = vector.extract_strided_slice %min3A_1078 {offsets = [9], sizes = [1], strides = [1]} : vector<16xi32> to vector<1xi32>
    %squeeze3A_1098 = vector.extract %slice3A_1097[0] : i32 from vector<1xi32>
    %slice3A_1099 = vector.extract_strided_slice %min3A_1078 {offsets = [10], sizes = [1], strides = [1]} : vector<16xi32> to vector<1xi32>
    %squeeze3A_1100 = vector.extract %slice3A_1099[0] : i32 from vector<1xi32>
    %slice3A_1101 = vector.extract_strided_slice %min3A_1078 {offsets = [11], sizes = [1], strides = [1]} : vector<16xi32> to vector<1xi32>
    %squeeze3A_1102 = vector.extract %slice3A_1101[0] : i32 from vector<1xi32>
    %slice3A_1103 = vector.extract_strided_slice %min3A_1078 {offsets = [12], sizes = [1], strides = [1]} : vector<16xi32> to vector<1xi32>
    %squeeze3A_1104 = vector.extract %slice3A_1103[0] : i32 from vector<1xi32>
    %slice3A_1105 = vector.extract_strided_slice %min3A_1078 {offsets = [13], sizes = [1], strides = [1]} : vector<16xi32> to vector<1xi32>
    %squeeze3A_1106 = vector.extract %slice3A_1105[0] : i32 from vector<1xi32>
    %slice3A_1107 = vector.extract_strided_slice %min3A_1078 {offsets = [14], sizes = [1], strides = [1]} : vector<16xi32> to vector<1xi32>
    %squeeze3A_1108 = vector.extract %slice3A_1107[0] : i32 from vector<1xi32>
    %slice3A_1109 = vector.extract_strided_slice %min3A_1078 {offsets = [15], sizes = [1], strides = [1]} : vector<16xi32> to vector<1xi32>
    %squeeze3A_1110 = vector.extract %slice3A_1109[0] : i32 from vector<1xi32>
    %min3A_1111 = arith.minsi %squeeze3A_1080, %squeeze3A_1082 : i32
    %min3A_1112 = arith.minsi %squeeze3A_1084, %squeeze3A_1086 : i32
    %min3A_1113 = arith.minsi %squeeze3A_1088, %squeeze3A_1090 : i32
    %min3A_1114 = arith.minsi %squeeze3A_1092, %squeeze3A_1094 : i32
    %min3A_1115 = arith.minsi %squeeze3A_1096, %squeeze3A_1098 : i32
    %min3A_1116 = arith.minsi %squeeze3A_1100, %squeeze3A_1102 : i32
    %min3A_1117 = arith.minsi %squeeze3A_1104, %squeeze3A_1106 : i32
    %min3A_1118 = arith.minsi %squeeze3A_1108, %squeeze3A_1110 : i32
    %min3A_1119 = arith.minsi %min3A_1111, %min3A_1112 : i32
    %min3A_1120 = arith.minsi %min3A_1113, %min3A_1114 : i32
    %min3A_1121 = arith.minsi %min3A_1115, %min3A_1116 : i32
    %min3A_1122 = arith.minsi %min3A_1117, %min3A_1118 : i32
    %min3A_1123 = arith.minsi %min3A_1119, %min3A_1120 : i32
    %min3A_1124 = arith.minsi %min3A_1121, %min3A_1122 : i32
    %min3A_1125 = arith.minsi %min3A_1123, %min3A_1124 : i32
    %add3A_1126 = vector.broadcast %min3A_1125 : i32 to vector<16xi32>
    %add3A_1127 = arith.addi %broadcast_in_dim3A_38, %add3A_1126 : vector<16xi32>
    %eq3A_1128 = arith.cmpi eq, %add3A_25, %add3A_1127 : vector<16xi32>
    %jit3A_1129 = arith.constant -1.000000e+30 : f32
    %broadcast_in_dim3A_1130 = vector.broadcast %jit3A_1129 : f32 to vector<16xf32>
    %select_n3A_1131 = arith.select %eq3A_1128, %broadcast_in_dim3A_1130, %select_n3A_992 : vector<16xi1>, vector<16xf32>
    %eq3A_1132 = arith.cmpi eq, %add3A_28, %add3A_1127 : vector<16xi32>
    %jit3A_1133 = arith.constant -1.000000e+30 : f32
    %broadcast_in_dim3A_1134 = vector.broadcast %jit3A_1133 : f32 to vector<16xf32>
    %select_n3A_1135 = arith.select %eq3A_1132, %broadcast_in_dim3A_1134, %select_n3A_996 : vector<16xi1>, vector<16xf32>
    %eq3A_1136 = arith.cmpi eq, %add3A_31, %add3A_1127 : vector<16xi32>
    %jit3A_1137 = arith.constant -1.000000e+30 : f32
    %broadcast_in_dim3A_1138 = vector.broadcast %jit3A_1137 : f32 to vector<16xf32>
    %select_n3A_1139 = arith.select %eq3A_1136, %broadcast_in_dim3A_1138, %select_n3A_1000 : vector<16xi1>, vector<16xf32>
    %eq3A_1140 = arith.cmpi eq, %add3A_34, %add3A_1127 : vector<16xi32>
    %jit3A_1141 = arith.constant -1.000000e+30 : f32
    %broadcast_in_dim3A_1142 = vector.broadcast %jit3A_1141 : f32 to vector<16xf32>
    %select_n3A_1143 = arith.select %eq3A_1140, %broadcast_in_dim3A_1142, %select_n3A_1004 : vector<16xi1>, vector<16xf32>
    %add3A_1144 = arith.addf %max3A_85, %max3A_220 : f32
    %add3A_1145 = arith.addf %add3A_1144, %max3A_359 : f32
    %add3A_1146 = arith.addf %add3A_1145, %max3A_498 : f32
    %add3A_1147 = arith.addf %add3A_1146, %max3A_637 : f32
    %add3A_1148 = arith.addf %add3A_1147, %max3A_776 : f32
    %add3A_1149 = arith.addf %add3A_1148, %max3A_915 : f32
    %add3A_1150 = arith.addf %add3A_1149, %max3A_1054 : f32
    %add3A_1151 = vector.broadcast %add3A_1150 : f32 to vector<16xf32>
    %add3A_1152 = arith.addf %broadcast_in_dim3A_36, %add3A_1151 : vector<16xf32>
    %add3A_1153 = vector.broadcast %max3A_85 : f32 to vector<16xf32>
    %add3A_1154 = arith.addf %broadcast_in_dim3A_36, %add3A_1153 : vector<16xf32>
    %div3A = arith.divf %add3A_1154, %add3A_1152 : vector<16xf32>
    %add3A_1155 = vector.broadcast %max3A_220 : f32 to vector<16xf32>
    %add3A_1156 = arith.addf %broadcast_in_dim3A_36, %add3A_1155 : vector<16xf32>
    %div3A_1157 = arith.divf %add3A_1156, %add3A_1152 : vector<16xf32>
    %add3A_1158 = vector.broadcast %max3A_359 : f32 to vector<16xf32>
    %add3A_1159 = arith.addf %broadcast_in_dim3A_36, %add3A_1158 : vector<16xf32>
    %div3A_1160 = arith.divf %add3A_1159, %add3A_1152 : vector<16xf32>
    %add3A_1161 = vector.broadcast %max3A_498 : f32 to vector<16xf32>
    %add3A_1162 = arith.addf %broadcast_in_dim3A_36, %add3A_1161 : vector<16xf32>
    %div3A_1163 = arith.divf %add3A_1162, %add3A_1152 : vector<16xf32>
    %add3A_1164 = vector.broadcast %max3A_637 : f32 to vector<16xf32>
    %add3A_1165 = arith.addf %broadcast_in_dim3A_36, %add3A_1164 : vector<16xf32>
    %div3A_1166 = arith.divf %add3A_1165, %add3A_1152 : vector<16xf32>
    %add3A_1167 = vector.broadcast %max3A_776 : f32 to vector<16xf32>
    %add3A_1168 = arith.addf %broadcast_in_dim3A_36, %add3A_1167 : vector<16xf32>
    %div3A_1169 = arith.divf %add3A_1168, %add3A_1152 : vector<16xf32>
    %add3A_1170 = vector.broadcast %max3A_915 : f32 to vector<16xf32>
    %add3A_1171 = arith.addf %broadcast_in_dim3A_36, %add3A_1170 : vector<16xf32>
    %div3A_1172 = arith.divf %add3A_1171, %add3A_1152 : vector<16xf32>
    %add3A_1173 = vector.broadcast %max3A_1054 : f32 to vector<16xf32>
    %add3A_1174 = arith.addf %broadcast_in_dim3A_36, %add3A_1173 : vector<16xf32>
    %div3A_1175 = arith.divf %add3A_1174, %add3A_1152 : vector<16xf32>
    %min3A_1176 = arith.minsi %min3A_152, %min3A_291 : i32
    %max3A_1177 = arith.maxsi %min3A_152, %min3A_291 : i32
    %min3A_1178 = arith.minsi %min3A_430, %min3A_569 : i32
    %max3A_1179 = arith.maxsi %min3A_430, %min3A_569 : i32
    %min3A_1180 = arith.minsi %min3A_708, %min3A_847 : i32
    %max3A_1181 = arith.maxsi %min3A_708, %min3A_847 : i32
    %min3A_1182 = arith.minsi %min3A_986, %min3A_1125 : i32
    %max3A_1183 = arith.maxsi %min3A_986, %min3A_1125 : i32
    %min3A_1184 = arith.minsi %min3A_1176, %min3A_1178 : i32
    %max3A_1185 = arith.maxsi %min3A_1176, %min3A_1178 : i32
    %min3A_1186 = arith.minsi %max3A_1177, %max3A_1179 : i32
    %max3A_1187 = arith.maxsi %max3A_1177, %max3A_1179 : i32
    %min3A_1188 = arith.minsi %min3A_1180, %min3A_1182 : i32
    %max3A_1189 = arith.maxsi %min3A_1180, %min3A_1182 : i32
    %min3A_1190 = arith.minsi %max3A_1181, %max3A_1183 : i32
    %max3A_1191 = arith.maxsi %max3A_1181, %max3A_1183 : i32
    %min3A_1192 = arith.minsi %min3A_1186, %max3A_1185 : i32
    %max3A_1193 = arith.maxsi %min3A_1186, %max3A_1185 : i32
    %min3A_1194 = arith.minsi %min3A_1190, %max3A_1189 : i32
    %max3A_1195 = arith.maxsi %min3A_1190, %max3A_1189 : i32
    %min3A_1196 = arith.minsi %min3A_1184, %min3A_1188 : i32
    %max3A_1197 = arith.maxsi %min3A_1184, %min3A_1188 : i32
    %min3A_1198 = arith.minsi %max3A_1187, %max3A_1191 : i32
    %max3A_1199 = arith.maxsi %max3A_1187, %max3A_1191 : i32
    %min3A_1200 = arith.minsi %min3A_1192, %min3A_1194 : i32
    %max3A_1201 = arith.maxsi %min3A_1192, %min3A_1194 : i32
    %min3A_1202 = arith.minsi %max3A_1193, %max3A_1195 : i32
    %max3A_1203 = arith.maxsi %max3A_1193, %max3A_1195 : i32
    %min3A_1204 = arith.minsi %min3A_1200, %max3A_1197 : i32
    %max3A_1205 = arith.maxsi %min3A_1200, %max3A_1197 : i32
    %min3A_1206 = arith.minsi %min3A_1198, %max3A_1203 : i32
    %max3A_1207 = arith.maxsi %min3A_1198, %max3A_1203 : i32
    %min3A_1208 = arith.minsi %min3A_1202, %max3A_1205 : i32
    %max3A_1209 = arith.maxsi %min3A_1202, %max3A_1205 : i32
    %min3A_1210 = arith.minsi %min3A_1206, %max3A_1201 : i32
    %max3A_1211 = arith.maxsi %min3A_1206, %max3A_1201 : i32
    %min3A_1212 = arith.minsi %min3A_1210, %max3A_1209 : i32
    %max3A_1213 = arith.maxsi %min3A_1210, %max3A_1209 : i32
    %add3A_1214 = vector.broadcast %min3A_1196 : i32 to vector<16xi32>
    %add3A_1215 = arith.addi %broadcast_in_dim3A_38, %add3A_1214 : vector<16xi32>
    %eq3A_1216 = arith.cmpi eq, %add3A_25, %add3A_1215 : vector<16xi32>
    %select_n3A_1217 = arith.select %eq3A_1216, %div3A, %broadcast_in_dim3A_36 : vector<16xi1>, vector<16xf32>
    %add3A_1218 = vector.broadcast %min3A_1204 : i32 to vector<16xi32>
    %add3A_1219 = arith.addi %broadcast_in_dim3A_38, %add3A_1218 : vector<16xi32>
    %eq3A_1220 = arith.cmpi eq, %add3A_25, %add3A_1219 : vector<16xi32>
    %select_n3A_1221 = arith.select %eq3A_1220, %div3A_1157, %select_n3A_1217 : vector<16xi1>, vector<16xf32>
    %add3A_1222 = vector.broadcast %min3A_1208 : i32 to vector<16xi32>
    %add3A_1223 = arith.addi %broadcast_in_dim3A_38, %add3A_1222 : vector<16xi32>
    %eq3A_1224 = arith.cmpi eq, %add3A_25, %add3A_1223 : vector<16xi32>
    %select_n3A_1225 = arith.select %eq3A_1224, %div3A_1160, %select_n3A_1221 : vector<16xi1>, vector<16xf32>
    %add3A_1226 = vector.broadcast %min3A_1212 : i32 to vector<16xi32>
    %add3A_1227 = arith.addi %broadcast_in_dim3A_38, %add3A_1226 : vector<16xi32>
    %eq3A_1228 = arith.cmpi eq, %add3A_25, %add3A_1227 : vector<16xi32>
    %select_n3A_1229 = arith.select %eq3A_1228, %div3A_1163, %select_n3A_1225 : vector<16xi1>, vector<16xf32>
    %add3A_1230 = vector.broadcast %max3A_1213 : i32 to vector<16xi32>
    %add3A_1231 = arith.addi %broadcast_in_dim3A_38, %add3A_1230 : vector<16xi32>
    %eq3A_1232 = arith.cmpi eq, %add3A_25, %add3A_1231 : vector<16xi32>
    %select_n3A_1233 = arith.select %eq3A_1232, %div3A_1166, %select_n3A_1229 : vector<16xi1>, vector<16xf32>
    %add3A_1234 = vector.broadcast %max3A_1211 : i32 to vector<16xi32>
    %add3A_1235 = arith.addi %broadcast_in_dim3A_38, %add3A_1234 : vector<16xi32>
    %eq3A_1236 = arith.cmpi eq, %add3A_25, %add3A_1235 : vector<16xi32>
    %select_n3A_1237 = arith.select %eq3A_1236, %div3A_1169, %select_n3A_1233 : vector<16xi1>, vector<16xf32>
    %add3A_1238 = vector.broadcast %max3A_1207 : i32 to vector<16xi32>
    %add3A_1239 = arith.addi %broadcast_in_dim3A_38, %add3A_1238 : vector<16xi32>
    %eq3A_1240 = arith.cmpi eq, %add3A_25, %add3A_1239 : vector<16xi32>
    %select_n3A_1241 = arith.select %eq3A_1240, %div3A_1172, %select_n3A_1237 : vector<16xi1>, vector<16xf32>
    %add3A_1242 = vector.broadcast %max3A_1199 : i32 to vector<16xi32>
    %add3A_1243 = arith.addi %broadcast_in_dim3A_38, %add3A_1242 : vector<16xi32>
    %eq3A_1244 = arith.cmpi eq, %add3A_25, %add3A_1243 : vector<16xi32>
    %select_n3A_1245 = arith.select %eq3A_1244, %div3A_1175, %select_n3A_1241 : vector<16xi1>, vector<16xf32>
    %swap3A = arith.constant 0 : i32
    %swap3A_1246 = arith.index_cast %swap3A : i32 to index
    %swap3A_1247 = arith.constant 0 : index
    %swap3A_1248 = tpu.vector_load %arg5[%swap3A_1246, %swap3A_1247] {strides = array<i32>} : memref<2x64xf32, #tpu.memory_space<vmem>>, vector<1x16xf32>,
    %swap3A_1249 = vector.shape_cast %swap3A_1248 : vector<1x16xf32> to vector<16xf32>
    %swap3A_1250 = vector.shape_cast %select_n3A_1245 : vector<16xf32> to vector<1x16xf32>
    tpu.vector_store %arg5[%swap3A_1246, %swap3A_1247], %swap3A_1250 {strides = array<i32>} : memref<2x64xf32, #tpu.memory_space<vmem>>, vector<1x16xf32>,
    %add3A_1251 = vector.broadcast %min3A_1196 : i32 to vector<16xi32>
    %add3A_1252 = arith.addi %broadcast_in_dim3A_38, %add3A_1251 : vector<16xi32>
    %eq3A_1253 = arith.cmpi eq, %add3A_28, %add3A_1252 : vector<16xi32>
    %select_n3A_1254 = arith.select %eq3A_1253, %div3A, %broadcast_in_dim3A_36 : vector<16xi1>, vector<16xf32>
    %add3A_1255 = vector.broadcast %min3A_1204 : i32 to vector<16xi32>
    %add3A_1256 = arith.addi %broadcast_in_dim3A_38, %add3A_1255 : vector<16xi32>
    %eq3A_1257 = arith.cmpi eq, %add3A_28, %add3A_1256 : vector<16xi32>
    %select_n3A_1258 = arith.select %eq3A_1257, %div3A_1157, %select_n3A_1254 : vector<16xi1>, vector<16xf32>
    %add3A_1259 = vector.broadcast %min3A_1208 : i32 to vector<16xi32>
    %add3A_1260 = arith.addi %broadcast_in_dim3A_38, %add3A_1259 : vector<16xi32>
    %eq3A_1261 = arith.cmpi eq, %add3A_28, %add3A_1260 : vector<16xi32>
    %select_n3A_1262 = arith.select %eq3A_1261, %div3A_1160, %select_n3A_1258 : vector<16xi1>, vector<16xf32>
    %add3A_1263 = vector.broadcast %min3A_1212 : i32 to vector<16xi32>
    %add3A_1264 = arith.addi %broadcast_in_dim3A_38, %add3A_1263 : vector<16xi32>
    %eq3A_1265 = arith.cmpi eq, %add3A_28, %add3A_1264 : vector<16xi32>
    %select_n3A_1266 = arith.select %eq3A_1265, %div3A_1163, %select_n3A_1262 : vector<16xi1>, vector<16xf32>
    %add3A_1267 = vector.broadcast %max3A_1213 : i32 to vector<16xi32>
    %add3A_1268 = arith.addi %broadcast_in_dim3A_38, %add3A_1267 : vector<16xi32>
    %eq3A_1269 = arith.cmpi eq, %add3A_28, %add3A_1268 : vector<16xi32>
    %select_n3A_1270 = arith.select %eq3A_1269, %div3A_1166, %select_n3A_1266 : vector<16xi1>, vector<16xf32>
    %add3A_1271 = vector.broadcast %max3A_1211 : i32 to vector<16xi32>
    %add3A_1272 = arith.addi %broadcast_in_dim3A_38, %add3A_1271 : vector<16xi32>
    %eq3A_1273 = arith.cmpi eq, %add3A_28, %add3A_1272 : vector<16xi32>
    %select_n3A_1274 = arith.select %eq3A_1273, %div3A_1169, %select_n3A_1270 : vector<16xi1>, vector<16xf32>
    %add3A_1275 = vector.broadcast %max3A_1207 : i32 to vector<16xi32>
    %add3A_1276 = arith.addi %broadcast_in_dim3A_38, %add3A_1275 : vector<16xi32>
    %eq3A_1277 = arith.cmpi eq, %add3A_28, %add3A_1276 : vector<16xi32>
    %select_n3A_1278 = arith.select %eq3A_1277, %div3A_1172, %select_n3A_1274 : vector<16xi1>, vector<16xf32>
    %add3A_1279 = vector.broadcast %max3A_1199 : i32 to vector<16xi32>
    %add3A_1280 = arith.addi %broadcast_in_dim3A_38, %add3A_1279 : vector<16xi32>
    %eq3A_1281 = arith.cmpi eq, %add3A_28, %add3A_1280 : vector<16xi32>
    %select_n3A_1282 = arith.select %eq3A_1281, %div3A_1175, %select_n3A_1278 : vector<16xi1>, vector<16xf32>
    %swap3A_1283 = arith.constant 0 : i32
    %swap3A_1284 = arith.index_cast %swap3A_1283 : i32 to index
    %swap3A_1285 = arith.constant 16 : index
    %swap3A_1286 = tpu.vector_load %arg5[%swap3A_1284, %swap3A_1285] {strides = array<i32>} : memref<2x64xf32, #tpu.memory_space<vmem>>, vector<1x16xf32>,
    %swap3A_1287 = vector.shape_cast %swap3A_1286 : vector<1x16xf32> to vector<16xf32>
    %swap3A_1288 = vector.shape_cast %select_n3A_1282 : vector<16xf32> to vector<1x16xf32>
    tpu.vector_store %arg5[%swap3A_1284, %swap3A_1285], %swap3A_1288 {strides = array<i32>} : memref<2x64xf32, #tpu.memory_space<vmem>>, vector<1x16xf32>,
    %add3A_1289 = vector.broadcast %min3A_1196 : i32 to vector<16xi32>
    %add3A_1290 = arith.addi %broadcast_in_dim3A_38, %add3A_1289 : vector<16xi32>
    %eq3A_1291 = arith.cmpi eq, %add3A_31, %add3A_1290 : vector<16xi32>
    %select_n3A_1292 = arith.select %eq3A_1291, %div3A, %broadcast_in_dim3A_36 : vector<16xi1>, vector<16xf32>
    %add3A_1293 = vector.broadcast %min3A_1204 : i32 to vector<16xi32>
    %add3A_1294 = arith.addi %broadcast_in_dim3A_38, %add3A_1293 : vector<16xi32>
    %eq3A_1295 = arith.cmpi eq, %add3A_31, %add3A_1294 : vector<16xi32>
    %select_n3A_1296 = arith.select %eq3A_1295, %div3A_1157, %select_n3A_1292 : vector<16xi1>, vector<16xf32>
    %add3A_1297 = vector.broadcast %min3A_1208 : i32 to vector<16xi32>
    %add3A_1298 = arith.addi %broadcast_in_dim3A_38, %add3A_1297 : vector<16xi32>
    %eq3A_1299 = arith.cmpi eq, %add3A_31, %add3A_1298 : vector<16xi32>
    %select_n3A_1300 = arith.select %eq3A_1299, %div3A_1160, %select_n3A_1296 : vector<16xi1>, vector<16xf32>
    %add3A_1301 = vector.broadcast %min3A_1212 : i32 to vector<16xi32>
    %add3A_1302 = arith.addi %broadcast_in_dim3A_38, %add3A_1301 : vector<16xi32>
    %eq3A_1303 = arith.cmpi eq, %add3A_31, %add3A_1302 : vector<16xi32>
    %select_n3A_1304 = arith.select %eq3A_1303, %div3A_1163, %select_n3A_1300 : vector<16xi1>, vector<16xf32>
    %add3A_1305 = vector.broadcast %max3A_1213 : i32 to vector<16xi32>
    %add3A_1306 = arith.addi %broadcast_in_dim3A_38, %add3A_1305 : vector<16xi32>
    %eq3A_1307 = arith.cmpi eq, %add3A_31, %add3A_1306 : vector<16xi32>
    %select_n3A_1308 = arith.select %eq3A_1307, %div3A_1166, %select_n3A_1304 : vector<16xi1>, vector<16xf32>
    %add3A_1309 = vector.broadcast %max3A_1211 : i32 to vector<16xi32>
    %add3A_1310 = arith.addi %broadcast_in_dim3A_38, %add3A_1309 : vector<16xi32>
    %eq3A_1311 = arith.cmpi eq, %add3A_31, %add3A_1310 : vector<16xi32>
    %select_n3A_1312 = arith.select %eq3A_1311, %div3A_1169, %select_n3A_1308 : vector<16xi1>, vector<16xf32>
    %add3A_1313 = vector.broadcast %max3A_1207 : i32 to vector<16xi32>
    %add3A_1314 = arith.addi %broadcast_in_dim3A_38, %add3A_1313 : vector<16xi32>
    %eq3A_1315 = arith.cmpi eq, %add3A_31, %add3A_1314 : vector<16xi32>
    %select_n3A_1316 = arith.select %eq3A_1315, %div3A_1172, %select_n3A_1312 : vector<16xi1>, vector<16xf32>
    %add3A_1317 = vector.broadcast %max3A_1199 : i32 to vector<16xi32>
    %add3A_1318 = arith.addi %broadcast_in_dim3A_38, %add3A_1317 : vector<16xi32>
    %eq3A_1319 = arith.cmpi eq, %add3A_31, %add3A_1318 : vector<16xi32>
    %select_n3A_1320 = arith.select %eq3A_1319, %div3A_1175, %select_n3A_1316 : vector<16xi1>, vector<16xf32>
    %swap3A_1321 = arith.constant 0 : i32
    %swap3A_1322 = arith.index_cast %swap3A_1321 : i32 to index
    %swap3A_1323 = arith.constant 32 : index
    %swap3A_1324 = tpu.vector_load %arg5[%swap3A_1322, %swap3A_1323] {strides = array<i32>} : memref<2x64xf32, #tpu.memory_space<vmem>>, vector<1x16xf32>,
    %swap3A_1325 = vector.shape_cast %swap3A_1324 : vector<1x16xf32> to vector<16xf32>
    %swap3A_1326 = vector.shape_cast %select_n3A_1320 : vector<16xf32> to vector<1x16xf32>
    tpu.vector_store %arg5[%swap3A_1322, %swap3A_1323], %swap3A_1326 {strides = array<i32>} : memref<2x64xf32, #tpu.memory_space<vmem>>, vector<1x16xf32>,
    %add3A_1327 = vector.broadcast %min3A_1196 : i32 to vector<16xi32>
    %add3A_1328 = arith.addi %broadcast_in_dim3A_38, %add3A_1327 : vector<16xi32>
    %eq3A_1329 = arith.cmpi eq, %add3A_34, %add3A_1328 : vector<16xi32>
    %select_n3A_1330 = arith.select %eq3A_1329, %div3A, %broadcast_in_dim3A_36 : vector<16xi1>, vector<16xf32>
    %add3A_1331 = vector.broadcast %min3A_1204 : i32 to vector<16xi32>
    %add3A_1332 = arith.addi %broadcast_in_dim3A_38, %add3A_1331 : vector<16xi32>
    %eq3A_1333 = arith.cmpi eq, %add3A_34, %add3A_1332 : vector<16xi32>
    %select_n3A_1334 = arith.select %eq3A_1333, %div3A_1157, %select_n3A_1330 : vector<16xi1>, vector<16xf32>
    %add3A_1335 = vector.broadcast %min3A_1208 : i32 to vector<16xi32>
    %add3A_1336 = arith.addi %broadcast_in_dim3A_38, %add3A_1335 : vector<16xi32>
    %eq3A_1337 = arith.cmpi eq, %add3A_34, %add3A_1336 : vector<16xi32>
    %select_n3A_1338 = arith.select %eq3A_1337, %div3A_1160, %select_n3A_1334 : vector<16xi1>, vector<16xf32>
    %add3A_1339 = vector.broadcast %min3A_1212 : i32 to vector<16xi32>
    %add3A_1340 = arith.addi %broadcast_in_dim3A_38, %add3A_1339 : vector<16xi32>
    %eq3A_1341 = arith.cmpi eq, %add3A_34, %add3A_1340 : vector<16xi32>
    %select_n3A_1342 = arith.select %eq3A_1341, %div3A_1163, %select_n3A_1338 : vector<16xi1>, vector<16xf32>
    %add3A_1343 = vector.broadcast %max3A_1213 : i32 to vector<16xi32>
    %add3A_1344 = arith.addi %broadcast_in_dim3A_38, %add3A_1343 : vector<16xi32>
    %eq3A_1345 = arith.cmpi eq, %add3A_34, %add3A_1344 : vector<16xi32>
    %select_n3A_1346 = arith.select %eq3A_1345, %div3A_1166, %select_n3A_1342 : vector<16xi1>, vector<16xf32>
    %add3A_1347 = vector.broadcast %max3A_1211 : i32 to vector<16xi32>
    %add3A_1348 = arith.addi %broadcast_in_dim3A_38, %add3A_1347 : vector<16xi32>
    %eq3A_1349 = arith.cmpi eq, %add3A_34, %add3A_1348 : vector<16xi32>
    %select_n3A_1350 = arith.select %eq3A_1349, %div3A_1169, %select_n3A_1346 : vector<16xi1>, vector<16xf32>
    %add3A_1351 = vector.broadcast %max3A_1207 : i32 to vector<16xi32>
    %add3A_1352 = arith.addi %broadcast_in_dim3A_38, %add3A_1351 : vector<16xi32>
    %eq3A_1353 = arith.cmpi eq, %add3A_34, %add3A_1352 : vector<16xi32>
    %select_n3A_1354 = arith.select %eq3A_1353, %div3A_1172, %select_n3A_1350 : vector<16xi1>, vector<16xf32>
    %add3A_1355 = vector.broadcast %max3A_1199 : i32 to vector<16xi32>
    %add3A_1356 = arith.addi %broadcast_in_dim3A_38, %add3A_1355 : vector<16xi32>
    %eq3A_1357 = arith.cmpi eq, %add3A_34, %add3A_1356 : vector<16xi32>
    %select_n3A_1358 = arith.select %eq3A_1357, %div3A_1175, %select_n3A_1354 : vector<16xi1>, vector<16xf32>
    %swap3A_1359 = arith.constant 0 : i32
    %swap3A_1360 = arith.index_cast %swap3A_1359 : i32 to index
    %swap3A_1361 = arith.constant 48 : index
    %swap3A_1362 = tpu.vector_load %arg5[%swap3A_1360, %swap3A_1361] {strides = array<i32>} : memref<2x64xf32, #tpu.memory_space<vmem>>, vector<1x16xf32>,
    %swap3A_1363 = vector.shape_cast %swap3A_1362 : vector<1x16xf32> to vector<16xf32>
    %swap3A_1364 = vector.shape_cast %select_n3A_1358 : vector<16xf32> to vector<1x16xf32>
    tpu.vector_store %arg5[%swap3A_1360, %swap3A_1361], %swap3A_1364 {strides = array<i32>} : memref<2x64xf32, #tpu.memory_space<vmem>>, vector<1x16xf32>,
    %get3A_1365 = arith.constant 1 : i32
    %get3A_1366 = arith.index_cast %get3A_1365 : i32 to index
    %get3A_1367 = arith.constant 0 : index
    %get3A_1368 = tpu.vector_load %arg4[%get3A_1366, %get3A_1367] {strides = array<i32>} : memref<2x64xf32, #tpu.memory_space<vmem>>, vector<1x16xf32>,
    %get3A_1369 = vector.shape_cast %get3A_1368 : vector<1x16xf32> to vector<16xf32>
    %get3A_1370 = arith.constant 1 : i32
    %get3A_1371 = arith.index_cast %get3A_1370 : i32 to index
    %get3A_1372 = arith.constant 16 : index
    %get3A_1373 = tpu.vector_load %arg4[%get3A_1371, %get3A_1372] {strides = array<i32>} : memref<2x64xf32, #tpu.memory_space<vmem>>, vector<1x16xf32>,
    %get3A_1374 = vector.shape_cast %get3A_1373 : vector<1x16xf32> to vector<16xf32>
    %get3A_1375 = arith.constant 1 : i32
    %get3A_1376 = arith.index_cast %get3A_1375 : i32 to index
    %get3A_1377 = arith.constant 32 : index
    %get3A_1378 = tpu.vector_load %arg4[%get3A_1376, %get3A_1377] {strides = array<i32>} : memref<2x64xf32, #tpu.memory_space<vmem>>, vector<1x16xf32>,
    %get3A_1379 = vector.shape_cast %get3A_1378 : vector<1x16xf32> to vector<16xf32>
    %get3A_1380 = arith.constant 1 : i32
    %get3A_1381 = arith.index_cast %get3A_1380 : i32 to index
    %get3A_1382 = arith.constant 48 : index
    %get3A_1383 = tpu.vector_load %arg4[%get3A_1381, %get3A_1382] {strides = array<i32>} : memref<2x64xf32, #tpu.memory_space<vmem>>, vector<1x16xf32>,
    %get3A_1384 = vector.shape_cast %get3A_1383 : vector<1x16xf32> to vector<16xf32>
    %add3A_1385 = arith.constant 0 : i32
    %add3A_1386 = vector.broadcast %add3A_1385 : i32 to vector<16xi32>
    %add3A_1387 = arith.addi %iota3A, %add3A_1386 : vector<16xi32>
    %add3A_1388 = arith.constant 16 : i32
    %add3A_1389 = vector.broadcast %add3A_1388 : i32 to vector<16xi32>
    %add3A_1390 = arith.addi %iota3A, %add3A_1389 : vector<16xi32>
    %add3A_1391 = arith.constant 32 : i32
    %add3A_1392 = vector.broadcast %add3A_1391 : i32 to vector<16xi32>
    %add3A_1393 = arith.addi %iota3A, %add3A_1392 : vector<16xi32>
    %add3A_1394 = arith.constant 48 : i32
    %add3A_1395 = vector.broadcast %add3A_1394 : i32 to vector<16xi32>
    %add3A_1396 = arith.addi %iota3A, %add3A_1395 : vector<16xi32>
    %broadcast_in_dim3A_1397 = arith.constant 0.000000e+00 : f32
    %broadcast_in_dim3A_1398 = vector.broadcast %broadcast_in_dim3A_1397 : f32 to vector<16xf32>
    %broadcast_in_dim3A_1399 = arith.constant 0 : i32
    %broadcast_in_dim3A_1400 = vector.broadcast %broadcast_in_dim3A_1399 : i32 to vector<16xi32>
    %max3A_1401 = arith.maximumf %get3A_1369, %get3A_1374 : vector<16xf32>
    %max3A_1402 = arith.maximumf %max3A_1401, %get3A_1379 : vector<16xf32>
    %max3A_1403 = arith.maximumf %max3A_1402, %get3A_1384 : vector<16xf32>
    %slice3A_1404 = vector.extract_strided_slice %max3A_1403 {offsets = [0], sizes = [1], strides = [1]} : vector<16xf32> to vector<1xf32>
    %squeeze3A_1405 = vector.extract %slice3A_1404[0] : f32 from vector<1xf32>
    %slice3A_1406 = vector.extract_strided_slice %max3A_1403 {offsets = [1], sizes = [1], strides = [1]} : vector<16xf32> to vector<1xf32>
    %squeeze3A_1407 = vector.extract %slice3A_1406[0] : f32 from vector<1xf32>
    %slice3A_1408 = vector.extract_strided_slice %max3A_1403 {offsets = [2], sizes = [1], strides = [1]} : vector<16xf32> to vector<1xf32>
    %squeeze3A_1409 = vector.extract %slice3A_1408[0] : f32 from vector<1xf32>
    %slice3A_1410 = vector.extract_strided_slice %max3A_1403 {offsets = [3], sizes = [1], strides = [1]} : vector<16xf32> to vector<1xf32>
    %squeeze3A_1411 = vector.extract %slice3A_1410[0] : f32 from vector<1xf32>
    %slice3A_1412 = vector.extract_strided_slice %max3A_1403 {offsets = [4], sizes = [1], strides = [1]} : vector<16xf32> to vector<1xf32>
    %squeeze3A_1413 = vector.extract %slice3A_1412[0] : f32 from vector<1xf32>
    %slice3A_1414 = vector.extract_strided_slice %max3A_1403 {offsets = [5], sizes = [1], strides = [1]} : vector<16xf32> to vector<1xf32>
    %squeeze3A_1415 = vector.extract %slice3A_1414[0] : f32 from vector<1xf32>
    %slice3A_1416 = vector.extract_strided_slice %max3A_1403 {offsets = [6], sizes = [1], strides = [1]} : vector<16xf32> to vector<1xf32>
    %squeeze3A_1417 = vector.extract %slice3A_1416[0] : f32 from vector<1xf32>
    %slice3A_1418 = vector.extract_strided_slice %max3A_1403 {offsets = [7], sizes = [1], strides = [1]} : vector<16xf32> to vector<1xf32>
    %squeeze3A_1419 = vector.extract %slice3A_1418[0] : f32 from vector<1xf32>
    %slice3A_1420 = vector.extract_strided_slice %max3A_1403 {offsets = [8], sizes = [1], strides = [1]} : vector<16xf32> to vector<1xf32>
    %squeeze3A_1421 = vector.extract %slice3A_1420[0] : f32 from vector<1xf32>
    %slice3A_1422 = vector.extract_strided_slice %max3A_1403 {offsets = [9], sizes = [1], strides = [1]} : vector<16xf32> to vector<1xf32>
    %squeeze3A_1423 = vector.extract %slice3A_1422[0] : f32 from vector<1xf32>
    %slice3A_1424 = vector.extract_strided_slice %max3A_1403 {offsets = [10], sizes = [1], strides = [1]} : vector<16xf32> to vector<1xf32>
    %squeeze3A_1425 = vector.extract %slice3A_1424[0] : f32 from vector<1xf32>
    %slice3A_1426 = vector.extract_strided_slice %max3A_1403 {offsets = [11], sizes = [1], strides = [1]} : vector<16xf32> to vector<1xf32>
    %squeeze3A_1427 = vector.extract %slice3A_1426[0] : f32 from vector<1xf32>
    %slice3A_1428 = vector.extract_strided_slice %max3A_1403 {offsets = [12], sizes = [1], strides = [1]} : vector<16xf32> to vector<1xf32>
    %squeeze3A_1429 = vector.extract %slice3A_1428[0] : f32 from vector<1xf32>
    %slice3A_1430 = vector.extract_strided_slice %max3A_1403 {offsets = [13], sizes = [1], strides = [1]} : vector<16xf32> to vector<1xf32>
    %squeeze3A_1431 = vector.extract %slice3A_1430[0] : f32 from vector<1xf32>
    %slice3A_1432 = vector.extract_strided_slice %max3A_1403 {offsets = [14], sizes = [1], strides = [1]} : vector<16xf32> to vector<1xf32>
    %squeeze3A_1433 = vector.extract %slice3A_1432[0] : f32 from vector<1xf32>
    %slice3A_1434 = vector.extract_strided_slice %max3A_1403 {offsets = [15], sizes = [1], strides = [1]} : vector<16xf32> to vector<1xf32>
    %squeeze3A_1435 = vector.extract %slice3A_1434[0] : f32 from vector<1xf32>
    %max3A_1436 = arith.maximumf %squeeze3A_1405, %squeeze3A_1407 : f32
    %max3A_1437 = arith.maximumf %squeeze3A_1409, %squeeze3A_1411 : f32
    %max3A_1438 = arith.maximumf %squeeze3A_1413, %squeeze3A_1415 : f32
    %max3A_1439 = arith.maximumf %squeeze3A_1417, %squeeze3A_1419 : f32
    %max3A_1440 = arith.maximumf %squeeze3A_1421, %squeeze3A_1423 : f32
    %max3A_1441 = arith.maximumf %squeeze3A_1425, %squeeze3A_1427 : f32
    %max3A_1442 = arith.maximumf %squeeze3A_1429, %squeeze3A_1431 : f32
    %max3A_1443 = arith.maximumf %squeeze3A_1433, %squeeze3A_1435 : f32
    %max3A_1444 = arith.maximumf %max3A_1436, %max3A_1437 : f32
    %max3A_1445 = arith.maximumf %max3A_1438, %max3A_1439 : f32
    %max3A_1446 = arith.maximumf %max3A_1440, %max3A_1441 : f32
    %max3A_1447 = arith.maximumf %max3A_1442, %max3A_1443 : f32
    %max3A_1448 = arith.maximumf %max3A_1444, %max3A_1445 : f32
    %max3A_1449 = arith.maximumf %max3A_1446, %max3A_1447 : f32
    %max3A_1450 = arith.maximumf %max3A_1448, %max3A_1449 : f32
    %add3A_1451 = vector.broadcast %max3A_1450 : f32 to vector<16xf32>
    %add3A_1452 = arith.addf %broadcast_in_dim3A_1398, %add3A_1451 : vector<16xf32>
    %broadcast_in_dim3A_1453 = arith.constant 128 : i32
    %broadcast_in_dim3A_1454 = vector.broadcast %broadcast_in_dim3A_1453 : i32 to vector<16xi32>
    %eq3A_1455 = arith.cmpf oeq, %get3A_1369, %add3A_1452 : vector<16xf32>
    %jit3A_1456 = arith.constant 128 : i32
    %broadcast_in_dim3A_1457 = vector.broadcast %jit3A_1456 : i32 to vector<16xi32>
    %select_n3A_1458 = arith.select %eq3A_1455, %add3A_1387, %broadcast_in_dim3A_1457 : vector<16xi1>, vector<16xi32>
    %min3A_1459 = arith.minsi %broadcast_in_dim3A_1454, %select_n3A_1458 : vector<16xi32>
    %eq3A_1460 = arith.cmpf oeq, %get3A_1374, %add3A_1452 : vector<16xf32>
    %jit3A_1461 = arith.constant 128 : i32
    %broadcast_in_dim3A_1462 = vector.broadcast %jit3A_1461 : i32 to vector<16xi32>
    %select_n3A_1463 = arith.select %eq3A_1460, %add3A_1390, %broadcast_in_dim3A_1462 : vector<16xi1>, vector<16xi32>
    %min3A_1464 = arith.minsi %min3A_1459, %select_n3A_1463 : vector<16xi32>
    %eq3A_1465 = arith.cmpf oeq, %get3A_1379, %add3A_1452 : vector<16xf32>
    %jit3A_1466 = arith.constant 128 : i32
    %broadcast_in_dim3A_1467 = vector.broadcast %jit3A_1466 : i32 to vector<16xi32>
    %select_n3A_1468 = arith.select %eq3A_1465, %add3A_1393, %broadcast_in_dim3A_1467 : vector<16xi1>, vector<16xi32>
    %min3A_1469 = arith.minsi %min3A_1464, %select_n3A_1468 : vector<16xi32>
    %eq3A_1470 = arith.cmpf oeq, %get3A_1384, %add3A_1452 : vector<16xf32>
    %jit3A_1471 = arith.constant 128 : i32
    %broadcast_in_dim3A_1472 = vector.broadcast %jit3A_1471 : i32 to vector<16xi32>
    %select_n3A_1473 = arith.select %eq3A_1470, %add3A_1396, %broadcast_in_dim3A_1472 : vector<16xi1>, vector<16xi32>
    %min3A_1474 = arith.minsi %min3A_1469, %select_n3A_1473 : vector<16xi32>
    %slice3A_1475 = vector.extract_strided_slice %min3A_1474 {offsets = [0], sizes = [1], strides = [1]} : vector<16xi32> to vector<1xi32>
    %squeeze3A_1476 = vector.extract %slice3A_1475[0] : i32 from vector<1xi32>
    %slice3A_1477 = vector.extract_strided_slice %min3A_1474 {offsets = [1], sizes = [1], strides = [1]} : vector<16xi32> to vector<1xi32>
    %squeeze3A_1478 = vector.extract %slice3A_1477[0] : i32 from vector<1xi32>
    %slice3A_1479 = vector.extract_strided_slice %min3A_1474 {offsets = [2], sizes = [1], strides = [1]} : vector<16xi32> to vector<1xi32>
    %squeeze3A_1480 = vector.extract %slice3A_1479[0] : i32 from vector<1xi32>
    %slice3A_1481 = vector.extract_strided_slice %min3A_1474 {offsets = [3], sizes = [1], strides = [1]} : vector<16xi32> to vector<1xi32>
    %squeeze3A_1482 = vector.extract %slice3A_1481[0] : i32 from vector<1xi32>
    %slice3A_1483 = vector.extract_strided_slice %min3A_1474 {offsets = [4], sizes = [1], strides = [1]} : vector<16xi32> to vector<1xi32>
    %squeeze3A_1484 = vector.extract %slice3A_1483[0] : i32 from vector<1xi32>
    %slice3A_1485 = vector.extract_strided_slice %min3A_1474 {offsets = [5], sizes = [1], strides = [1]} : vector<16xi32> to vector<1xi32>
    %squeeze3A_1486 = vector.extract %slice3A_1485[0] : i32 from vector<1xi32>
    %slice3A_1487 = vector.extract_strided_slice %min3A_1474 {offsets = [6], sizes = [1], strides = [1]} : vector<16xi32> to vector<1xi32>
    %squeeze3A_1488 = vector.extract %slice3A_1487[0] : i32 from vector<1xi32>
    %slice3A_1489 = vector.extract_strided_slice %min3A_1474 {offsets = [7], sizes = [1], strides = [1]} : vector<16xi32> to vector<1xi32>
    %squeeze3A_1490 = vector.extract %slice3A_1489[0] : i32 from vector<1xi32>
    %slice3A_1491 = vector.extract_strided_slice %min3A_1474 {offsets = [8], sizes = [1], strides = [1]} : vector<16xi32> to vector<1xi32>
    %squeeze3A_1492 = vector.extract %slice3A_1491[0] : i32 from vector<1xi32>
    %slice3A_1493 = vector.extract_strided_slice %min3A_1474 {offsets = [9], sizes = [1], strides = [1]} : vector<16xi32> to vector<1xi32>
    %squeeze3A_1494 = vector.extract %slice3A_1493[0] : i32 from vector<1xi32>
    %slice3A_1495 = vector.extract_strided_slice %min3A_1474 {offsets = [10], sizes = [1], strides = [1]} : vector<16xi32> to vector<1xi32>
    %squeeze3A_1496 = vector.extract %slice3A_1495[0] : i32 from vector<1xi32>
    %slice3A_1497 = vector.extract_strided_slice %min3A_1474 {offsets = [11], sizes = [1], strides = [1]} : vector<16xi32> to vector<1xi32>
    %squeeze3A_1498 = vector.extract %slice3A_1497[0] : i32 from vector<1xi32>
    %slice3A_1499 = vector.extract_strided_slice %min3A_1474 {offsets = [12], sizes = [1], strides = [1]} : vector<16xi32> to vector<1xi32>
    %squeeze3A_1500 = vector.extract %slice3A_1499[0] : i32 from vector<1xi32>
    %slice3A_1501 = vector.extract_strided_slice %min3A_1474 {offsets = [13], sizes = [1], strides = [1]} : vector<16xi32> to vector<1xi32>
    %squeeze3A_1502 = vector.extract %slice3A_1501[0] : i32 from vector<1xi32>
    %slice3A_1503 = vector.extract_strided_slice %min3A_1474 {offsets = [14], sizes = [1], strides = [1]} : vector<16xi32> to vector<1xi32>
    %squeeze3A_1504 = vector.extract %slice3A_1503[0] : i32 from vector<1xi32>
    %slice3A_1505 = vector.extract_strided_slice %min3A_1474 {offsets = [15], sizes = [1], strides = [1]} : vector<16xi32> to vector<1xi32>
    %squeeze3A_1506 = vector.extract %slice3A_1505[0] : i32 from vector<1xi32>
    %min3A_1507 = arith.minsi %squeeze3A_1476, %squeeze3A_1478 : i32
    %min3A_1508 = arith.minsi %squeeze3A_1480, %squeeze3A_1482 : i32
    %min3A_1509 = arith.minsi %squeeze3A_1484, %squeeze3A_1486 : i32
    %min3A_1510 = arith.minsi %squeeze3A_1488, %squeeze3A_1490 : i32
    %min3A_1511 = arith.minsi %squeeze3A_1492, %squeeze3A_1494 : i32
    %min3A_1512 = arith.minsi %squeeze3A_1496, %squeeze3A_1498 : i32
    %min3A_1513 = arith.minsi %squeeze3A_1500, %squeeze3A_1502 : i32
    %min3A_1514 = arith.minsi %squeeze3A_1504, %squeeze3A_1506 : i32
    %min3A_1515 = arith.minsi %min3A_1507, %min3A_1508 : i32
    %min3A_1516 = arith.minsi %min3A_1509, %min3A_1510 : i32
    %min3A_1517 = arith.minsi %min3A_1511, %min3A_1512 : i32
    %min3A_1518 = arith.minsi %min3A_1513, %min3A_1514 : i32
    %min3A_1519 = arith.minsi %min3A_1515, %min3A_1516 : i32
    %min3A_1520 = arith.minsi %min3A_1517, %min3A_1518 : i32
    %min3A_1521 = arith.minsi %min3A_1519, %min3A_1520 : i32
    %add3A_1522 = vector.broadcast %min3A_1521 : i32 to vector<16xi32>
    %add3A_1523 = arith.addi %broadcast_in_dim3A_1400, %add3A_1522 : vector<16xi32>
    %eq3A_1524 = arith.cmpi eq, %add3A_1387, %add3A_1523 : vector<16xi32>
    %jit3A_1525 = arith.constant -1.000000e+30 : f32
    %broadcast_in_dim3A_1526 = vector.broadcast %jit3A_1525 : f32 to vector<16xf32>
    %select_n3A_1527 = arith.select %eq3A_1524, %broadcast_in_dim3A_1526, %get3A_1369 : vector<16xi1>, vector<16xf32>
    %eq3A_1528 = arith.cmpi eq, %add3A_1390, %add3A_1523 : vector<16xi32>
    %jit3A_1529 = arith.constant -1.000000e+30 : f32
    %broadcast_in_dim3A_1530 = vector.broadcast %jit3A_1529 : f32 to vector<16xf32>
    %select_n3A_1531 = arith.select %eq3A_1528, %broadcast_in_dim3A_1530, %get3A_1374 : vector<16xi1>, vector<16xf32>
    %eq3A_1532 = arith.cmpi eq, %add3A_1393, %add3A_1523 : vector<16xi32>
    %jit3A_1533 = arith.constant -1.000000e+30 : f32
    %broadcast_in_dim3A_1534 = vector.broadcast %jit3A_1533 : f32 to vector<16xf32>
    %select_n3A_1535 = arith.select %eq3A_1532, %broadcast_in_dim3A_1534, %get3A_1379 : vector<16xi1>, vector<16xf32>
    %eq3A_1536 = arith.cmpi eq, %add3A_1396, %add3A_1523 : vector<16xi32>
    %jit3A_1537 = arith.constant -1.000000e+30 : f32
    %broadcast_in_dim3A_1538 = vector.broadcast %jit3A_1537 : f32 to vector<16xf32>
    %select_n3A_1539 = arith.select %eq3A_1536, %broadcast_in_dim3A_1538, %get3A_1384 : vector<16xi1>, vector<16xf32>
    %max3A_1540 = arith.maximumf %select_n3A_1527, %select_n3A_1531 : vector<16xf32>
    %max3A_1541 = arith.maximumf %max3A_1540, %select_n3A_1535 : vector<16xf32>
    %max3A_1542 = arith.maximumf %max3A_1541, %select_n3A_1539 : vector<16xf32>
    %slice3A_1543 = vector.extract_strided_slice %max3A_1542 {offsets = [0], sizes = [1], strides = [1]} : vector<16xf32> to vector<1xf32>
    %squeeze3A_1544 = vector.extract %slice3A_1543[0] : f32 from vector<1xf32>
    %slice3A_1545 = vector.extract_strided_slice %max3A_1542 {offsets = [1], sizes = [1], strides = [1]} : vector<16xf32> to vector<1xf32>
    %squeeze3A_1546 = vector.extract %slice3A_1545[0] : f32 from vector<1xf32>
    %slice3A_1547 = vector.extract_strided_slice %max3A_1542 {offsets = [2], sizes = [1], strides = [1]} : vector<16xf32> to vector<1xf32>
    %squeeze3A_1548 = vector.extract %slice3A_1547[0] : f32 from vector<1xf32>
    %slice3A_1549 = vector.extract_strided_slice %max3A_1542 {offsets = [3], sizes = [1], strides = [1]} : vector<16xf32> to vector<1xf32>
    %squeeze3A_1550 = vector.extract %slice3A_1549[0] : f32 from vector<1xf32>
    %slice3A_1551 = vector.extract_strided_slice %max3A_1542 {offsets = [4], sizes = [1], strides = [1]} : vector<16xf32> to vector<1xf32>
    %squeeze3A_1552 = vector.extract %slice3A_1551[0] : f32 from vector<1xf32>
    %slice3A_1553 = vector.extract_strided_slice %max3A_1542 {offsets = [5], sizes = [1], strides = [1]} : vector<16xf32> to vector<1xf32>
    %squeeze3A_1554 = vector.extract %slice3A_1553[0] : f32 from vector<1xf32>
    %slice3A_1555 = vector.extract_strided_slice %max3A_1542 {offsets = [6], sizes = [1], strides = [1]} : vector<16xf32> to vector<1xf32>
    %squeeze3A_1556 = vector.extract %slice3A_1555[0] : f32 from vector<1xf32>
    %slice3A_1557 = vector.extract_strided_slice %max3A_1542 {offsets = [7], sizes = [1], strides = [1]} : vector<16xf32> to vector<1xf32>
    %squeeze3A_1558 = vector.extract %slice3A_1557[0] : f32 from vector<1xf32>
    %slice3A_1559 = vector.extract_strided_slice %max3A_1542 {offsets = [8], sizes = [1], strides = [1]} : vector<16xf32> to vector<1xf32>
    %squeeze3A_1560 = vector.extract %slice3A_1559[0] : f32 from vector<1xf32>
    %slice3A_1561 = vector.extract_strided_slice %max3A_1542 {offsets = [9], sizes = [1], strides = [1]} : vector<16xf32> to vector<1xf32>
    %squeeze3A_1562 = vector.extract %slice3A_1561[0] : f32 from vector<1xf32>
    %slice3A_1563 = vector.extract_strided_slice %max3A_1542 {offsets = [10], sizes = [1], strides = [1]} : vector<16xf32> to vector<1xf32>
    %squeeze3A_1564 = vector.extract %slice3A_1563[0] : f32 from vector<1xf32>
    %slice3A_1565 = vector.extract_strided_slice %max3A_1542 {offsets = [11], sizes = [1], strides = [1]} : vector<16xf32> to vector<1xf32>
    %squeeze3A_1566 = vector.extract %slice3A_1565[0] : f32 from vector<1xf32>
    %slice3A_1567 = vector.extract_strided_slice %max3A_1542 {offsets = [12], sizes = [1], strides = [1]} : vector<16xf32> to vector<1xf32>
    %squeeze3A_1568 = vector.extract %slice3A_1567[0] : f32 from vector<1xf32>
    %slice3A_1569 = vector.extract_strided_slice %max3A_1542 {offsets = [13], sizes = [1], strides = [1]} : vector<16xf32> to vector<1xf32>
    %squeeze3A_1570 = vector.extract %slice3A_1569[0] : f32 from vector<1xf32>
    %slice3A_1571 = vector.extract_strided_slice %max3A_1542 {offsets = [14], sizes = [1], strides = [1]} : vector<16xf32> to vector<1xf32>
    %squeeze3A_1572 = vector.extract %slice3A_1571[0] : f32 from vector<1xf32>
    %slice3A_1573 = vector.extract_strided_slice %max3A_1542 {offsets = [15], sizes = [1], strides = [1]} : vector<16xf32> to vector<1xf32>
    %squeeze3A_1574 = vector.extract %slice3A_1573[0] : f32 from vector<1xf32>
    %max3A_1575 = arith.maximumf %squeeze3A_1544, %squeeze3A_1546 : f32
    %max3A_1576 = arith.maximumf %squeeze3A_1548, %squeeze3A_1550 : f32
    %max3A_1577 = arith.maximumf %squeeze3A_1552, %squeeze3A_1554 : f32
    %max3A_1578 = arith.maximumf %squeeze3A_1556, %squeeze3A_1558 : f32
    %max3A_1579 = arith.maximumf %squeeze3A_1560, %squeeze3A_1562 : f32
    %max3A_1580 = arith.maximumf %squeeze3A_1564, %squeeze3A_1566 : f32
    %max3A_1581 = arith.maximumf %squeeze3A_1568, %squeeze3A_1570 : f32
    %max3A_1582 = arith.maximumf %squeeze3A_1572, %squeeze3A_1574 : f32
    %max3A_1583 = arith.maximumf %max3A_1575, %max3A_1576 : f32
    %max3A_1584 = arith.maximumf %max3A_1577, %max3A_1578 : f32
    %max3A_1585 = arith.maximumf %max3A_1579, %max3A_1580 : f32
    %max3A_1586 = arith.maximumf %max3A_1581, %max3A_1582 : f32
    %max3A_1587 = arith.maximumf %max3A_1583, %max3A_1584 : f32
    %max3A_1588 = arith.maximumf %max3A_1585, %max3A_1586 : f32
    %max3A_1589 = arith.maximumf %max3A_1587, %max3A_1588 : f32
    %add3A_1590 = vector.broadcast %max3A_1589 : f32 to vector<16xf32>
    %add3A_1591 = arith.addf %broadcast_in_dim3A_1398, %add3A_1590 : vector<16xf32>
    %broadcast_in_dim3A_1592 = arith.constant 128 : i32
    %broadcast_in_dim3A_1593 = vector.broadcast %broadcast_in_dim3A_1592 : i32 to vector<16xi32>
    %eq3A_1594 = arith.cmpf oeq, %select_n3A_1527, %add3A_1591 : vector<16xf32>
    %jit3A_1595 = arith.constant 128 : i32
    %broadcast_in_dim3A_1596 = vector.broadcast %jit3A_1595 : i32 to vector<16xi32>
    %select_n3A_1597 = arith.select %eq3A_1594, %add3A_1387, %broadcast_in_dim3A_1596 : vector<16xi1>, vector<16xi32>
    %min3A_1598 = arith.minsi %broadcast_in_dim3A_1593, %select_n3A_1597 : vector<16xi32>
    %eq3A_1599 = arith.cmpf oeq, %select_n3A_1531, %add3A_1591 : vector<16xf32>
    %jit3A_1600 = arith.constant 128 : i32
    %broadcast_in_dim3A_1601 = vector.broadcast %jit3A_1600 : i32 to vector<16xi32>
    %select_n3A_1602 = arith.select %eq3A_1599, %add3A_1390, %broadcast_in_dim3A_1601 : vector<16xi1>, vector<16xi32>
    %min3A_1603 = arith.minsi %min3A_1598, %select_n3A_1602 : vector<16xi32>
    %eq3A_1604 = arith.cmpf oeq, %select_n3A_1535, %add3A_1591 : vector<16xf32>
    %jit3A_1605 = arith.constant 128 : i32
    %broadcast_in_dim3A_1606 = vector.broadcast %jit3A_1605 : i32 to vector<16xi32>
    %select_n3A_1607 = arith.select %eq3A_1604, %add3A_1393, %broadcast_in_dim3A_1606 : vector<16xi1>, vector<16xi32>
    %min3A_1608 = arith.minsi %min3A_1603, %select_n3A_1607 : vector<16xi32>
    %eq3A_1609 = arith.cmpf oeq, %select_n3A_1539, %add3A_1591 : vector<16xf32>
    %jit3A_1610 = arith.constant 128 : i32
    %broadcast_in_dim3A_1611 = vector.broadcast %jit3A_1610 : i32 to vector<16xi32>
    %select_n3A_1612 = arith.select %eq3A_1609, %add3A_1396, %broadcast_in_dim3A_1611 : vector<16xi1>, vector<16xi32>
    %min3A_1613 = arith.minsi %min3A_1608, %select_n3A_1612 : vector<16xi32>
    %slice3A_1614 = vector.extract_strided_slice %min3A_1613 {offsets = [0], sizes = [1], strides = [1]} : vector<16xi32> to vector<1xi32>
    %squeeze3A_1615 = vector.extract %slice3A_1614[0] : i32 from vector<1xi32>
    %slice3A_1616 = vector.extract_strided_slice %min3A_1613 {offsets = [1], sizes = [1], strides = [1]} : vector<16xi32> to vector<1xi32>
    %squeeze3A_1617 = vector.extract %slice3A_1616[0] : i32 from vector<1xi32>
    %slice3A_1618 = vector.extract_strided_slice %min3A_1613 {offsets = [2], sizes = [1], strides = [1]} : vector<16xi32> to vector<1xi32>
    %squeeze3A_1619 = vector.extract %slice3A_1618[0] : i32 from vector<1xi32>
    %slice3A_1620 = vector.extract_strided_slice %min3A_1613 {offsets = [3], sizes = [1], strides = [1]} : vector<16xi32> to vector<1xi32>
    %squeeze3A_1621 = vector.extract %slice3A_1620[0] : i32 from vector<1xi32>
    %slice3A_1622 = vector.extract_strided_slice %min3A_1613 {offsets = [4], sizes = [1], strides = [1]} : vector<16xi32> to vector<1xi32>
    %squeeze3A_1623 = vector.extract %slice3A_1622[0] : i32 from vector<1xi32>
    %slice3A_1624 = vector.extract_strided_slice %min3A_1613 {offsets = [5], sizes = [1], strides = [1]} : vector<16xi32> to vector<1xi32>
    %squeeze3A_1625 = vector.extract %slice3A_1624[0] : i32 from vector<1xi32>
    %slice3A_1626 = vector.extract_strided_slice %min3A_1613 {offsets = [6], sizes = [1], strides = [1]} : vector<16xi32> to vector<1xi32>
    %squeeze3A_1627 = vector.extract %slice3A_1626[0] : i32 from vector<1xi32>
    %slice3A_1628 = vector.extract_strided_slice %min3A_1613 {offsets = [7], sizes = [1], strides = [1]} : vector<16xi32> to vector<1xi32>
    %squeeze3A_1629 = vector.extract %slice3A_1628[0] : i32 from vector<1xi32>
    %slice3A_1630 = vector.extract_strided_slice %min3A_1613 {offsets = [8], sizes = [1], strides = [1]} : vector<16xi32> to vector<1xi32>
    %squeeze3A_1631 = vector.extract %slice3A_1630[0] : i32 from vector<1xi32>
    %slice3A_1632 = vector.extract_strided_slice %min3A_1613 {offsets = [9], sizes = [1], strides = [1]} : vector<16xi32> to vector<1xi32>
    %squeeze3A_1633 = vector.extract %slice3A_1632[0] : i32 from vector<1xi32>
    %slice3A_1634 = vector.extract_strided_slice %min3A_1613 {offsets = [10], sizes = [1], strides = [1]} : vector<16xi32> to vector<1xi32>
    %squeeze3A_1635 = vector.extract %slice3A_1634[0] : i32 from vector<1xi32>
    %slice3A_1636 = vector.extract_strided_slice %min3A_1613 {offsets = [11], sizes = [1], strides = [1]} : vector<16xi32> to vector<1xi32>
    %squeeze3A_1637 = vector.extract %slice3A_1636[0] : i32 from vector<1xi32>
    %slice3A_1638 = vector.extract_strided_slice %min3A_1613 {offsets = [12], sizes = [1], strides = [1]} : vector<16xi32> to vector<1xi32>
    %squeeze3A_1639 = vector.extract %slice3A_1638[0] : i32 from vector<1xi32>
    %slice3A_1640 = vector.extract_strided_slice %min3A_1613 {offsets = [13], sizes = [1], strides = [1]} : vector<16xi32> to vector<1xi32>
    %squeeze3A_1641 = vector.extract %slice3A_1640[0] : i32 from vector<1xi32>
    %slice3A_1642 = vector.extract_strided_slice %min3A_1613 {offsets = [14], sizes = [1], strides = [1]} : vector<16xi32> to vector<1xi32>
    %squeeze3A_1643 = vector.extract %slice3A_1642[0] : i32 from vector<1xi32>
    %slice3A_1644 = vector.extract_strided_slice %min3A_1613 {offsets = [15], sizes = [1], strides = [1]} : vector<16xi32> to vector<1xi32>
    %squeeze3A_1645 = vector.extract %slice3A_1644[0] : i32 from vector<1xi32>
    %min3A_1646 = arith.minsi %squeeze3A_1615, %squeeze3A_1617 : i32
    %min3A_1647 = arith.minsi %squeeze3A_1619, %squeeze3A_1621 : i32
    %min3A_1648 = arith.minsi %squeeze3A_1623, %squeeze3A_1625 : i32
    %min3A_1649 = arith.minsi %squeeze3A_1627, %squeeze3A_1629 : i32
    %min3A_1650 = arith.minsi %squeeze3A_1631, %squeeze3A_1633 : i32
    %min3A_1651 = arith.minsi %squeeze3A_1635, %squeeze3A_1637 : i32
    %min3A_1652 = arith.minsi %squeeze3A_1639, %squeeze3A_1641 : i32
    %min3A_1653 = arith.minsi %squeeze3A_1643, %squeeze3A_1645 : i32
    %min3A_1654 = arith.minsi %min3A_1646, %min3A_1647 : i32
    %min3A_1655 = arith.minsi %min3A_1648, %min3A_1649 : i32
    %min3A_1656 = arith.minsi %min3A_1650, %min3A_1651 : i32
    %min3A_1657 = arith.minsi %min3A_1652, %min3A_1653 : i32
    %min3A_1658 = arith.minsi %min3A_1654, %min3A_1655 : i32
    %min3A_1659 = arith.minsi %min3A_1656, %min3A_1657 : i32
    %min3A_1660 = arith.minsi %min3A_1658, %min3A_1659 : i32
    %add3A_1661 = vector.broadcast %min3A_1660 : i32 to vector<16xi32>
    %add3A_1662 = arith.addi %broadcast_in_dim3A_1400, %add3A_1661 : vector<16xi32>
    %eq3A_1663 = arith.cmpi eq, %add3A_1387, %add3A_1662 : vector<16xi32>
    %jit3A_1664 = arith.constant -1.000000e+30 : f32
    %broadcast_in_dim3A_1665 = vector.broadcast %jit3A_1664 : f32 to vector<16xf32>
    %select_n3A_1666 = arith.select %eq3A_1663, %broadcast_in_dim3A_1665, %select_n3A_1527 : vector<16xi1>, vector<16xf32>
    %eq3A_1667 = arith.cmpi eq, %add3A_1390, %add3A_1662 : vector<16xi32>
    %jit3A_1668 = arith.constant -1.000000e+30 : f32
    %broadcast_in_dim3A_1669 = vector.broadcast %jit3A_1668 : f32 to vector<16xf32>
    %select_n3A_1670 = arith.select %eq3A_1667, %broadcast_in_dim3A_1669, %select_n3A_1531 : vector<16xi1>, vector<16xf32>
    %eq3A_1671 = arith.cmpi eq, %add3A_1393, %add3A_1662 : vector<16xi32>
    %jit3A_1672 = arith.constant -1.000000e+30 : f32
    %broadcast_in_dim3A_1673 = vector.broadcast %jit3A_1672 : f32 to vector<16xf32>
    %select_n3A_1674 = arith.select %eq3A_1671, %broadcast_in_dim3A_1673, %select_n3A_1535 : vector<16xi1>, vector<16xf32>
    %eq3A_1675 = arith.cmpi eq, %add3A_1396, %add3A_1662 : vector<16xi32>
    %jit3A_1676 = arith.constant -1.000000e+30 : f32
    %broadcast_in_dim3A_1677 = vector.broadcast %jit3A_1676 : f32 to vector<16xf32>
    %select_n3A_1678 = arith.select %eq3A_1675, %broadcast_in_dim3A_1677, %select_n3A_1539 : vector<16xi1>, vector<16xf32>
    %max3A_1679 = arith.maximumf %select_n3A_1666, %select_n3A_1670 : vector<16xf32>
    %max3A_1680 = arith.maximumf %max3A_1679, %select_n3A_1674 : vector<16xf32>
    %max3A_1681 = arith.maximumf %max3A_1680, %select_n3A_1678 : vector<16xf32>
    %slice3A_1682 = vector.extract_strided_slice %max3A_1681 {offsets = [0], sizes = [1], strides = [1]} : vector<16xf32> to vector<1xf32>
    %squeeze3A_1683 = vector.extract %slice3A_1682[0] : f32 from vector<1xf32>
    %slice3A_1684 = vector.extract_strided_slice %max3A_1681 {offsets = [1], sizes = [1], strides = [1]} : vector<16xf32> to vector<1xf32>
    %squeeze3A_1685 = vector.extract %slice3A_1684[0] : f32 from vector<1xf32>
    %slice3A_1686 = vector.extract_strided_slice %max3A_1681 {offsets = [2], sizes = [1], strides = [1]} : vector<16xf32> to vector<1xf32>
    %squeeze3A_1687 = vector.extract %slice3A_1686[0] : f32 from vector<1xf32>
    %slice3A_1688 = vector.extract_strided_slice %max3A_1681 {offsets = [3], sizes = [1], strides = [1]} : vector<16xf32> to vector<1xf32>
    %squeeze3A_1689 = vector.extract %slice3A_1688[0] : f32 from vector<1xf32>
    %slice3A_1690 = vector.extract_strided_slice %max3A_1681 {offsets = [4], sizes = [1], strides = [1]} : vector<16xf32> to vector<1xf32>
    %squeeze3A_1691 = vector.extract %slice3A_1690[0] : f32 from vector<1xf32>
    %slice3A_1692 = vector.extract_strided_slice %max3A_1681 {offsets = [5], sizes = [1], strides = [1]} : vector<16xf32> to vector<1xf32>
    %squeeze3A_1693 = vector.extract %slice3A_1692[0] : f32 from vector<1xf32>
    %slice3A_1694 = vector.extract_strided_slice %max3A_1681 {offsets = [6], sizes = [1], strides = [1]} : vector<16xf32> to vector<1xf32>
    %squeeze3A_1695 = vector.extract %slice3A_1694[0] : f32 from vector<1xf32>
    %slice3A_1696 = vector.extract_strided_slice %max3A_1681 {offsets = [7], sizes = [1], strides = [1]} : vector<16xf32> to vector<1xf32>
    %squeeze3A_1697 = vector.extract %slice3A_1696[0] : f32 from vector<1xf32>
    %slice3A_1698 = vector.extract_strided_slice %max3A_1681 {offsets = [8], sizes = [1], strides = [1]} : vector<16xf32> to vector<1xf32>
    %squeeze3A_1699 = vector.extract %slice3A_1698[0] : f32 from vector<1xf32>
    %slice3A_1700 = vector.extract_strided_slice %max3A_1681 {offsets = [9], sizes = [1], strides = [1]} : vector<16xf32> to vector<1xf32>
    %squeeze3A_1701 = vector.extract %slice3A_1700[0] : f32 from vector<1xf32>
    %slice3A_1702 = vector.extract_strided_slice %max3A_1681 {offsets = [10], sizes = [1], strides = [1]} : vector<16xf32> to vector<1xf32>
    %squeeze3A_1703 = vector.extract %slice3A_1702[0] : f32 from vector<1xf32>
    %slice3A_1704 = vector.extract_strided_slice %max3A_1681 {offsets = [11], sizes = [1], strides = [1]} : vector<16xf32> to vector<1xf32>
    %squeeze3A_1705 = vector.extract %slice3A_1704[0] : f32 from vector<1xf32>
    %slice3A_1706 = vector.extract_strided_slice %max3A_1681 {offsets = [12], sizes = [1], strides = [1]} : vector<16xf32> to vector<1xf32>
    %squeeze3A_1707 = vector.extract %slice3A_1706[0] : f32 from vector<1xf32>
    %slice3A_1708 = vector.extract_strided_slice %max3A_1681 {offsets = [13], sizes = [1], strides = [1]} : vector<16xf32> to vector<1xf32>
    %squeeze3A_1709 = vector.extract %slice3A_1708[0] : f32 from vector<1xf32>
    %slice3A_1710 = vector.extract_strided_slice %max3A_1681 {offsets = [14], sizes = [1], strides = [1]} : vector<16xf32> to vector<1xf32>
    %squeeze3A_1711 = vector.extract %slice3A_1710[0] : f32 from vector<1xf32>
    %slice3A_1712 = vector.extract_strided_slice %max3A_1681 {offsets = [15], sizes = [1], strides = [1]} : vector<16xf32> to vector<1xf32>
    %squeeze3A_1713 = vector.extract %slice3A_1712[0] : f32 from vector<1xf32>
    %max3A_1714 = arith.maximumf %squeeze3A_1683, %squeeze3A_1685 : f32
    %max3A_1715 = arith.maximumf %squeeze3A_1687, %squeeze3A_1689 : f32
    %max3A_1716 = arith.maximumf %squeeze3A_1691, %squeeze3A_1693 : f32
    %max3A_1717 = arith.maximumf %squeeze3A_1695, %squeeze3A_1697 : f32
    %max3A_1718 = arith.maximumf %squeeze3A_1699, %squeeze3A_1701 : f32
    %max3A_1719 = arith.maximumf %squeeze3A_1703, %squeeze3A_1705 : f32
    %max3A_1720 = arith.maximumf %squeeze3A_1707, %squeeze3A_1709 : f32
    %max3A_1721 = arith.maximumf %squeeze3A_1711, %squeeze3A_1713 : f32
    %max3A_1722 = arith.maximumf %max3A_1714, %max3A_1715 : f32
    %max3A_1723 = arith.maximumf %max3A_1716, %max3A_1717 : f32
    %max3A_1724 = arith.maximumf %max3A_1718, %max3A_1719 : f32
    %max3A_1725 = arith.maximumf %max3A_1720, %max3A_1721 : f32
    %max3A_1726 = arith.maximumf %max3A_1722, %max3A_1723 : f32
    %max3A_1727 = arith.maximumf %max3A_1724, %max3A_1725 : f32
    %max3A_1728 = arith.maximumf %max3A_1726, %max3A_1727 : f32
    %add3A_1729 = vector.broadcast %max3A_1728 : f32 to vector<16xf32>
    %add3A_1730 = arith.addf %broadcast_in_dim3A_1398, %add3A_1729 : vector<16xf32>
    %broadcast_in_dim3A_1731 = arith.constant 128 : i32
    %broadcast_in_dim3A_1732 = vector.broadcast %broadcast_in_dim3A_1731 : i32 to vector<16xi32>
    %eq3A_1733 = arith.cmpf oeq, %select_n3A_1666, %add3A_1730 : vector<16xf32>
    %jit3A_1734 = arith.constant 128 : i32
    %broadcast_in_dim3A_1735 = vector.broadcast %jit3A_1734 : i32 to vector<16xi32>
    %select_n3A_1736 = arith.select %eq3A_1733, %add3A_1387, %broadcast_in_dim3A_1735 : vector<16xi1>, vector<16xi32>
    %min3A_1737 = arith.minsi %broadcast_in_dim3A_1732, %select_n3A_1736 : vector<16xi32>
    %eq3A_1738 = arith.cmpf oeq, %select_n3A_1670, %add3A_1730 : vector<16xf32>
    %jit3A_1739 = arith.constant 128 : i32
    %broadcast_in_dim3A_1740 = vector.broadcast %jit3A_1739 : i32 to vector<16xi32>
    %select_n3A_1741 = arith.select %eq3A_1738, %add3A_1390, %broadcast_in_dim3A_1740 : vector<16xi1>, vector<16xi32>
    %min3A_1742 = arith.minsi %min3A_1737, %select_n3A_1741 : vector<16xi32>
    %eq3A_1743 = arith.cmpf oeq, %select_n3A_1674, %add3A_1730 : vector<16xf32>
    %jit3A_1744 = arith.constant 128 : i32
    %broadcast_in_dim3A_1745 = vector.broadcast %jit3A_1744 : i32 to vector<16xi32>
    %select_n3A_1746 = arith.select %eq3A_1743, %add3A_1393, %broadcast_in_dim3A_1745 : vector<16xi1>, vector<16xi32>
    %min3A_1747 = arith.minsi %min3A_1742, %select_n3A_1746 : vector<16xi32>
    %eq3A_1748 = arith.cmpf oeq, %select_n3A_1678, %add3A_1730 : vector<16xf32>
    %jit3A_1749 = arith.constant 128 : i32
    %broadcast_in_dim3A_1750 = vector.broadcast %jit3A_1749 : i32 to vector<16xi32>
    %select_n3A_1751 = arith.select %eq3A_1748, %add3A_1396, %broadcast_in_dim3A_1750 : vector<16xi1>, vector<16xi32>
    %min3A_1752 = arith.minsi %min3A_1747, %select_n3A_1751 : vector<16xi32>
    %slice3A_1753 = vector.extract_strided_slice %min3A_1752 {offsets = [0], sizes = [1], strides = [1]} : vector<16xi32> to vector<1xi32>
    %squeeze3A_1754 = vector.extract %slice3A_1753[0] : i32 from vector<1xi32>
    %slice3A_1755 = vector.extract_strided_slice %min3A_1752 {offsets = [1], sizes = [1], strides = [1]} : vector<16xi32> to vector<1xi32>
    %squeeze3A_1756 = vector.extract %slice3A_1755[0] : i32 from vector<1xi32>
    %slice3A_1757 = vector.extract_strided_slice %min3A_1752 {offsets = [2], sizes = [1], strides = [1]} : vector<16xi32> to vector<1xi32>
    %squeeze3A_1758 = vector.extract %slice3A_1757[0] : i32 from vector<1xi32>
    %slice3A_1759 = vector.extract_strided_slice %min3A_1752 {offsets = [3], sizes = [1], strides = [1]} : vector<16xi32> to vector<1xi32>
    %squeeze3A_1760 = vector.extract %slice3A_1759[0] : i32 from vector<1xi32>
    %slice3A_1761 = vector.extract_strided_slice %min3A_1752 {offsets = [4], sizes = [1], strides = [1]} : vector<16xi32> to vector<1xi32>
    %squeeze3A_1762 = vector.extract %slice3A_1761[0] : i32 from vector<1xi32>
    %slice3A_1763 = vector.extract_strided_slice %min3A_1752 {offsets = [5], sizes = [1], strides = [1]} : vector<16xi32> to vector<1xi32>
    %squeeze3A_1764 = vector.extract %slice3A_1763[0] : i32 from vector<1xi32>
    %slice3A_1765 = vector.extract_strided_slice %min3A_1752 {offsets = [6], sizes = [1], strides = [1]} : vector<16xi32> to vector<1xi32>
    %squeeze3A_1766 = vector.extract %slice3A_1765[0] : i32 from vector<1xi32>
    %slice3A_1767 = vector.extract_strided_slice %min3A_1752 {offsets = [7], sizes = [1], strides = [1]} : vector<16xi32> to vector<1xi32>
    %squeeze3A_1768 = vector.extract %slice3A_1767[0] : i32 from vector<1xi32>
    %slice3A_1769 = vector.extract_strided_slice %min3A_1752 {offsets = [8], sizes = [1], strides = [1]} : vector<16xi32> to vector<1xi32>
    %squeeze3A_1770 = vector.extract %slice3A_1769[0] : i32 from vector<1xi32>
    %slice3A_1771 = vector.extract_strided_slice %min3A_1752 {offsets = [9], sizes = [1], strides = [1]} : vector<16xi32> to vector<1xi32>
    %squeeze3A_1772 = vector.extract %slice3A_1771[0] : i32 from vector<1xi32>
    %slice3A_1773 = vector.extract_strided_slice %min3A_1752 {offsets = [10], sizes = [1], strides = [1]} : vector<16xi32> to vector<1xi32>
    %squeeze3A_1774 = vector.extract %slice3A_1773[0] : i32 from vector<1xi32>
    %slice3A_1775 = vector.extract_strided_slice %min3A_1752 {offsets = [11], sizes = [1], strides = [1]} : vector<16xi32> to vector<1xi32>
    %squeeze3A_1776 = vector.extract %slice3A_1775[0] : i32 from vector<1xi32>
    %slice3A_1777 = vector.extract_strided_slice %min3A_1752 {offsets = [12], sizes = [1], strides = [1]} : vector<16xi32> to vector<1xi32>
    %squeeze3A_1778 = vector.extract %slice3A_1777[0] : i32 from vector<1xi32>
    %slice3A_1779 = vector.extract_strided_slice %min3A_1752 {offsets = [13], sizes = [1], strides = [1]} : vector<16xi32> to vector<1xi32>
    %squeeze3A_1780 = vector.extract %slice3A_1779[0] : i32 from vector<1xi32>
    %slice3A_1781 = vector.extract_strided_slice %min3A_1752 {offsets = [14], sizes = [1], strides = [1]} : vector<16xi32> to vector<1xi32>
    %squeeze3A_1782 = vector.extract %slice3A_1781[0] : i32 from vector<1xi32>
    %slice3A_1783 = vector.extract_strided_slice %min3A_1752 {offsets = [15], sizes = [1], strides = [1]} : vector<16xi32> to vector<1xi32>
    %squeeze3A_1784 = vector.extract %slice3A_1783[0] : i32 from vector<1xi32>
    %min3A_1785 = arith.minsi %squeeze3A_1754, %squeeze3A_1756 : i32
    %min3A_1786 = arith.minsi %squeeze3A_1758, %squeeze3A_1760 : i32
    %min3A_1787 = arith.minsi %squeeze3A_1762, %squeeze3A_1764 : i32
    %min3A_1788 = arith.minsi %squeeze3A_1766, %squeeze3A_1768 : i32
    %min3A_1789 = arith.minsi %squeeze3A_1770, %squeeze3A_1772 : i32
    %min3A_1790 = arith.minsi %squeeze3A_1774, %squeeze3A_1776 : i32
    %min3A_1791 = arith.minsi %squeeze3A_1778, %squeeze3A_1780 : i32
    %min3A_1792 = arith.minsi %squeeze3A_1782, %squeeze3A_1784 : i32
    %min3A_1793 = arith.minsi %min3A_1785, %min3A_1786 : i32
    %min3A_1794 = arith.minsi %min3A_1787, %min3A_1788 : i32
    %min3A_1795 = arith.minsi %min3A_1789, %min3A_1790 : i32
    %min3A_1796 = arith.minsi %min3A_1791, %min3A_1792 : i32
    %min3A_1797 = arith.minsi %min3A_1793, %min3A_1794 : i32
    %min3A_1798 = arith.minsi %min3A_1795, %min3A_1796 : i32
    %min3A_1799 = arith.minsi %min3A_1797, %min3A_1798 : i32
    %add3A_1800 = vector.broadcast %min3A_1799 : i32 to vector<16xi32>
    %add3A_1801 = arith.addi %broadcast_in_dim3A_1400, %add3A_1800 : vector<16xi32>
    %eq3A_1802 = arith.cmpi eq, %add3A_1387, %add3A_1801 : vector<16xi32>
    %jit3A_1803 = arith.constant -1.000000e+30 : f32
    %broadcast_in_dim3A_1804 = vector.broadcast %jit3A_1803 : f32 to vector<16xf32>
    %select_n3A_1805 = arith.select %eq3A_1802, %broadcast_in_dim3A_1804, %select_n3A_1666 : vector<16xi1>, vector<16xf32>
    %eq3A_1806 = arith.cmpi eq, %add3A_1390, %add3A_1801 : vector<16xi32>
    %jit3A_1807 = arith.constant -1.000000e+30 : f32
    %broadcast_in_dim3A_1808 = vector.broadcast %jit3A_1807 : f32 to vector<16xf32>
    %select_n3A_1809 = arith.select %eq3A_1806, %broadcast_in_dim3A_1808, %select_n3A_1670 : vector<16xi1>, vector<16xf32>
    %eq3A_1810 = arith.cmpi eq, %add3A_1393, %add3A_1801 : vector<16xi32>
    %jit3A_1811 = arith.constant -1.000000e+30 : f32
    %broadcast_in_dim3A_1812 = vector.broadcast %jit3A_1811 : f32 to vector<16xf32>
    %select_n3A_1813 = arith.select %eq3A_1810, %broadcast_in_dim3A_1812, %select_n3A_1674 : vector<16xi1>, vector<16xf32>
    %eq3A_1814 = arith.cmpi eq, %add3A_1396, %add3A_1801 : vector<16xi32>
    %jit3A_1815 = arith.constant -1.000000e+30 : f32
    %broadcast_in_dim3A_1816 = vector.broadcast %jit3A_1815 : f32 to vector<16xf32>
    %select_n3A_1817 = arith.select %eq3A_1814, %broadcast_in_dim3A_1816, %select_n3A_1678 : vector<16xi1>, vector<16xf32>
    %max3A_1818 = arith.maximumf %select_n3A_1805, %select_n3A_1809 : vector<16xf32>
    %max3A_1819 = arith.maximumf %max3A_1818, %select_n3A_1813 : vector<16xf32>
    %max3A_1820 = arith.maximumf %max3A_1819, %select_n3A_1817 : vector<16xf32>
    %slice3A_1821 = vector.extract_strided_slice %max3A_1820 {offsets = [0], sizes = [1], strides = [1]} : vector<16xf32> to vector<1xf32>
    %squeeze3A_1822 = vector.extract %slice3A_1821[0] : f32 from vector<1xf32>
    %slice3A_1823 = vector.extract_strided_slice %max3A_1820 {offsets = [1], sizes = [1], strides = [1]} : vector<16xf32> to vector<1xf32>
    %squeeze3A_1824 = vector.extract %slice3A_1823[0] : f32 from vector<1xf32>
    %slice3A_1825 = vector.extract_strided_slice %max3A_1820 {offsets = [2], sizes = [1], strides = [1]} : vector<16xf32> to vector<1xf32>
    %squeeze3A_1826 = vector.extract %slice3A_1825[0] : f32 from vector<1xf32>
    %slice3A_1827 = vector.extract_strided_slice %max3A_1820 {offsets = [3], sizes = [1], strides = [1]} : vector<16xf32> to vector<1xf32>
    %squeeze3A_1828 = vector.extract %slice3A_1827[0] : f32 from vector<1xf32>
    %slice3A_1829 = vector.extract_strided_slice %max3A_1820 {offsets = [4], sizes = [1], strides = [1]} : vector<16xf32> to vector<1xf32>
    %squeeze3A_1830 = vector.extract %slice3A_1829[0] : f32 from vector<1xf32>
    %slice3A_1831 = vector.extract_strided_slice %max3A_1820 {offsets = [5], sizes = [1], strides = [1]} : vector<16xf32> to vector<1xf32>
    %squeeze3A_1832 = vector.extract %slice3A_1831[0] : f32 from vector<1xf32>
    %slice3A_1833 = vector.extract_strided_slice %max3A_1820 {offsets = [6], sizes = [1], strides = [1]} : vector<16xf32> to vector<1xf32>
    %squeeze3A_1834 = vector.extract %slice3A_1833[0] : f32 from vector<1xf32>
    %slice3A_1835 = vector.extract_strided_slice %max3A_1820 {offsets = [7], sizes = [1], strides = [1]} : vector<16xf32> to vector<1xf32>
    %squeeze3A_1836 = vector.extract %slice3A_1835[0] : f32 from vector<1xf32>
    %slice3A_1837 = vector.extract_strided_slice %max3A_1820 {offsets = [8], sizes = [1], strides = [1]} : vector<16xf32> to vector<1xf32>
    %squeeze3A_1838 = vector.extract %slice3A_1837[0] : f32 from vector<1xf32>
    %slice3A_1839 = vector.extract_strided_slice %max3A_1820 {offsets = [9], sizes = [1], strides = [1]} : vector<16xf32> to vector<1xf32>
    %squeeze3A_1840 = vector.extract %slice3A_1839[0] : f32 from vector<1xf32>
    %slice3A_1841 = vector.extract_strided_slice %max3A_1820 {offsets = [10], sizes = [1], strides = [1]} : vector<16xf32> to vector<1xf32>
    %squeeze3A_1842 = vector.extract %slice3A_1841[0] : f32 from vector<1xf32>
    %slice3A_1843 = vector.extract_strided_slice %max3A_1820 {offsets = [11], sizes = [1], strides = [1]} : vector<16xf32> to vector<1xf32>
    %squeeze3A_1844 = vector.extract %slice3A_1843[0] : f32 from vector<1xf32>
    %slice3A_1845 = vector.extract_strided_slice %max3A_1820 {offsets = [12], sizes = [1], strides = [1]} : vector<16xf32> to vector<1xf32>
    %squeeze3A_1846 = vector.extract %slice3A_1845[0] : f32 from vector<1xf32>
    %slice3A_1847 = vector.extract_strided_slice %max3A_1820 {offsets = [13], sizes = [1], strides = [1]} : vector<16xf32> to vector<1xf32>
    %squeeze3A_1848 = vector.extract %slice3A_1847[0] : f32 from vector<1xf32>
    %slice3A_1849 = vector.extract_strided_slice %max3A_1820 {offsets = [14], sizes = [1], strides = [1]} : vector<16xf32> to vector<1xf32>
    %squeeze3A_1850 = vector.extract %slice3A_1849[0] : f32 from vector<1xf32>
    %slice3A_1851 = vector.extract_strided_slice %max3A_1820 {offsets = [15], sizes = [1], strides = [1]} : vector<16xf32> to vector<1xf32>
    %squeeze3A_1852 = vector.extract %slice3A_1851[0] : f32 from vector<1xf32>
    %max3A_1853 = arith.maximumf %squeeze3A_1822, %squeeze3A_1824 : f32
    %max3A_1854 = arith.maximumf %squeeze3A_1826, %squeeze3A_1828 : f32
    %max3A_1855 = arith.maximumf %squeeze3A_1830, %squeeze3A_1832 : f32
    %max3A_1856 = arith.maximumf %squeeze3A_1834, %squeeze3A_1836 : f32
    %max3A_1857 = arith.maximumf %squeeze3A_1838, %squeeze3A_1840 : f32
    %max3A_1858 = arith.maximumf %squeeze3A_1842, %squeeze3A_1844 : f32
    %max3A_1859 = arith.maximumf %squeeze3A_1846, %squeeze3A_1848 : f32
    %max3A_1860 = arith.maximumf %squeeze3A_1850, %squeeze3A_1852 : f32
    %max3A_1861 = arith.maximumf %max3A_1853, %max3A_1854 : f32
    %max3A_1862 = arith.maximumf %max3A_1855, %max3A_1856 : f32
    %max3A_1863 = arith.maximumf %max3A_1857, %max3A_1858 : f32
    %max3A_1864 = arith.maximumf %max3A_1859, %max3A_1860 : f32
    %max3A_1865 = arith.maximumf %max3A_1861, %max3A_1862 : f32
    %max3A_1866 = arith.maximumf %max3A_1863, %max3A_1864 : f32
    %max3A_1867 = arith.maximumf %max3A_1865, %max3A_1866 : f32
    %add3A_1868 = vector.broadcast %max3A_1867 : f32 to vector<16xf32>
    %add3A_1869 = arith.addf %broadcast_in_dim3A_1398, %add3A_1868 : vector<16xf32>
    %broadcast_in_dim3A_1870 = arith.constant 128 : i32
    %broadcast_in_dim3A_1871 = vector.broadcast %broadcast_in_dim3A_1870 : i32 to vector<16xi32>
    %eq3A_1872 = arith.cmpf oeq, %select_n3A_1805, %add3A_1869 : vector<16xf32>
    %jit3A_1873 = arith.constant 128 : i32
    %broadcast_in_dim3A_1874 = vector.broadcast %jit3A_1873 : i32 to vector<16xi32>
    %select_n3A_1875 = arith.select %eq3A_1872, %add3A_1387, %broadcast_in_dim3A_1874 : vector<16xi1>, vector<16xi32>
    %min3A_1876 = arith.minsi %broadcast_in_dim3A_1871, %select_n3A_1875 : vector<16xi32>
    %eq3A_1877 = arith.cmpf oeq, %select_n3A_1809, %add3A_1869 : vector<16xf32>
    %jit3A_1878 = arith.constant 128 : i32
    %broadcast_in_dim3A_1879 = vector.broadcast %jit3A_1878 : i32 to vector<16xi32>
    %select_n3A_1880 = arith.select %eq3A_1877, %add3A_1390, %broadcast_in_dim3A_1879 : vector<16xi1>, vector<16xi32>
    %min3A_1881 = arith.minsi %min3A_1876, %select_n3A_1880 : vector<16xi32>
    %eq3A_1882 = arith.cmpf oeq, %select_n3A_1813, %add3A_1869 : vector<16xf32>
    %jit3A_1883 = arith.constant 128 : i32
    %broadcast_in_dim3A_1884 = vector.broadcast %jit3A_1883 : i32 to vector<16xi32>
    %select_n3A_1885 = arith.select %eq3A_1882, %add3A_1393, %broadcast_in_dim3A_1884 : vector<16xi1>, vector<16xi32>
    %min3A_1886 = arith.minsi %min3A_1881, %select_n3A_1885 : vector<16xi32>
    %eq3A_1887 = arith.cmpf oeq, %select_n3A_1817, %add3A_1869 : vector<16xf32>
    %jit3A_1888 = arith.constant 128 : i32
    %broadcast_in_dim3A_1889 = vector.broadcast %jit3A_1888 : i32 to vector<16xi32>
    %select_n3A_1890 = arith.select %eq3A_1887, %add3A_1396, %broadcast_in_dim3A_1889 : vector<16xi1>, vector<16xi32>
    %min3A_1891 = arith.minsi %min3A_1886, %select_n3A_1890 : vector<16xi32>
    %slice3A_1892 = vector.extract_strided_slice %min3A_1891 {offsets = [0], sizes = [1], strides = [1]} : vector<16xi32> to vector<1xi32>
    %squeeze3A_1893 = vector.extract %slice3A_1892[0] : i32 from vector<1xi32>
    %slice3A_1894 = vector.extract_strided_slice %min3A_1891 {offsets = [1], sizes = [1], strides = [1]} : vector<16xi32> to vector<1xi32>
    %squeeze3A_1895 = vector.extract %slice3A_1894[0] : i32 from vector<1xi32>
    %slice3A_1896 = vector.extract_strided_slice %min3A_1891 {offsets = [2], sizes = [1], strides = [1]} : vector<16xi32> to vector<1xi32>
    %squeeze3A_1897 = vector.extract %slice3A_1896[0] : i32 from vector<1xi32>
    %slice3A_1898 = vector.extract_strided_slice %min3A_1891 {offsets = [3], sizes = [1], strides = [1]} : vector<16xi32> to vector<1xi32>
    %squeeze3A_1899 = vector.extract %slice3A_1898[0] : i32 from vector<1xi32>
    %slice3A_1900 = vector.extract_strided_slice %min3A_1891 {offsets = [4], sizes = [1], strides = [1]} : vector<16xi32> to vector<1xi32>
    %squeeze3A_1901 = vector.extract %slice3A_1900[0] : i32 from vector<1xi32>
    %slice3A_1902 = vector.extract_strided_slice %min3A_1891 {offsets = [5], sizes = [1], strides = [1]} : vector<16xi32> to vector<1xi32>
    %squeeze3A_1903 = vector.extract %slice3A_1902[0] : i32 from vector<1xi32>
    %slice3A_1904 = vector.extract_strided_slice %min3A_1891 {offsets = [6], sizes = [1], strides = [1]} : vector<16xi32> to vector<1xi32>
    %squeeze3A_1905 = vector.extract %slice3A_1904[0] : i32 from vector<1xi32>
    %slice3A_1906 = vector.extract_strided_slice %min3A_1891 {offsets = [7], sizes = [1], strides = [1]} : vector<16xi32> to vector<1xi32>
    %squeeze3A_1907 = vector.extract %slice3A_1906[0] : i32 from vector<1xi32>
    %slice3A_1908 = vector.extract_strided_slice %min3A_1891 {offsets = [8], sizes = [1], strides = [1]} : vector<16xi32> to vector<1xi32>
    %squeeze3A_1909 = vector.extract %slice3A_1908[0] : i32 from vector<1xi32>
    %slice3A_1910 = vector.extract_strided_slice %min3A_1891 {offsets = [9], sizes = [1], strides = [1]} : vector<16xi32> to vector<1xi32>
    %squeeze3A_1911 = vector.extract %slice3A_1910[0] : i32 from vector<1xi32>
    %slice3A_1912 = vector.extract_strided_slice %min3A_1891 {offsets = [10], sizes = [1], strides = [1]} : vector<16xi32> to vector<1xi32>
    %squeeze3A_1913 = vector.extract %slice3A_1912[0] : i32 from vector<1xi32>
    %slice3A_1914 = vector.extract_strided_slice %min3A_1891 {offsets = [11], sizes = [1], strides = [1]} : vector<16xi32> to vector<1xi32>
    %squeeze3A_1915 = vector.extract %slice3A_1914[0] : i32 from vector<1xi32>
    %slice3A_1916 = vector.extract_strided_slice %min3A_1891 {offsets = [12], sizes = [1], strides = [1]} : vector<16xi32> to vector<1xi32>
    %squeeze3A_1917 = vector.extract %slice3A_1916[0] : i32 from vector<1xi32>
    %slice3A_1918 = vector.extract_strided_slice %min3A_1891 {offsets = [13], sizes = [1], strides = [1]} : vector<16xi32> to vector<1xi32>
    %squeeze3A_1919 = vector.extract %slice3A_1918[0] : i32 from vector<1xi32>
    %slice3A_1920 = vector.extract_strided_slice %min3A_1891 {offsets = [14], sizes = [1], strides = [1]} : vector<16xi32> to vector<1xi32>
    %squeeze3A_1921 = vector.extract %slice3A_1920[0] : i32 from vector<1xi32>
    %slice3A_1922 = vector.extract_strided_slice %min3A_1891 {offsets = [15], sizes = [1], strides = [1]} : vector<16xi32> to vector<1xi32>
    %squeeze3A_1923 = vector.extract %slice3A_1922[0] : i32 from vector<1xi32>
    %min3A_1924 = arith.minsi %squeeze3A_1893, %squeeze3A_1895 : i32
    %min3A_1925 = arith.minsi %squeeze3A_1897, %squeeze3A_1899 : i32
    %min3A_1926 = arith.minsi %squeeze3A_1901, %squeeze3A_1903 : i32
    %min3A_1927 = arith.minsi %squeeze3A_1905, %squeeze3A_1907 : i32
    %min3A_1928 = arith.minsi %squeeze3A_1909, %squeeze3A_1911 : i32
    %min3A_1929 = arith.minsi %squeeze3A_1913, %squeeze3A_1915 : i32
    %min3A_1930 = arith.minsi %squeeze3A_1917, %squeeze3A_1919 : i32
    %min3A_1931 = arith.minsi %squeeze3A_1921, %squeeze3A_1923 : i32
    %min3A_1932 = arith.minsi %min3A_1924, %min3A_1925 : i32
    %min3A_1933 = arith.minsi %min3A_1926, %min3A_1927 : i32
    %min3A_1934 = arith.minsi %min3A_1928, %min3A_1929 : i32
    %min3A_1935 = arith.minsi %min3A_1930, %min3A_1931 : i32
    %min3A_1936 = arith.minsi %min3A_1932, %min3A_1933 : i32
    %min3A_1937 = arith.minsi %min3A_1934, %min3A_1935 : i32
    %min3A_1938 = arith.minsi %min3A_1936, %min3A_1937 : i32
    %add3A_1939 = vector.broadcast %min3A_1938 : i32 to vector<16xi32>
    %add3A_1940 = arith.addi %broadcast_in_dim3A_1400, %add3A_1939 : vector<16xi32>
    %eq3A_1941 = arith.cmpi eq, %add3A_1387, %add3A_1940 : vector<16xi32>
    %jit3A_1942 = arith.constant -1.000000e+30 : f32
    %broadcast_in_dim3A_1943 = vector.broadcast %jit3A_1942 : f32 to vector<16xf32>
    %select_n3A_1944 = arith.select %eq3A_1941, %broadcast_in_dim3A_1943, %select_n3A_1805 : vector<16xi1>, vector<16xf32>
    %eq3A_1945 = arith.cmpi eq, %add3A_1390, %add3A_1940 : vector<16xi32>
    %jit3A_1946 = arith.constant -1.000000e+30 : f32
    %broadcast_in_dim3A_1947 = vector.broadcast %jit3A_1946 : f32 to vector<16xf32>
    %select_n3A_1948 = arith.select %eq3A_1945, %broadcast_in_dim3A_1947, %select_n3A_1809 : vector<16xi1>, vector<16xf32>
    %eq3A_1949 = arith.cmpi eq, %add3A_1393, %add3A_1940 : vector<16xi32>
    %jit3A_1950 = arith.constant -1.000000e+30 : f32
    %broadcast_in_dim3A_1951 = vector.broadcast %jit3A_1950 : f32 to vector<16xf32>
    %select_n3A_1952 = arith.select %eq3A_1949, %broadcast_in_dim3A_1951, %select_n3A_1813 : vector<16xi1>, vector<16xf32>
    %eq3A_1953 = arith.cmpi eq, %add3A_1396, %add3A_1940 : vector<16xi32>
    %jit3A_1954 = arith.constant -1.000000e+30 : f32
    %broadcast_in_dim3A_1955 = vector.broadcast %jit3A_1954 : f32 to vector<16xf32>
    %select_n3A_1956 = arith.select %eq3A_1953, %broadcast_in_dim3A_1955, %select_n3A_1817 : vector<16xi1>, vector<16xf32>
    %max3A_1957 = arith.maximumf %select_n3A_1944, %select_n3A_1948 : vector<16xf32>
    %max3A_1958 = arith.maximumf %max3A_1957, %select_n3A_1952 : vector<16xf32>
    %max3A_1959 = arith.maximumf %max3A_1958, %select_n3A_1956 : vector<16xf32>
    %slice3A_1960 = vector.extract_strided_slice %max3A_1959 {offsets = [0], sizes = [1], strides = [1]} : vector<16xf32> to vector<1xf32>
    %squeeze3A_1961 = vector.extract %slice3A_1960[0] : f32 from vector<1xf32>
    %slice3A_1962 = vector.extract_strided_slice %max3A_1959 {offsets = [1], sizes = [1], strides = [1]} : vector<16xf32> to vector<1xf32>
    %squeeze3A_1963 = vector.extract %slice3A_1962[0] : f32 from vector<1xf32>
    %slice3A_1964 = vector.extract_strided_slice %max3A_1959 {offsets = [2], sizes = [1], strides = [1]} : vector<16xf32> to vector<1xf32>
    %squeeze3A_1965 = vector.extract %slice3A_1964[0] : f32 from vector<1xf32>
    %slice3A_1966 = vector.extract_strided_slice %max3A_1959 {offsets = [3], sizes = [1], strides = [1]} : vector<16xf32> to vector<1xf32>
    %squeeze3A_1967 = vector.extract %slice3A_1966[0] : f32 from vector<1xf32>
    %slice3A_1968 = vector.extract_strided_slice %max3A_1959 {offsets = [4], sizes = [1], strides = [1]} : vector<16xf32> to vector<1xf32>
    %squeeze3A_1969 = vector.extract %slice3A_1968[0] : f32 from vector<1xf32>
    %slice3A_1970 = vector.extract_strided_slice %max3A_1959 {offsets = [5], sizes = [1], strides = [1]} : vector<16xf32> to vector<1xf32>
    %squeeze3A_1971 = vector.extract %slice3A_1970[0] : f32 from vector<1xf32>
    %slice3A_1972 = vector.extract_strided_slice %max3A_1959 {offsets = [6], sizes = [1], strides = [1]} : vector<16xf32> to vector<1xf32>
    %squeeze3A_1973 = vector.extract %slice3A_1972[0] : f32 from vector<1xf32>
    %slice3A_1974 = vector.extract_strided_slice %max3A_1959 {offsets = [7], sizes = [1], strides = [1]} : vector<16xf32> to vector<1xf32>
    %squeeze3A_1975 = vector.extract %slice3A_1974[0] : f32 from vector<1xf32>
    %slice3A_1976 = vector.extract_strided_slice %max3A_1959 {offsets = [8], sizes = [1], strides = [1]} : vector<16xf32> to vector<1xf32>
    %squeeze3A_1977 = vector.extract %slice3A_1976[0] : f32 from vector<1xf32>
    %slice3A_1978 = vector.extract_strided_slice %max3A_1959 {offsets = [9], sizes = [1], strides = [1]} : vector<16xf32> to vector<1xf32>
    %squeeze3A_1979 = vector.extract %slice3A_1978[0] : f32 from vector<1xf32>
    %slice3A_1980 = vector.extract_strided_slice %max3A_1959 {offsets = [10], sizes = [1], strides = [1]} : vector<16xf32> to vector<1xf32>
    %squeeze3A_1981 = vector.extract %slice3A_1980[0] : f32 from vector<1xf32>
    %slice3A_1982 = vector.extract_strided_slice %max3A_1959 {offsets = [11], sizes = [1], strides = [1]} : vector<16xf32> to vector<1xf32>
    %squeeze3A_1983 = vector.extract %slice3A_1982[0] : f32 from vector<1xf32>
    %slice3A_1984 = vector.extract_strided_slice %max3A_1959 {offsets = [12], sizes = [1], strides = [1]} : vector<16xf32> to vector<1xf32>
    %squeeze3A_1985 = vector.extract %slice3A_1984[0] : f32 from vector<1xf32>
    %slice3A_1986 = vector.extract_strided_slice %max3A_1959 {offsets = [13], sizes = [1], strides = [1]} : vector<16xf32> to vector<1xf32>
    %squeeze3A_1987 = vector.extract %slice3A_1986[0] : f32 from vector<1xf32>
    %slice3A_1988 = vector.extract_strided_slice %max3A_1959 {offsets = [14], sizes = [1], strides = [1]} : vector<16xf32> to vector<1xf32>
    %squeeze3A_1989 = vector.extract %slice3A_1988[0] : f32 from vector<1xf32>
    %slice3A_1990 = vector.extract_strided_slice %max3A_1959 {offsets = [15], sizes = [1], strides = [1]} : vector<16xf32> to vector<1xf32>
    %squeeze3A_1991 = vector.extract %slice3A_1990[0] : f32 from vector<1xf32>
    %max3A_1992 = arith.maximumf %squeeze3A_1961, %squeeze3A_1963 : f32
    %max3A_1993 = arith.maximumf %squeeze3A_1965, %squeeze3A_1967 : f32
    %max3A_1994 = arith.maximumf %squeeze3A_1969, %squeeze3A_1971 : f32
    %max3A_1995 = arith.maximumf %squeeze3A_1973, %squeeze3A_1975 : f32
    %max3A_1996 = arith.maximumf %squeeze3A_1977, %squeeze3A_1979 : f32
    %max3A_1997 = arith.maximumf %squeeze3A_1981, %squeeze3A_1983 : f32
    %max3A_1998 = arith.maximumf %squeeze3A_1985, %squeeze3A_1987 : f32
    %max3A_1999 = arith.maximumf %squeeze3A_1989, %squeeze3A_1991 : f32
    %max3A_2000 = arith.maximumf %max3A_1992, %max3A_1993 : f32
    %max3A_2001 = arith.maximumf %max3A_1994, %max3A_1995 : f32
    %max3A_2002 = arith.maximumf %max3A_1996, %max3A_1997 : f32
    %max3A_2003 = arith.maximumf %max3A_1998, %max3A_1999 : f32
    %max3A_2004 = arith.maximumf %max3A_2000, %max3A_2001 : f32
    %max3A_2005 = arith.maximumf %max3A_2002, %max3A_2003 : f32
    %max3A_2006 = arith.maximumf %max3A_2004, %max3A_2005 : f32
    %add3A_2007 = vector.broadcast %max3A_2006 : f32 to vector<16xf32>
    %add3A_2008 = arith.addf %broadcast_in_dim3A_1398, %add3A_2007 : vector<16xf32>
    %broadcast_in_dim3A_2009 = arith.constant 128 : i32
    %broadcast_in_dim3A_2010 = vector.broadcast %broadcast_in_dim3A_2009 : i32 to vector<16xi32>
    %eq3A_2011 = arith.cmpf oeq, %select_n3A_1944, %add3A_2008 : vector<16xf32>
    %jit3A_2012 = arith.constant 128 : i32
    %broadcast_in_dim3A_2013 = vector.broadcast %jit3A_2012 : i32 to vector<16xi32>
    %select_n3A_2014 = arith.select %eq3A_2011, %add3A_1387, %broadcast_in_dim3A_2013 : vector<16xi1>, vector<16xi32>
    %min3A_2015 = arith.minsi %broadcast_in_dim3A_2010, %select_n3A_2014 : vector<16xi32>
    %eq3A_2016 = arith.cmpf oeq, %select_n3A_1948, %add3A_2008 : vector<16xf32>
    %jit3A_2017 = arith.constant 128 : i32
    %broadcast_in_dim3A_2018 = vector.broadcast %jit3A_2017 : i32 to vector<16xi32>
    %select_n3A_2019 = arith.select %eq3A_2016, %add3A_1390, %broadcast_in_dim3A_2018 : vector<16xi1>, vector<16xi32>
    %min3A_2020 = arith.minsi %min3A_2015, %select_n3A_2019 : vector<16xi32>
    %eq3A_2021 = arith.cmpf oeq, %select_n3A_1952, %add3A_2008 : vector<16xf32>
    %jit3A_2022 = arith.constant 128 : i32
    %broadcast_in_dim3A_2023 = vector.broadcast %jit3A_2022 : i32 to vector<16xi32>
    %select_n3A_2024 = arith.select %eq3A_2021, %add3A_1393, %broadcast_in_dim3A_2023 : vector<16xi1>, vector<16xi32>
    %min3A_2025 = arith.minsi %min3A_2020, %select_n3A_2024 : vector<16xi32>
    %eq3A_2026 = arith.cmpf oeq, %select_n3A_1956, %add3A_2008 : vector<16xf32>
    %jit3A_2027 = arith.constant 128 : i32
    %broadcast_in_dim3A_2028 = vector.broadcast %jit3A_2027 : i32 to vector<16xi32>
    %select_n3A_2029 = arith.select %eq3A_2026, %add3A_1396, %broadcast_in_dim3A_2028 : vector<16xi1>, vector<16xi32>
    %min3A_2030 = arith.minsi %min3A_2025, %select_n3A_2029 : vector<16xi32>
    %slice3A_2031 = vector.extract_strided_slice %min3A_2030 {offsets = [0], sizes = [1], strides = [1]} : vector<16xi32> to vector<1xi32>
    %squeeze3A_2032 = vector.extract %slice3A_2031[0] : i32 from vector<1xi32>
    %slice3A_2033 = vector.extract_strided_slice %min3A_2030 {offsets = [1], sizes = [1], strides = [1]} : vector<16xi32> to vector<1xi32>
    %squeeze3A_2034 = vector.extract %slice3A_2033[0] : i32 from vector<1xi32>
    %slice3A_2035 = vector.extract_strided_slice %min3A_2030 {offsets = [2], sizes = [1], strides = [1]} : vector<16xi32> to vector<1xi32>
    %squeeze3A_2036 = vector.extract %slice3A_2035[0] : i32 from vector<1xi32>
    %slice3A_2037 = vector.extract_strided_slice %min3A_2030 {offsets = [3], sizes = [1], strides = [1]} : vector<16xi32> to vector<1xi32>
    %squeeze3A_2038 = vector.extract %slice3A_2037[0] : i32 from vector<1xi32>
    %slice3A_2039 = vector.extract_strided_slice %min3A_2030 {offsets = [4], sizes = [1], strides = [1]} : vector<16xi32> to vector<1xi32>
    %squeeze3A_2040 = vector.extract %slice3A_2039[0] : i32 from vector<1xi32>
    %slice3A_2041 = vector.extract_strided_slice %min3A_2030 {offsets = [5], sizes = [1], strides = [1]} : vector<16xi32> to vector<1xi32>
    %squeeze3A_2042 = vector.extract %slice3A_2041[0] : i32 from vector<1xi32>
    %slice3A_2043 = vector.extract_strided_slice %min3A_2030 {offsets = [6], sizes = [1], strides = [1]} : vector<16xi32> to vector<1xi32>
    %squeeze3A_2044 = vector.extract %slice3A_2043[0] : i32 from vector<1xi32>
    %slice3A_2045 = vector.extract_strided_slice %min3A_2030 {offsets = [7], sizes = [1], strides = [1]} : vector<16xi32> to vector<1xi32>
    %squeeze3A_2046 = vector.extract %slice3A_2045[0] : i32 from vector<1xi32>
    %slice3A_2047 = vector.extract_strided_slice %min3A_2030 {offsets = [8], sizes = [1], strides = [1]} : vector<16xi32> to vector<1xi32>
    %squeeze3A_2048 = vector.extract %slice3A_2047[0] : i32 from vector<1xi32>
    %slice3A_2049 = vector.extract_strided_slice %min3A_2030 {offsets = [9], sizes = [1], strides = [1]} : vector<16xi32> to vector<1xi32>
    %squeeze3A_2050 = vector.extract %slice3A_2049[0] : i32 from vector<1xi32>
    %slice3A_2051 = vector.extract_strided_slice %min3A_2030 {offsets = [10], sizes = [1], strides = [1]} : vector<16xi32> to vector<1xi32>
    %squeeze3A_2052 = vector.extract %slice3A_2051[0] : i32 from vector<1xi32>
    %slice3A_2053 = vector.extract_strided_slice %min3A_2030 {offsets = [11], sizes = [1], strides = [1]} : vector<16xi32> to vector<1xi32>
    %squeeze3A_2054 = vector.extract %slice3A_2053[0] : i32 from vector<1xi32>
    %slice3A_2055 = vector.extract_strided_slice %min3A_2030 {offsets = [12], sizes = [1], strides = [1]} : vector<16xi32> to vector<1xi32>
    %squeeze3A_2056 = vector.extract %slice3A_2055[0] : i32 from vector<1xi32>
    %slice3A_2057 = vector.extract_strided_slice %min3A_2030 {offsets = [13], sizes = [1], strides = [1]} : vector<16xi32> to vector<1xi32>
    %squeeze3A_2058 = vector.extract %slice3A_2057[0] : i32 from vector<1xi32>
    %slice3A_2059 = vector.extract_strided_slice %min3A_2030 {offsets = [14], sizes = [1], strides = [1]} : vector<16xi32> to vector<1xi32>
    %squeeze3A_2060 = vector.extract %slice3A_2059[0] : i32 from vector<1xi32>
    %slice3A_2061 = vector.extract_strided_slice %min3A_2030 {offsets = [15], sizes = [1], strides = [1]} : vector<16xi32> to vector<1xi32>
    %squeeze3A_2062 = vector.extract %slice3A_2061[0] : i32 from vector<1xi32>
    %min3A_2063 = arith.minsi %squeeze3A_2032, %squeeze3A_2034 : i32
    %min3A_2064 = arith.minsi %squeeze3A_2036, %squeeze3A_2038 : i32
    %min3A_2065 = arith.minsi %squeeze3A_2040, %squeeze3A_2042 : i32
    %min3A_2066 = arith.minsi %squeeze3A_2044, %squeeze3A_2046 : i32
    %min3A_2067 = arith.minsi %squeeze3A_2048, %squeeze3A_2050 : i32
    %min3A_2068 = arith.minsi %squeeze3A_2052, %squeeze3A_2054 : i32
    %min3A_2069 = arith.minsi %squeeze3A_2056, %squeeze3A_2058 : i32
    %min3A_2070 = arith.minsi %squeeze3A_2060, %squeeze3A_2062 : i32
    %min3A_2071 = arith.minsi %min3A_2063, %min3A_2064 : i32
    %min3A_2072 = arith.minsi %min3A_2065, %min3A_2066 : i32
    %min3A_2073 = arith.minsi %min3A_2067, %min3A_2068 : i32
    %min3A_2074 = arith.minsi %min3A_2069, %min3A_2070 : i32
    %min3A_2075 = arith.minsi %min3A_2071, %min3A_2072 : i32
    %min3A_2076 = arith.minsi %min3A_2073, %min3A_2074 : i32
    %min3A_2077 = arith.minsi %min3A_2075, %min3A_2076 : i32
    %add3A_2078 = vector.broadcast %min3A_2077 : i32 to vector<16xi32>
    %add3A_2079 = arith.addi %broadcast_in_dim3A_1400, %add3A_2078 : vector<16xi32>
    %eq3A_2080 = arith.cmpi eq, %add3A_1387, %add3A_2079 : vector<16xi32>
    %jit3A_2081 = arith.constant -1.000000e+30 : f32
    %broadcast_in_dim3A_2082 = vector.broadcast %jit3A_2081 : f32 to vector<16xf32>
    %select_n3A_2083 = arith.select %eq3A_2080, %broadcast_in_dim3A_2082, %select_n3A_1944 : vector<16xi1>, vector<16xf32>
    %eq3A_2084 = arith.cmpi eq, %add3A_1390, %add3A_2079 : vector<16xi32>
    %jit3A_2085 = arith.constant -1.000000e+30 : f32
    %broadcast_in_dim3A_2086 = vector.broadcast %jit3A_2085 : f32 to vector<16xf32>
    %select_n3A_2087 = arith.select %eq3A_2084, %broadcast_in_dim3A_2086, %select_n3A_1948 : vector<16xi1>, vector<16xf32>
    %eq3A_2088 = arith.cmpi eq, %add3A_1393, %add3A_2079 : vector<16xi32>
    %jit3A_2089 = arith.constant -1.000000e+30 : f32
    %broadcast_in_dim3A_2090 = vector.broadcast %jit3A_2089 : f32 to vector<16xf32>
    %select_n3A_2091 = arith.select %eq3A_2088, %broadcast_in_dim3A_2090, %select_n3A_1952 : vector<16xi1>, vector<16xf32>
    %eq3A_2092 = arith.cmpi eq, %add3A_1396, %add3A_2079 : vector<16xi32>
    %jit3A_2093 = arith.constant -1.000000e+30 : f32
    %broadcast_in_dim3A_2094 = vector.broadcast %jit3A_2093 : f32 to vector<16xf32>
    %select_n3A_2095 = arith.select %eq3A_2092, %broadcast_in_dim3A_2094, %select_n3A_1956 : vector<16xi1>, vector<16xf32>
    %max3A_2096 = arith.maximumf %select_n3A_2083, %select_n3A_2087 : vector<16xf32>
    %max3A_2097 = arith.maximumf %max3A_2096, %select_n3A_2091 : vector<16xf32>
    %max3A_2098 = arith.maximumf %max3A_2097, %select_n3A_2095 : vector<16xf32>
    %slice3A_2099 = vector.extract_strided_slice %max3A_2098 {offsets = [0], sizes = [1], strides = [1]} : vector<16xf32> to vector<1xf32>
    %squeeze3A_2100 = vector.extract %slice3A_2099[0] : f32 from vector<1xf32>
    %slice3A_2101 = vector.extract_strided_slice %max3A_2098 {offsets = [1], sizes = [1], strides = [1]} : vector<16xf32> to vector<1xf32>
    %squeeze3A_2102 = vector.extract %slice3A_2101[0] : f32 from vector<1xf32>
    %slice3A_2103 = vector.extract_strided_slice %max3A_2098 {offsets = [2], sizes = [1], strides = [1]} : vector<16xf32> to vector<1xf32>
    %squeeze3A_2104 = vector.extract %slice3A_2103[0] : f32 from vector<1xf32>
    %slice3A_2105 = vector.extract_strided_slice %max3A_2098 {offsets = [3], sizes = [1], strides = [1]} : vector<16xf32> to vector<1xf32>
    %squeeze3A_2106 = vector.extract %slice3A_2105[0] : f32 from vector<1xf32>
    %slice3A_2107 = vector.extract_strided_slice %max3A_2098 {offsets = [4], sizes = [1], strides = [1]} : vector<16xf32> to vector<1xf32>
    %squeeze3A_2108 = vector.extract %slice3A_2107[0] : f32 from vector<1xf32>
    %slice3A_2109 = vector.extract_strided_slice %max3A_2098 {offsets = [5], sizes = [1], strides = [1]} : vector<16xf32> to vector<1xf32>
    %squeeze3A_2110 = vector.extract %slice3A_2109[0] : f32 from vector<1xf32>
    %slice3A_2111 = vector.extract_strided_slice %max3A_2098 {offsets = [6], sizes = [1], strides = [1]} : vector<16xf32> to vector<1xf32>
    %squeeze3A_2112 = vector.extract %slice3A_2111[0] : f32 from vector<1xf32>
    %slice3A_2113 = vector.extract_strided_slice %max3A_2098 {offsets = [7], sizes = [1], strides = [1]} : vector<16xf32> to vector<1xf32>
    %squeeze3A_2114 = vector.extract %slice3A_2113[0] : f32 from vector<1xf32>
    %slice3A_2115 = vector.extract_strided_slice %max3A_2098 {offsets = [8], sizes = [1], strides = [1]} : vector<16xf32> to vector<1xf32>
    %squeeze3A_2116 = vector.extract %slice3A_2115[0] : f32 from vector<1xf32>
    %slice3A_2117 = vector.extract_strided_slice %max3A_2098 {offsets = [9], sizes = [1], strides = [1]} : vector<16xf32> to vector<1xf32>
    %squeeze3A_2118 = vector.extract %slice3A_2117[0] : f32 from vector<1xf32>
    %slice3A_2119 = vector.extract_strided_slice %max3A_2098 {offsets = [10], sizes = [1], strides = [1]} : vector<16xf32> to vector<1xf32>
    %squeeze3A_2120 = vector.extract %slice3A_2119[0] : f32 from vector<1xf32>
    %slice3A_2121 = vector.extract_strided_slice %max3A_2098 {offsets = [11], sizes = [1], strides = [1]} : vector<16xf32> to vector<1xf32>
    %squeeze3A_2122 = vector.extract %slice3A_2121[0] : f32 from vector<1xf32>
    %slice3A_2123 = vector.extract_strided_slice %max3A_2098 {offsets = [12], sizes = [1], strides = [1]} : vector<16xf32> to vector<1xf32>
    %squeeze3A_2124 = vector.extract %slice3A_2123[0] : f32 from vector<1xf32>
    %slice3A_2125 = vector.extract_strided_slice %max3A_2098 {offsets = [13], sizes = [1], strides = [1]} : vector<16xf32> to vector<1xf32>
    %squeeze3A_2126 = vector.extract %slice3A_2125[0] : f32 from vector<1xf32>
    %slice3A_2127 = vector.extract_strided_slice %max3A_2098 {offsets = [14], sizes = [1], strides = [1]} : vector<16xf32> to vector<1xf32>
    %squeeze3A_2128 = vector.extract %slice3A_2127[0] : f32 from vector<1xf32>
    %slice3A_2129 = vector.extract_strided_slice %max3A_2098 {offsets = [15], sizes = [1], strides = [1]} : vector<16xf32> to vector<1xf32>
    %squeeze3A_2130 = vector.extract %slice3A_2129[0] : f32 from vector<1xf32>
    %max3A_2131 = arith.maximumf %squeeze3A_2100, %squeeze3A_2102 : f32
    %max3A_2132 = arith.maximumf %squeeze3A_2104, %squeeze3A_2106 : f32
    %max3A_2133 = arith.maximumf %squeeze3A_2108, %squeeze3A_2110 : f32
    %max3A_2134 = arith.maximumf %squeeze3A_2112, %squeeze3A_2114 : f32
    %max3A_2135 = arith.maximumf %squeeze3A_2116, %squeeze3A_2118 : f32
    %max3A_2136 = arith.maximumf %squeeze3A_2120, %squeeze3A_2122 : f32
    %max3A_2137 = arith.maximumf %squeeze3A_2124, %squeeze3A_2126 : f32
    %max3A_2138 = arith.maximumf %squeeze3A_2128, %squeeze3A_2130 : f32
    %max3A_2139 = arith.maximumf %max3A_2131, %max3A_2132 : f32
    %max3A_2140 = arith.maximumf %max3A_2133, %max3A_2134 : f32
    %max3A_2141 = arith.maximumf %max3A_2135, %max3A_2136 : f32
    %max3A_2142 = arith.maximumf %max3A_2137, %max3A_2138 : f32
    %max3A_2143 = arith.maximumf %max3A_2139, %max3A_2140 : f32
    %max3A_2144 = arith.maximumf %max3A_2141, %max3A_2142 : f32
    %max3A_2145 = arith.maximumf %max3A_2143, %max3A_2144 : f32
    %add3A_2146 = vector.broadcast %max3A_2145 : f32 to vector<16xf32>
    %add3A_2147 = arith.addf %broadcast_in_dim3A_1398, %add3A_2146 : vector<16xf32>
    %broadcast_in_dim3A_2148 = arith.constant 128 : i32
    %broadcast_in_dim3A_2149 = vector.broadcast %broadcast_in_dim3A_2148 : i32 to vector<16xi32>
    %eq3A_2150 = arith.cmpf oeq, %select_n3A_2083, %add3A_2147 : vector<16xf32>
    %jit3A_2151 = arith.constant 128 : i32
    %broadcast_in_dim3A_2152 = vector.broadcast %jit3A_2151 : i32 to vector<16xi32>
    %select_n3A_2153 = arith.select %eq3A_2150, %add3A_1387, %broadcast_in_dim3A_2152 : vector<16xi1>, vector<16xi32>
    %min3A_2154 = arith.minsi %broadcast_in_dim3A_2149, %select_n3A_2153 : vector<16xi32>
    %eq3A_2155 = arith.cmpf oeq, %select_n3A_2087, %add3A_2147 : vector<16xf32>
    %jit3A_2156 = arith.constant 128 : i32
    %broadcast_in_dim3A_2157 = vector.broadcast %jit3A_2156 : i32 to vector<16xi32>
    %select_n3A_2158 = arith.select %eq3A_2155, %add3A_1390, %broadcast_in_dim3A_2157 : vector<16xi1>, vector<16xi32>
    %min3A_2159 = arith.minsi %min3A_2154, %select_n3A_2158 : vector<16xi32>
    %eq3A_2160 = arith.cmpf oeq, %select_n3A_2091, %add3A_2147 : vector<16xf32>
    %jit3A_2161 = arith.constant 128 : i32
    %broadcast_in_dim3A_2162 = vector.broadcast %jit3A_2161 : i32 to vector<16xi32>
    %select_n3A_2163 = arith.select %eq3A_2160, %add3A_1393, %broadcast_in_dim3A_2162 : vector<16xi1>, vector<16xi32>
    %min3A_2164 = arith.minsi %min3A_2159, %select_n3A_2163 : vector<16xi32>
    %eq3A_2165 = arith.cmpf oeq, %select_n3A_2095, %add3A_2147 : vector<16xf32>
    %jit3A_2166 = arith.constant 128 : i32
    %broadcast_in_dim3A_2167 = vector.broadcast %jit3A_2166 : i32 to vector<16xi32>
    %select_n3A_2168 = arith.select %eq3A_2165, %add3A_1396, %broadcast_in_dim3A_2167 : vector<16xi1>, vector<16xi32>
    %min3A_2169 = arith.minsi %min3A_2164, %select_n3A_2168 : vector<16xi32>
    %slice3A_2170 = vector.extract_strided_slice %min3A_2169 {offsets = [0], sizes = [1], strides = [1]} : vector<16xi32> to vector<1xi32>
    %squeeze3A_2171 = vector.extract %slice3A_2170[0] : i32 from vector<1xi32>
    %slice3A_2172 = vector.extract_strided_slice %min3A_2169 {offsets = [1], sizes = [1], strides = [1]} : vector<16xi32> to vector<1xi32>
    %squeeze3A_2173 = vector.extract %slice3A_2172[0] : i32 from vector<1xi32>
    %slice3A_2174 = vector.extract_strided_slice %min3A_2169 {offsets = [2], sizes = [1], strides = [1]} : vector<16xi32> to vector<1xi32>
    %squeeze3A_2175 = vector.extract %slice3A_2174[0] : i32 from vector<1xi32>
    %slice3A_2176 = vector.extract_strided_slice %min3A_2169 {offsets = [3], sizes = [1], strides = [1]} : vector<16xi32> to vector<1xi32>
    %squeeze3A_2177 = vector.extract %slice3A_2176[0] : i32 from vector<1xi32>
    %slice3A_2178 = vector.extract_strided_slice %min3A_2169 {offsets = [4], sizes = [1], strides = [1]} : vector<16xi32> to vector<1xi32>
    %squeeze3A_2179 = vector.extract %slice3A_2178[0] : i32 from vector<1xi32>
    %slice3A_2180 = vector.extract_strided_slice %min3A_2169 {offsets = [5], sizes = [1], strides = [1]} : vector<16xi32> to vector<1xi32>
    %squeeze3A_2181 = vector.extract %slice3A_2180[0] : i32 from vector<1xi32>
    %slice3A_2182 = vector.extract_strided_slice %min3A_2169 {offsets = [6], sizes = [1], strides = [1]} : vector<16xi32> to vector<1xi32>
    %squeeze3A_2183 = vector.extract %slice3A_2182[0] : i32 from vector<1xi32>
    %slice3A_2184 = vector.extract_strided_slice %min3A_2169 {offsets = [7], sizes = [1], strides = [1]} : vector<16xi32> to vector<1xi32>
    %squeeze3A_2185 = vector.extract %slice3A_2184[0] : i32 from vector<1xi32>
    %slice3A_2186 = vector.extract_strided_slice %min3A_2169 {offsets = [8], sizes = [1], strides = [1]} : vector<16xi32> to vector<1xi32>
    %squeeze3A_2187 = vector.extract %slice3A_2186[0] : i32 from vector<1xi32>
    %slice3A_2188 = vector.extract_strided_slice %min3A_2169 {offsets = [9], sizes = [1], strides = [1]} : vector<16xi32> to vector<1xi32>
    %squeeze3A_2189 = vector.extract %slice3A_2188[0] : i32 from vector<1xi32>
    %slice3A_2190 = vector.extract_strided_slice %min3A_2169 {offsets = [10], sizes = [1], strides = [1]} : vector<16xi32> to vector<1xi32>
    %squeeze3A_2191 = vector.extract %slice3A_2190[0] : i32 from vector<1xi32>
    %slice3A_2192 = vector.extract_strided_slice %min3A_2169 {offsets = [11], sizes = [1], strides = [1]} : vector<16xi32> to vector<1xi32>
    %squeeze3A_2193 = vector.extract %slice3A_2192[0] : i32 from vector<1xi32>
    %slice3A_2194 = vector.extract_strided_slice %min3A_2169 {offsets = [12], sizes = [1], strides = [1]} : vector<16xi32> to vector<1xi32>
    %squeeze3A_2195 = vector.extract %slice3A_2194[0] : i32 from vector<1xi32>
    %slice3A_2196 = vector.extract_strided_slice %min3A_2169 {offsets = [13], sizes = [1], strides = [1]} : vector<16xi32> to vector<1xi32>
    %squeeze3A_2197 = vector.extract %slice3A_2196[0] : i32 from vector<1xi32>
    %slice3A_2198 = vector.extract_strided_slice %min3A_2169 {offsets = [14], sizes = [1], strides = [1]} : vector<16xi32> to vector<1xi32>
    %squeeze3A_2199 = vector.extract %slice3A_2198[0] : i32 from vector<1xi32>
    %slice3A_2200 = vector.extract_strided_slice %min3A_2169 {offsets = [15], sizes = [1], strides = [1]} : vector<16xi32> to vector<1xi32>
    %squeeze3A_2201 = vector.extract %slice3A_2200[0] : i32 from vector<1xi32>
    %min3A_2202 = arith.minsi %squeeze3A_2171, %squeeze3A_2173 : i32
    %min3A_2203 = arith.minsi %squeeze3A_2175, %squeeze3A_2177 : i32
    %min3A_2204 = arith.minsi %squeeze3A_2179, %squeeze3A_2181 : i32
    %min3A_2205 = arith.minsi %squeeze3A_2183, %squeeze3A_2185 : i32
    %min3A_2206 = arith.minsi %squeeze3A_2187, %squeeze3A_2189 : i32
    %min3A_2207 = arith.minsi %squeeze3A_2191, %squeeze3A_2193 : i32
    %min3A_2208 = arith.minsi %squeeze3A_2195, %squeeze3A_2197 : i32
    %min3A_2209 = arith.minsi %squeeze3A_2199, %squeeze3A_2201 : i32
    %min3A_2210 = arith.minsi %min3A_2202, %min3A_2203 : i32
    %min3A_2211 = arith.minsi %min3A_2204, %min3A_2205 : i32
    %min3A_2212 = arith.minsi %min3A_2206, %min3A_2207 : i32
    %min3A_2213 = arith.minsi %min3A_2208, %min3A_2209 : i32
    %min3A_2214 = arith.minsi %min3A_2210, %min3A_2211 : i32
    %min3A_2215 = arith.minsi %min3A_2212, %min3A_2213 : i32
    %min3A_2216 = arith.minsi %min3A_2214, %min3A_2215 : i32
    %add3A_2217 = vector.broadcast %min3A_2216 : i32 to vector<16xi32>
    %add3A_2218 = arith.addi %broadcast_in_dim3A_1400, %add3A_2217 : vector<16xi32>
    %eq3A_2219 = arith.cmpi eq, %add3A_1387, %add3A_2218 : vector<16xi32>
    %jit3A_2220 = arith.constant -1.000000e+30 : f32
    %broadcast_in_dim3A_2221 = vector.broadcast %jit3A_2220 : f32 to vector<16xf32>
    %select_n3A_2222 = arith.select %eq3A_2219, %broadcast_in_dim3A_2221, %select_n3A_2083 : vector<16xi1>, vector<16xf32>
    %eq3A_2223 = arith.cmpi eq, %add3A_1390, %add3A_2218 : vector<16xi32>
    %jit3A_2224 = arith.constant -1.000000e+30 : f32
    %broadcast_in_dim3A_2225 = vector.broadcast %jit3A_2224 : f32 to vector<16xf32>
    %select_n3A_2226 = arith.select %eq3A_2223, %broadcast_in_dim3A_2225, %select_n3A_2087 : vector<16xi1>, vector<16xf32>
    %eq3A_2227 = arith.cmpi eq, %add3A_1393, %add3A_2218 : vector<16xi32>
    %jit3A_2228 = arith.constant -1.000000e+30 : f32
    %broadcast_in_dim3A_2229 = vector.broadcast %jit3A_2228 : f32 to vector<16xf32>
    %select_n3A_2230 = arith.select %eq3A_2227, %broadcast_in_dim3A_2229, %select_n3A_2091 : vector<16xi1>, vector<16xf32>
    %eq3A_2231 = arith.cmpi eq, %add3A_1396, %add3A_2218 : vector<16xi32>
    %jit3A_2232 = arith.constant -1.000000e+30 : f32
    %broadcast_in_dim3A_2233 = vector.broadcast %jit3A_2232 : f32 to vector<16xf32>
    %select_n3A_2234 = arith.select %eq3A_2231, %broadcast_in_dim3A_2233, %select_n3A_2095 : vector<16xi1>, vector<16xf32>
    %max3A_2235 = arith.maximumf %select_n3A_2222, %select_n3A_2226 : vector<16xf32>
    %max3A_2236 = arith.maximumf %max3A_2235, %select_n3A_2230 : vector<16xf32>
    %max3A_2237 = arith.maximumf %max3A_2236, %select_n3A_2234 : vector<16xf32>
    %slice3A_2238 = vector.extract_strided_slice %max3A_2237 {offsets = [0], sizes = [1], strides = [1]} : vector<16xf32> to vector<1xf32>
    %squeeze3A_2239 = vector.extract %slice3A_2238[0] : f32 from vector<1xf32>
    %slice3A_2240 = vector.extract_strided_slice %max3A_2237 {offsets = [1], sizes = [1], strides = [1]} : vector<16xf32> to vector<1xf32>
    %squeeze3A_2241 = vector.extract %slice3A_2240[0] : f32 from vector<1xf32>
    %slice3A_2242 = vector.extract_strided_slice %max3A_2237 {offsets = [2], sizes = [1], strides = [1]} : vector<16xf32> to vector<1xf32>
    %squeeze3A_2243 = vector.extract %slice3A_2242[0] : f32 from vector<1xf32>
    %slice3A_2244 = vector.extract_strided_slice %max3A_2237 {offsets = [3], sizes = [1], strides = [1]} : vector<16xf32> to vector<1xf32>
    %squeeze3A_2245 = vector.extract %slice3A_2244[0] : f32 from vector<1xf32>
    %slice3A_2246 = vector.extract_strided_slice %max3A_2237 {offsets = [4], sizes = [1], strides = [1]} : vector<16xf32> to vector<1xf32>
    %squeeze3A_2247 = vector.extract %slice3A_2246[0] : f32 from vector<1xf32>
    %slice3A_2248 = vector.extract_strided_slice %max3A_2237 {offsets = [5], sizes = [1], strides = [1]} : vector<16xf32> to vector<1xf32>
    %squeeze3A_2249 = vector.extract %slice3A_2248[0] : f32 from vector<1xf32>
    %slice3A_2250 = vector.extract_strided_slice %max3A_2237 {offsets = [6], sizes = [1], strides = [1]} : vector<16xf32> to vector<1xf32>
    %squeeze3A_2251 = vector.extract %slice3A_2250[0] : f32 from vector<1xf32>
    %slice3A_2252 = vector.extract_strided_slice %max3A_2237 {offsets = [7], sizes = [1], strides = [1]} : vector<16xf32> to vector<1xf32>
    %squeeze3A_2253 = vector.extract %slice3A_2252[0] : f32 from vector<1xf32>
    %slice3A_2254 = vector.extract_strided_slice %max3A_2237 {offsets = [8], sizes = [1], strides = [1]} : vector<16xf32> to vector<1xf32>
    %squeeze3A_2255 = vector.extract %slice3A_2254[0] : f32 from vector<1xf32>
    %slice3A_2256 = vector.extract_strided_slice %max3A_2237 {offsets = [9], sizes = [1], strides = [1]} : vector<16xf32> to vector<1xf32>
    %squeeze3A_2257 = vector.extract %slice3A_2256[0] : f32 from vector<1xf32>
    %slice3A_2258 = vector.extract_strided_slice %max3A_2237 {offsets = [10], sizes = [1], strides = [1]} : vector<16xf32> to vector<1xf32>
    %squeeze3A_2259 = vector.extract %slice3A_2258[0] : f32 from vector<1xf32>
    %slice3A_2260 = vector.extract_strided_slice %max3A_2237 {offsets = [11], sizes = [1], strides = [1]} : vector<16xf32> to vector<1xf32>
    %squeeze3A_2261 = vector.extract %slice3A_2260[0] : f32 from vector<1xf32>
    %slice3A_2262 = vector.extract_strided_slice %max3A_2237 {offsets = [12], sizes = [1], strides = [1]} : vector<16xf32> to vector<1xf32>
    %squeeze3A_2263 = vector.extract %slice3A_2262[0] : f32 from vector<1xf32>
    %slice3A_2264 = vector.extract_strided_slice %max3A_2237 {offsets = [13], sizes = [1], strides = [1]} : vector<16xf32> to vector<1xf32>
    %squeeze3A_2265 = vector.extract %slice3A_2264[0] : f32 from vector<1xf32>
    %slice3A_2266 = vector.extract_strided_slice %max3A_2237 {offsets = [14], sizes = [1], strides = [1]} : vector<16xf32> to vector<1xf32>
    %squeeze3A_2267 = vector.extract %slice3A_2266[0] : f32 from vector<1xf32>
    %slice3A_2268 = vector.extract_strided_slice %max3A_2237 {offsets = [15], sizes = [1], strides = [1]} : vector<16xf32> to vector<1xf32>
    %squeeze3A_2269 = vector.extract %slice3A_2268[0] : f32 from vector<1xf32>
    %max3A_2270 = arith.maximumf %squeeze3A_2239, %squeeze3A_2241 : f32
    %max3A_2271 = arith.maximumf %squeeze3A_2243, %squeeze3A_2245 : f32
    %max3A_2272 = arith.maximumf %squeeze3A_2247, %squeeze3A_2249 : f32
    %max3A_2273 = arith.maximumf %squeeze3A_2251, %squeeze3A_2253 : f32
    %max3A_2274 = arith.maximumf %squeeze3A_2255, %squeeze3A_2257 : f32
    %max3A_2275 = arith.maximumf %squeeze3A_2259, %squeeze3A_2261 : f32
    %max3A_2276 = arith.maximumf %squeeze3A_2263, %squeeze3A_2265 : f32
    %max3A_2277 = arith.maximumf %squeeze3A_2267, %squeeze3A_2269 : f32
    %max3A_2278 = arith.maximumf %max3A_2270, %max3A_2271 : f32
    %max3A_2279 = arith.maximumf %max3A_2272, %max3A_2273 : f32
    %max3A_2280 = arith.maximumf %max3A_2274, %max3A_2275 : f32
    %max3A_2281 = arith.maximumf %max3A_2276, %max3A_2277 : f32
    %max3A_2282 = arith.maximumf %max3A_2278, %max3A_2279 : f32
    %max3A_2283 = arith.maximumf %max3A_2280, %max3A_2281 : f32
    %max3A_2284 = arith.maximumf %max3A_2282, %max3A_2283 : f32
    %add3A_2285 = vector.broadcast %max3A_2284 : f32 to vector<16xf32>
    %add3A_2286 = arith.addf %broadcast_in_dim3A_1398, %add3A_2285 : vector<16xf32>
    %broadcast_in_dim3A_2287 = arith.constant 128 : i32
    %broadcast_in_dim3A_2288 = vector.broadcast %broadcast_in_dim3A_2287 : i32 to vector<16xi32>
    %eq3A_2289 = arith.cmpf oeq, %select_n3A_2222, %add3A_2286 : vector<16xf32>
    %jit3A_2290 = arith.constant 128 : i32
    %broadcast_in_dim3A_2291 = vector.broadcast %jit3A_2290 : i32 to vector<16xi32>
    %select_n3A_2292 = arith.select %eq3A_2289, %add3A_1387, %broadcast_in_dim3A_2291 : vector<16xi1>, vector<16xi32>
    %min3A_2293 = arith.minsi %broadcast_in_dim3A_2288, %select_n3A_2292 : vector<16xi32>
    %eq3A_2294 = arith.cmpf oeq, %select_n3A_2226, %add3A_2286 : vector<16xf32>
    %jit3A_2295 = arith.constant 128 : i32
    %broadcast_in_dim3A_2296 = vector.broadcast %jit3A_2295 : i32 to vector<16xi32>
    %select_n3A_2297 = arith.select %eq3A_2294, %add3A_1390, %broadcast_in_dim3A_2296 : vector<16xi1>, vector<16xi32>
    %min3A_2298 = arith.minsi %min3A_2293, %select_n3A_2297 : vector<16xi32>
    %eq3A_2299 = arith.cmpf oeq, %select_n3A_2230, %add3A_2286 : vector<16xf32>
    %jit3A_2300 = arith.constant 128 : i32
    %broadcast_in_dim3A_2301 = vector.broadcast %jit3A_2300 : i32 to vector<16xi32>
    %select_n3A_2302 = arith.select %eq3A_2299, %add3A_1393, %broadcast_in_dim3A_2301 : vector<16xi1>, vector<16xi32>
    %min3A_2303 = arith.minsi %min3A_2298, %select_n3A_2302 : vector<16xi32>
    %eq3A_2304 = arith.cmpf oeq, %select_n3A_2234, %add3A_2286 : vector<16xf32>
    %jit3A_2305 = arith.constant 128 : i32
    %broadcast_in_dim3A_2306 = vector.broadcast %jit3A_2305 : i32 to vector<16xi32>
    %select_n3A_2307 = arith.select %eq3A_2304, %add3A_1396, %broadcast_in_dim3A_2306 : vector<16xi1>, vector<16xi32>
    %min3A_2308 = arith.minsi %min3A_2303, %select_n3A_2307 : vector<16xi32>
    %slice3A_2309 = vector.extract_strided_slice %min3A_2308 {offsets = [0], sizes = [1], strides = [1]} : vector<16xi32> to vector<1xi32>
    %squeeze3A_2310 = vector.extract %slice3A_2309[0] : i32 from vector<1xi32>
    %slice3A_2311 = vector.extract_strided_slice %min3A_2308 {offsets = [1], sizes = [1], strides = [1]} : vector<16xi32> to vector<1xi32>
    %squeeze3A_2312 = vector.extract %slice3A_2311[0] : i32 from vector<1xi32>
    %slice3A_2313 = vector.extract_strided_slice %min3A_2308 {offsets = [2], sizes = [1], strides = [1]} : vector<16xi32> to vector<1xi32>
    %squeeze3A_2314 = vector.extract %slice3A_2313[0] : i32 from vector<1xi32>
    %slice3A_2315 = vector.extract_strided_slice %min3A_2308 {offsets = [3], sizes = [1], strides = [1]} : vector<16xi32> to vector<1xi32>
    %squeeze3A_2316 = vector.extract %slice3A_2315[0] : i32 from vector<1xi32>
    %slice3A_2317 = vector.extract_strided_slice %min3A_2308 {offsets = [4], sizes = [1], strides = [1]} : vector<16xi32> to vector<1xi32>
    %squeeze3A_2318 = vector.extract %slice3A_2317[0] : i32 from vector<1xi32>
    %slice3A_2319 = vector.extract_strided_slice %min3A_2308 {offsets = [5], sizes = [1], strides = [1]} : vector<16xi32> to vector<1xi32>
    %squeeze3A_2320 = vector.extract %slice3A_2319[0] : i32 from vector<1xi32>
    %slice3A_2321 = vector.extract_strided_slice %min3A_2308 {offsets = [6], sizes = [1], strides = [1]} : vector<16xi32> to vector<1xi32>
    %squeeze3A_2322 = vector.extract %slice3A_2321[0] : i32 from vector<1xi32>
    %slice3A_2323 = vector.extract_strided_slice %min3A_2308 {offsets = [7], sizes = [1], strides = [1]} : vector<16xi32> to vector<1xi32>
    %squeeze3A_2324 = vector.extract %slice3A_2323[0] : i32 from vector<1xi32>
    %slice3A_2325 = vector.extract_strided_slice %min3A_2308 {offsets = [8], sizes = [1], strides = [1]} : vector<16xi32> to vector<1xi32>
    %squeeze3A_2326 = vector.extract %slice3A_2325[0] : i32 from vector<1xi32>
    %slice3A_2327 = vector.extract_strided_slice %min3A_2308 {offsets = [9], sizes = [1], strides = [1]} : vector<16xi32> to vector<1xi32>
    %squeeze3A_2328 = vector.extract %slice3A_2327[0] : i32 from vector<1xi32>
    %slice3A_2329 = vector.extract_strided_slice %min3A_2308 {offsets = [10], sizes = [1], strides = [1]} : vector<16xi32> to vector<1xi32>
    %squeeze3A_2330 = vector.extract %slice3A_2329[0] : i32 from vector<1xi32>
    %slice3A_2331 = vector.extract_strided_slice %min3A_2308 {offsets = [11], sizes = [1], strides = [1]} : vector<16xi32> to vector<1xi32>
    %squeeze3A_2332 = vector.extract %slice3A_2331[0] : i32 from vector<1xi32>
    %slice3A_2333 = vector.extract_strided_slice %min3A_2308 {offsets = [12], sizes = [1], strides = [1]} : vector<16xi32> to vector<1xi32>
    %squeeze3A_2334 = vector.extract %slice3A_2333[0] : i32 from vector<1xi32>
    %slice3A_2335 = vector.extract_strided_slice %min3A_2308 {offsets = [13], sizes = [1], strides = [1]} : vector<16xi32> to vector<1xi32>
    %squeeze3A_2336 = vector.extract %slice3A_2335[0] : i32 from vector<1xi32>
    %slice3A_2337 = vector.extract_strided_slice %min3A_2308 {offsets = [14], sizes = [1], strides = [1]} : vector<16xi32> to vector<1xi32>
    %squeeze3A_2338 = vector.extract %slice3A_2337[0] : i32 from vector<1xi32>
    %slice3A_2339 = vector.extract_strided_slice %min3A_2308 {offsets = [15], sizes = [1], strides = [1]} : vector<16xi32> to vector<1xi32>
    %squeeze3A_2340 = vector.extract %slice3A_2339[0] : i32 from vector<1xi32>
    %min3A_2341 = arith.minsi %squeeze3A_2310, %squeeze3A_2312 : i32
    %min3A_2342 = arith.minsi %squeeze3A_2314, %squeeze3A_2316 : i32
    %min3A_2343 = arith.minsi %squeeze3A_2318, %squeeze3A_2320 : i32
    %min3A_2344 = arith.minsi %squeeze3A_2322, %squeeze3A_2324 : i32
    %min3A_2345 = arith.minsi %squeeze3A_2326, %squeeze3A_2328 : i32
    %min3A_2346 = arith.minsi %squeeze3A_2330, %squeeze3A_2332 : i32
    %min3A_2347 = arith.minsi %squeeze3A_2334, %squeeze3A_2336 : i32
    %min3A_2348 = arith.minsi %squeeze3A_2338, %squeeze3A_2340 : i32
    %min3A_2349 = arith.minsi %min3A_2341, %min3A_2342 : i32
    %min3A_2350 = arith.minsi %min3A_2343, %min3A_2344 : i32
    %min3A_2351 = arith.minsi %min3A_2345, %min3A_2346 : i32
    %min3A_2352 = arith.minsi %min3A_2347, %min3A_2348 : i32
    %min3A_2353 = arith.minsi %min3A_2349, %min3A_2350 : i32
    %min3A_2354 = arith.minsi %min3A_2351, %min3A_2352 : i32
    %min3A_2355 = arith.minsi %min3A_2353, %min3A_2354 : i32
    %add3A_2356 = vector.broadcast %min3A_2355 : i32 to vector<16xi32>
    %add3A_2357 = arith.addi %broadcast_in_dim3A_1400, %add3A_2356 : vector<16xi32>
    %eq3A_2358 = arith.cmpi eq, %add3A_1387, %add3A_2357 : vector<16xi32>
    %jit3A_2359 = arith.constant -1.000000e+30 : f32
    %broadcast_in_dim3A_2360 = vector.broadcast %jit3A_2359 : f32 to vector<16xf32>
    %select_n3A_2361 = arith.select %eq3A_2358, %broadcast_in_dim3A_2360, %select_n3A_2222 : vector<16xi1>, vector<16xf32>
    %eq3A_2362 = arith.cmpi eq, %add3A_1390, %add3A_2357 : vector<16xi32>
    %jit3A_2363 = arith.constant -1.000000e+30 : f32
    %broadcast_in_dim3A_2364 = vector.broadcast %jit3A_2363 : f32 to vector<16xf32>
    %select_n3A_2365 = arith.select %eq3A_2362, %broadcast_in_dim3A_2364, %select_n3A_2226 : vector<16xi1>, vector<16xf32>
    %eq3A_2366 = arith.cmpi eq, %add3A_1393, %add3A_2357 : vector<16xi32>
    %jit3A_2367 = arith.constant -1.000000e+30 : f32
    %broadcast_in_dim3A_2368 = vector.broadcast %jit3A_2367 : f32 to vector<16xf32>
    %select_n3A_2369 = arith.select %eq3A_2366, %broadcast_in_dim3A_2368, %select_n3A_2230 : vector<16xi1>, vector<16xf32>
    %eq3A_2370 = arith.cmpi eq, %add3A_1396, %add3A_2357 : vector<16xi32>
    %jit3A_2371 = arith.constant -1.000000e+30 : f32
    %broadcast_in_dim3A_2372 = vector.broadcast %jit3A_2371 : f32 to vector<16xf32>
    %select_n3A_2373 = arith.select %eq3A_2370, %broadcast_in_dim3A_2372, %select_n3A_2234 : vector<16xi1>, vector<16xf32>
    %max3A_2374 = arith.maximumf %select_n3A_2361, %select_n3A_2365 : vector<16xf32>
    %max3A_2375 = arith.maximumf %max3A_2374, %select_n3A_2369 : vector<16xf32>
    %max3A_2376 = arith.maximumf %max3A_2375, %select_n3A_2373 : vector<16xf32>
    %slice3A_2377 = vector.extract_strided_slice %max3A_2376 {offsets = [0], sizes = [1], strides = [1]} : vector<16xf32> to vector<1xf32>
    %squeeze3A_2378 = vector.extract %slice3A_2377[0] : f32 from vector<1xf32>
    %slice3A_2379 = vector.extract_strided_slice %max3A_2376 {offsets = [1], sizes = [1], strides = [1]} : vector<16xf32> to vector<1xf32>
    %squeeze3A_2380 = vector.extract %slice3A_2379[0] : f32 from vector<1xf32>
    %slice3A_2381 = vector.extract_strided_slice %max3A_2376 {offsets = [2], sizes = [1], strides = [1]} : vector<16xf32> to vector<1xf32>
    %squeeze3A_2382 = vector.extract %slice3A_2381[0] : f32 from vector<1xf32>
    %slice3A_2383 = vector.extract_strided_slice %max3A_2376 {offsets = [3], sizes = [1], strides = [1]} : vector<16xf32> to vector<1xf32>
    %squeeze3A_2384 = vector.extract %slice3A_2383[0] : f32 from vector<1xf32>
    %slice3A_2385 = vector.extract_strided_slice %max3A_2376 {offsets = [4], sizes = [1], strides = [1]} : vector<16xf32> to vector<1xf32>
    %squeeze3A_2386 = vector.extract %slice3A_2385[0] : f32 from vector<1xf32>
    %slice3A_2387 = vector.extract_strided_slice %max3A_2376 {offsets = [5], sizes = [1], strides = [1]} : vector<16xf32> to vector<1xf32>
    %squeeze3A_2388 = vector.extract %slice3A_2387[0] : f32 from vector<1xf32>
    %slice3A_2389 = vector.extract_strided_slice %max3A_2376 {offsets = [6], sizes = [1], strides = [1]} : vector<16xf32> to vector<1xf32>
    %squeeze3A_2390 = vector.extract %slice3A_2389[0] : f32 from vector<1xf32>
    %slice3A_2391 = vector.extract_strided_slice %max3A_2376 {offsets = [7], sizes = [1], strides = [1]} : vector<16xf32> to vector<1xf32>
    %squeeze3A_2392 = vector.extract %slice3A_2391[0] : f32 from vector<1xf32>
    %slice3A_2393 = vector.extract_strided_slice %max3A_2376 {offsets = [8], sizes = [1], strides = [1]} : vector<16xf32> to vector<1xf32>
    %squeeze3A_2394 = vector.extract %slice3A_2393[0] : f32 from vector<1xf32>
    %slice3A_2395 = vector.extract_strided_slice %max3A_2376 {offsets = [9], sizes = [1], strides = [1]} : vector<16xf32> to vector<1xf32>
    %squeeze3A_2396 = vector.extract %slice3A_2395[0] : f32 from vector<1xf32>
    %slice3A_2397 = vector.extract_strided_slice %max3A_2376 {offsets = [10], sizes = [1], strides = [1]} : vector<16xf32> to vector<1xf32>
    %squeeze3A_2398 = vector.extract %slice3A_2397[0] : f32 from vector<1xf32>
    %slice3A_2399 = vector.extract_strided_slice %max3A_2376 {offsets = [11], sizes = [1], strides = [1]} : vector<16xf32> to vector<1xf32>
    %squeeze3A_2400 = vector.extract %slice3A_2399[0] : f32 from vector<1xf32>
    %slice3A_2401 = vector.extract_strided_slice %max3A_2376 {offsets = [12], sizes = [1], strides = [1]} : vector<16xf32> to vector<1xf32>
    %squeeze3A_2402 = vector.extract %slice3A_2401[0] : f32 from vector<1xf32>
    %slice3A_2403 = vector.extract_strided_slice %max3A_2376 {offsets = [13], sizes = [1], strides = [1]} : vector<16xf32> to vector<1xf32>
    %squeeze3A_2404 = vector.extract %slice3A_2403[0] : f32 from vector<1xf32>
    %slice3A_2405 = vector.extract_strided_slice %max3A_2376 {offsets = [14], sizes = [1], strides = [1]} : vector<16xf32> to vector<1xf32>
    %squeeze3A_2406 = vector.extract %slice3A_2405[0] : f32 from vector<1xf32>
    %slice3A_2407 = vector.extract_strided_slice %max3A_2376 {offsets = [15], sizes = [1], strides = [1]} : vector<16xf32> to vector<1xf32>
    %squeeze3A_2408 = vector.extract %slice3A_2407[0] : f32 from vector<1xf32>
    %max3A_2409 = arith.maximumf %squeeze3A_2378, %squeeze3A_2380 : f32
    %max3A_2410 = arith.maximumf %squeeze3A_2382, %squeeze3A_2384 : f32
    %max3A_2411 = arith.maximumf %squeeze3A_2386, %squeeze3A_2388 : f32
    %max3A_2412 = arith.maximumf %squeeze3A_2390, %squeeze3A_2392 : f32
    %max3A_2413 = arith.maximumf %squeeze3A_2394, %squeeze3A_2396 : f32
    %max3A_2414 = arith.maximumf %squeeze3A_2398, %squeeze3A_2400 : f32
    %max3A_2415 = arith.maximumf %squeeze3A_2402, %squeeze3A_2404 : f32
    %max3A_2416 = arith.maximumf %squeeze3A_2406, %squeeze3A_2408 : f32
    %max3A_2417 = arith.maximumf %max3A_2409, %max3A_2410 : f32
    %max3A_2418 = arith.maximumf %max3A_2411, %max3A_2412 : f32
    %max3A_2419 = arith.maximumf %max3A_2413, %max3A_2414 : f32
    %max3A_2420 = arith.maximumf %max3A_2415, %max3A_2416 : f32
    %max3A_2421 = arith.maximumf %max3A_2417, %max3A_2418 : f32
    %max3A_2422 = arith.maximumf %max3A_2419, %max3A_2420 : f32
    %max3A_2423 = arith.maximumf %max3A_2421, %max3A_2422 : f32
    %add3A_2424 = vector.broadcast %max3A_2423 : f32 to vector<16xf32>
    %add3A_2425 = arith.addf %broadcast_in_dim3A_1398, %add3A_2424 : vector<16xf32>
    %broadcast_in_dim3A_2426 = arith.constant 128 : i32
    %broadcast_in_dim3A_2427 = vector.broadcast %broadcast_in_dim3A_2426 : i32 to vector<16xi32>
    %eq3A_2428 = arith.cmpf oeq, %select_n3A_2361, %add3A_2425 : vector<16xf32>
    %jit3A_2429 = arith.constant 128 : i32
    %broadcast_in_dim3A_2430 = vector.broadcast %jit3A_2429 : i32 to vector<16xi32>
    %select_n3A_2431 = arith.select %eq3A_2428, %add3A_1387, %broadcast_in_dim3A_2430 : vector<16xi1>, vector<16xi32>
    %min3A_2432 = arith.minsi %broadcast_in_dim3A_2427, %select_n3A_2431 : vector<16xi32>
    %eq3A_2433 = arith.cmpf oeq, %select_n3A_2365, %add3A_2425 : vector<16xf32>
    %jit3A_2434 = arith.constant 128 : i32
    %broadcast_in_dim3A_2435 = vector.broadcast %jit3A_2434 : i32 to vector<16xi32>
    %select_n3A_2436 = arith.select %eq3A_2433, %add3A_1390, %broadcast_in_dim3A_2435 : vector<16xi1>, vector<16xi32>
    %min3A_2437 = arith.minsi %min3A_2432, %select_n3A_2436 : vector<16xi32>
    %eq3A_2438 = arith.cmpf oeq, %select_n3A_2369, %add3A_2425 : vector<16xf32>
    %jit3A_2439 = arith.constant 128 : i32
    %broadcast_in_dim3A_2440 = vector.broadcast %jit3A_2439 : i32 to vector<16xi32>
    %select_n3A_2441 = arith.select %eq3A_2438, %add3A_1393, %broadcast_in_dim3A_2440 : vector<16xi1>, vector<16xi32>
    %min3A_2442 = arith.minsi %min3A_2437, %select_n3A_2441 : vector<16xi32>
    %eq3A_2443 = arith.cmpf oeq, %select_n3A_2373, %add3A_2425 : vector<16xf32>
    %jit3A_2444 = arith.constant 128 : i32
    %broadcast_in_dim3A_2445 = vector.broadcast %jit3A_2444 : i32 to vector<16xi32>
    %select_n3A_2446 = arith.select %eq3A_2443, %add3A_1396, %broadcast_in_dim3A_2445 : vector<16xi1>, vector<16xi32>
    %min3A_2447 = arith.minsi %min3A_2442, %select_n3A_2446 : vector<16xi32>
    %slice3A_2448 = vector.extract_strided_slice %min3A_2447 {offsets = [0], sizes = [1], strides = [1]} : vector<16xi32> to vector<1xi32>
    %squeeze3A_2449 = vector.extract %slice3A_2448[0] : i32 from vector<1xi32>
    %slice3A_2450 = vector.extract_strided_slice %min3A_2447 {offsets = [1], sizes = [1], strides = [1]} : vector<16xi32> to vector<1xi32>
    %squeeze3A_2451 = vector.extract %slice3A_2450[0] : i32 from vector<1xi32>
    %slice3A_2452 = vector.extract_strided_slice %min3A_2447 {offsets = [2], sizes = [1], strides = [1]} : vector<16xi32> to vector<1xi32>
    %squeeze3A_2453 = vector.extract %slice3A_2452[0] : i32 from vector<1xi32>
    %slice3A_2454 = vector.extract_strided_slice %min3A_2447 {offsets = [3], sizes = [1], strides = [1]} : vector<16xi32> to vector<1xi32>
    %squeeze3A_2455 = vector.extract %slice3A_2454[0] : i32 from vector<1xi32>
    %slice3A_2456 = vector.extract_strided_slice %min3A_2447 {offsets = [4], sizes = [1], strides = [1]} : vector<16xi32> to vector<1xi32>
    %squeeze3A_2457 = vector.extract %slice3A_2456[0] : i32 from vector<1xi32>
    %slice3A_2458 = vector.extract_strided_slice %min3A_2447 {offsets = [5], sizes = [1], strides = [1]} : vector<16xi32> to vector<1xi32>
    %squeeze3A_2459 = vector.extract %slice3A_2458[0] : i32 from vector<1xi32>
    %slice3A_2460 = vector.extract_strided_slice %min3A_2447 {offsets = [6], sizes = [1], strides = [1]} : vector<16xi32> to vector<1xi32>
    %squeeze3A_2461 = vector.extract %slice3A_2460[0] : i32 from vector<1xi32>
    %slice3A_2462 = vector.extract_strided_slice %min3A_2447 {offsets = [7], sizes = [1], strides = [1]} : vector<16xi32> to vector<1xi32>
    %squeeze3A_2463 = vector.extract %slice3A_2462[0] : i32 from vector<1xi32>
    %slice3A_2464 = vector.extract_strided_slice %min3A_2447 {offsets = [8], sizes = [1], strides = [1]} : vector<16xi32> to vector<1xi32>
    %squeeze3A_2465 = vector.extract %slice3A_2464[0] : i32 from vector<1xi32>
    %slice3A_2466 = vector.extract_strided_slice %min3A_2447 {offsets = [9], sizes = [1], strides = [1]} : vector<16xi32> to vector<1xi32>
    %squeeze3A_2467 = vector.extract %slice3A_2466[0] : i32 from vector<1xi32>
    %slice3A_2468 = vector.extract_strided_slice %min3A_2447 {offsets = [10], sizes = [1], strides = [1]} : vector<16xi32> to vector<1xi32>
    %squeeze3A_2469 = vector.extract %slice3A_2468[0] : i32 from vector<1xi32>
    %slice3A_2470 = vector.extract_strided_slice %min3A_2447 {offsets = [11], sizes = [1], strides = [1]} : vector<16xi32> to vector<1xi32>
    %squeeze3A_2471 = vector.extract %slice3A_2470[0] : i32 from vector<1xi32>
    %slice3A_2472 = vector.extract_strided_slice %min3A_2447 {offsets = [12], sizes = [1], strides = [1]} : vector<16xi32> to vector<1xi32>
    %squeeze3A_2473 = vector.extract %slice3A_2472[0] : i32 from vector<1xi32>
    %slice3A_2474 = vector.extract_strided_slice %min3A_2447 {offsets = [13], sizes = [1], strides = [1]} : vector<16xi32> to vector<1xi32>
    %squeeze3A_2475 = vector.extract %slice3A_2474[0] : i32 from vector<1xi32>
    %slice3A_2476 = vector.extract_strided_slice %min3A_2447 {offsets = [14], sizes = [1], strides = [1]} : vector<16xi32> to vector<1xi32>
    %squeeze3A_2477 = vector.extract %slice3A_2476[0] : i32 from vector<1xi32>
    %slice3A_2478 = vector.extract_strided_slice %min3A_2447 {offsets = [15], sizes = [1], strides = [1]} : vector<16xi32> to vector<1xi32>
    %squeeze3A_2479 = vector.extract %slice3A_2478[0] : i32 from vector<1xi32>
    %min3A_2480 = arith.minsi %squeeze3A_2449, %squeeze3A_2451 : i32
    %min3A_2481 = arith.minsi %squeeze3A_2453, %squeeze3A_2455 : i32
    %min3A_2482 = arith.minsi %squeeze3A_2457, %squeeze3A_2459 : i32
    %min3A_2483 = arith.minsi %squeeze3A_2461, %squeeze3A_2463 : i32
    %min3A_2484 = arith.minsi %squeeze3A_2465, %squeeze3A_2467 : i32
    %min3A_2485 = arith.minsi %squeeze3A_2469, %squeeze3A_2471 : i32
    %min3A_2486 = arith.minsi %squeeze3A_2473, %squeeze3A_2475 : i32
    %min3A_2487 = arith.minsi %squeeze3A_2477, %squeeze3A_2479 : i32
    %min3A_2488 = arith.minsi %min3A_2480, %min3A_2481 : i32
    %min3A_2489 = arith.minsi %min3A_2482, %min3A_2483 : i32
    %min3A_2490 = arith.minsi %min3A_2484, %min3A_2485 : i32
    %min3A_2491 = arith.minsi %min3A_2486, %min3A_2487 : i32
    %min3A_2492 = arith.minsi %min3A_2488, %min3A_2489 : i32
    %min3A_2493 = arith.minsi %min3A_2490, %min3A_2491 : i32
    %min3A_2494 = arith.minsi %min3A_2492, %min3A_2493 : i32
    %add3A_2495 = vector.broadcast %min3A_2494 : i32 to vector<16xi32>
    %add3A_2496 = arith.addi %broadcast_in_dim3A_1400, %add3A_2495 : vector<16xi32>
    %eq3A_2497 = arith.cmpi eq, %add3A_1387, %add3A_2496 : vector<16xi32>
    %jit3A_2498 = arith.constant -1.000000e+30 : f32
    %broadcast_in_dim3A_2499 = vector.broadcast %jit3A_2498 : f32 to vector<16xf32>
    %select_n3A_2500 = arith.select %eq3A_2497, %broadcast_in_dim3A_2499, %select_n3A_2361 : vector<16xi1>, vector<16xf32>
    %eq3A_2501 = arith.cmpi eq, %add3A_1390, %add3A_2496 : vector<16xi32>
    %jit3A_2502 = arith.constant -1.000000e+30 : f32
    %broadcast_in_dim3A_2503 = vector.broadcast %jit3A_2502 : f32 to vector<16xf32>
    %select_n3A_2504 = arith.select %eq3A_2501, %broadcast_in_dim3A_2503, %select_n3A_2365 : vector<16xi1>, vector<16xf32>
    %eq3A_2505 = arith.cmpi eq, %add3A_1393, %add3A_2496 : vector<16xi32>
    %jit3A_2506 = arith.constant -1.000000e+30 : f32
    %broadcast_in_dim3A_2507 = vector.broadcast %jit3A_2506 : f32 to vector<16xf32>
    %select_n3A_2508 = arith.select %eq3A_2505, %broadcast_in_dim3A_2507, %select_n3A_2369 : vector<16xi1>, vector<16xf32>
    %eq3A_2509 = arith.cmpi eq, %add3A_1396, %add3A_2496 : vector<16xi32>
    %jit3A_2510 = arith.constant -1.000000e+30 : f32
    %broadcast_in_dim3A_2511 = vector.broadcast %jit3A_2510 : f32 to vector<16xf32>
    %select_n3A_2512 = arith.select %eq3A_2509, %broadcast_in_dim3A_2511, %select_n3A_2373 : vector<16xi1>, vector<16xf32>
    %add3A_2513 = arith.addf %max3A_1450, %max3A_1589 : f32
    %add3A_2514 = arith.addf %add3A_2513, %max3A_1728 : f32
    %add3A_2515 = arith.addf %add3A_2514, %max3A_1867 : f32
    %add3A_2516 = arith.addf %add3A_2515, %max3A_2006 : f32
    %add3A_2517 = arith.addf %add3A_2516, %max3A_2145 : f32
    %add3A_2518 = arith.addf %add3A_2517, %max3A_2284 : f32
    %add3A_2519 = arith.addf %add3A_2518, %max3A_2423 : f32
    %add3A_2520 = vector.broadcast %add3A_2519 : f32 to vector<16xf32>
    %add3A_2521 = arith.addf %broadcast_in_dim3A_1398, %add3A_2520 : vector<16xf32>
    %add3A_2522 = vector.broadcast %max3A_1450 : f32 to vector<16xf32>
    %add3A_2523 = arith.addf %broadcast_in_dim3A_1398, %add3A_2522 : vector<16xf32>
    %div3A_2524 = arith.divf %add3A_2523, %add3A_2521 : vector<16xf32>
    %add3A_2525 = vector.broadcast %max3A_1589 : f32 to vector<16xf32>
    %add3A_2526 = arith.addf %broadcast_in_dim3A_1398, %add3A_2525 : vector<16xf32>
    %div3A_2527 = arith.divf %add3A_2526, %add3A_2521 : vector<16xf32>
    %add3A_2528 = vector.broadcast %max3A_1728 : f32 to vector<16xf32>
    %add3A_2529 = arith.addf %broadcast_in_dim3A_1398, %add3A_2528 : vector<16xf32>
    %div3A_2530 = arith.divf %add3A_2529, %add3A_2521 : vector<16xf32>
    %add3A_2531 = vector.broadcast %max3A_1867 : f32 to vector<16xf32>
    %add3A_2532 = arith.addf %broadcast_in_dim3A_1398, %add3A_2531 : vector<16xf32>
    %div3A_2533 = arith.divf %add3A_2532, %add3A_2521 : vector<16xf32>
    %add3A_2534 = vector.broadcast %max3A_2006 : f32 to vector<16xf32>
    %add3A_2535 = arith.addf %broadcast_in_dim3A_1398, %add3A_2534 : vector<16xf32>
    %div3A_2536 = arith.divf %add3A_2535, %add3A_2521 : vector<16xf32>
    %add3A_2537 = vector.broadcast %max3A_2145 : f32 to vector<16xf32>
    %add3A_2538 = arith.addf %broadcast_in_dim3A_1398, %add3A_2537 : vector<16xf32>
    %div3A_2539 = arith.divf %add3A_2538, %add3A_2521 : vector<16xf32>
    %add3A_2540 = vector.broadcast %max3A_2284 : f32 to vector<16xf32>
    %add3A_2541 = arith.addf %broadcast_in_dim3A_1398, %add3A_2540 : vector<16xf32>
    %div3A_2542 = arith.divf %add3A_2541, %add3A_2521 : vector<16xf32>
    %add3A_2543 = vector.broadcast %max3A_2423 : f32 to vector<16xf32>
    %add3A_2544 = arith.addf %broadcast_in_dim3A_1398, %add3A_2543 : vector<16xf32>
    %div3A_2545 = arith.divf %add3A_2544, %add3A_2521 : vector<16xf32>
    %min3A_2546 = arith.minsi %min3A_1521, %min3A_1660 : i32
    %max3A_2547 = arith.maxsi %min3A_1521, %min3A_1660 : i32
    %min3A_2548 = arith.minsi %min3A_1799, %min3A_1938 : i32
    %max3A_2549 = arith.maxsi %min3A_1799, %min3A_1938 : i32
    %min3A_2550 = arith.minsi %min3A_2077, %min3A_2216 : i32
    %max3A_2551 = arith.maxsi %min3A_2077, %min3A_2216 : i32
    %min3A_2552 = arith.minsi %min3A_2355, %min3A_2494 : i32
    %max3A_2553 = arith.maxsi %min3A_2355, %min3A_2494 : i32
    %min3A_2554 = arith.minsi %min3A_2546, %min3A_2548 : i32
    %max3A_2555 = arith.maxsi %min3A_2546, %min3A_2548 : i32
    %min3A_2556 = arith.minsi %max3A_2547, %max3A_2549 : i32
    %max3A_2557 = arith.maxsi %max3A_2547, %max3A_2549 : i32
    %min3A_2558 = arith.minsi %min3A_2550, %min3A_2552 : i32
    %max3A_2559 = arith.maxsi %min3A_2550, %min3A_2552 : i32
    %min3A_2560 = arith.minsi %max3A_2551, %max3A_2553 : i32
    %max3A_2561 = arith.maxsi %max3A_2551, %max3A_2553 : i32
    %min3A_2562 = arith.minsi %min3A_2556, %max3A_2555 : i32
    %max3A_2563 = arith.maxsi %min3A_2556, %max3A_2555 : i32
    %min3A_2564 = arith.minsi %min3A_2560, %max3A_2559 : i32
    %max3A_2565 = arith.maxsi %min3A_2560, %max3A_2559 : i32
    %min3A_2566 = arith.minsi %min3A_2554, %min3A_2558 : i32
    %max3A_2567 = arith.maxsi %min3A_2554, %min3A_2558 : i32
    %min3A_2568 = arith.minsi %max3A_2557, %max3A_2561 : i32
    %max3A_2569 = arith.maxsi %max3A_2557, %max3A_2561 : i32
    %min3A_2570 = arith.minsi %min3A_2562, %min3A_2564 : i32
    %max3A_2571 = arith.maxsi %min3A_2562, %min3A_2564 : i32
    %min3A_2572 = arith.minsi %max3A_2563, %max3A_2565 : i32
    %max3A_2573 = arith.maxsi %max3A_2563, %max3A_2565 : i32
    %min3A_2574 = arith.minsi %min3A_2570, %max3A_2567 : i32
    %max3A_2575 = arith.maxsi %min3A_2570, %max3A_2567 : i32
    %min3A_2576 = arith.minsi %min3A_2568, %max3A_2573 : i32
    %max3A_2577 = arith.maxsi %min3A_2568, %max3A_2573 : i32
    %min3A_2578 = arith.minsi %min3A_2572, %max3A_2575 : i32
    %max3A_2579 = arith.maxsi %min3A_2572, %max3A_2575 : i32
    %min3A_2580 = arith.minsi %min3A_2576, %max3A_2571 : i32
    %max3A_2581 = arith.maxsi %min3A_2576, %max3A_2571 : i32
    %min3A_2582 = arith.minsi %min3A_2580, %max3A_2579 : i32
    %max3A_2583 = arith.maxsi %min3A_2580, %max3A_2579 : i32
    %add3A_2584 = vector.broadcast %min3A_2566 : i32 to vector<16xi32>
    %add3A_2585 = arith.addi %broadcast_in_dim3A_1400, %add3A_2584 : vector<16xi32>
    %eq3A_2586 = arith.cmpi eq, %add3A_1387, %add3A_2585 : vector<16xi32>
    %select_n3A_2587 = arith.select %eq3A_2586, %div3A_2524, %broadcast_in_dim3A_1398 : vector<16xi1>, vector<16xf32>
    %add3A_2588 = vector.broadcast %min3A_2574 : i32 to vector<16xi32>
    %add3A_2589 = arith.addi %broadcast_in_dim3A_1400, %add3A_2588 : vector<16xi32>
    %eq3A_2590 = arith.cmpi eq, %add3A_1387, %add3A_2589 : vector<16xi32>
    %select_n3A_2591 = arith.select %eq3A_2590, %div3A_2527, %select_n3A_2587 : vector<16xi1>, vector<16xf32>
    %add3A_2592 = vector.broadcast %min3A_2578 : i32 to vector<16xi32>
    %add3A_2593 = arith.addi %broadcast_in_dim3A_1400, %add3A_2592 : vector<16xi32>
    %eq3A_2594 = arith.cmpi eq, %add3A_1387, %add3A_2593 : vector<16xi32>
    %select_n3A_2595 = arith.select %eq3A_2594, %div3A_2530, %select_n3A_2591 : vector<16xi1>, vector<16xf32>
    %add3A_2596 = vector.broadcast %min3A_2582 : i32 to vector<16xi32>
    %add3A_2597 = arith.addi %broadcast_in_dim3A_1400, %add3A_2596 : vector<16xi32>
    %eq3A_2598 = arith.cmpi eq, %add3A_1387, %add3A_2597 : vector<16xi32>
    %select_n3A_2599 = arith.select %eq3A_2598, %div3A_2533, %select_n3A_2595 : vector<16xi1>, vector<16xf32>
    %add3A_2600 = vector.broadcast %max3A_2583 : i32 to vector<16xi32>
    %add3A_2601 = arith.addi %broadcast_in_dim3A_1400, %add3A_2600 : vector<16xi32>
    %eq3A_2602 = arith.cmpi eq, %add3A_1387, %add3A_2601 : vector<16xi32>
    %select_n3A_2603 = arith.select %eq3A_2602, %div3A_2536, %select_n3A_2599 : vector<16xi1>, vector<16xf32>
    %add3A_2604 = vector.broadcast %max3A_2581 : i32 to vector<16xi32>
    %add3A_2605 = arith.addi %broadcast_in_dim3A_1400, %add3A_2604 : vector<16xi32>
    %eq3A_2606 = arith.cmpi eq, %add3A_1387, %add3A_2605 : vector<16xi32>
    %select_n3A_2607 = arith.select %eq3A_2606, %div3A_2539, %select_n3A_2603 : vector<16xi1>, vector<16xf32>
    %add3A_2608 = vector.broadcast %max3A_2577 : i32 to vector<16xi32>
    %add3A_2609 = arith.addi %broadcast_in_dim3A_1400, %add3A_2608 : vector<16xi32>
    %eq3A_2610 = arith.cmpi eq, %add3A_1387, %add3A_2609 : vector<16xi32>
    %select_n3A_2611 = arith.select %eq3A_2610, %div3A_2542, %select_n3A_2607 : vector<16xi1>, vector<16xf32>
    %add3A_2612 = vector.broadcast %max3A_2569 : i32 to vector<16xi32>
    %add3A_2613 = arith.addi %broadcast_in_dim3A_1400, %add3A_2612 : vector<16xi32>
    %eq3A_2614 = arith.cmpi eq, %add3A_1387, %add3A_2613 : vector<16xi32>
    %select_n3A_2615 = arith.select %eq3A_2614, %div3A_2545, %select_n3A_2611 : vector<16xi1>, vector<16xf32>
    %swap3A_2616 = arith.constant 1 : i32
    %swap3A_2617 = arith.index_cast %swap3A_2616 : i32 to index
    %swap3A_2618 = arith.constant 0 : index
    %swap3A_2619 = tpu.vector_load %arg5[%swap3A_2617, %swap3A_2618] {strides = array<i32>} : memref<2x64xf32, #tpu.memory_space<vmem>>, vector<1x16xf32>,
    %swap3A_2620 = vector.shape_cast %swap3A_2619 : vector<1x16xf32> to vector<16xf32>
    %swap3A_2621 = vector.shape_cast %select_n3A_2615 : vector<16xf32> to vector<1x16xf32>
    tpu.vector_store %arg5[%swap3A_2617, %swap3A_2618], %swap3A_2621 {strides = array<i32>} : memref<2x64xf32, #tpu.memory_space<vmem>>, vector<1x16xf32>,
    %add3A_2622 = vector.broadcast %min3A_2566 : i32 to vector<16xi32>
    %add3A_2623 = arith.addi %broadcast_in_dim3A_1400, %add3A_2622 : vector<16xi32>
    %eq3A_2624 = arith.cmpi eq, %add3A_1390, %add3A_2623 : vector<16xi32>
    %select_n3A_2625 = arith.select %eq3A_2624, %div3A_2524, %broadcast_in_dim3A_1398 : vector<16xi1>, vector<16xf32>
    %add3A_2626 = vector.broadcast %min3A_2574 : i32 to vector<16xi32>
    %add3A_2627 = arith.addi %broadcast_in_dim3A_1400, %add3A_2626 : vector<16xi32>
    %eq3A_2628 = arith.cmpi eq, %add3A_1390, %add3A_2627 : vector<16xi32>
    %select_n3A_2629 = arith.select %eq3A_2628, %div3A_2527, %select_n3A_2625 : vector<16xi1>, vector<16xf32>
    %add3A_2630 = vector.broadcast %min3A_2578 : i32 to vector<16xi32>
    %add3A_2631 = arith.addi %broadcast_in_dim3A_1400, %add3A_2630 : vector<16xi32>
    %eq3A_2632 = arith.cmpi eq, %add3A_1390, %add3A_2631 : vector<16xi32>
    %select_n3A_2633 = arith.select %eq3A_2632, %div3A_2530, %select_n3A_2629 : vector<16xi1>, vector<16xf32>
    %add3A_2634 = vector.broadcast %min3A_2582 : i32 to vector<16xi32>
    %add3A_2635 = arith.addi %broadcast_in_dim3A_1400, %add3A_2634 : vector<16xi32>
    %eq3A_2636 = arith.cmpi eq, %add3A_1390, %add3A_2635 : vector<16xi32>
    %select_n3A_2637 = arith.select %eq3A_2636, %div3A_2533, %select_n3A_2633 : vector<16xi1>, vector<16xf32>
    %add3A_2638 = vector.broadcast %max3A_2583 : i32 to vector<16xi32>
    %add3A_2639 = arith.addi %broadcast_in_dim3A_1400, %add3A_2638 : vector<16xi32>
    %eq3A_2640 = arith.cmpi eq, %add3A_1390, %add3A_2639 : vector<16xi32>
    %select_n3A_2641 = arith.select %eq3A_2640, %div3A_2536, %select_n3A_2637 : vector<16xi1>, vector<16xf32>
    %add3A_2642 = vector.broadcast %max3A_2581 : i32 to vector<16xi32>
    %add3A_2643 = arith.addi %broadcast_in_dim3A_1400, %add3A_2642 : vector<16xi32>
    %eq3A_2644 = arith.cmpi eq, %add3A_1390, %add3A_2643 : vector<16xi32>
    %select_n3A_2645 = arith.select %eq3A_2644, %div3A_2539, %select_n3A_2641 : vector<16xi1>, vector<16xf32>
    %add3A_2646 = vector.broadcast %max3A_2577 : i32 to vector<16xi32>
    %add3A_2647 = arith.addi %broadcast_in_dim3A_1400, %add3A_2646 : vector<16xi32>
    %eq3A_2648 = arith.cmpi eq, %add3A_1390, %add3A_2647 : vector<16xi32>
    %select_n3A_2649 = arith.select %eq3A_2648, %div3A_2542, %select_n3A_2645 : vector<16xi1>, vector<16xf32>
    %add3A_2650 = vector.broadcast %max3A_2569 : i32 to vector<16xi32>
    %add3A_2651 = arith.addi %broadcast_in_dim3A_1400, %add3A_2650 : vector<16xi32>
    %eq3A_2652 = arith.cmpi eq, %add3A_1390, %add3A_2651 : vector<16xi32>
    %select_n3A_2653 = arith.select %eq3A_2652, %div3A_2545, %select_n3A_2649 : vector<16xi1>, vector<16xf32>
    %swap3A_2654 = arith.constant 1 : i32
    %swap3A_2655 = arith.index_cast %swap3A_2654 : i32 to index
    %swap3A_2656 = arith.constant 16 : index
    %swap3A_2657 = tpu.vector_load %arg5[%swap3A_2655, %swap3A_2656] {strides = array<i32>} : memref<2x64xf32, #tpu.memory_space<vmem>>, vector<1x16xf32>,
    %swap3A_2658 = vector.shape_cast %swap3A_2657 : vector<1x16xf32> to vector<16xf32>
    %swap3A_2659 = vector.shape_cast %select_n3A_2653 : vector<16xf32> to vector<1x16xf32>
    tpu.vector_store %arg5[%swap3A_2655, %swap3A_2656], %swap3A_2659 {strides = array<i32>} : memref<2x64xf32, #tpu.memory_space<vmem>>, vector<1x16xf32>,
    %add3A_2660 = vector.broadcast %min3A_2566 : i32 to vector<16xi32>
    %add3A_2661 = arith.addi %broadcast_in_dim3A_1400, %add3A_2660 : vector<16xi32>
    %eq3A_2662 = arith.cmpi eq, %add3A_1393, %add3A_2661 : vector<16xi32>
    %select_n3A_2663 = arith.select %eq3A_2662, %div3A_2524, %broadcast_in_dim3A_1398 : vector<16xi1>, vector<16xf32>
    %add3A_2664 = vector.broadcast %min3A_2574 : i32 to vector<16xi32>
    %add3A_2665 = arith.addi %broadcast_in_dim3A_1400, %add3A_2664 : vector<16xi32>
    %eq3A_2666 = arith.cmpi eq, %add3A_1393, %add3A_2665 : vector<16xi32>
    %select_n3A_2667 = arith.select %eq3A_2666, %div3A_2527, %select_n3A_2663 : vector<16xi1>, vector<16xf32>
    %add3A_2668 = vector.broadcast %min3A_2578 : i32 to vector<16xi32>
    %add3A_2669 = arith.addi %broadcast_in_dim3A_1400, %add3A_2668 : vector<16xi32>
    %eq3A_2670 = arith.cmpi eq, %add3A_1393, %add3A_2669 : vector<16xi32>
    %select_n3A_2671 = arith.select %eq3A_2670, %div3A_2530, %select_n3A_2667 : vector<16xi1>, vector<16xf32>
    %add3A_2672 = vector.broadcast %min3A_2582 : i32 to vector<16xi32>
    %add3A_2673 = arith.addi %broadcast_in_dim3A_1400, %add3A_2672 : vector<16xi32>
    %eq3A_2674 = arith.cmpi eq, %add3A_1393, %add3A_2673 : vector<16xi32>
    %select_n3A_2675 = arith.select %eq3A_2674, %div3A_2533, %select_n3A_2671 : vector<16xi1>, vector<16xf32>
    %add3A_2676 = vector.broadcast %max3A_2583 : i32 to vector<16xi32>
    %add3A_2677 = arith.addi %broadcast_in_dim3A_1400, %add3A_2676 : vector<16xi32>
    %eq3A_2678 = arith.cmpi eq, %add3A_1393, %add3A_2677 : vector<16xi32>
    %select_n3A_2679 = arith.select %eq3A_2678, %div3A_2536, %select_n3A_2675 : vector<16xi1>, vector<16xf32>
    %add3A_2680 = vector.broadcast %max3A_2581 : i32 to vector<16xi32>
    %add3A_2681 = arith.addi %broadcast_in_dim3A_1400, %add3A_2680 : vector<16xi32>
    %eq3A_2682 = arith.cmpi eq, %add3A_1393, %add3A_2681 : vector<16xi32>
    %select_n3A_2683 = arith.select %eq3A_2682, %div3A_2539, %select_n3A_2679 : vector<16xi1>, vector<16xf32>
    %add3A_2684 = vector.broadcast %max3A_2577 : i32 to vector<16xi32>
    %add3A_2685 = arith.addi %broadcast_in_dim3A_1400, %add3A_2684 : vector<16xi32>
    %eq3A_2686 = arith.cmpi eq, %add3A_1393, %add3A_2685 : vector<16xi32>
    %select_n3A_2687 = arith.select %eq3A_2686, %div3A_2542, %select_n3A_2683 : vector<16xi1>, vector<16xf32>
    %add3A_2688 = vector.broadcast %max3A_2569 : i32 to vector<16xi32>
    %add3A_2689 = arith.addi %broadcast_in_dim3A_1400, %add3A_2688 : vector<16xi32>
    %eq3A_2690 = arith.cmpi eq, %add3A_1393, %add3A_2689 : vector<16xi32>
    %select_n3A_2691 = arith.select %eq3A_2690, %div3A_2545, %select_n3A_2687 : vector<16xi1>, vector<16xf32>
    %swap3A_2692 = arith.constant 1 : i32
    %swap3A_2693 = arith.index_cast %swap3A_2692 : i32 to index
    %swap3A_2694 = arith.constant 32 : index
    %swap3A_2695 = tpu.vector_load %arg5[%swap3A_2693, %swap3A_2694] {strides = array<i32>} : memref<2x64xf32, #tpu.memory_space<vmem>>, vector<1x16xf32>,
    %swap3A_2696 = vector.shape_cast %swap3A_2695 : vector<1x16xf32> to vector<16xf32>
    %swap3A_2697 = vector.shape_cast %select_n3A_2691 : vector<16xf32> to vector<1x16xf32>
    tpu.vector_store %arg5[%swap3A_2693, %swap3A_2694], %swap3A_2697 {strides = array<i32>} : memref<2x64xf32, #tpu.memory_space<vmem>>, vector<1x16xf32>,
    %add3A_2698 = vector.broadcast %min3A_2566 : i32 to vector<16xi32>
    %add3A_2699 = arith.addi %broadcast_in_dim3A_1400, %add3A_2698 : vector<16xi32>
    %eq3A_2700 = arith.cmpi eq, %add3A_1396, %add3A_2699 : vector<16xi32>
    %select_n3A_2701 = arith.select %eq3A_2700, %div3A_2524, %broadcast_in_dim3A_1398 : vector<16xi1>, vector<16xf32>
    %add3A_2702 = vector.broadcast %min3A_2574 : i32 to vector<16xi32>
    %add3A_2703 = arith.addi %broadcast_in_dim3A_1400, %add3A_2702 : vector<16xi32>
    %eq3A_2704 = arith.cmpi eq, %add3A_1396, %add3A_2703 : vector<16xi32>
    %select_n3A_2705 = arith.select %eq3A_2704, %div3A_2527, %select_n3A_2701 : vector<16xi1>, vector<16xf32>
    %add3A_2706 = vector.broadcast %min3A_2578 : i32 to vector<16xi32>
    %add3A_2707 = arith.addi %broadcast_in_dim3A_1400, %add3A_2706 : vector<16xi32>
    %eq3A_2708 = arith.cmpi eq, %add3A_1396, %add3A_2707 : vector<16xi32>
    %select_n3A_2709 = arith.select %eq3A_2708, %div3A_2530, %select_n3A_2705 : vector<16xi1>, vector<16xf32>
    %add3A_2710 = vector.broadcast %min3A_2582 : i32 to vector<16xi32>
    %add3A_2711 = arith.addi %broadcast_in_dim3A_1400, %add3A_2710 : vector<16xi32>
    %eq3A_2712 = arith.cmpi eq, %add3A_1396, %add3A_2711 : vector<16xi32>
    %select_n3A_2713 = arith.select %eq3A_2712, %div3A_2533, %select_n3A_2709 : vector<16xi1>, vector<16xf32>
    %add3A_2714 = vector.broadcast %max3A_2583 : i32 to vector<16xi32>
    %add3A_2715 = arith.addi %broadcast_in_dim3A_1400, %add3A_2714 : vector<16xi32>
    %eq3A_2716 = arith.cmpi eq, %add3A_1396, %add3A_2715 : vector<16xi32>
    %select_n3A_2717 = arith.select %eq3A_2716, %div3A_2536, %select_n3A_2713 : vector<16xi1>, vector<16xf32>
    %add3A_2718 = vector.broadcast %max3A_2581 : i32 to vector<16xi32>
    %add3A_2719 = arith.addi %broadcast_in_dim3A_1400, %add3A_2718 : vector<16xi32>
    %eq3A_2720 = arith.cmpi eq, %add3A_1396, %add3A_2719 : vector<16xi32>
    %select_n3A_2721 = arith.select %eq3A_2720, %div3A_2539, %select_n3A_2717 : vector<16xi1>, vector<16xf32>
    %add3A_2722 = vector.broadcast %max3A_2577 : i32 to vector<16xi32>
    %add3A_2723 = arith.addi %broadcast_in_dim3A_1400, %add3A_2722 : vector<16xi32>
    %eq3A_2724 = arith.cmpi eq, %add3A_1396, %add3A_2723 : vector<16xi32>
    %select_n3A_2725 = arith.select %eq3A_2724, %div3A_2542, %select_n3A_2721 : vector<16xi1>, vector<16xf32>
    %add3A_2726 = vector.broadcast %max3A_2569 : i32 to vector<16xi32>
    %add3A_2727 = arith.addi %broadcast_in_dim3A_1400, %add3A_2726 : vector<16xi32>
    %eq3A_2728 = arith.cmpi eq, %add3A_1396, %add3A_2727 : vector<16xi32>
    %select_n3A_2729 = arith.select %eq3A_2728, %div3A_2545, %select_n3A_2725 : vector<16xi1>, vector<16xf32>
    %swap3A_2730 = arith.constant 1 : i32
    %swap3A_2731 = arith.index_cast %swap3A_2730 : i32 to index
    %swap3A_2732 = arith.constant 48 : index
    %swap3A_2733 = tpu.vector_load %arg5[%swap3A_2731, %swap3A_2732] {strides = array<i32>} : memref<2x64xf32, #tpu.memory_space<vmem>>, vector<1x16xf32>,
    %swap3A_2734 = vector.shape_cast %swap3A_2733 : vector<1x16xf32> to vector<16xf32>
    %swap3A_2735 = vector.shape_cast %select_n3A_2729 : vector<16xf32> to vector<1x16xf32>
    tpu.vector_store %arg5[%swap3A_2731, %swap3A_2732], %swap3A_2735 {strides = array<i32>} : memref<2x64xf32, #tpu.memory_space<vmem>>, vector<1x16xf32>,
    "tpu.region"() ({
      %run_scoped3A = tpu.sem_alloc : memref<!tpu.dma_semaphore, #tpu.memory_space<semaphore_mem>>
      %dma_start3A = arith.constant 0 : i32
      %dma_start3A_2736 = tpu.memref_slice %arg3[%mul3A_2, %dma_start3A] : memref<64x64xf32, #tpu.memory_space<hbm>> -> memref<2x64xf32, #tpu.memory_space<hbm>>
      %dma_start3A_2737 = arith.constant 0 : i32
      %dma_start3A_2738 = tpu.memref_slice %arg3[%mul3A_2, %dma_start3A_2737] : memref<64x64xf32, #tpu.memory_space<hbm>> -> memref<2x64xf32, #tpu.memory_space<hbm>>
      tpu.enqueue_dma source(%arg5 : memref<2x64xf32, #tpu.memory_space<vmem>>) target(%dma_start3A_2738 : memref<2x64xf32, #tpu.memory_space<hbm>>) target_semaphore(%run_scoped3A : memref<!tpu.dma_semaphore, #tpu.memory_space<semaphore_mem>>)
      %dma_wait3A = arith.constant 0 : i32
      %dma_wait3A_2739 = tpu.memref_slice %arg3[%mul3A_2, %dma_wait3A] : memref<64x64xf32, #tpu.memory_space<hbm>> -> memref<2x64xf32, #tpu.memory_space<hbm>>
      %dma_wait3A_2740 = arith.constant 0 : i32
      %dma_wait3A_2741 = tpu.memref_slice %arg3[%mul3A_2, %dma_wait3A_2740] : memref<64x64xf32, #tpu.memory_space<hbm>> -> memref<2x64xf32, #tpu.memory_space<hbm>>
      tpu.wait_dma2 semaphore(%run_scoped3A : memref<!tpu.dma_semaphore, #tpu.memory_space<semaphore_mem>>) src(%arg5 : memref<2x64xf32, #tpu.memory_space<vmem>>) dst(%dma_wait3A_2741 : memref<2x64xf32, #tpu.memory_space<hbm>>)
      tpu.yield
    }) : () -> ()
    return
  }
}

module attributes {stable_mosaic.version = 14 : i64} {
  func.func @_cos_kernel(%arg0: memref<64x1024xf32, #tpu.memory_space<vmem>>, %arg1: memref<64x1024xf32, #tpu.memory_space<vmem>>, %arg2: memref<64x64xf32, #tpu.memory_space<vmem>>) attributes {dimension_semantics = [], scalar_prefetch = 0 : i64, scratch_operands = 0 : i64, tpu.core_type = #tpu.core_type<tc>} {
    %get3A = arith.constant 0 : index
    %get3A_0 = arith.constant 0 : index
    %get3A_1 = vector.load %arg0[%get3A, %get3A_0] : memref<64x1024xf32, #tpu.memory_space<vmem>>, vector<64x1024xf32>
    %mul3A = arith.mulf %get3A_1, %get3A_1 : vector<64x1024xf32>
    %reduce_sum3A = arith.constant dense<0.000000e+00> : vector<64xf32>
    %reduce_sum3A_2 = vector.multi_reduction <add>, %mul3A, %reduce_sum3A [1] : vector<64x1024xf32> to vector<64xf32>
    %broadcast_in_dim3A = vector.shape_cast %reduce_sum3A_2 : vector<64xf32> to vector<64x1xf32>
    %sqrt3A = math.sqrt %broadcast_in_dim3A : vector<64x1xf32>
    %max3A = arith.constant 9.99999996E-13 : f32
    %max3A_3 = vector.broadcast %max3A : f32 to vector<64x1xf32>
    %max3A_4 = arith.maximumf %sqrt3A, %max3A_3 : vector<64x1xf32>
    %div3A = vector.broadcast %max3A_4 : vector<64x1xf32> to vector<64x1024xf32>
    %div3A_5 = arith.divf %get3A_1, %div3A : vector<64x1024xf32>
    %get3A_6 = arith.constant 0 : index
    %get3A_7 = arith.constant 0 : index
    %get3A_8 = vector.load %arg1[%get3A_6, %get3A_7] : memref<64x1024xf32, #tpu.memory_space<vmem>>, vector<64x1024xf32>
    %dot_general3A = arith.constant dense<0.000000e+00> : vector<64x64xf32>
    %dot_general3A_9 = tpu.matmul %div3A_5, %get3A_8, %dot_general3A {dimension_numbers = #tpu.dot_dimension_numbers<[1], [1], [0], [0], [0, 0, 1, 0], [], []>, transpose_lhs_hint = false} : vector<64x1024xf32>, vector<64x1024xf32>, vector<64x64xf32> -> vector<64x64xf32>
    %swap3A = arith.constant 0 : index
    %swap3A_10 = arith.constant 0 : index
    %swap3A_11 = vector.load %arg2[%swap3A, %swap3A_10] : memref<64x64xf32, #tpu.memory_space<vmem>>, vector<64x64xf32>
    tpu.vector_store %arg2[%swap3A, %swap3A_10], %dot_general3A_9 {strides = array<i32>} : memref<64x64xf32, #tpu.memory_space<vmem>>, vector<64x64xf32>,
    return
  }
}

module attributes {stable_mosaic.version = 14 : i64} {
  func.func @_ens_kernel(%arg0: i32, %arg1: memref<64x1024xf32, #tpu.memory_space<vmem>>, %arg2: memref<64x1024xf32, #tpu.memory_space<vmem>>, %arg3: memref<64x64xf32, #tpu.memory_space<vmem>>, %arg4: memref<16x100x1024xf32, #tpu.memory_space<vmem>>, %arg5: memref<16x100xf32, #tpu.memory_space<vmem>>, %arg6: memref<100x1024xf32, #tpu.memory_space<vmem>>, %arg7: memref<1x100xf32, #tpu.memory_space<vmem>>, %arg8: memref<100x1024xf32, #tpu.memory_space<vmem>>, %arg9: memref<1x100xf32, #tpu.memory_space<vmem>>, %arg10: memref<64x100xf32, #tpu.memory_space<vmem>>, %arg11: memref<64x100xf32, #tpu.memory_space<vmem>>, %arg12: memref<64x100xf32, #tpu.memory_space<vmem>>, %arg13: memref<64x100xf32, #tpu.memory_space<vmem>>) attributes {dimension_semantics = [#tpu.dimension_semantics<arbitrary>], iteration_bounds = array<i64: 4>, scalar_prefetch = 0 : i64, scratch_operands = 1 : i64, tpu.core_type = #tpu.core_type<tc>, window_params = [{pipeline_mode = #tpu.pipeline_mode<synchronous>, transform_indices = @transform_0, window_bounds = array<i64: 64, 1024>}, {pipeline_mode = #tpu.pipeline_mode<synchronous>, transform_indices = @transform_1, window_bounds = array<i64: 64, 1024>}, {pipeline_mode = #tpu.pipeline_mode<synchronous>, transform_indices = @transform_2, window_bounds = array<i64: 64, 64>}, {transform_indices = @transform_3, window_bounds = array<i64: 16, 100, 1024>}, {transform_indices = @transform_4, window_bounds = array<i64: 16, 100>}, {pipeline_mode = #tpu.pipeline_mode<synchronous>, transform_indices = @transform_5, window_bounds = array<i64: 100, 1024>}, {pipeline_mode = #tpu.pipeline_mode<synchronous>, transform_indices = @transform_6, window_bounds = array<i64: 1, 100>}, {pipeline_mode = #tpu.pipeline_mode<synchronous>, transform_indices = @transform_7, window_bounds = array<i64: 100, 1024>}, {pipeline_mode = #tpu.pipeline_mode<synchronous>, transform_indices = @transform_8, window_bounds = array<i64: 1, 100>}, {pipeline_mode = #tpu.pipeline_mode<synchronous>, transform_indices = @transform_9, window_bounds = array<i64: 64, 100>}, {pipeline_mode = #tpu.pipeline_mode<synchronous>, transform_indices = @transform_10, window_bounds = array<i64: 64, 100>}, {pipeline_mode = #tpu.pipeline_mode<synchronous>, transform_indices = @transform_11, window_bounds = array<i64: 64, 100>}]} {
    %eq3A = arith.constant 0 : i32
    %eq3A_0 = arith.cmpi eq, %arg0, %eq3A : i32
    %convert_element_type3A = arith.extui %eq3A_0 : i1 to i32
    %cond3A = arith.constant 0 : i32
    %cond3A_1 = arith.cmpi ne, %convert_element_type3A, %cond3A : i32
    scf.if %cond3A_1 {
      %get3A_585 = arith.constant 0 : index
      %get3A_586 = arith.constant 0 : index
      %get3A_587 = vector.load %arg1[%get3A_585, %get3A_586] : memref<64x1024xf32, #tpu.memory_space<vmem>>, vector<64x1024xf32>
      %broadcast_in_dim3A_588 = arith.constant 0.000000e+00 : f32
      %broadcast_in_dim3A_589 = vector.broadcast %broadcast_in_dim3A_588 : f32 to vector<64x100xf32>
      %swap3A_590 = arith.constant 0 : index
      %swap3A_591 = arith.constant 0 : index
      %swap3A_592 = vector.load %arg13[%swap3A_590, %swap3A_591] : memref<64x100xf32, #tpu.memory_space<vmem>>, vector<64x100xf32>
      tpu.vector_store %arg13[%swap3A_590, %swap3A_591], %broadcast_in_dim3A_589 {strides = array<i32>} : memref<64x100xf32, #tpu.memory_space<vmem>>, vector<64x100xf32>,
      %get3A_593 = arith.constant 0 : index
      %get3A_594 = arith.constant 0 : index
      %get3A_595 = vector.load %arg6[%get3A_593, %get3A_594] : memref<100x1024xf32, #tpu.memory_space<vmem>>, vector<100x1024xf32>
      %dot_general3A_596 = arith.constant dense<0.000000e+00> : vector<64x100xf32>
      %dot_general3A_597 = tpu.matmul %get3A_587, %get3A_595, %dot_general3A_596 {dimension_numbers = #tpu.dot_dimension_numbers<[1], [1], [0], [0], [0, 0, 1, 0], [], []>, transpose_lhs_hint = false} : vector<64x1024xf32>, vector<100x1024xf32>, vector<64x100xf32> -> vector<64x100xf32>
      %get3A_598 = arith.constant 0 : index
      %get3A_599 = arith.constant 0 : index
      %get3A_600 = vector.load %arg7[%get3A_598, %get3A_599] : memref<1x100xf32, #tpu.memory_space<vmem>>, vector<1x100xf32>
      %add3A_601 = vector.broadcast %get3A_600 : vector<1x100xf32> to vector<64x100xf32>
      %add3A_602 = arith.addf %dot_general3A_597, %add3A_601 : vector<64x100xf32>
      %reduce_max3A = arith.constant dense<0xFF800000> : vector<64xf32>
      %reduce_max3A_603 = vector.multi_reduction <maximumf>, %add3A_602, %reduce_max3A [1] : vector<64x100xf32> to vector<64xf32>
      %broadcast_in_dim3A_604 = vector.shape_cast %reduce_max3A_603 : vector<64xf32> to vector<64x1xf32>
      %sub3A = vector.broadcast %broadcast_in_dim3A_604 : vector<64x1xf32> to vector<64x100xf32>
      %sub3A_605 = arith.subf %add3A_602, %sub3A : vector<64x100xf32>
      %exp3A = math.exp %sub3A_605 : vector<64x100xf32>
      %reduce_sum3A_606 = arith.constant dense<0.000000e+00> : vector<64xf32>
      %reduce_sum3A_607 = vector.multi_reduction <add>, %exp3A, %reduce_sum3A_606 [1] : vector<64x100xf32> to vector<64xf32>
      %broadcast_in_dim3A_608 = vector.shape_cast %reduce_sum3A_607 : vector<64xf32> to vector<64x1xf32>
      %log3A = math.log %broadcast_in_dim3A_608 : vector<64x1xf32>
      %sub3A_609 = vector.broadcast %log3A : vector<64x1xf32> to vector<64x100xf32>
      %sub3A_610 = arith.subf %sub3A_605, %sub3A_609 : vector<64x100xf32>
      %swap3A_611 = arith.constant 0 : index
      %swap3A_612 = arith.constant 0 : index
      %swap3A_613 = vector.load %arg12[%swap3A_611, %swap3A_612] : memref<64x100xf32, #tpu.memory_space<vmem>>, vector<64x100xf32>
      tpu.vector_store %arg12[%swap3A_611, %swap3A_612], %sub3A_610 {strides = array<i32>} : memref<64x100xf32, #tpu.memory_space<vmem>>, vector<64x100xf32>,
      %get3A_614 = arith.constant 0 : index
      %get3A_615 = arith.constant 0 : index
      %get3A_616 = vector.load %arg8[%get3A_614, %get3A_615] : memref<100x1024xf32, #tpu.memory_space<vmem>>, vector<100x1024xf32>
      %dot_general3A_617 = arith.constant dense<0.000000e+00> : vector<64x100xf32>
      %dot_general3A_618 = tpu.matmul %get3A_587, %get3A_616, %dot_general3A_617 {dimension_numbers = #tpu.dot_dimension_numbers<[1], [1], [0], [0], [0, 0, 1, 0], [], []>, transpose_lhs_hint = false} : vector<64x1024xf32>, vector<100x1024xf32>, vector<64x100xf32> -> vector<64x100xf32>
      %get3A_619 = arith.constant 0 : index
      %get3A_620 = arith.constant 0 : index
      %get3A_621 = vector.load %arg9[%get3A_619, %get3A_620] : memref<1x100xf32, #tpu.memory_space<vmem>>, vector<1x100xf32>
      %add3A_622 = vector.broadcast %get3A_621 : vector<1x100xf32> to vector<64x100xf32>
      %add3A_623 = arith.addf %dot_general3A_618, %add3A_622 : vector<64x100xf32>
      %mul3A_624 = arith.constant 1.000000e-01 : f32
      %mul3A_625 = vector.broadcast %mul3A_624 : f32 to vector<64x100xf32>
      %mul3A_626 = arith.mulf %add3A_623, %mul3A_625 : vector<64x100xf32>
      %tanh3A_627 = math.tanh %mul3A_626 : vector<64x100xf32>
      %mul3A_628 = arith.constant 1.000000e+01 : f32
      %mul3A_629 = vector.broadcast %mul3A_628 : f32 to vector<64x100xf32>
      %mul3A_630 = arith.mulf %tanh3A_627, %mul3A_629 : vector<64x100xf32>
      %swap3A_631 = arith.constant 0 : index
      %swap3A_632 = arith.constant 0 : index
      %swap3A_633 = vector.load %arg11[%swap3A_631, %swap3A_632] : memref<64x100xf32, #tpu.memory_space<vmem>>, vector<64x100xf32>
      tpu.vector_store %arg11[%swap3A_631, %swap3A_632], %mul3A_630 {strides = array<i32>} : memref<64x100xf32, #tpu.memory_space<vmem>>, vector<64x100xf32>,
    } else {
    }
    %get3A = arith.constant 0 : index
    %get3A_2 = arith.constant 0 : index
    %get3A_3 = vector.load %arg1[%get3A, %get3A_2] : memref<64x1024xf32, #tpu.memory_space<vmem>>, vector<64x1024xf32>
    %get3A_4 = arith.constant 0 : index
    %get3A_5 = arith.constant 0 : index
    %get3A_6 = vector.load %arg3[%get3A_4, %get3A_5] : memref<64x64xf32, #tpu.memory_space<vmem>>, vector<64x64xf32>
    %iota3A = tpu.iota {dimensions = array<i32: 1>} : vector<64x64xi32>
    %get3A_7 = arith.constant 0 : index
    %get3A_8 = arith.constant 0 : index
    %get3A_9 = vector.load %arg13[%get3A_7, %get3A_8] : memref<64x100xf32, #tpu.memory_space<vmem>>, vector<64x100xf32>
    %mul3A = arith.constant 16 : i32
    %mul3A_10 = arith.muli %arg0, %mul3A : i32
    %add3A = arith.constant 0 : i32
    %add3A_11 = arith.addi %mul3A_10, %add3A : i32
    %get3A_12 = arith.constant 0 : index
    %get3A_13 = arith.constant 0 : index
    %get3A_14 = arith.constant 0 : index
    %get3A_15 = vector.load %arg4[%get3A_12, %get3A_13, %get3A_14] : memref<16x100x1024xf32, #tpu.memory_space<vmem>>, vector<1x100x1024xf32>
    %get3A_16 = vector.shape_cast %get3A_15 : vector<1x100x1024xf32> to vector<100x1024xf32>
    %dot_general3A = arith.constant dense<0.000000e+00> : vector<64x100xf32>
    %dot_general3A_17 = tpu.matmul %get3A_3, %get3A_16, %dot_general3A {dimension_numbers = #tpu.dot_dimension_numbers<[1], [1], [0], [0], [0, 0, 1, 0], [], []>, transpose_lhs_hint = false} : vector<64x1024xf32>, vector<100x1024xf32>, vector<64x100xf32> -> vector<64x100xf32>
    %get3A_18 = arith.constant 0 : index
    %get3A_19 = arith.constant 0 : index
    %get3A_20 = vector.load %arg5[%get3A_18, %get3A_19] : memref<16x100xf32, #tpu.memory_space<vmem>>, vector<1x100xf32>
    %get3A_21 = vector.shape_cast %get3A_20 : vector<1x100xf32> to vector<100xf32>
    %broadcast_in_dim3A = vector.shape_cast %get3A_21 : vector<100xf32> to vector<1x100xf32>
    %add3A_22 = vector.broadcast %broadcast_in_dim3A : vector<1x100xf32> to vector<64x100xf32>
    %add3A_23 = arith.addf %dot_general3A_17, %add3A_22 : vector<64x100xf32>
    %mul3A_24 = arith.constant 1.000000e-01 : f32
    %mul3A_25 = vector.broadcast %mul3A_24 : f32 to vector<64x100xf32>
    %mul3A_26 = arith.mulf %add3A_23, %mul3A_25 : vector<64x100xf32>
    %tanh3A = math.tanh %mul3A_26 : vector<64x100xf32>
    %mul3A_27 = arith.constant 1.000000e+01 : f32
    %mul3A_28 = vector.broadcast %mul3A_27 : f32 to vector<64x100xf32>
    %mul3A_29 = arith.mulf %tanh3A, %mul3A_28 : vector<64x100xf32>
    %eq3A_30 = vector.broadcast %add3A_11 : i32 to vector<64x64xi32>
    %eq3A_31 = arith.cmpi eq, %iota3A, %eq3A_30 : vector<64x64xi32>
    %jit3A = arith.constant 0.000000e+00 : f32
    %broadcast_in_dim3A_32 = vector.broadcast %jit3A : f32 to vector<64x64xf32>
    %select_n3A = arith.select %eq3A_31, %get3A_6, %broadcast_in_dim3A_32 : vector<64x64xi1>, vector<64x64xf32>
    %reduce_sum3A = arith.constant dense<0.000000e+00> : vector<64xf32>
    %reduce_sum3A_33 = vector.multi_reduction <add>, %select_n3A, %reduce_sum3A [1] : vector<64x64xf32> to vector<64xf32>
    %broadcast_in_dim3A_34 = vector.shape_cast %reduce_sum3A_33 : vector<64xf32> to vector<64x1xf32>
    %mul3A_35 = vector.broadcast %broadcast_in_dim3A_34 : vector<64x1xf32> to vector<64x100xf32>
    %mul3A_36 = arith.mulf %mul3A_35, %mul3A_29 : vector<64x100xf32>
    %add3A_37 = arith.addf %get3A_9, %mul3A_36 : vector<64x100xf32>
    %mul3A_38 = arith.constant 16 : i32
    %mul3A_39 = arith.muli %arg0, %mul3A_38 : i32
    %add3A_40 = arith.constant 1 : i32
    %add3A_41 = arith.addi %mul3A_39, %add3A_40 : i32
    %get3A_42 = arith.constant 1 : index
    %get3A_43 = arith.constant 0 : index
    %get3A_44 = arith.constant 0 : index
    %get3A_45 = vector.load %arg4[%get3A_42, %get3A_43, %get3A_44] : memref<16x100x1024xf32, #tpu.memory_space<vmem>>, vector<1x100x1024xf32>
    %get3A_46 = vector.shape_cast %get3A_45 : vector<1x100x1024xf32> to vector<100x1024xf32>
    %dot_general3A_47 = arith.constant dense<0.000000e+00> : vector<64x100xf32>
    %dot_general3A_48 = tpu.matmul %get3A_3, %get3A_46, %dot_general3A_47 {dimension_numbers = #tpu.dot_dimension_numbers<[1], [1], [0], [0], [0, 0, 1, 0], [], []>, transpose_lhs_hint = false} : vector<64x1024xf32>, vector<100x1024xf32>, vector<64x100xf32> -> vector<64x100xf32>
    %get3A_49 = arith.constant 1 : index
    %get3A_50 = arith.constant 0 : index
    %get3A_51 = vector.load %arg5[%get3A_49, %get3A_50] : memref<16x100xf32, #tpu.memory_space<vmem>>, vector<1x100xf32>
    %get3A_52 = vector.shape_cast %get3A_51 : vector<1x100xf32> to vector<100xf32>
    %broadcast_in_dim3A_53 = vector.shape_cast %get3A_52 : vector<100xf32> to vector<1x100xf32>
    %add3A_54 = vector.broadcast %broadcast_in_dim3A_53 : vector<1x100xf32> to vector<64x100xf32>
    %add3A_55 = arith.addf %dot_general3A_48, %add3A_54 : vector<64x100xf32>
    %mul3A_56 = arith.constant 1.000000e-01 : f32
    %mul3A_57 = vector.broadcast %mul3A_56 : f32 to vector<64x100xf32>
    %mul3A_58 = arith.mulf %add3A_55, %mul3A_57 : vector<64x100xf32>
    %tanh3A_59 = math.tanh %mul3A_58 : vector<64x100xf32>
    %mul3A_60 = arith.constant 1.000000e+01 : f32
    %mul3A_61 = vector.broadcast %mul3A_60 : f32 to vector<64x100xf32>
    %mul3A_62 = arith.mulf %tanh3A_59, %mul3A_61 : vector<64x100xf32>
    %eq3A_63 = vector.broadcast %add3A_41 : i32 to vector<64x64xi32>
    %eq3A_64 = arith.cmpi eq, %iota3A, %eq3A_63 : vector<64x64xi32>
    %jit3A_65 = arith.constant 0.000000e+00 : f32
    %broadcast_in_dim3A_66 = vector.broadcast %jit3A_65 : f32 to vector<64x64xf32>
    %select_n3A_67 = arith.select %eq3A_64, %get3A_6, %broadcast_in_dim3A_66 : vector<64x64xi1>, vector<64x64xf32>
    %reduce_sum3A_68 = arith.constant dense<0.000000e+00> : vector<64xf32>
    %reduce_sum3A_69 = vector.multi_reduction <add>, %select_n3A_67, %reduce_sum3A_68 [1] : vector<64x64xf32> to vector<64xf32>
    %broadcast_in_dim3A_70 = vector.shape_cast %reduce_sum3A_69 : vector<64xf32> to vector<64x1xf32>
    %mul3A_71 = vector.broadcast %broadcast_in_dim3A_70 : vector<64x1xf32> to vector<64x100xf32>
    %mul3A_72 = arith.mulf %mul3A_71, %mul3A_62 : vector<64x100xf32>
    %add3A_73 = arith.addf %add3A_37, %mul3A_72 : vector<64x100xf32>
    %mul3A_74 = arith.constant 16 : i32
    %mul3A_75 = arith.muli %arg0, %mul3A_74 : i32
    %add3A_76 = arith.constant 2 : i32
    %add3A_77 = arith.addi %mul3A_75, %add3A_76 : i32
    %get3A_78 = arith.constant 2 : index
    %get3A_79 = arith.constant 0 : index
    %get3A_80 = arith.constant 0 : index
    %get3A_81 = vector.load %arg4[%get3A_78, %get3A_79, %get3A_80] : memref<16x100x1024xf32, #tpu.memory_space<vmem>>, vector<1x100x1024xf32>
    %get3A_82 = vector.shape_cast %get3A_81 : vector<1x100x1024xf32> to vector<100x1024xf32>
    %dot_general3A_83 = arith.constant dense<0.000000e+00> : vector<64x100xf32>
    %dot_general3A_84 = tpu.matmul %get3A_3, %get3A_82, %dot_general3A_83 {dimension_numbers = #tpu.dot_dimension_numbers<[1], [1], [0], [0], [0, 0, 1, 0], [], []>, transpose_lhs_hint = false} : vector<64x1024xf32>, vector<100x1024xf32>, vector<64x100xf32> -> vector<64x100xf32>
    %get3A_85 = arith.constant 2 : index
    %get3A_86 = arith.constant 0 : index
    %get3A_87 = vector.load %arg5[%get3A_85, %get3A_86] : memref<16x100xf32, #tpu.memory_space<vmem>>, vector<1x100xf32>
    %get3A_88 = vector.shape_cast %get3A_87 : vector<1x100xf32> to vector<100xf32>
    %broadcast_in_dim3A_89 = vector.shape_cast %get3A_88 : vector<100xf32> to vector<1x100xf32>
    %add3A_90 = vector.broadcast %broadcast_in_dim3A_89 : vector<1x100xf32> to vector<64x100xf32>
    %add3A_91 = arith.addf %dot_general3A_84, %add3A_90 : vector<64x100xf32>
    %mul3A_92 = arith.constant 1.000000e-01 : f32
    %mul3A_93 = vector.broadcast %mul3A_92 : f32 to vector<64x100xf32>
    %mul3A_94 = arith.mulf %add3A_91, %mul3A_93 : vector<64x100xf32>
    %tanh3A_95 = math.tanh %mul3A_94 : vector<64x100xf32>
    %mul3A_96 = arith.constant 1.000000e+01 : f32
    %mul3A_97 = vector.broadcast %mul3A_96 : f32 to vector<64x100xf32>
    %mul3A_98 = arith.mulf %tanh3A_95, %mul3A_97 : vector<64x100xf32>
    %eq3A_99 = vector.broadcast %add3A_77 : i32 to vector<64x64xi32>
    %eq3A_100 = arith.cmpi eq, %iota3A, %eq3A_99 : vector<64x64xi32>
    %jit3A_101 = arith.constant 0.000000e+00 : f32
    %broadcast_in_dim3A_102 = vector.broadcast %jit3A_101 : f32 to vector<64x64xf32>
    %select_n3A_103 = arith.select %eq3A_100, %get3A_6, %broadcast_in_dim3A_102 : vector<64x64xi1>, vector<64x64xf32>
    %reduce_sum3A_104 = arith.constant dense<0.000000e+00> : vector<64xf32>
    %reduce_sum3A_105 = vector.multi_reduction <add>, %select_n3A_103, %reduce_sum3A_104 [1] : vector<64x64xf32> to vector<64xf32>
    %broadcast_in_dim3A_106 = vector.shape_cast %reduce_sum3A_105 : vector<64xf32> to vector<64x1xf32>
    %mul3A_107 = vector.broadcast %broadcast_in_dim3A_106 : vector<64x1xf32> to vector<64x100xf32>
    %mul3A_108 = arith.mulf %mul3A_107, %mul3A_98 : vector<64x100xf32>
    %add3A_109 = arith.addf %add3A_73, %mul3A_108 : vector<64x100xf32>
    %mul3A_110 = arith.constant 16 : i32
    %mul3A_111 = arith.muli %arg0, %mul3A_110 : i32
    %add3A_112 = arith.constant 3 : i32
    %add3A_113 = arith.addi %mul3A_111, %add3A_112 : i32
    %get3A_114 = arith.constant 3 : index
    %get3A_115 = arith.constant 0 : index
    %get3A_116 = arith.constant 0 : index
    %get3A_117 = vector.load %arg4[%get3A_114, %get3A_115, %get3A_116] : memref<16x100x1024xf32, #tpu.memory_space<vmem>>, vector<1x100x1024xf32>
    %get3A_118 = vector.shape_cast %get3A_117 : vector<1x100x1024xf32> to vector<100x1024xf32>
    %dot_general3A_119 = arith.constant dense<0.000000e+00> : vector<64x100xf32>
    %dot_general3A_120 = tpu.matmul %get3A_3, %get3A_118, %dot_general3A_119 {dimension_numbers = #tpu.dot_dimension_numbers<[1], [1], [0], [0], [0, 0, 1, 0], [], []>, transpose_lhs_hint = false} : vector<64x1024xf32>, vector<100x1024xf32>, vector<64x100xf32> -> vector<64x100xf32>
    %get3A_121 = arith.constant 3 : index
    %get3A_122 = arith.constant 0 : index
    %get3A_123 = vector.load %arg5[%get3A_121, %get3A_122] : memref<16x100xf32, #tpu.memory_space<vmem>>, vector<1x100xf32>
    %get3A_124 = vector.shape_cast %get3A_123 : vector<1x100xf32> to vector<100xf32>
    %broadcast_in_dim3A_125 = vector.shape_cast %get3A_124 : vector<100xf32> to vector<1x100xf32>
    %add3A_126 = vector.broadcast %broadcast_in_dim3A_125 : vector<1x100xf32> to vector<64x100xf32>
    %add3A_127 = arith.addf %dot_general3A_120, %add3A_126 : vector<64x100xf32>
    %mul3A_128 = arith.constant 1.000000e-01 : f32
    %mul3A_129 = vector.broadcast %mul3A_128 : f32 to vector<64x100xf32>
    %mul3A_130 = arith.mulf %add3A_127, %mul3A_129 : vector<64x100xf32>
    %tanh3A_131 = math.tanh %mul3A_130 : vector<64x100xf32>
    %mul3A_132 = arith.constant 1.000000e+01 : f32
    %mul3A_133 = vector.broadcast %mul3A_132 : f32 to vector<64x100xf32>
    %mul3A_134 = arith.mulf %tanh3A_131, %mul3A_133 : vector<64x100xf32>
    %eq3A_135 = vector.broadcast %add3A_113 : i32 to vector<64x64xi32>
    %eq3A_136 = arith.cmpi eq, %iota3A, %eq3A_135 : vector<64x64xi32>
    %jit3A_137 = arith.constant 0.000000e+00 : f32
    %broadcast_in_dim3A_138 = vector.broadcast %jit3A_137 : f32 to vector<64x64xf32>
    %select_n3A_139 = arith.select %eq3A_136, %get3A_6, %broadcast_in_dim3A_138 : vector<64x64xi1>, vector<64x64xf32>
    %reduce_sum3A_140 = arith.constant dense<0.000000e+00> : vector<64xf32>
    %reduce_sum3A_141 = vector.multi_reduction <add>, %select_n3A_139, %reduce_sum3A_140 [1] : vector<64x64xf32> to vector<64xf32>
    %broadcast_in_dim3A_142 = vector.shape_cast %reduce_sum3A_141 : vector<64xf32> to vector<64x1xf32>
    %mul3A_143 = vector.broadcast %broadcast_in_dim3A_142 : vector<64x1xf32> to vector<64x100xf32>
    %mul3A_144 = arith.mulf %mul3A_143, %mul3A_134 : vector<64x100xf32>
    %add3A_145 = arith.addf %add3A_109, %mul3A_144 : vector<64x100xf32>
    %mul3A_146 = arith.constant 16 : i32
    %mul3A_147 = arith.muli %arg0, %mul3A_146 : i32
    %add3A_148 = arith.constant 4 : i32
    %add3A_149 = arith.addi %mul3A_147, %add3A_148 : i32
    %get3A_150 = arith.constant 4 : index
    %get3A_151 = arith.constant 0 : index
    %get3A_152 = arith.constant 0 : index
    %get3A_153 = vector.load %arg4[%get3A_150, %get3A_151, %get3A_152] : memref<16x100x1024xf32, #tpu.memory_space<vmem>>, vector<1x100x1024xf32>
    %get3A_154 = vector.shape_cast %get3A_153 : vector<1x100x1024xf32> to vector<100x1024xf32>
    %dot_general3A_155 = arith.constant dense<0.000000e+00> : vector<64x100xf32>
    %dot_general3A_156 = tpu.matmul %get3A_3, %get3A_154, %dot_general3A_155 {dimension_numbers = #tpu.dot_dimension_numbers<[1], [1], [0], [0], [0, 0, 1, 0], [], []>, transpose_lhs_hint = false} : vector<64x1024xf32>, vector<100x1024xf32>, vector<64x100xf32> -> vector<64x100xf32>
    %get3A_157 = arith.constant 4 : index
    %get3A_158 = arith.constant 0 : index
    %get3A_159 = vector.load %arg5[%get3A_157, %get3A_158] : memref<16x100xf32, #tpu.memory_space<vmem>>, vector<1x100xf32>
    %get3A_160 = vector.shape_cast %get3A_159 : vector<1x100xf32> to vector<100xf32>
    %broadcast_in_dim3A_161 = vector.shape_cast %get3A_160 : vector<100xf32> to vector<1x100xf32>
    %add3A_162 = vector.broadcast %broadcast_in_dim3A_161 : vector<1x100xf32> to vector<64x100xf32>
    %add3A_163 = arith.addf %dot_general3A_156, %add3A_162 : vector<64x100xf32>
    %mul3A_164 = arith.constant 1.000000e-01 : f32
    %mul3A_165 = vector.broadcast %mul3A_164 : f32 to vector<64x100xf32>
    %mul3A_166 = arith.mulf %add3A_163, %mul3A_165 : vector<64x100xf32>
    %tanh3A_167 = math.tanh %mul3A_166 : vector<64x100xf32>
    %mul3A_168 = arith.constant 1.000000e+01 : f32
    %mul3A_169 = vector.broadcast %mul3A_168 : f32 to vector<64x100xf32>
    %mul3A_170 = arith.mulf %tanh3A_167, %mul3A_169 : vector<64x100xf32>
    %eq3A_171 = vector.broadcast %add3A_149 : i32 to vector<64x64xi32>
    %eq3A_172 = arith.cmpi eq, %iota3A, %eq3A_171 : vector<64x64xi32>
    %jit3A_173 = arith.constant 0.000000e+00 : f32
    %broadcast_in_dim3A_174 = vector.broadcast %jit3A_173 : f32 to vector<64x64xf32>
    %select_n3A_175 = arith.select %eq3A_172, %get3A_6, %broadcast_in_dim3A_174 : vector<64x64xi1>, vector<64x64xf32>
    %reduce_sum3A_176 = arith.constant dense<0.000000e+00> : vector<64xf32>
    %reduce_sum3A_177 = vector.multi_reduction <add>, %select_n3A_175, %reduce_sum3A_176 [1] : vector<64x64xf32> to vector<64xf32>
    %broadcast_in_dim3A_178 = vector.shape_cast %reduce_sum3A_177 : vector<64xf32> to vector<64x1xf32>
    %mul3A_179 = vector.broadcast %broadcast_in_dim3A_178 : vector<64x1xf32> to vector<64x100xf32>
    %mul3A_180 = arith.mulf %mul3A_179, %mul3A_170 : vector<64x100xf32>
    %add3A_181 = arith.addf %add3A_145, %mul3A_180 : vector<64x100xf32>
    %mul3A_182 = arith.constant 16 : i32
    %mul3A_183 = arith.muli %arg0, %mul3A_182 : i32
    %add3A_184 = arith.constant 5 : i32
    %add3A_185 = arith.addi %mul3A_183, %add3A_184 : i32
    %get3A_186 = arith.constant 5 : index
    %get3A_187 = arith.constant 0 : index
    %get3A_188 = arith.constant 0 : index
    %get3A_189 = vector.load %arg4[%get3A_186, %get3A_187, %get3A_188] : memref<16x100x1024xf32, #tpu.memory_space<vmem>>, vector<1x100x1024xf32>
    %get3A_190 = vector.shape_cast %get3A_189 : vector<1x100x1024xf32> to vector<100x1024xf32>
    %dot_general3A_191 = arith.constant dense<0.000000e+00> : vector<64x100xf32>
    %dot_general3A_192 = tpu.matmul %get3A_3, %get3A_190, %dot_general3A_191 {dimension_numbers = #tpu.dot_dimension_numbers<[1], [1], [0], [0], [0, 0, 1, 0], [], []>, transpose_lhs_hint = false} : vector<64x1024xf32>, vector<100x1024xf32>, vector<64x100xf32> -> vector<64x100xf32>
    %get3A_193 = arith.constant 5 : index
    %get3A_194 = arith.constant 0 : index
    %get3A_195 = vector.load %arg5[%get3A_193, %get3A_194] : memref<16x100xf32, #tpu.memory_space<vmem>>, vector<1x100xf32>
    %get3A_196 = vector.shape_cast %get3A_195 : vector<1x100xf32> to vector<100xf32>
    %broadcast_in_dim3A_197 = vector.shape_cast %get3A_196 : vector<100xf32> to vector<1x100xf32>
    %add3A_198 = vector.broadcast %broadcast_in_dim3A_197 : vector<1x100xf32> to vector<64x100xf32>
    %add3A_199 = arith.addf %dot_general3A_192, %add3A_198 : vector<64x100xf32>
    %mul3A_200 = arith.constant 1.000000e-01 : f32
    %mul3A_201 = vector.broadcast %mul3A_200 : f32 to vector<64x100xf32>
    %mul3A_202 = arith.mulf %add3A_199, %mul3A_201 : vector<64x100xf32>
    %tanh3A_203 = math.tanh %mul3A_202 : vector<64x100xf32>
    %mul3A_204 = arith.constant 1.000000e+01 : f32
    %mul3A_205 = vector.broadcast %mul3A_204 : f32 to vector<64x100xf32>
    %mul3A_206 = arith.mulf %tanh3A_203, %mul3A_205 : vector<64x100xf32>
    %eq3A_207 = vector.broadcast %add3A_185 : i32 to vector<64x64xi32>
    %eq3A_208 = arith.cmpi eq, %iota3A, %eq3A_207 : vector<64x64xi32>
    %jit3A_209 = arith.constant 0.000000e+00 : f32
    %broadcast_in_dim3A_210 = vector.broadcast %jit3A_209 : f32 to vector<64x64xf32>
    %select_n3A_211 = arith.select %eq3A_208, %get3A_6, %broadcast_in_dim3A_210 : vector<64x64xi1>, vector<64x64xf32>
    %reduce_sum3A_212 = arith.constant dense<0.000000e+00> : vector<64xf32>
    %reduce_sum3A_213 = vector.multi_reduction <add>, %select_n3A_211, %reduce_sum3A_212 [1] : vector<64x64xf32> to vector<64xf32>
    %broadcast_in_dim3A_214 = vector.shape_cast %reduce_sum3A_213 : vector<64xf32> to vector<64x1xf32>
    %mul3A_215 = vector.broadcast %broadcast_in_dim3A_214 : vector<64x1xf32> to vector<64x100xf32>
    %mul3A_216 = arith.mulf %mul3A_215, %mul3A_206 : vector<64x100xf32>
    %add3A_217 = arith.addf %add3A_181, %mul3A_216 : vector<64x100xf32>
    %mul3A_218 = arith.constant 16 : i32
    %mul3A_219 = arith.muli %arg0, %mul3A_218 : i32
    %add3A_220 = arith.constant 6 : i32
    %add3A_221 = arith.addi %mul3A_219, %add3A_220 : i32
    %get3A_222 = arith.constant 6 : index
    %get3A_223 = arith.constant 0 : index
    %get3A_224 = arith.constant 0 : index
    %get3A_225 = vector.load %arg4[%get3A_222, %get3A_223, %get3A_224] : memref<16x100x1024xf32, #tpu.memory_space<vmem>>, vector<1x100x1024xf32>
    %get3A_226 = vector.shape_cast %get3A_225 : vector<1x100x1024xf32> to vector<100x1024xf32>
    %dot_general3A_227 = arith.constant dense<0.000000e+00> : vector<64x100xf32>
    %dot_general3A_228 = tpu.matmul %get3A_3, %get3A_226, %dot_general3A_227 {dimension_numbers = #tpu.dot_dimension_numbers<[1], [1], [0], [0], [0, 0, 1, 0], [], []>, transpose_lhs_hint = false} : vector<64x1024xf32>, vector<100x1024xf32>, vector<64x100xf32> -> vector<64x100xf32>
    %get3A_229 = arith.constant 6 : index
    %get3A_230 = arith.constant 0 : index
    %get3A_231 = vector.load %arg5[%get3A_229, %get3A_230] : memref<16x100xf32, #tpu.memory_space<vmem>>, vector<1x100xf32>
    %get3A_232 = vector.shape_cast %get3A_231 : vector<1x100xf32> to vector<100xf32>
    %broadcast_in_dim3A_233 = vector.shape_cast %get3A_232 : vector<100xf32> to vector<1x100xf32>
    %add3A_234 = vector.broadcast %broadcast_in_dim3A_233 : vector<1x100xf32> to vector<64x100xf32>
    %add3A_235 = arith.addf %dot_general3A_228, %add3A_234 : vector<64x100xf32>
    %mul3A_236 = arith.constant 1.000000e-01 : f32
    %mul3A_237 = vector.broadcast %mul3A_236 : f32 to vector<64x100xf32>
    %mul3A_238 = arith.mulf %add3A_235, %mul3A_237 : vector<64x100xf32>
    %tanh3A_239 = math.tanh %mul3A_238 : vector<64x100xf32>
    %mul3A_240 = arith.constant 1.000000e+01 : f32
    %mul3A_241 = vector.broadcast %mul3A_240 : f32 to vector<64x100xf32>
    %mul3A_242 = arith.mulf %tanh3A_239, %mul3A_241 : vector<64x100xf32>
    %eq3A_243 = vector.broadcast %add3A_221 : i32 to vector<64x64xi32>
    %eq3A_244 = arith.cmpi eq, %iota3A, %eq3A_243 : vector<64x64xi32>
    %jit3A_245 = arith.constant 0.000000e+00 : f32
    %broadcast_in_dim3A_246 = vector.broadcast %jit3A_245 : f32 to vector<64x64xf32>
    %select_n3A_247 = arith.select %eq3A_244, %get3A_6, %broadcast_in_dim3A_246 : vector<64x64xi1>, vector<64x64xf32>
    %reduce_sum3A_248 = arith.constant dense<0.000000e+00> : vector<64xf32>
    %reduce_sum3A_249 = vector.multi_reduction <add>, %select_n3A_247, %reduce_sum3A_248 [1] : vector<64x64xf32> to vector<64xf32>
    %broadcast_in_dim3A_250 = vector.shape_cast %reduce_sum3A_249 : vector<64xf32> to vector<64x1xf32>
    %mul3A_251 = vector.broadcast %broadcast_in_dim3A_250 : vector<64x1xf32> to vector<64x100xf32>
    %mul3A_252 = arith.mulf %mul3A_251, %mul3A_242 : vector<64x100xf32>
    %add3A_253 = arith.addf %add3A_217, %mul3A_252 : vector<64x100xf32>
    %mul3A_254 = arith.constant 16 : i32
    %mul3A_255 = arith.muli %arg0, %mul3A_254 : i32
    %add3A_256 = arith.constant 7 : i32
    %add3A_257 = arith.addi %mul3A_255, %add3A_256 : i32
    %get3A_258 = arith.constant 7 : index
    %get3A_259 = arith.constant 0 : index
    %get3A_260 = arith.constant 0 : index
    %get3A_261 = vector.load %arg4[%get3A_258, %get3A_259, %get3A_260] : memref<16x100x1024xf32, #tpu.memory_space<vmem>>, vector<1x100x1024xf32>
    %get3A_262 = vector.shape_cast %get3A_261 : vector<1x100x1024xf32> to vector<100x1024xf32>
    %dot_general3A_263 = arith.constant dense<0.000000e+00> : vector<64x100xf32>
    %dot_general3A_264 = tpu.matmul %get3A_3, %get3A_262, %dot_general3A_263 {dimension_numbers = #tpu.dot_dimension_numbers<[1], [1], [0], [0], [0, 0, 1, 0], [], []>, transpose_lhs_hint = false} : vector<64x1024xf32>, vector<100x1024xf32>, vector<64x100xf32> -> vector<64x100xf32>
    %get3A_265 = arith.constant 7 : index
    %get3A_266 = arith.constant 0 : index
    %get3A_267 = vector.load %arg5[%get3A_265, %get3A_266] : memref<16x100xf32, #tpu.memory_space<vmem>>, vector<1x100xf32>
    %get3A_268 = vector.shape_cast %get3A_267 : vector<1x100xf32> to vector<100xf32>
    %broadcast_in_dim3A_269 = vector.shape_cast %get3A_268 : vector<100xf32> to vector<1x100xf32>
    %add3A_270 = vector.broadcast %broadcast_in_dim3A_269 : vector<1x100xf32> to vector<64x100xf32>
    %add3A_271 = arith.addf %dot_general3A_264, %add3A_270 : vector<64x100xf32>
    %mul3A_272 = arith.constant 1.000000e-01 : f32
    %mul3A_273 = vector.broadcast %mul3A_272 : f32 to vector<64x100xf32>
    %mul3A_274 = arith.mulf %add3A_271, %mul3A_273 : vector<64x100xf32>
    %tanh3A_275 = math.tanh %mul3A_274 : vector<64x100xf32>
    %mul3A_276 = arith.constant 1.000000e+01 : f32
    %mul3A_277 = vector.broadcast %mul3A_276 : f32 to vector<64x100xf32>
    %mul3A_278 = arith.mulf %tanh3A_275, %mul3A_277 : vector<64x100xf32>
    %eq3A_279 = vector.broadcast %add3A_257 : i32 to vector<64x64xi32>
    %eq3A_280 = arith.cmpi eq, %iota3A, %eq3A_279 : vector<64x64xi32>
    %jit3A_281 = arith.constant 0.000000e+00 : f32
    %broadcast_in_dim3A_282 = vector.broadcast %jit3A_281 : f32 to vector<64x64xf32>
    %select_n3A_283 = arith.select %eq3A_280, %get3A_6, %broadcast_in_dim3A_282 : vector<64x64xi1>, vector<64x64xf32>
    %reduce_sum3A_284 = arith.constant dense<0.000000e+00> : vector<64xf32>
    %reduce_sum3A_285 = vector.multi_reduction <add>, %select_n3A_283, %reduce_sum3A_284 [1] : vector<64x64xf32> to vector<64xf32>
    %broadcast_in_dim3A_286 = vector.shape_cast %reduce_sum3A_285 : vector<64xf32> to vector<64x1xf32>
    %mul3A_287 = vector.broadcast %broadcast_in_dim3A_286 : vector<64x1xf32> to vector<64x100xf32>
    %mul3A_288 = arith.mulf %mul3A_287, %mul3A_278 : vector<64x100xf32>
    %add3A_289 = arith.addf %add3A_253, %mul3A_288 : vector<64x100xf32>
    %mul3A_290 = arith.constant 16 : i32
    %mul3A_291 = arith.muli %arg0, %mul3A_290 : i32
    %add3A_292 = arith.constant 8 : i32
    %add3A_293 = arith.addi %mul3A_291, %add3A_292 : i32
    %get3A_294 = arith.constant 8 : index
    %get3A_295 = arith.constant 0 : index
    %get3A_296 = arith.constant 0 : index
    %get3A_297 = vector.load %arg4[%get3A_294, %get3A_295, %get3A_296] : memref<16x100x1024xf32, #tpu.memory_space<vmem>>, vector<1x100x1024xf32>
    %get3A_298 = vector.shape_cast %get3A_297 : vector<1x100x1024xf32> to vector<100x1024xf32>
    %dot_general3A_299 = arith.constant dense<0.000000e+00> : vector<64x100xf32>
    %dot_general3A_300 = tpu.matmul %get3A_3, %get3A_298, %dot_general3A_299 {dimension_numbers = #tpu.dot_dimension_numbers<[1], [1], [0], [0], [0, 0, 1, 0], [], []>, transpose_lhs_hint = false} : vector<64x1024xf32>, vector<100x1024xf32>, vector<64x100xf32> -> vector<64x100xf32>
    %get3A_301 = arith.constant 8 : index
    %get3A_302 = arith.constant 0 : index
    %get3A_303 = vector.load %arg5[%get3A_301, %get3A_302] : memref<16x100xf32, #tpu.memory_space<vmem>>, vector<1x100xf32>
    %get3A_304 = vector.shape_cast %get3A_303 : vector<1x100xf32> to vector<100xf32>
    %broadcast_in_dim3A_305 = vector.shape_cast %get3A_304 : vector<100xf32> to vector<1x100xf32>
    %add3A_306 = vector.broadcast %broadcast_in_dim3A_305 : vector<1x100xf32> to vector<64x100xf32>
    %add3A_307 = arith.addf %dot_general3A_300, %add3A_306 : vector<64x100xf32>
    %mul3A_308 = arith.constant 1.000000e-01 : f32
    %mul3A_309 = vector.broadcast %mul3A_308 : f32 to vector<64x100xf32>
    %mul3A_310 = arith.mulf %add3A_307, %mul3A_309 : vector<64x100xf32>
    %tanh3A_311 = math.tanh %mul3A_310 : vector<64x100xf32>
    %mul3A_312 = arith.constant 1.000000e+01 : f32
    %mul3A_313 = vector.broadcast %mul3A_312 : f32 to vector<64x100xf32>
    %mul3A_314 = arith.mulf %tanh3A_311, %mul3A_313 : vector<64x100xf32>
    %eq3A_315 = vector.broadcast %add3A_293 : i32 to vector<64x64xi32>
    %eq3A_316 = arith.cmpi eq, %iota3A, %eq3A_315 : vector<64x64xi32>
    %jit3A_317 = arith.constant 0.000000e+00 : f32
    %broadcast_in_dim3A_318 = vector.broadcast %jit3A_317 : f32 to vector<64x64xf32>
    %select_n3A_319 = arith.select %eq3A_316, %get3A_6, %broadcast_in_dim3A_318 : vector<64x64xi1>, vector<64x64xf32>
    %reduce_sum3A_320 = arith.constant dense<0.000000e+00> : vector<64xf32>
    %reduce_sum3A_321 = vector.multi_reduction <add>, %select_n3A_319, %reduce_sum3A_320 [1] : vector<64x64xf32> to vector<64xf32>
    %broadcast_in_dim3A_322 = vector.shape_cast %reduce_sum3A_321 : vector<64xf32> to vector<64x1xf32>
    %mul3A_323 = vector.broadcast %broadcast_in_dim3A_322 : vector<64x1xf32> to vector<64x100xf32>
    %mul3A_324 = arith.mulf %mul3A_323, %mul3A_314 : vector<64x100xf32>
    %add3A_325 = arith.addf %add3A_289, %mul3A_324 : vector<64x100xf32>
    %mul3A_326 = arith.constant 16 : i32
    %mul3A_327 = arith.muli %arg0, %mul3A_326 : i32
    %add3A_328 = arith.constant 9 : i32
    %add3A_329 = arith.addi %mul3A_327, %add3A_328 : i32
    %get3A_330 = arith.constant 9 : index
    %get3A_331 = arith.constant 0 : index
    %get3A_332 = arith.constant 0 : index
    %get3A_333 = vector.load %arg4[%get3A_330, %get3A_331, %get3A_332] : memref<16x100x1024xf32, #tpu.memory_space<vmem>>, vector<1x100x1024xf32>
    %get3A_334 = vector.shape_cast %get3A_333 : vector<1x100x1024xf32> to vector<100x1024xf32>
    %dot_general3A_335 = arith.constant dense<0.000000e+00> : vector<64x100xf32>
    %dot_general3A_336 = tpu.matmul %get3A_3, %get3A_334, %dot_general3A_335 {dimension_numbers = #tpu.dot_dimension_numbers<[1], [1], [0], [0], [0, 0, 1, 0], [], []>, transpose_lhs_hint = false} : vector<64x1024xf32>, vector<100x1024xf32>, vector<64x100xf32> -> vector<64x100xf32>
    %get3A_337 = arith.constant 9 : index
    %get3A_338 = arith.constant 0 : index
    %get3A_339 = vector.load %arg5[%get3A_337, %get3A_338] : memref<16x100xf32, #tpu.memory_space<vmem>>, vector<1x100xf32>
    %get3A_340 = vector.shape_cast %get3A_339 : vector<1x100xf32> to vector<100xf32>
    %broadcast_in_dim3A_341 = vector.shape_cast %get3A_340 : vector<100xf32> to vector<1x100xf32>
    %add3A_342 = vector.broadcast %broadcast_in_dim3A_341 : vector<1x100xf32> to vector<64x100xf32>
    %add3A_343 = arith.addf %dot_general3A_336, %add3A_342 : vector<64x100xf32>
    %mul3A_344 = arith.constant 1.000000e-01 : f32
    %mul3A_345 = vector.broadcast %mul3A_344 : f32 to vector<64x100xf32>
    %mul3A_346 = arith.mulf %add3A_343, %mul3A_345 : vector<64x100xf32>
    %tanh3A_347 = math.tanh %mul3A_346 : vector<64x100xf32>
    %mul3A_348 = arith.constant 1.000000e+01 : f32
    %mul3A_349 = vector.broadcast %mul3A_348 : f32 to vector<64x100xf32>
    %mul3A_350 = arith.mulf %tanh3A_347, %mul3A_349 : vector<64x100xf32>
    %eq3A_351 = vector.broadcast %add3A_329 : i32 to vector<64x64xi32>
    %eq3A_352 = arith.cmpi eq, %iota3A, %eq3A_351 : vector<64x64xi32>
    %jit3A_353 = arith.constant 0.000000e+00 : f32
    %broadcast_in_dim3A_354 = vector.broadcast %jit3A_353 : f32 to vector<64x64xf32>
    %select_n3A_355 = arith.select %eq3A_352, %get3A_6, %broadcast_in_dim3A_354 : vector<64x64xi1>, vector<64x64xf32>
    %reduce_sum3A_356 = arith.constant dense<0.000000e+00> : vector<64xf32>
    %reduce_sum3A_357 = vector.multi_reduction <add>, %select_n3A_355, %reduce_sum3A_356 [1] : vector<64x64xf32> to vector<64xf32>
    %broadcast_in_dim3A_358 = vector.shape_cast %reduce_sum3A_357 : vector<64xf32> to vector<64x1xf32>
    %mul3A_359 = vector.broadcast %broadcast_in_dim3A_358 : vector<64x1xf32> to vector<64x100xf32>
    %mul3A_360 = arith.mulf %mul3A_359, %mul3A_350 : vector<64x100xf32>
    %add3A_361 = arith.addf %add3A_325, %mul3A_360 : vector<64x100xf32>
    %mul3A_362 = arith.constant 16 : i32
    %mul3A_363 = arith.muli %arg0, %mul3A_362 : i32
    %add3A_364 = arith.constant 10 : i32
    %add3A_365 = arith.addi %mul3A_363, %add3A_364 : i32
    %get3A_366 = arith.constant 10 : index
    %get3A_367 = arith.constant 0 : index
    %get3A_368 = arith.constant 0 : index
    %get3A_369 = vector.load %arg4[%get3A_366, %get3A_367, %get3A_368] : memref<16x100x1024xf32, #tpu.memory_space<vmem>>, vector<1x100x1024xf32>
    %get3A_370 = vector.shape_cast %get3A_369 : vector<1x100x1024xf32> to vector<100x1024xf32>
    %dot_general3A_371 = arith.constant dense<0.000000e+00> : vector<64x100xf32>
    %dot_general3A_372 = tpu.matmul %get3A_3, %get3A_370, %dot_general3A_371 {dimension_numbers = #tpu.dot_dimension_numbers<[1], [1], [0], [0], [0, 0, 1, 0], [], []>, transpose_lhs_hint = false} : vector<64x1024xf32>, vector<100x1024xf32>, vector<64x100xf32> -> vector<64x100xf32>
    %get3A_373 = arith.constant 10 : index
    %get3A_374 = arith.constant 0 : index
    %get3A_375 = vector.load %arg5[%get3A_373, %get3A_374] : memref<16x100xf32, #tpu.memory_space<vmem>>, vector<1x100xf32>
    %get3A_376 = vector.shape_cast %get3A_375 : vector<1x100xf32> to vector<100xf32>
    %broadcast_in_dim3A_377 = vector.shape_cast %get3A_376 : vector<100xf32> to vector<1x100xf32>
    %add3A_378 = vector.broadcast %broadcast_in_dim3A_377 : vector<1x100xf32> to vector<64x100xf32>
    %add3A_379 = arith.addf %dot_general3A_372, %add3A_378 : vector<64x100xf32>
    %mul3A_380 = arith.constant 1.000000e-01 : f32
    %mul3A_381 = vector.broadcast %mul3A_380 : f32 to vector<64x100xf32>
    %mul3A_382 = arith.mulf %add3A_379, %mul3A_381 : vector<64x100xf32>
    %tanh3A_383 = math.tanh %mul3A_382 : vector<64x100xf32>
    %mul3A_384 = arith.constant 1.000000e+01 : f32
    %mul3A_385 = vector.broadcast %mul3A_384 : f32 to vector<64x100xf32>
    %mul3A_386 = arith.mulf %tanh3A_383, %mul3A_385 : vector<64x100xf32>
    %eq3A_387 = vector.broadcast %add3A_365 : i32 to vector<64x64xi32>
    %eq3A_388 = arith.cmpi eq, %iota3A, %eq3A_387 : vector<64x64xi32>
    %jit3A_389 = arith.constant 0.000000e+00 : f32
    %broadcast_in_dim3A_390 = vector.broadcast %jit3A_389 : f32 to vector<64x64xf32>
    %select_n3A_391 = arith.select %eq3A_388, %get3A_6, %broadcast_in_dim3A_390 : vector<64x64xi1>, vector<64x64xf32>
    %reduce_sum3A_392 = arith.constant dense<0.000000e+00> : vector<64xf32>
    %reduce_sum3A_393 = vector.multi_reduction <add>, %select_n3A_391, %reduce_sum3A_392 [1] : vector<64x64xf32> to vector<64xf32>
    %broadcast_in_dim3A_394 = vector.shape_cast %reduce_sum3A_393 : vector<64xf32> to vector<64x1xf32>
    %mul3A_395 = vector.broadcast %broadcast_in_dim3A_394 : vector<64x1xf32> to vector<64x100xf32>
    %mul3A_396 = arith.mulf %mul3A_395, %mul3A_386 : vector<64x100xf32>
    %add3A_397 = arith.addf %add3A_361, %mul3A_396 : vector<64x100xf32>
    %mul3A_398 = arith.constant 16 : i32
    %mul3A_399 = arith.muli %arg0, %mul3A_398 : i32
    %add3A_400 = arith.constant 11 : i32
    %add3A_401 = arith.addi %mul3A_399, %add3A_400 : i32
    %get3A_402 = arith.constant 11 : index
    %get3A_403 = arith.constant 0 : index
    %get3A_404 = arith.constant 0 : index
    %get3A_405 = vector.load %arg4[%get3A_402, %get3A_403, %get3A_404] : memref<16x100x1024xf32, #tpu.memory_space<vmem>>, vector<1x100x1024xf32>
    %get3A_406 = vector.shape_cast %get3A_405 : vector<1x100x1024xf32> to vector<100x1024xf32>
    %dot_general3A_407 = arith.constant dense<0.000000e+00> : vector<64x100xf32>
    %dot_general3A_408 = tpu.matmul %get3A_3, %get3A_406, %dot_general3A_407 {dimension_numbers = #tpu.dot_dimension_numbers<[1], [1], [0], [0], [0, 0, 1, 0], [], []>, transpose_lhs_hint = false} : vector<64x1024xf32>, vector<100x1024xf32>, vector<64x100xf32> -> vector<64x100xf32>
    %get3A_409 = arith.constant 11 : index
    %get3A_410 = arith.constant 0 : index
    %get3A_411 = vector.load %arg5[%get3A_409, %get3A_410] : memref<16x100xf32, #tpu.memory_space<vmem>>, vector<1x100xf32>
    %get3A_412 = vector.shape_cast %get3A_411 : vector<1x100xf32> to vector<100xf32>
    %broadcast_in_dim3A_413 = vector.shape_cast %get3A_412 : vector<100xf32> to vector<1x100xf32>
    %add3A_414 = vector.broadcast %broadcast_in_dim3A_413 : vector<1x100xf32> to vector<64x100xf32>
    %add3A_415 = arith.addf %dot_general3A_408, %add3A_414 : vector<64x100xf32>
    %mul3A_416 = arith.constant 1.000000e-01 : f32
    %mul3A_417 = vector.broadcast %mul3A_416 : f32 to vector<64x100xf32>
    %mul3A_418 = arith.mulf %add3A_415, %mul3A_417 : vector<64x100xf32>
    %tanh3A_419 = math.tanh %mul3A_418 : vector<64x100xf32>
    %mul3A_420 = arith.constant 1.000000e+01 : f32
    %mul3A_421 = vector.broadcast %mul3A_420 : f32 to vector<64x100xf32>
    %mul3A_422 = arith.mulf %tanh3A_419, %mul3A_421 : vector<64x100xf32>
    %eq3A_423 = vector.broadcast %add3A_401 : i32 to vector<64x64xi32>
    %eq3A_424 = arith.cmpi eq, %iota3A, %eq3A_423 : vector<64x64xi32>
    %jit3A_425 = arith.constant 0.000000e+00 : f32
    %broadcast_in_dim3A_426 = vector.broadcast %jit3A_425 : f32 to vector<64x64xf32>
    %select_n3A_427 = arith.select %eq3A_424, %get3A_6, %broadcast_in_dim3A_426 : vector<64x64xi1>, vector<64x64xf32>
    %reduce_sum3A_428 = arith.constant dense<0.000000e+00> : vector<64xf32>
    %reduce_sum3A_429 = vector.multi_reduction <add>, %select_n3A_427, %reduce_sum3A_428 [1] : vector<64x64xf32> to vector<64xf32>
    %broadcast_in_dim3A_430 = vector.shape_cast %reduce_sum3A_429 : vector<64xf32> to vector<64x1xf32>
    %mul3A_431 = vector.broadcast %broadcast_in_dim3A_430 : vector<64x1xf32> to vector<64x100xf32>
    %mul3A_432 = arith.mulf %mul3A_431, %mul3A_422 : vector<64x100xf32>
    %add3A_433 = arith.addf %add3A_397, %mul3A_432 : vector<64x100xf32>
    %mul3A_434 = arith.constant 16 : i32
    %mul3A_435 = arith.muli %arg0, %mul3A_434 : i32
    %add3A_436 = arith.constant 12 : i32
    %add3A_437 = arith.addi %mul3A_435, %add3A_436 : i32
    %get3A_438 = arith.constant 12 : index
    %get3A_439 = arith.constant 0 : index
    %get3A_440 = arith.constant 0 : index
    %get3A_441 = vector.load %arg4[%get3A_438, %get3A_439, %get3A_440] : memref<16x100x1024xf32, #tpu.memory_space<vmem>>, vector<1x100x1024xf32>
    %get3A_442 = vector.shape_cast %get3A_441 : vector<1x100x1024xf32> to vector<100x1024xf32>
    %dot_general3A_443 = arith.constant dense<0.000000e+00> : vector<64x100xf32>
    %dot_general3A_444 = tpu.matmul %get3A_3, %get3A_442, %dot_general3A_443 {dimension_numbers = #tpu.dot_dimension_numbers<[1], [1], [0], [0], [0, 0, 1, 0], [], []>, transpose_lhs_hint = false} : vector<64x1024xf32>, vector<100x1024xf32>, vector<64x100xf32> -> vector<64x100xf32>
    %get3A_445 = arith.constant 12 : index
    %get3A_446 = arith.constant 0 : index
    %get3A_447 = vector.load %arg5[%get3A_445, %get3A_446] : memref<16x100xf32, #tpu.memory_space<vmem>>, vector<1x100xf32>
    %get3A_448 = vector.shape_cast %get3A_447 : vector<1x100xf32> to vector<100xf32>
    %broadcast_in_dim3A_449 = vector.shape_cast %get3A_448 : vector<100xf32> to vector<1x100xf32>
    %add3A_450 = vector.broadcast %broadcast_in_dim3A_449 : vector<1x100xf32> to vector<64x100xf32>
    %add3A_451 = arith.addf %dot_general3A_444, %add3A_450 : vector<64x100xf32>
    %mul3A_452 = arith.constant 1.000000e-01 : f32
    %mul3A_453 = vector.broadcast %mul3A_452 : f32 to vector<64x100xf32>
    %mul3A_454 = arith.mulf %add3A_451, %mul3A_453 : vector<64x100xf32>
    %tanh3A_455 = math.tanh %mul3A_454 : vector<64x100xf32>
    %mul3A_456 = arith.constant 1.000000e+01 : f32
    %mul3A_457 = vector.broadcast %mul3A_456 : f32 to vector<64x100xf32>
    %mul3A_458 = arith.mulf %tanh3A_455, %mul3A_457 : vector<64x100xf32>
    %eq3A_459 = vector.broadcast %add3A_437 : i32 to vector<64x64xi32>
    %eq3A_460 = arith.cmpi eq, %iota3A, %eq3A_459 : vector<64x64xi32>
    %jit3A_461 = arith.constant 0.000000e+00 : f32
    %broadcast_in_dim3A_462 = vector.broadcast %jit3A_461 : f32 to vector<64x64xf32>
    %select_n3A_463 = arith.select %eq3A_460, %get3A_6, %broadcast_in_dim3A_462 : vector<64x64xi1>, vector<64x64xf32>
    %reduce_sum3A_464 = arith.constant dense<0.000000e+00> : vector<64xf32>
    %reduce_sum3A_465 = vector.multi_reduction <add>, %select_n3A_463, %reduce_sum3A_464 [1] : vector<64x64xf32> to vector<64xf32>
    %broadcast_in_dim3A_466 = vector.shape_cast %reduce_sum3A_465 : vector<64xf32> to vector<64x1xf32>
    %mul3A_467 = vector.broadcast %broadcast_in_dim3A_466 : vector<64x1xf32> to vector<64x100xf32>
    %mul3A_468 = arith.mulf %mul3A_467, %mul3A_458 : vector<64x100xf32>
    %add3A_469 = arith.addf %add3A_433, %mul3A_468 : vector<64x100xf32>
    %mul3A_470 = arith.constant 16 : i32
    %mul3A_471 = arith.muli %arg0, %mul3A_470 : i32
    %add3A_472 = arith.constant 13 : i32
    %add3A_473 = arith.addi %mul3A_471, %add3A_472 : i32
    %get3A_474 = arith.constant 13 : index
    %get3A_475 = arith.constant 0 : index
    %get3A_476 = arith.constant 0 : index
    %get3A_477 = vector.load %arg4[%get3A_474, %get3A_475, %get3A_476] : memref<16x100x1024xf32, #tpu.memory_space<vmem>>, vector<1x100x1024xf32>
    %get3A_478 = vector.shape_cast %get3A_477 : vector<1x100x1024xf32> to vector<100x1024xf32>
    %dot_general3A_479 = arith.constant dense<0.000000e+00> : vector<64x100xf32>
    %dot_general3A_480 = tpu.matmul %get3A_3, %get3A_478, %dot_general3A_479 {dimension_numbers = #tpu.dot_dimension_numbers<[1], [1], [0], [0], [0, 0, 1, 0], [], []>, transpose_lhs_hint = false} : vector<64x1024xf32>, vector<100x1024xf32>, vector<64x100xf32> -> vector<64x100xf32>
    %get3A_481 = arith.constant 13 : index
    %get3A_482 = arith.constant 0 : index
    %get3A_483 = vector.load %arg5[%get3A_481, %get3A_482] : memref<16x100xf32, #tpu.memory_space<vmem>>, vector<1x100xf32>
    %get3A_484 = vector.shape_cast %get3A_483 : vector<1x100xf32> to vector<100xf32>
    %broadcast_in_dim3A_485 = vector.shape_cast %get3A_484 : vector<100xf32> to vector<1x100xf32>
    %add3A_486 = vector.broadcast %broadcast_in_dim3A_485 : vector<1x100xf32> to vector<64x100xf32>
    %add3A_487 = arith.addf %dot_general3A_480, %add3A_486 : vector<64x100xf32>
    %mul3A_488 = arith.constant 1.000000e-01 : f32
    %mul3A_489 = vector.broadcast %mul3A_488 : f32 to vector<64x100xf32>
    %mul3A_490 = arith.mulf %add3A_487, %mul3A_489 : vector<64x100xf32>
    %tanh3A_491 = math.tanh %mul3A_490 : vector<64x100xf32>
    %mul3A_492 = arith.constant 1.000000e+01 : f32
    %mul3A_493 = vector.broadcast %mul3A_492 : f32 to vector<64x100xf32>
    %mul3A_494 = arith.mulf %tanh3A_491, %mul3A_493 : vector<64x100xf32>
    %eq3A_495 = vector.broadcast %add3A_473 : i32 to vector<64x64xi32>
    %eq3A_496 = arith.cmpi eq, %iota3A, %eq3A_495 : vector<64x64xi32>
    %jit3A_497 = arith.constant 0.000000e+00 : f32
    %broadcast_in_dim3A_498 = vector.broadcast %jit3A_497 : f32 to vector<64x64xf32>
    %select_n3A_499 = arith.select %eq3A_496, %get3A_6, %broadcast_in_dim3A_498 : vector<64x64xi1>, vector<64x64xf32>
    %reduce_sum3A_500 = arith.constant dense<0.000000e+00> : vector<64xf32>
    %reduce_sum3A_501 = vector.multi_reduction <add>, %select_n3A_499, %reduce_sum3A_500 [1] : vector<64x64xf32> to vector<64xf32>
    %broadcast_in_dim3A_502 = vector.shape_cast %reduce_sum3A_501 : vector<64xf32> to vector<64x1xf32>
    %mul3A_503 = vector.broadcast %broadcast_in_dim3A_502 : vector<64x1xf32> to vector<64x100xf32>
    %mul3A_504 = arith.mulf %mul3A_503, %mul3A_494 : vector<64x100xf32>
    %add3A_505 = arith.addf %add3A_469, %mul3A_504 : vector<64x100xf32>
    %mul3A_506 = arith.constant 16 : i32
    %mul3A_507 = arith.muli %arg0, %mul3A_506 : i32
    %add3A_508 = arith.constant 14 : i32
    %add3A_509 = arith.addi %mul3A_507, %add3A_508 : i32
    %get3A_510 = arith.constant 14 : index
    %get3A_511 = arith.constant 0 : index
    %get3A_512 = arith.constant 0 : index
    %get3A_513 = vector.load %arg4[%get3A_510, %get3A_511, %get3A_512] : memref<16x100x1024xf32, #tpu.memory_space<vmem>>, vector<1x100x1024xf32>
    %get3A_514 = vector.shape_cast %get3A_513 : vector<1x100x1024xf32> to vector<100x1024xf32>
    %dot_general3A_515 = arith.constant dense<0.000000e+00> : vector<64x100xf32>
    %dot_general3A_516 = tpu.matmul %get3A_3, %get3A_514, %dot_general3A_515 {dimension_numbers = #tpu.dot_dimension_numbers<[1], [1], [0], [0], [0, 0, 1, 0], [], []>, transpose_lhs_hint = false} : vector<64x1024xf32>, vector<100x1024xf32>, vector<64x100xf32> -> vector<64x100xf32>
    %get3A_517 = arith.constant 14 : index
    %get3A_518 = arith.constant 0 : index
    %get3A_519 = vector.load %arg5[%get3A_517, %get3A_518] : memref<16x100xf32, #tpu.memory_space<vmem>>, vector<1x100xf32>
    %get3A_520 = vector.shape_cast %get3A_519 : vector<1x100xf32> to vector<100xf32>
    %broadcast_in_dim3A_521 = vector.shape_cast %get3A_520 : vector<100xf32> to vector<1x100xf32>
    %add3A_522 = vector.broadcast %broadcast_in_dim3A_521 : vector<1x100xf32> to vector<64x100xf32>
    %add3A_523 = arith.addf %dot_general3A_516, %add3A_522 : vector<64x100xf32>
    %mul3A_524 = arith.constant 1.000000e-01 : f32
    %mul3A_525 = vector.broadcast %mul3A_524 : f32 to vector<64x100xf32>
    %mul3A_526 = arith.mulf %add3A_523, %mul3A_525 : vector<64x100xf32>
    %tanh3A_527 = math.tanh %mul3A_526 : vector<64x100xf32>
    %mul3A_528 = arith.constant 1.000000e+01 : f32
    %mul3A_529 = vector.broadcast %mul3A_528 : f32 to vector<64x100xf32>
    %mul3A_530 = arith.mulf %tanh3A_527, %mul3A_529 : vector<64x100xf32>
    %eq3A_531 = vector.broadcast %add3A_509 : i32 to vector<64x64xi32>
    %eq3A_532 = arith.cmpi eq, %iota3A, %eq3A_531 : vector<64x64xi32>
    %jit3A_533 = arith.constant 0.000000e+00 : f32
    %broadcast_in_dim3A_534 = vector.broadcast %jit3A_533 : f32 to vector<64x64xf32>
    %select_n3A_535 = arith.select %eq3A_532, %get3A_6, %broadcast_in_dim3A_534 : vector<64x64xi1>, vector<64x64xf32>
    %reduce_sum3A_536 = arith.constant dense<0.000000e+00> : vector<64xf32>
    %reduce_sum3A_537 = vector.multi_reduction <add>, %select_n3A_535, %reduce_sum3A_536 [1] : vector<64x64xf32> to vector<64xf32>
    %broadcast_in_dim3A_538 = vector.shape_cast %reduce_sum3A_537 : vector<64xf32> to vector<64x1xf32>
    %mul3A_539 = vector.broadcast %broadcast_in_dim3A_538 : vector<64x1xf32> to vector<64x100xf32>
    %mul3A_540 = arith.mulf %mul3A_539, %mul3A_530 : vector<64x100xf32>
    %add3A_541 = arith.addf %add3A_505, %mul3A_540 : vector<64x100xf32>
    %mul3A_542 = arith.constant 16 : i32
    %mul3A_543 = arith.muli %arg0, %mul3A_542 : i32
    %add3A_544 = arith.constant 15 : i32
    %add3A_545 = arith.addi %mul3A_543, %add3A_544 : i32
    %get3A_546 = arith.constant 15 : index
    %get3A_547 = arith.constant 0 : index
    %get3A_548 = arith.constant 0 : index
    %get3A_549 = vector.load %arg4[%get3A_546, %get3A_547, %get3A_548] : memref<16x100x1024xf32, #tpu.memory_space<vmem>>, vector<1x100x1024xf32>
    %get3A_550 = vector.shape_cast %get3A_549 : vector<1x100x1024xf32> to vector<100x1024xf32>
    %dot_general3A_551 = arith.constant dense<0.000000e+00> : vector<64x100xf32>
    %dot_general3A_552 = tpu.matmul %get3A_3, %get3A_550, %dot_general3A_551 {dimension_numbers = #tpu.dot_dimension_numbers<[1], [1], [0], [0], [0, 0, 1, 0], [], []>, transpose_lhs_hint = false} : vector<64x1024xf32>, vector<100x1024xf32>, vector<64x100xf32> -> vector<64x100xf32>
    %get3A_553 = arith.constant 15 : index
    %get3A_554 = arith.constant 0 : index
    %get3A_555 = vector.load %arg5[%get3A_553, %get3A_554] : memref<16x100xf32, #tpu.memory_space<vmem>>, vector<1x100xf32>
    %get3A_556 = vector.shape_cast %get3A_555 : vector<1x100xf32> to vector<100xf32>
    %broadcast_in_dim3A_557 = vector.shape_cast %get3A_556 : vector<100xf32> to vector<1x100xf32>
    %add3A_558 = vector.broadcast %broadcast_in_dim3A_557 : vector<1x100xf32> to vector<64x100xf32>
    %add3A_559 = arith.addf %dot_general3A_552, %add3A_558 : vector<64x100xf32>
    %mul3A_560 = arith.constant 1.000000e-01 : f32
    %mul3A_561 = vector.broadcast %mul3A_560 : f32 to vector<64x100xf32>
    %mul3A_562 = arith.mulf %add3A_559, %mul3A_561 : vector<64x100xf32>
    %tanh3A_563 = math.tanh %mul3A_562 : vector<64x100xf32>
    %mul3A_564 = arith.constant 1.000000e+01 : f32
    %mul3A_565 = vector.broadcast %mul3A_564 : f32 to vector<64x100xf32>
    %mul3A_566 = arith.mulf %tanh3A_563, %mul3A_565 : vector<64x100xf32>
    %eq3A_567 = vector.broadcast %add3A_545 : i32 to vector<64x64xi32>
    %eq3A_568 = arith.cmpi eq, %iota3A, %eq3A_567 : vector<64x64xi32>
    %jit3A_569 = arith.constant 0.000000e+00 : f32
    %broadcast_in_dim3A_570 = vector.broadcast %jit3A_569 : f32 to vector<64x64xf32>
    %select_n3A_571 = arith.select %eq3A_568, %get3A_6, %broadcast_in_dim3A_570 : vector<64x64xi1>, vector<64x64xf32>
    %reduce_sum3A_572 = arith.constant dense<0.000000e+00> : vector<64xf32>
    %reduce_sum3A_573 = vector.multi_reduction <add>, %select_n3A_571, %reduce_sum3A_572 [1] : vector<64x64xf32> to vector<64xf32>
    %broadcast_in_dim3A_574 = vector.shape_cast %reduce_sum3A_573 : vector<64xf32> to vector<64x1xf32>
    %mul3A_575 = vector.broadcast %broadcast_in_dim3A_574 : vector<64x1xf32> to vector<64x100xf32>
    %mul3A_576 = arith.mulf %mul3A_575, %mul3A_566 : vector<64x100xf32>
    %add3A_577 = arith.addf %add3A_541, %mul3A_576 : vector<64x100xf32>
    %swap3A = arith.constant 0 : index
    %swap3A_578 = arith.constant 0 : index
    %swap3A_579 = vector.load %arg13[%swap3A, %swap3A_578] : memref<64x100xf32, #tpu.memory_space<vmem>>, vector<64x100xf32>
    tpu.vector_store %arg13[%swap3A, %swap3A_578], %add3A_577 {strides = array<i32>} : memref<64x100xf32, #tpu.memory_space<vmem>>, vector<64x100xf32>,
    %eq3A_580 = arith.constant 3 : i32
    %eq3A_581 = arith.cmpi eq, %arg0, %eq3A_580 : i32
    %convert_element_type3A_582 = arith.extui %eq3A_581 : i1 to i32
    %cond3A_583 = arith.constant 0 : i32
    %cond3A_584 = arith.cmpi ne, %convert_element_type3A_582, %cond3A_583 : i32
    scf.if %cond3A_584 {
      %get3A_585 = arith.constant 0 : index
      %get3A_586 = arith.constant 0 : index
      %get3A_587 = vector.load %arg13[%get3A_585, %get3A_586] : memref<64x100xf32, #tpu.memory_space<vmem>>, vector<64x100xf32>
      %swap3A_588 = arith.constant 0 : index
      %swap3A_589 = arith.constant 0 : index
      %swap3A_590 = vector.load %arg10[%swap3A_588, %swap3A_589] : memref<64x100xf32, #tpu.memory_space<vmem>>, vector<64x100xf32>
      tpu.vector_store %arg10[%swap3A_588, %swap3A_589], %get3A_587 {strides = array<i32>} : memref<64x100xf32, #tpu.memory_space<vmem>>, vector<64x100xf32>,
    } else {
    }
    return
  }
  func.func @transform_0(%arg0: i32) -> (i32, i32) {
    %c0_i32 = arith.constant 0 : i32
    %c0_i32_0 = arith.constant 0 : i32
    %c0_i32_1 = arith.constant 0 : i32
    return %c0_i32, %c0_i32_0 : i32, i32
  }
  func.func @transform_1(%arg0: i32) -> (i32, i32) {
    %c0_i32 = arith.constant 0 : i32
    %c0_i32_0 = arith.constant 0 : i32
    %c0_i32_1 = arith.constant 0 : i32
    return %c0_i32, %c0_i32_0 : i32, i32
  }
  func.func @transform_2(%arg0: i32) -> (i32, i32) {
    %c0_i32 = arith.constant 0 : i32
    %c0_i32_0 = arith.constant 0 : i32
    %c0_i32_1 = arith.constant 0 : i32
    return %c0_i32, %c0_i32_0 : i32, i32
  }
  func.func @transform_3(%arg0: i32) -> (i32, i32, i32) {
    %c0_i32 = arith.constant 0 : i32
    %c0_i32_0 = arith.constant 0 : i32
    %c0_i32_1 = arith.constant 0 : i32
    return %arg0, %c0_i32, %c0_i32_0 : i32, i32, i32
  }
  func.func @transform_4(%arg0: i32) -> (i32, i32) {
    %c0_i32 = arith.constant 0 : i32
    %c0_i32_0 = arith.constant 0 : i32
    return %arg0, %c0_i32 : i32, i32
  }
  func.func @transform_5(%arg0: i32) -> (i32, i32) {
    %c0_i32 = arith.constant 0 : i32
    %c0_i32_0 = arith.constant 0 : i32
    %c0_i32_1 = arith.constant 0 : i32
    return %c0_i32, %c0_i32_0 : i32, i32
  }
  func.func @transform_6(%arg0: i32) -> (i32, i32) {
    %c0_i32 = arith.constant 0 : i32
    %c0_i32_0 = arith.constant 0 : i32
    %c0_i32_1 = arith.constant 0 : i32
    return %c0_i32, %c0_i32_0 : i32, i32
  }
  func.func @transform_7(%arg0: i32) -> (i32, i32) {
    %c0_i32 = arith.constant 0 : i32
    %c0_i32_0 = arith.constant 0 : i32
    %c0_i32_1 = arith.constant 0 : i32
    return %c0_i32, %c0_i32_0 : i32, i32
  }
  func.func @transform_8(%arg0: i32) -> (i32, i32) {
    %c0_i32 = arith.constant 0 : i32
    %c0_i32_0 = arith.constant 0 : i32
    %c0_i32_1 = arith.constant 0 : i32
    return %c0_i32, %c0_i32_0 : i32, i32
  }
  func.func @transform_9(%arg0: i32) -> (i32, i32) {
    %c0_i32 = arith.constant 0 : i32
    %c0_i32_0 = arith.constant 0 : i32
    %c0_i32_1 = arith.constant 0 : i32
    return %c0_i32, %c0_i32_0 : i32, i32
  }
  func.func @transform_10(%arg0: i32) -> (i32, i32) {
    %c0_i32 = arith.constant 0 : i32
    %c0_i32_0 = arith.constant 0 : i32
    %c0_i32_1 = arith.constant 0 : i32
    return %c0_i32, %c0_i32_0 : i32, i32
  }
  func.func @transform_11(%arg0: i32) -> (i32, i32) {
    %c0_i32 = arith.constant 0 : i32
    %c0_i32_0 = arith.constant 0 : i32
    %c0_i32_1 = arith.constant 0 : i32
    return %c0_i32, %c0_i32_0 : i32, i32
  }
}

</mosaic_0001>

<sc_bundles>
// kernel: kernel.5.cloned.1.call-start
scs
__scs_entry_jumppad:
0x0: {  	(pc) =	sbr.rel $0x88, $3  }
0x1: {  	(tag) =	ssettag $0x0;
	lr =	simm.s32 $0x1  }
0x2: {  	[smem:$0x3F99] =	sst lr;
	_ =	strace $0xD0000000  }
0x3: {  	_ = 	snop  }
0x4: {  	_ = 	snop  }
0x5: {  	_ = 	snop  }
0x6: {  	_ = 	snop  }
0x7: {  	_ = 	snop  }
__scs_overlays_trampoline_lowered:
0x8: {  	[smem:$0x3FA8] =	sst s0  }
0x9: {  	[smem:$0x3FA9] =	sst s1  }
0xa: {  	[smem:$0x3FAA] =	sst s2  }
0xb: {  	[smem:$0x3FAB] =	sst s3  }
0xc: {  	[smem:$0x3FAC] =	sst s4  }
0xd: {  	[smem:$0x3FAD] =	sst s5  }
0xe: {  	[smem:$0x3FAE] =	sst s6  }
0xf: {  	[smem:$0x3FAF] =	sst s7  }
0x10: {  	[smem:$0x3FB0] =	sst s8  }
0x11: {  	[smem:$0x3FB1] =	sst s9;
	s0 =	simm.s32 @!p0 $0x0  }
0x12: {  	s1 =	sld [smem:$0x3F97];
	s0 =	simm.s32 @p0 $0x1  }
0x13: {  	[smem:$0x3FB2] =	sst s0;
	s0 =	simm.s32 @!p1 $0x0  }
0x14: {  	s2 =	sld [smem:$0x3F96];
	s0 =	simm.s32 @p1 $0x1  }
0x15: {  	[smem:$0x3FB3] =	sst s0;
	s0 =	simm.s32 @!p2 $0x0  }
0x16: {  	s3 =	sld [smem:$0x3FDB];
	s0 =	simm.s32 @p2 $0x1  }
0x17: {  	s4 =	simm.s32 $0x1BF5;
	[smem:$0x3FB5] =	sst s0  }
0x18: {  	s0 =	sld [smem:$0x3F98];
	_ =	swait.ge [sflag:s4], $0x0  }
0x19: {  	s7 =	sld [smem:$0x3F99]  }
0x1a: {  	s8 =	sadd.s32 $0xFFFFE003, lr  }
0x1b: {  	s9 =	sadd.s32 $0xFFFFFEF7, lr;
	s5 =	simm.s32 $0xFFFFFFFF;
	p2 =	slt.u32 s8, $0xFFFFF086  }
0x1c: {  	p1 =	slt.u32 s9, $0xF7A;
	s5 =	simm.s32 @!p2 $0x0  }
0x1d: {  	s5 =	simm.s32 @p1 $0x1;
	p0 =	seq.s32 s7, s2  }
0x1e: {  	s7 =	smul.u32 @!p0 $0xF7A, s2;
	p2 =	seq.s32 @!p0 s5, $0x0  }
0x1f: {  	s9 =	smul.u32 $0xF7A, s1;
	s8 =	simm.s32 @!p0 $0x1BF5;
	p2 =	por !p2, p0  }
0x20: {  	[sflag:s8] =	ssyncset.s32 @!p0 $0xFFFFF086;
	s6 =	sadd.s32 @!p0 s3, s7;
	s7 =	simm.s32 @!p0 $0x108  }
0x21: {  	s3 =	sadd.s32 s3, s9;
	s6 =	sadd.s32 @!p0 $0x88, s6;
	s7 =	simm.s32 @p2 $0x1082  }
0x22: {  	[simem:s7], [sflag:s8] =	dma.local @!p0 [hbm:s6], $0xF7A  }
0x23: {  	s9 =	sor.u32 $0xD0000000, s2;
	s6 =	simm.s32 $0x108;
	_ =	swait.ge @!p0 [sflag:s8], $0x0  }
0x24: {  	s3 =	sadd.s32 $0x88, s3;
	s6 =	simm.s32 @!p1 $0x1082;
	[sflag:s4] =	ssyncset.s32 $0xFFFFF086  }
0x25: {  	[simem:s6], [sflag:s4] =	dma.local [hbm:s3], $0xF7A  }
0x26: {  	[smem:$0x3F99] =	sst s1;
	(tag) =	ssettag s2;
	_ =	strace s9  }
0x27: {  	s1 =	sld [smem:$0x3FA9]  }
0x28: {  	s2 =	sld [smem:$0x3FAA]  }
0x29: {  	s4 =	sld [smem:$0x3FAC]  }
0x2a: {  	p0 =	seq.s32 s5, $0x0;
	s5 =	sld [smem:$0x3FAD]  }
0x2b: {  	s6 =	sld [smem:$0x3FAE]  }
0x2c: {  	s7 =	sld [smem:$0x3FAF]  }
0x2d: {  	s3 =	simm.s32 $0x108;
	s8 =	sld [smem:$0x3FB0]  }
0x2e: {  	s3 =	simm.s32 @!p0 $0x1082;
	s9 =	sld [smem:$0x3FB1]  }
0x2f: {  	lr =	sadd.s32 s0, s3;
	s0 =	sld [smem:$0x3FA8]  }
0x30: {  	s3 =	sld [smem:$0x3FAB]  }
0x31: {  	[smem:$0x3FB4] =	sst s10  }
0x32: {  	s10 =	sld [smem:$0x3FB2];
	_ =	sdelay $0x3  }
0x33: {  	p0 =	seq.s32 s10, $0x1;
	s10 =	sld [smem:$0x3FB4];
	_ =	sdelay $0x3  }
0x34: {  	[smem:$0x3FB4] =	sst s10  }
0x35: {  	s10 =	sld [smem:$0x3FB3];
	_ =	sdelay $0x3  }
0x36: {  	p1 =	seq.s32 s10, $0x1;
	s10 =	sld [smem:$0x3FB4];
	_ =	sdelay $0x3  }
0x37: {  	[smem:$0x3FB4] =	sst s10  }
0x38: {  	s10 =	sld [smem:$0x3FB5]  }
0x39: {  	_ = 	snop;
	(pc) =	sbr.ind lr, $3  }
0x3a: {  	_ = 	snop  }
0x3b: {  	_ = 	snop  }
0x3c: {  	p2 =	seq.s32 s10, $0x1;
	s10 =	sld [smem:$0x3FB4]  }
0x3d: {  	_ =	shalt  }
0x3e: {  	_ =	shalt  }
0x3f: {  	_ =	shalt  }
0x40: {  	_ =	shalt  }
0x41: {  	_ =	shalt  }
0x42: {  	_ =	shalt  }
0x43: {  	_ =	shalt  }
0x44: {  	_ =	shalt  }
0x45: {  	_ =	shalt  }
0x46: {  	_ =	shalt  }
0x47: {  	_ =	shalt  }
0x48: {  	_ =	shalt  }
0x49: {  	_ =	shalt  }
0x4a: {  	_ =	shalt  }
0x4b: {  	_ =	shalt  }
0x4c: {  	_ =	shalt  }
0x4d: {  	_ =	shalt  }
0x4e: {  	_ =	shalt  }
0x4f: {  	_ =	shalt  }
0x50: {  	_ =	shalt  }
0x51: {  	_ =	shalt  }
0x52: {  	_ =	shalt  }
0x53: {  	_ =	shalt  }
0x54: {  	_ =	shalt  }
0x55: {  	_ =	shalt  }
0x56: {  	_ =	shalt  }
0x57: {  	_ =	shalt  }
0x58: {  	_ =	shalt  }
0x59: {  	_ =	shalt  }
0x5a: {  	_ =	shalt  }
0x5b: {  	_ =	shalt  }
0x5c: {  	_ =	shalt  }
0x5d: {  	_ =	shalt  }
0x5e: {  	_ =	shalt  }
0x5f: {  	_ =	shalt  }
0x60: {  	_ =	shalt  }
0x61: {  	_ =	shalt  }
0x62: {  	_ =	shalt  }
0x63: {  	_ =	shalt  }
0x64: {  	_ =	shalt  }
0x65: {  	_ =	shalt  }
0x66: {  	_ =	shalt  }
0x67: {  	_ =	shalt  }
0x68: {  	_ =	shalt  }
0x69: {  	_ =	shalt  }
0x6a: {  	_ =	shalt  }
0x6b: {  	_ =	shalt  }
0x6c: {  	_ =	shalt  }
0x6d: {  	_ =	shalt  }
0x6e: {  	_ =	shalt  }
0x6f: {  	_ =	shalt  }
0x70: {  	_ =	shalt  }
0x71: {  	_ =	shalt  }
0x72: {  	_ =	shalt  }
0x73: {  	_ =	shalt  }
0x74: {  	_ =	shalt  }
0x75: {  	_ =	shalt  }
0x76: {  	_ =	shalt  }
0x77: {  	_ =	shalt  }
0x78: {  	_ =	shalt  }
0x79: {  	_ =	shalt  }
0x7a: {  	_ =	shalt  }
0x7b: {  	_ =	shalt  }
0x7c: {  	_ =	shalt  }
0x7d: {  	_ =	shalt  }
0x7e: {  	_ =	shalt  }
0x7f: {  	_ =	shalt  }
0x80: {  	_ =	shalt  }
0x81: {  	_ =	shalt  }
0x82: {  	_ =	shalt  }
0x83: {  	_ =	shalt  }
0x84: {  	_ =	shalt  }
0x85: {  	_ =	shalt  }
0x86: {  	_ =	shalt  }
0x87: {  	_ =	shalt  }
.Lfunc_end0:
.L_simem_size_0:
called_computation_lowered:
.L_overlay_start_0:
0x88: {  	s2 =	sld [smem:$0x3FD9]  }
0x89: {  	s3 =	sld [smem:$0x3FFE];
	_ =	sdelay $0x1  }
0x8a: {  	s1 =	srdreg.scid  }
0x8b: {  	s0 =	sand.u32 $0x1, s1  }
0x8c: {  	s15 =	sshll.u32 s0, $0xA;
	s2 =	sadd.s32 s3, s2  }
0x8d: {  	s2 =	sadd.s32 s2, s15  }
0x8e: {  	[smem:$0x3FC0] =	sst s2  }
0x8f: {  	_ = 	snop  }
0x90: {  	s2 =	sld [smem:$0x3FD0];
	_ =	sdelay $0x2  }
0x91: {  	s16 =	simm.s32 $0xA;
	s4 =	simm.s32 $0x10  }
0x92: {  	[smem:s4], [sflag:s16] =	dma.local [hbm:s2], $0x1  }
0x93: {  	_ =	swait.eq [sflag:s16], $0x1  }
0x94: {  	[sflag:s16] =	ssyncset.done $0x0  }
0x95: {  	s17 =	sld [smem:$0x11];
	[sflag:s16] =	ssyncadd.s32 $0xFFFFFFFF  }
0x96: {  	s18 =	sld [smem:$0x12];
	(tm) =	ssettm $0x1  }
0x97: {  	s19 =	sld [smem:$0x3FFB];
	_ =	sdelay $0x3  }
0x98: {  	_ =	strace s19  }
0x99: {  	s4 =	sld [smem:$0x3FFC];
	_ =	sdelay $0x3  }
0x9a: {  	_ =	strace s4  }
0x9b: {  	s4 =	sld [smem:$0x3FFD];
	_ =	sdelay $0x3  }
0x9c: {  	_ =	strace s4  }
0x9d: {  	_ =	strace $0x8FFFFFFF  }
0x9e: {  	s20 =	sld [smem:$0x3FDB];
	_ =	sdelay $0x1  }
0x9f: {  	s5 =	simm.s32 $_scs_section_size  }
0xa0: {  	s6 =	simm.s32 $_size__tile_overlayer_lowered;
	s7 =	simm.s32 $_tile_overlayer_lowered  }
0xa1: {  	s23 =	simm.s32 $0x1BFF;
	s22 =	sshll.u32 s7, $0x1;
	s4 =	sadd.s32 s5, s20  }
0xa2: {  	s8 =	simm.s32 $0x0;
	s21 =	sshll.u32 s6, $0x1;
	s6 =	sadd.s32 s22, s4  }
0xa3: {  	[timem:s8], [sflag:s23] =	dma.local [hbm:s6], s21  }
0xa4: {  	_ =	swait.ge [sflag:s23], s21  }
0xa5: {  	s5 =	ssub.s32 $0x0, s21;
	[sflag:s23] =	ssyncset.done $0x0  }
0xa6: {  	[sflag:s23] =	ssyncadd.s32 s5;
	_ =	sdelay $0x1  }
0xa7: {  	s24 =	simm.s32 $0x1B8B  }
0xa8: {  	_ =	swait.ge [sflag:s24], $0x1  }
0xa9: {  	[sflag:s24] =	ssyncset.done $0x0  }
0xaa: {  	s25 =	simm.s32 $0x1B8E;
	[sflag:s24] =	ssyncadd.s32 $0xFFFFFFFF  }
0xab: {  	s26 =	simm.s32 $execute0_lowered;
	[smem:$0x3FD2] =	sst s25  }
0xac: {  	s5 =	sshll.u32 s26, $0x1;
	_ =	strace $0x80000046;
	[dreg:$0x1] =	wrdreg $0xFFFFFFFF  }
0xad: {  	s28 =	simm.s32 $_size_execute0_lowered;
	s4 =	sadd.s32 s4, s5;
	[dreg:$0x0] =	wrdreg $0x0  }
0xae: {  	s5 =	sshll.u32 s28, $0x1;
	[dreg:$0x2] =	wrdreg s4  }
0xaf: {  	[dreg:$0x3] =	wrdreg s5  }
0xb0: {  	[dreg:$0x4] =	wrdreg $0xC0  }
0xb1: {  	_ =	task [dreg:s8], $0x5FFFF  }
0xb2: {  	[dreg:$0x1] =	wrdreg $0xFFFFFFFF  }
0xb3: {  	[dreg:$0x0] =	wrdreg $0x60  }
0xb4: {  	[dreg:$0x2] =	wrdreg s18  }
0xb5: {  	[dreg:$0x3] =	wrdreg s17  }
0xb6: {  	[dreg:$0x4] =	wrdreg $0x9  }
0xb7: {  	_ =	task.clear_ibuf [dreg:s8], $0x5FFFF;
	_ =	strace $0x90000046  }
0xb8: {  	s29 =	simm.s32 $0x9;
	_ =	strace $0x80000048  }
0xb9: {  	_ =	swait.ge [sflag:s29], $0x1  }
0xba: {  	[sflag:s29] =	ssyncadd.s32 $0xFFFFFFFF  }
0xbb: {  	_ =	strace $0x90000048  }
0xbc: {  	_ =	sfence  }
0xbd: {  	s30 =	sld [smem:$0x0];
	_ =	sdelay $0x2  }
0xbe: {  	s31 =	sshll.u32 s1, $0xD;
	s1 =	sshrl.u32 s1, $0x2  }
0xbf: {  	s3 =	sand.u32 $0x4000, s31;
	s1 =	sadd.s32 s1, s30  }
0xc0: {  	s0 =	sor.u32 s3, s0;
	s1 =	sshll.u32 s1, $0x11  }
0xc1: {  	s0 =	sor.u32 s1, s0  }
0xc2: {  	s0 =	sadd.s32 $0x8F2B, s0  }
0xc3: {  	[sflag:s0] =	ssyncadd.remote.s32 $0x1  }
0xc4: {  	_ =	sfence.sel $0xFFFF  }
0xc5: {  	[dreg:$0x0] =	wrdreg $0xFFFFFFFF;
	(pc) =	sbr.abs _section_cstart, $3  }
0xc6: {  	[dreg:$0x1] =	wrdreg $0xFFFFFFFF  }
0xc7: {  	_ =	task.clear_ibuf [dreg:s8], $0x2FFFF;
	_ =	strace $0x9FFFFFFF  }
0xc8: {  	(tm) =	ssettm $0x7FFFFFFF  }
0xc9: {  	_ =	shalt  }
tec
execute0_lowered:
.L_overlay_start_1:
0x0: {  	(tag) =	ssettag $0x1  }
0x1: {  	s3 =	rddreg [dreg:$0x0]  }
0x2: {  	s4 =	rddreg [dreg:$0x1]  }
0x3: {  	s2 =	srdreg.scid;
	s1 =	stileid.u32  }
0x4: {  	s31 =	simm.s32 $0x100;
	s5 =	sand.u32 $0x1, s2;
	s2 =	simm.s32 $0x0  }
0x5: {  	s6 =	sshll.u32 s1, $0x6;
	s7 =	sshll.u32 s5, $0x5;
	[smem:$0x7FF] =	sst s2  }
0x6: {  	s5 =	ssub.s32 $0x2, s5;
	s6 =	sor.u32 s7, s6;
	_ =	strace $0x80000047  }
0x7: {  	s28 =	sshrl.u32 s5, $0x1;
	[dreg:$0x5] =	wrdreg s31;
	s3 =	sadd.s32 s3, s6  }
0x8: {  	v0 =	vlaneseq.u32;
	s29 =	sadd.s32 s4, s6;
	s30 =	ssub.s32 s5, s28;
	[dreg:$0x3] =	wrdreg s3  }
0x9: {  	v1 =	vor.u32 $0x30, v0;
	v2 =	vor.u32 $0x20, v0;
	v3 =	vor.u32 $0x10, v0;
	s4 =	simm.s32 $0x1;
	[dreg:$0x4] =	wrdreg s29;
	s3 =	smax.u32 s30, $0x1  }
.LBB2_1:
0xa: {  	s5 =	rddreg [dreg:$0x3]  }
0xb: {  	[tilespmem:s2], [sflag:$0x1] =	stream.linear.gather [hbm4b:s5+s2], $0x100, $0x38;
	[tilespmem:$0x200] =	vst v63  }
0xc: {  	_ =	swait.ge [sflag:s4], $0x100  }
0xd: {  	[sflag:s4] =	ssyncset.done $0x0  }
0xe: {  	[sflag:s4] =	ssyncadd.s32 $0xFFFFFF00  }
0xf: {  	v5 =	vld [tilespmem:$0x0]  }
0x10: {  	v6 =	vld [tilespmem:$0x10]  }
0x11: {  	v7 =	vld [tilespmem:$0x20]  }
0x12: {  	v8 =	vld [tilespmem:$0x30];
	_ =	sdelay $0x2  }
0x13: {  	v4 =	vmax.f32 v5, v6  }
0x14: {  	v4 =	vmax.f32 v4, v7  }
0x15: {  	v4 =	vmax.f32 v4, v8  }
0x16: {  	(v2sf) =	vpush v4, $0x0  }
0x17: {  	(v2sf) =	vpush v4, $0x1  }
0x18: {  	(v2sf) =	vpush v4, $0x2  }
0x19: {  	(v2sf) =	vpush v4, $0x3  }
0x1a: {  	(v2sf) =	vpush v4, $0x4  }
0x1b: {  	(v2sf) =	vpush v4, $0x5  }
0x1c: {  	(v2sf) =	vpush v4, $0x6  }
0x1d: {  	(v2sf) =	vpush v4, $0x7  }
0x1e: {  	(v2sf) =	vpush v4, $0x8  }
0x1f: {  	(v2sf) =	vpush v4, $0x9  }
0x20: {  	(v2sf) =	vpush v4, $0xA  }
0x21: {  	(v2sf) =	vpush v4, $0xB  }
0x22: {  	(v2sf) =	vpush v4, $0xC  }
0x23: {  	(v2sf) =	vpush v4, $0xD  }
0x24: {  	(v2sf) =	vpush v4, $0xE  }
0x25: {  	s24 =	spop (v2sf);
	(v2sf) =	vpush v4, $0xF  }
0x26: {  	s6 =	spop (v2sf)  }
0x27: {  	s7 =	spop (v2sf)  }
0x28: {  	s8 =	spop (v2sf)  }
0x29: {  	s9 =	spop (v2sf)  }
0x2a: {  	s10 =	spop (v2sf)  }
0x2b: {  	s11 =	spop (v2sf)  }
0x2c: {  	s12 =	spop (v2sf)  }
0x2d: {  	s5 =	smax.f32 s24, s6;
	s13 =	spop (v2sf)  }
0x2e: {  	s25 =	smax.f32 s7, s8;
	s14 =	spop (v2sf)  }
0x2f: {  	s5 =	smax.f32 s5, s25;
	s15 =	spop (v2sf)  }
0x30: {  	s26 =	smax.f32 s9, s10;
	s16 =	spop (v2sf)  }
0x31: {  	s28 =	smax.f32 s11, s12;
	s17 =	spop (v2sf)  }
0x32: {  	s8 =	smax.f32 s26, s28;
	s18 =	spop (v2sf)  }
0x33: {  	s29 =	smax.f32 s13, s14;
	s19 =	spop (v2sf)  }
0x34: {  	s30 =	smax.f32 s15, s16;
	s20 =	spop (v2sf)  }
0x35: {  	s31 =	smax.f32 s17, s18;
	s0 =	smax.f32 s19, s20  }
0x36: {  	s13 =	smax.f32 s29, s30;
	s14 =	smax.f32 s31, s0  }
0x37: {  	s5 =	smax.f32 s5, s8;
	s15 =	smax.f32 s13, s14  }
0x38: {  	s5 =	smax.f32 s5, s15  }
0x39: {  	v4 =	vmov s5  }
0x3a: {  	v4 =	vadd.f32 $0.0e+00, v4;
	_ =	sdelay $0x1  }
0x3b: {  	v4 =	vbroadcast v4, $0x0;
	_ =	sdelay $0x1  }
0x3c: {  	vm0 =	veq.f32 v8, v4  }
0x3d: {  	vm1 =	veq.f32 v7, v4;
	v9 =	vnsel vm0, $0x80, v1  }
0x3e: {  	vm5 =	veq.f32 v6, v4;
	v9 =	vsel vm1, v2, v9  }
0x3f: {  	vm6 =	veq.f32 v5, v4;
	v9 =	vsel vm5, v3, v9  }
0x40: {  	v9 =	vsel vm6, v0, v9  }
0x41: {  	(v2sf) =	vpush v9, $0x0  }
0x42: {  	(v2sf) =	vpush v9, $0x1  }
0x43: {  	(v2sf) =	vpush v9, $0x2  }
0x44: {  	(v2sf) =	vpush v9, $0x3  }
0x45: {  	(v2sf) =	vpush v9, $0x4  }
0x46: {  	(v2sf) =	vpush v9, $0x5  }
0x47: {  	(v2sf) =	vpush v9, $0x6;
	_ =	sdelay $0x8  }
0x48: {  	s16 =	spop (v2sf)  }
0x49: {  	s17 =	spop (v2sf)  }
0x4a: {  	s18 =	spop (v2sf)  }
0x4b: {  	s19 =	spop (v2sf)  }
0x4c: {  	s20 =	spop (v2sf)  }
0x4d: {  	s22 =	spop (v2sf)  }
0x4e: {  	s23 =	spop (v2sf)  }
0x4f: {  	(v2sf) =	vpush v9, $0x7  }
0x50: {  	(v2sf) =	vpush v9, $0x8  }
0x51: {  	(v2sf) =	vpush v9, $0x9  }
0x52: {  	(v2sf) =	vpush v9, $0xA  }
0x53: {  	(v2sf) =	vpush v9, $0xB  }
0x54: {  	(v2sf) =	vpush v9, $0xC  }
0x55: {  	(v2sf) =	vpush v9, $0xD  }
0x56: {  	(v2sf) =	vpush v9, $0xE  }
0x57: {  	(v2sf) =	vpush v9, $0xF;
	_ =	sdelay $0x6  }
0x58: {  	s24 =	spop (v2sf)  }
0x59: {  	s25 =	spop (v2sf)  }
0x5a: {  	s26 =	spop (v2sf)  }
0x5b: {  	s28 =	spop (v2sf)  }
0x5c: {  	s29 =	spop (v2sf)  }
0x5d: {  	s7 =	smin.u32 s16, s17;
	s8 =	smin.u32 s18, s19;
	s30 =	spop (v2sf)  }
0x5e: {  	p0 =	slt.s32 s7, s8;
	s9 =	smin.u32 s20, s22;
	s31 =	spop (v2sf)  }
0x5f: {  	s8 =	smov.u32 @p0 s7;
	s10 =	smin.u32 s23, s24;
	s0 =	spop (v2sf)  }
0x60: {  	p0 =	slt.s32 s9, s10;
	s11 =	smin.u32 s25, s26;
	s21 =	spop (v2sf)  }
0x61: {  	s12 =	smin.u32 s28, s29;
	s13 =	smin.u32 s30, s31;
	s6 =	smin.u32 s0, s21  }
0x62: {  	s10 =	smov.u32 @p0 s9;
	p0 =	slt.s32 s11, s12;
	p1 =	slt.s32 s13, s6  }
0x63: {  	s12 =	smov.u32 @p0 s11;
	s6 =	smov.u32 @p1 s13  }
0x64: {  	p0 =	slt.s32 s8, s10;
	p1 =	slt.s32 s12, s6  }
0x65: {  	s10 =	smov.u32 @p0 s8;
	s6 =	smov.u32 @p1 s12  }
0x66: {  	p0 =	slt.s32 s10, s6  }
0x67: {  	s6 =	smov.u32 @p0 s10  }
0x68: {  	v24 =	vmov s6  }
0x69: {  	vm7 =	veq.s32 v24, v0;
	vm8 =	veq.s32 v24, v3  }
0x6a: {  	vm9 =	veq.s32 v24, v2;
	v10 =	vsel vm7, $0xF149F2CA, v5;
	v6 =	vsel vm8, $0xF149F2CA, v6  }
0x6b: {  	vm10 =	veq.s32 v24, v1;
	v7 =	vsel vm9, $0xF149F2CA, v7;
	v5 =	vmax.f32 v10, v6  }
0x6c: {  	v8 =	vsel vm10, $0xF149F2CA, v8;
	v5 =	vmax.f32 v5, v7  }
0x6d: {  	v5 =	vmax.f32 v5, v8  }
0x6e: {  	(v2sf) =	vpush v5, $0x0  }
0x6f: {  	(v2sf) =	vpush v5, $0x1  }
0x70: {  	(v2sf) =	vpush v5, $0x2  }
0x71: {  	(v2sf) =	vpush v5, $0x3  }
0x72: {  	(v2sf) =	vpush v5, $0x4  }
0x73: {  	(v2sf) =	vpush v5, $0x5  }
0x74: {  	(v2sf) =	vpush v5, $0x6  }
0x75: {  	(v2sf) =	vpush v5, $0x7  }
0x76: {  	(v2sf) =	vpush v5, $0x8  }
0x77: {  	(v2sf) =	vpush v5, $0x9  }
0x78: {  	(v2sf) =	vpush v5, $0xA  }
0x79: {  	(v2sf) =	vpush v5, $0xB  }
0x7a: {  	(v2sf) =	vpush v5, $0xC  }
0x7b: {  	(v2sf) =	vpush v5, $0xD  }
0x7c: {  	(v2sf) =	vpush v5, $0xE  }
0x7d: {  	s9 =	spop (v2sf);
	(v2sf) =	vpush v5, $0xF  }
0x7e: {  	s10 =	spop (v2sf)  }
0x7f: {  	s11 =	spop (v2sf)  }
0x80: {  	s12 =	spop (v2sf)  }
0x81: {  	s13 =	spop (v2sf)  }
0x82: {  	s14 =	spop (v2sf)  }
0x83: {  	s15 =	spop (v2sf)  }
0x84: {  	s16 =	spop (v2sf)  }
0x85: {  	s7 =	smax.f32 s9, s10;
	s17 =	spop (v2sf)  }
0x86: {  	s25 =	smax.f32 s11, s12;
	s18 =	spop (v2sf)  }
0x87: {  	s7 =	smax.f32 s7, s25;
	s19 =	spop (v2sf)  }
0x88: {  	s26 =	smax.f32 s13, s14;
	s20 =	spop (v2sf)  }
0x89: {  	s28 =	smax.f32 s15, s16;
	s21 =	spop (v2sf)  }
0x8a: {  	s10 =	smax.f32 s26, s28;
	s23 =	spop (v2sf)  }
0x8b: {  	s29 =	smax.f32 s17, s18;
	s24 =	spop (v2sf)  }
0x8c: {  	s30 =	smax.f32 s19, s20;
	s22 =	spop (v2sf)  }
0x8d: {  	s31 =	smax.f32 s21, s23;
	s0 =	smax.f32 s24, s22  }
0x8e: {  	s12 =	smax.f32 s29, s30;
	s14 =	smax.f32 s31, s0  }
0x8f: {  	s7 =	smax.f32 s7, s10;
	s15 =	smax.f32 s12, s14  }
0x90: {  	s8 =	smax.f32 s7, s15  }
0x91: {  	v5 =	vmov s8  }
0x92: {  	v5 =	vadd.f32 $0.0e+00, v5;
	_ =	sdelay $0x1  }
0x93: {  	v5 =	vbroadcast v5, $0x0;
	_ =	sdelay $0x1  }
0x94: {  	vm0 =	veq.f32 v8, v5  }
0x95: {  	vm11 =	veq.f32 v7, v5;
	v25 =	vnsel vm0, $0x80, v1  }
0x96: {  	vm12 =	veq.f32 v6, v5;
	v9 =	vsel vm11, v2, v25  }
0x97: {  	vm13 =	veq.f32 v10, v5;
	v9 =	vsel vm12, v3, v9  }
0x98: {  	v9 =	vsel vm13, v0, v9  }
0x99: {  	(v2sf) =	vpush v9, $0x0  }
0x9a: {  	(v2sf) =	vpush v9, $0x1  }
0x9b: {  	(v2sf) =	vpush v9, $0x2  }
0x9c: {  	(v2sf) =	vpush v9, $0x3  }
0x9d: {  	(v2sf) =	vpush v9, $0x4  }
0x9e: {  	(v2sf) =	vpush v9, $0x5  }
0x9f: {  	(v2sf) =	vpush v9, $0x6  }
0xa0: {  	(v2sf) =	vpush v9, $0x7  }
0xa1: {  	(v2sf) =	vpush v9, $0x8  }
0xa2: {  	(v2sf) =	vpush v9, $0x9  }
0xa3: {  	(v2sf) =	vpush v9, $0xA  }
0xa4: {  	(v2sf) =	vpush v9, $0xB  }
0xa5: {  	(v2sf) =	vpush v9, $0xC  }
0xa6: {  	(v2sf) =	vpush v9, $0xD  }
0xa7: {  	(v2sf) =	vpush v9, $0xE  }
0xa8: {  	s16 =	spop (v2sf);
	(v2sf) =	vpush v9, $0xF  }
0xa9: {  	s17 =	spop (v2sf)  }
0xaa: {  	s18 =	spop (v2sf)  }
0xab: {  	s19 =	spop (v2sf)  }
0xac: {  	s20 =	spop (v2sf)  }
0xad: {  	s21 =	spop (v2sf)  }
0xae: {  	s22 =	spop (v2sf)  }
0xaf: {  	s24 =	spop (v2sf)  }
0xb0: {  	s25 =	spop (v2sf)  }
0xb1: {  	s26 =	spop (v2sf)  }
0xb2: {  	s28 =	spop (v2sf)  }
0xb3: {  	s29 =	spop (v2sf)  }
0xb4: {  	s9 =	smin.u32 s16, s17;
	s10 =	smin.u32 s18, s19;
	s30 =	spop (v2sf)  }
0xb5: {  	p0 =	slt.s32 s9, s10;
	s11 =	smin.u32 s20, s21;
	s31 =	spop (v2sf)  }
0xb6: {  	s10 =	smov.u32 @p0 s9;
	s12 =	smin.u32 s22, s24;
	s0 =	spop (v2sf)  }
0xb7: {  	p0 =	slt.s32 s11, s12;
	s13 =	smin.u32 s25, s26;
	s23 =	spop (v2sf)  }
0xb8: {  	s14 =	smin.u32 s28, s29;
	s15 =	smin.u32 s30, s31;
	s7 =	smin.u32 s0, s23  }
0xb9: {  	s12 =	smov.u32 @p0 s11;
	p0 =	slt.s32 s13, s14;
	p1 =	slt.s32 s15, s7  }
0xba: {  	s14 =	smov.u32 @p0 s13;
	s7 =	smov.u32 @p1 s15  }
0xbb: {  	p0 =	slt.s32 s10, s12;
	p1 =	slt.s32 s14, s7  }
0xbc: {  	s12 =	smov.u32 @p0 s10;
	s7 =	smov.u32 @p1 s14  }
0xbd: {  	p0 =	slt.s32 s12, s7  }
0xbe: {  	s7 =	smov.u32 @p0 s12  }
0xbf: {  	v26 =	vmov s7  }
0xc0: {  	vm14 =	veq.s32 v26, v0;
	vm15 =	veq.s32 v26, v3  }
0xc1: {  	vm4 =	veq.s32 v26, v2;
	v10 =	vsel vm14, $0xF149F2CA, v10;
	v11 =	vsel vm15, $0xF149F2CA, v6  }
0xc2: {  	vm5 =	veq.s32 v26, v1;
	v7 =	vsel vm4, $0xF149F2CA, v7;
	v6 =	vmax.f32 v10, v11  }
0xc3: {  	v8 =	vsel vm5, $0xF149F2CA, v8;
	v6 =	vmax.f32 v6, v7  }
0xc4: {  	v6 =	vmax.f32 v6, v8  }
0xc5: {  	(v2sf) =	vpush v6, $0x0  }
0xc6: {  	(v2sf) =	vpush v6, $0x1  }
0xc7: {  	(v2sf) =	vpush v6, $0x2  }
0xc8: {  	(v2sf) =	vpush v6, $0x3  }
0xc9: {  	(v2sf) =	vpush v6, $0x4  }
0xca: {  	(v2sf) =	vpush v6, $0x5  }
0xcb: {  	(v2sf) =	vpush v6, $0x6  }
0xcc: {  	(v2sf) =	vpush v6, $0x7  }
0xcd: {  	(v2sf) =	vpush v6, $0x8  }
0xce: {  	(v2sf) =	vpush v6, $0x9  }
0xcf: {  	(v2sf) =	vpush v6, $0xA  }
0xd0: {  	(v2sf) =	vpush v6, $0xB  }
0xd1: {  	(v2sf) =	vpush v6, $0xC  }
0xd2: {  	(v2sf) =	vpush v6, $0xD  }
0xd3: {  	(v2sf) =	vpush v6, $0xE  }
0xd4: {  	s11 =	spop (v2sf);
	(v2sf) =	vpush v6, $0xF  }
0xd5: {  	s12 =	spop (v2sf)  }
0xd6: {  	s13 =	spop (v2sf)  }
0xd7: {  	s14 =	spop (v2sf)  }
0xd8: {  	s15 =	spop (v2sf)  }
0xd9: {  	s16 =	spop (v2sf)  }
0xda: {  	s17 =	spop (v2sf)  }
0xdb: {  	s18 =	spop (v2sf)  }
0xdc: {  	s9 =	smax.f32 s11, s12;
	s19 =	spop (v2sf)  }
0xdd: {  	s25 =	smax.f32 s13, s14;
	s20 =	spop (v2sf)  }
0xde: {  	s9 =	smax.f32 s9, s25;
	s21 =	spop (v2sf)  }
0xdf: {  	s26 =	smax.f32 s15, s16;
	s22 =	spop (v2sf)  }
0xe0: {  	s28 =	smax.f32 s17, s18;
	s23 =	spop (v2sf)  }
0xe1: {  	s12 =	smax.f32 s26, s28;
	s31 =	spop (v2sf)  }
0xe2: {  	s29 =	smax.f32 s19, s20;
	s0 =	spop (v2sf)  }
0xe3: {  	s30 =	smax.f32 s21, s22;
	s24 =	spop (v2sf)  }
0xe4: {  	s31 =	smax.f32 s23, s31;
	s0 =	smax.f32 s0, s24  }
0xe5: {  	s13 =	smax.f32 s29, s30;
	s14 =	smax.f32 s31, s0  }
0xe6: {  	s9 =	smax.f32 s9, s12;
	s15 =	smax.f32 s13, s14  }
0xe7: {  	s10 =	smax.f32 s9, s15  }
0xe8: {  	v27 =	vmov s10  }
0xe9: {  	v6 =	vadd.f32 $0.0e+00, v27;
	_ =	sdelay $0x1  }
0xea: {  	v6 =	vbroadcast v6, $0x0;
	_ =	sdelay $0x1  }
0xeb: {  	vm0 =	veq.f32 v8, v6  }
0xec: {  	vm6 =	veq.f32 v7, v6;
	v28 =	vnsel vm0, $0x80, v1  }
0xed: {  	vm7 =	veq.f32 v11, v6;
	v9 =	vsel vm6, v2, v28  }
0xee: {  	vm8 =	veq.f32 v10, v6;
	v9 =	vsel vm7, v3, v9  }
0xef: {  	v9 =	vsel vm8, v0, v9  }
0xf0: {  	(v2sf) =	vpush v9, $0x0  }
0xf1: {  	(v2sf) =	vpush v9, $0x1  }
0xf2: {  	(v2sf) =	vpush v9, $0x2  }
0xf3: {  	(v2sf) =	vpush v9, $0x3  }
0xf4: {  	(v2sf) =	vpush v9, $0x4  }
0xf5: {  	(v2sf) =	vpush v9, $0x5  }
0xf6: {  	(v2sf) =	vpush v9, $0x6  }
0xf7: {  	(v2sf) =	vpush v9, $0x7  }
0xf8: {  	(v2sf) =	vpush v9, $0x8  }
0xf9: {  	(v2sf) =	vpush v9, $0x9  }
0xfa: {  	(v2sf) =	vpush v9, $0xA  }
0xfb: {  	(v2sf) =	vpush v9, $0xB  }
0xfc: {  	(v2sf) =	vpush v9, $0xC  }
0xfd: {  	(v2sf) =	vpush v9, $0xD  }
0xfe: {  	(v2sf) =	vpush v9, $0xE  }
0xff: {  	s16 =	spop (v2sf);
	(v2sf) =	vpush v9, $0xF  }
0x100: {  	s17 =	spop (v2sf)  }
0x101: {  	s18 =	spop (v2sf)  }
0x102: {  	s19 =	spop (v2sf)  }
0x103: {  	s20 =	spop (v2sf)  }
0x104: {  	s21 =	spop (v2sf)  }
0x105: {  	s22 =	spop (v2sf)  }
0x106: {  	s23 =	spop (v2sf)  }
0x107: {  	s24 =	spop (v2sf)  }
0x108: {  	s26 =	spop (v2sf)  }
0x109: {  	s28 =	spop (v2sf)  }
0x10a: {  	s29 =	spop (v2sf)  }
0x10b: {  	s9 =	smin.u32 s16, s17;
	s12 =	smin.u32 s18, s19;
	s30 =	spop (v2sf)  }
0x10c: {  	p0 =	slt.s32 s9, s12;
	s13 =	smin.u32 s20, s21;
	s31 =	spop (v2sf)  }
0x10d: {  	s12 =	smov.u32 @p0 s9;
	s14 =	smin.u32 s22, s23;
	s0 =	spop (v2sf)  }
0x10e: {  	p0 =	slt.s32 s13, s14;
	s15 =	smin.u32 s24, s26;
	s25 =	spop (v2sf)  }
0x10f: {  	s16 =	smin.u32 s28, s29;
	s17 =	smin.u32 s30, s31;
	s11 =	smin.u32 s0, s25  }
0x110: {  	s14 =	smov.u32 @p0 s13;
	p0 =	slt.s32 s15, s16;
	p1 =	slt.s32 s17, s11  }
0x111: {  	s16 =	smov.u32 @p0 s15;
	s11 =	smov.u32 @p1 s17  }
0x112: {  	p0 =	slt.s32 s12, s14;
	p1 =	slt.s32 s16, s11  }
0x113: {  	s14 =	smov.u32 @p0 s12;
	s11 =	smov.u32 @p1 s16  }
0x114: {  	p0 =	slt.s32 s14, s11  }
0x115: {  	s11 =	smov.u32 @p0 s14  }
0x116: {  	v29 =	vmov s11  }
0x117: {  	vm9 =	veq.s32 v29, v0;
	vm10 =	veq.s32 v29, v3  }
0x118: {  	vm11 =	veq.s32 v29, v2;
	v10 =	vsel vm9, $0xF149F2CA, v10;
	v11 =	vsel vm10, $0xF149F2CA, v11  }
0x119: {  	vm12 =	veq.s32 v29, v1;
	v12 =	vsel vm11, $0xF149F2CA, v7;
	v30 =	vmax.f32 v10, v11  }
0x11a: {  	v8 =	vsel vm12, $0xF149F2CA, v8;
	v7 =	vmax.f32 v30, v12  }
0x11b: {  	v7 =	vmax.f32 v7, v8  }
0x11c: {  	(v2sf) =	vpush v7, $0x0  }
0x11d: {  	(v2sf) =	vpush v7, $0x1  }
0x11e: {  	(v2sf) =	vpush v7, $0x2  }
0x11f: {  	(v2sf) =	vpush v7, $0x3  }
0x120: {  	(v2sf) =	vpush v7, $0x4  }
0x121: {  	(v2sf) =	vpush v7, $0x5  }
0x122: {  	(v2sf) =	vpush v7, $0x6  }
0x123: {  	(v2sf) =	vpush v7, $0x7  }
0x124: {  	(v2sf) =	vpush v7, $0x8  }
0x125: {  	(v2sf) =	vpush v7, $0x9  }
0x126: {  	(v2sf) =	vpush v7, $0xA  }
0x127: {  	(v2sf) =	vpush v7, $0xB  }
0x128: {  	(v2sf) =	vpush v7, $0xC  }
0x129: {  	(v2sf) =	vpush v7, $0xD  }
0x12a: {  	(v2sf) =	vpush v7, $0xE  }
0x12b: {  	s16 =	spop (v2sf);
	(v2sf) =	vpush v7, $0xF  }
0x12c: {  	s17 =	spop (v2sf)  }
0x12d: {  	s18 =	spop (v2sf)  }
0x12e: {  	s19 =	spop (v2sf)  }
0x12f: {  	s20 =	spop (v2sf)  }
0x130: {  	s21 =	spop (v2sf)  }
0x131: {  	s22 =	spop (v2sf)  }
0x132: {  	s23 =	spop (v2sf)  }
0x133: {  	s9 =	smax.f32 s16, s17;
	s24 =	spop (v2sf)  }
0x134: {  	s14 =	smax.f32 s18, s19;
	s25 =	spop (v2sf)  }
0x135: {  	s9 =	smax.f32 s9, s14;
	s28 =	spop (v2sf)  }
0x136: {  	s16 =	smax.f32 s20, s21;
	s29 =	spop (v2sf)  }
0x137: {  	s18 =	smax.f32 s22, s23;
	s30 =	spop (v2sf)  }
0x138: {  	s20 =	smax.f32 s24, s25;
	s31 =	spop (v2sf)  }
0x139: {  	s22 =	smax.f32 s28, s29;
	s0 =	spop (v2sf)  }
0x13a: {  	s28 =	smax.f32 s30, s31;
	s26 =	spop (v2sf)  }
0x13b: {  	s30 =	smax.f32 s16, s18;
	s29 =	smax.f32 s0, s26  }
0x13c: {  	s31 =	smax.f32 s20, s22;
	s0 =	smax.f32 s28, s29  }
0x13d: {  	s9 =	smax.f32 s9, s30;
	s15 =	smax.f32 s31, s0  }
0x13e: {  	s12 =	smax.f32 s9, s15  }
0x13f: {  	v31 =	vmov s12  }
0x140: {  	v7 =	vadd.f32 $0.0e+00, v31;
	_ =	sdelay $0x1  }
0x141: {  	v7 =	vbroadcast v7, $0x0;
	_ =	sdelay $0x1  }
0x142: {  	vm0 =	veq.f32 v8, v7  }
0x143: {  	vm13 =	veq.f32 v12, v7;
	v32 =	vnsel vm0, $0x80, v1  }
0x144: {  	vm14 =	veq.f32 v11, v7;
	v9 =	vsel vm13, v2, v32  }
0x145: {  	vm15 =	veq.f32 v10, v7;
	v9 =	vsel vm14, v3, v9  }
0x146: {  	v9 =	vsel vm15, v0, v9  }
0x147: {  	(v2sf) =	vpush v9, $0x0  }
0x148: {  	(v2sf) =	vpush v9, $0x1  }
0x149: {  	(v2sf) =	vpush v9, $0x2  }
0x14a: {  	(v2sf) =	vpush v9, $0x3  }
0x14b: {  	(v2sf) =	vpush v9, $0x4  }
0x14c: {  	(v2sf) =	vpush v9, $0x5  }
0x14d: {  	(v2sf) =	vpush v9, $0x6  }
0x14e: {  	(v2sf) =	vpush v9, $0x7  }
0x14f: {  	(v2sf) =	vpush v9, $0x8  }
0x150: {  	(v2sf) =	vpush v9, $0x9  }
0x151: {  	(v2sf) =	vpush v9, $0xA  }
0x152: {  	(v2sf) =	vpush v9, $0xB  }
0x153: {  	(v2sf) =	vpush v9, $0xC  }
0x154: {  	(v2sf) =	vpush v9, $0xD  }
0x155: {  	(v2sf) =	vpush v9, $0xE  }
0x156: {  	s16 =	spop (v2sf);
	(v2sf) =	vpush v9, $0xF  }
0x157: {  	s17 =	spop (v2sf)  }
0x158: {  	s18 =	spop (v2sf)  }
0x159: {  	s19 =	spop (v2sf)  }
0x15a: {  	s20 =	spop (v2sf)  }
0x15b: {  	s21 =	spop (v2sf)  }
0x15c: {  	s22 =	spop (v2sf)  }
0x15d: {  	s23 =	spop (v2sf)  }
0x15e: {  	s24 =	spop (v2sf)  }
0x15f: {  	s25 =	spop (v2sf)  }
0x160: {  	s26 =	spop (v2sf)  }
0x161: {  	s29 =	spop (v2sf)  }
0x162: {  	s13 =	smin.u32 s16, s17;
	s14 =	smin.u32 s18, s19;
	s30 =	spop (v2sf)  }
0x163: {  	p0 =	slt.s32 s13, s14;
	s15 =	smin.u32 s20, s21;
	s31 =	spop (v2sf)  }
0x164: {  	s14 =	smov.u32 @p0 s13;
	s16 =	smin.u32 s22, s23;
	s0 =	spop (v2sf)  }
0x165: {  	p0 =	slt.s32 s15, s16;
	s17 =	smin.u32 s24, s25;
	s28 =	spop (v2sf)  }
0x166: {  	s18 =	smin.u32 s26, s29;
	s19 =	smin.u32 s30, s31;
	s9 =	smin.u32 s0, s28  }
0x167: {  	s16 =	smov.u32 @p0 s15;
	p0 =	slt.s32 s17, s18;
	p1 =	slt.s32 s19, s9  }
0x168: {  	s18 =	smov.u32 @p0 s17;
	s9 =	smov.u32 @p1 s19  }
0x169: {  	p0 =	slt.s32 s14, s16;
	p1 =	slt.s32 s18, s9  }
0x16a: {  	s16 =	smov.u32 @p0 s14;
	s9 =	smov.u32 @p1 s18  }
0x16b: {  	p0 =	slt.s32 s16, s9  }
0x16c: {  	s9 =	smov.u32 @p0 s16  }
0x16d: {  	v33 =	vmov s9  }
0x16e: {  	vm4 =	veq.s32 v33, v0;
	vm5 =	veq.s32 v33, v3  }
0x16f: {  	vm6 =	veq.s32 v33, v2;
	v10 =	vsel vm4, $0xF149F2CA, v10;
	v11 =	vsel vm5, $0xF149F2CA, v11  }
0x170: {  	vm7 =	veq.s32 v33, v1;
	v12 =	vsel vm6, $0xF149F2CA, v12;
	v34 =	vmax.f32 v10, v11  }
0x171: {  	v13 =	vsel vm7, $0xF149F2CA, v8;
	v35 =	vmax.f32 v34, v12  }
0x172: {  	v8 =	vmax.f32 v35, v13  }
0x173: {  	(v2sf) =	vpush v8, $0x0  }
0x174: {  	(v2sf) =	vpush v8, $0x1  }
0x175: {  	(v2sf) =	vpush v8, $0x2  }
0x176: {  	(v2sf) =	vpush v8, $0x3  }
0x177: {  	(v2sf) =	vpush v8, $0x4  }
0x178: {  	(v2sf) =	vpush v8, $0x5  }
0x179: {  	(v2sf) =	vpush v8, $0x6  }
0x17a: {  	(v2sf) =	vpush v8, $0x7  }
0x17b: {  	(v2sf) =	vpush v8, $0x8  }
0x17c: {  	(v2sf) =	vpush v8, $0x9  }
0x17d: {  	(v2sf) =	vpush v8, $0xA  }
0x17e: {  	(v2sf) =	vpush v8, $0xB  }
0x17f: {  	(v2sf) =	vpush v8, $0xC  }
0x180: {  	(v2sf) =	vpush v8, $0xD  }
0x181: {  	(v2sf) =	vpush v8, $0xE  }
0x182: {  	s15 =	spop (v2sf);
	(v2sf) =	vpush v8, $0xF  }
0x183: {  	s16 =	spop (v2sf)  }
0x184: {  	s17 =	spop (v2sf)  }
0x185: {  	s18 =	spop (v2sf)  }
0x186: {  	s19 =	spop (v2sf)  }
0x187: {  	s20 =	spop (v2sf)  }
0x188: {  	s21 =	spop (v2sf)  }
0x189: {  	s22 =	spop (v2sf)  }
0x18a: {  	s13 =	smax.f32 s15, s16;
	s23 =	spop (v2sf)  }
0x18b: {  	s16 =	smax.f32 s17, s18;
	s24 =	spop (v2sf)  }
0x18c: {  	s13 =	smax.f32 s13, s16;
	s25 =	spop (v2sf)  }
0x18d: {  	s18 =	smax.f32 s19, s20;
	s26 =	spop (v2sf)  }
0x18e: {  	s20 =	smax.f32 s21, s22;
	s30 =	spop (v2sf)  }
0x18f: {  	s28 =	smax.f32 s18, s20;
	s31 =	spop (v2sf)  }
0x190: {  	s22 =	smax.f32 s23, s24;
	s0 =	spop (v2sf)  }
0x191: {  	s24 =	smax.f32 s25, s26;
	s29 =	spop (v2sf)  }
0x192: {  	s25 =	smax.f32 s30, s31;
	s26 =	smax.f32 s0, s29  }
0x193: {  	s29 =	smax.f32 s22, s24;
	s30 =	smax.f32 s25, s26  }
0x194: {  	s13 =	smax.f32 s13, s28;
	s31 =	smax.f32 s29, s30  }
0x195: {  	s13 =	smax.f32 s13, s31  }
0x196: {  	v36 =	vmov s13  }
0x197: {  	v8 =	vadd.f32 $0.0e+00, v36;
	_ =	sdelay $0x1  }
0x198: {  	v8 =	vbroadcast v8, $0x0;
	_ =	sdelay $0x1  }
0x199: {  	vm0 =	veq.f32 v13, v8  }
0x19a: {  	vm8 =	veq.f32 v12, v8;
	v37 =	vnsel vm0, $0x80, v1  }
0x19b: {  	vm9 =	veq.f32 v11, v8;
	v9 =	vsel vm8, v2, v37  }
0x19c: {  	vm10 =	veq.f32 v10, v8;
	v9 =	vsel vm9, v3, v9  }
0x19d: {  	v9 =	vsel vm10, v0, v9  }
0x19e: {  	(v2sf) =	vpush v9, $0x0  }
0x19f: {  	(v2sf) =	vpush v9, $0x1  }
0x1a0: {  	(v2sf) =	vpush v9, $0x2  }
0x1a1: {  	(v2sf) =	vpush v9, $0x3  }
0x1a2: {  	(v2sf) =	vpush v9, $0x4  }
0x1a3: {  	(v2sf) =	vpush v9, $0x5  }
0x1a4: {  	(v2sf) =	vpush v9, $0x6  }
0x1a5: {  	(v2sf) =	vpush v9, $0x7  }
0x1a6: {  	(v2sf) =	vpush v9, $0x8  }
0x1a7: {  	(v2sf) =	vpush v9, $0x9  }
0x1a8: {  	(v2sf) =	vpush v9, $0xA  }
0x1a9: {  	(v2sf) =	vpush v9, $0xB  }
0x1aa: {  	(v2sf) =	vpush v9, $0xC  }
0x1ab: {  	(v2sf) =	vpush v9, $0xD  }
0x1ac: {  	(v2sf) =	vpush v9, $0xE  }
0x1ad: {  	s14 =	spop (v2sf);
	(v2sf) =	vpush v9, $0xF  }
0x1ae: {  	s15 =	spop (v2sf)  }
0x1af: {  	s16 =	spop (v2sf)  }
0x1b0: {  	s17 =	spop (v2sf)  }
0x1b1: {  	s18 =	spop (v2sf)  }
0x1b2: {  	s19 =	spop (v2sf)  }
0x1b3: {  	s20 =	spop (v2sf)  }
0x1b4: {  	s21 =	spop (v2sf)  }
0x1b5: {  	s22 =	spop (v2sf)  }
0x1b6: {  	s23 =	spop (v2sf)  }
0x1b7: {  	s24 =	spop (v2sf)  }
0x1b8: {  	s25 =	spop (v2sf)  }
0x1b9: {  	s15 =	smin.u32 s14, s15;
	s16 =	smin.u32 s16, s17;
	s26 =	spop (v2sf)  }
0x1ba: {  	p0 =	slt.s32 s15, s16;
	s17 =	smin.u32 s18, s19;
	s0 =	spop (v2sf)  }
0x1bb: {  	s16 =	smov.u32 @p0 s15;
	s18 =	smin.u32 s20, s21;
	s31 =	spop (v2sf)  }
0x1bc: {  	p0 =	slt.s32 s17, s18;
	s19 =	smin.u32 s22, s23;
	s30 =	spop (v2sf)  }
0x1bd: {  	s20 =	smin.u32 s24, s25;
	s21 =	smin.u32 s26, s0;
	s14 =	smin.u32 s31, s30  }
0x1be: {  	s18 =	smov.u32 @p0 s17;
	p0 =	slt.s32 s19, s20;
	p1 =	slt.s32 s21, s14  }
0x1bf: {  	s20 =	smov.u32 @p0 s19;
	s14 =	smov.u32 @p1 s21  }
0x1c0: {  	p0 =	slt.s32 s16, s18;
	p1 =	slt.s32 s20, s14  }
0x1c1: {  	s18 =	smov.u32 @p0 s16;
	s14 =	smov.u32 @p1 s20  }
0x1c2: {  	p0 =	slt.s32 s18, s14  }
0x1c3: {  	s14 =	smov.u32 @p0 s18  }
0x1c4: {  	v38 =	vmov s14  }
0x1c5: {  	vm11 =	veq.s32 v38, v0;
	vm12 =	veq.s32 v38, v3  }
0x1c6: {  	vm13 =	veq.s32 v38, v2;
	v10 =	vsel vm11, $0xF149F2CA, v10;
	v11 =	vsel vm12, $0xF149F2CA, v11  }
0x1c7: {  	vm14 =	veq.s32 v38, v1;
	v12 =	vsel vm13, $0xF149F2CA, v12;
	v39 =	vmax.f32 v10, v11  }
0x1c8: {  	v13 =	vsel vm14, $0xF149F2CA, v13;
	v9 =	vmax.f32 v39, v12  }
0x1c9: {  	v9 =	vmax.f32 v9, v13  }
0x1ca: {  	(v2sf) =	vpush v9, $0x0  }
0x1cb: {  	(v2sf) =	vpush v9, $0x1  }
0x1cc: {  	(v2sf) =	vpush v9, $0x2  }
0x1cd: {  	(v2sf) =	vpush v9, $0x3  }
0x1ce: {  	(v2sf) =	vpush v9, $0x4  }
0x1cf: {  	(v2sf) =	vpush v9, $0x5  }
0x1d0: {  	(v2sf) =	vpush v9, $0x6  }
0x1d1: {  	(v2sf) =	vpush v9, $0x7  }
0x1d2: {  	(v2sf) =	vpush v9, $0x8  }
0x1d3: {  	(v2sf) =	vpush v9, $0x9  }
0x1d4: {  	(v2sf) =	vpush v9, $0xA  }
0x1d5: {  	(v2sf) =	vpush v9, $0xB  }
0x1d6: {  	(v2sf) =	vpush v9, $0xC  }
0x1d7: {  	(v2sf) =	vpush v9, $0xD  }
0x1d8: {  	(v2sf) =	vpush v9, $0xE  }
0x1d9: {  	s15 =	spop (v2sf);
	(v2sf) =	vpush v9, $0xF  }
0x1da: {  	s16 =	spop (v2sf)  }
0x1db: {  	s17 =	spop (v2sf)  }
0x1dc: {  	s18 =	spop (v2sf)  }
0x1dd: {  	s19 =	spop (v2sf)  }
0x1de: {  	s20 =	spop (v2sf)  }
0x1df: {  	s21 =	spop (v2sf)  }
0x1e0: {  	s22 =	spop (v2sf)  }
0x1e1: {  	s15 =	smax.f32 s15, s16;
	s23 =	spop (v2sf)  }
0x1e2: {  	s18 =	smax.f32 s17, s18;
	s24 =	spop (v2sf)  }
0x1e3: {  	s15 =	smax.f32 s15, s18;
	s25 =	spop (v2sf)  }
0x1e4: {  	s20 =	smax.f32 s19, s20;
	s26 =	spop (v2sf)  }
0x1e5: {  	s22 =	smax.f32 s21, s22;
	s28 =	spop (v2sf)  }
0x1e6: {  	s24 =	smax.f32 s23, s24;
	s29 =	spop (v2sf)  }
0x1e7: {  	s25 =	smax.f32 s25, s26;
	s0 =	spop (v2sf)  }
0x1e8: {  	s30 =	smax.f32 s24, s25;
	s31 =	spop (v2sf)  }
0x1e9: {  	s26 =	smax.f32 s28, s29;
	s28 =	smax.f32 s0, s31  }
0x1ea: {  	s29 =	smax.f32 s20, s22;
	s31 =	smax.f32 s26, s28  }
0x1eb: {  	s15 =	smax.f32 s15, s29;
	s0 =	smax.f32 s30, s31  }
0x1ec: {  	s15 =	smax.f32 s15, s0  }
0x1ed: {  	v40 =	vmov s15  }
0x1ee: {  	v9 =	vadd.f32 $0.0e+00, v40;
	_ =	sdelay $0x1  }
0x1ef: {  	v9 =	vbroadcast v9, $0x0;
	_ =	sdelay $0x1  }
0x1f0: {  	vm0 =	veq.f32 v13, v9  }
0x1f1: {  	vm15 =	veq.f32 v12, v9;
	v14 =	vnsel vm0, $0x80, v1  }
0x1f2: {  	vm4 =	veq.f32 v11, v9;
	v14 =	vsel vm15, v2, v14  }
0x1f3: {  	vm5 =	veq.f32 v10, v9;
	v14 =	vsel vm4, v3, v14  }
0x1f4: {  	v14 =	vsel vm5, v0, v14  }
0x1f5: {  	(v2sf) =	vpush v14, $0x0  }
0x1f6: {  	(v2sf) =	vpush v14, $0x1  }
0x1f7: {  	(v2sf) =	vpush v14, $0x2  }
0x1f8: {  	(v2sf) =	vpush v14, $0x3  }
0x1f9: {  	(v2sf) =	vpush v14, $0x4  }
0x1fa: {  	(v2sf) =	vpush v14, $0x5  }
0x1fb: {  	(v2sf) =	vpush v14, $0x6  }
0x1fc: {  	(v2sf) =	vpush v14, $0x7  }
0x1fd: {  	(v2sf) =	vpush v14, $0x8  }
0x1fe: {  	(v2sf) =	vpush v14, $0x9  }
0x1ff: {  	(v2sf) =	vpush v14, $0xA  }
0x200: {  	(v2sf) =	vpush v14, $0xB  }
0x201: {  	(v2sf) =	vpush v14, $0xC  }
0x202: {  	(v2sf) =	vpush v14, $0xD  }
0x203: {  	(v2sf) =	vpush v14, $0xE  }
0x204: {  	s17 =	spop (v2sf);
	(v2sf) =	vpush v14, $0xF  }
0x205: {  	s0 =	spop (v2sf)  }
0x206: {  	s18 =	spop (v2sf)  }
0x207: {  	s19 =	spop (v2sf)  }
0x208: {  	s20 =	spop (v2sf)  }
0x209: {  	s21 =	spop (v2sf)  }
0x20a: {  	s22 =	spop (v2sf)  }
0x20b: {  	s23 =	spop (v2sf)  }
0x20c: {  	s24 =	spop (v2sf)  }
0x20d: {  	s25 =	spop (v2sf)  }
0x20e: {  	s26 =	spop (v2sf)  }
0x20f: {  	s28 =	spop (v2sf)  }
0x210: {  	s17 =	smin.u32 s17, s0;
	s18 =	smin.u32 s18, s19;
	s29 =	spop (v2sf)  }
0x211: {  	p0 =	slt.s32 s17, s18;
	s19 =	smin.u32 s20, s21;
	s30 =	spop (v2sf)  }
0x212: {  	s18 =	smov.u32 @p0 s17;
	s20 =	smin.u32 s22, s23;
	s31 =	spop (v2sf)  }
0x213: {  	p0 =	slt.s32 s19, s20;
	s21 =	smin.u32 s24, s25;
	s0 =	spop (v2sf)  }
0x214: {  	s22 =	smin.u32 s26, s28;
	s23 =	smin.u32 s29, s30;
	s16 =	smin.u32 s31, s0  }
0x215: {  	s20 =	smov.u32 @p0 s19;
	p0 =	slt.s32 s21, s22;
	p1 =	slt.s32 s23, s16  }
0x216: {  	s22 =	smov.u32 @p0 s21;
	s16 =	smov.u32 @p1 s23  }
0x217: {  	p0 =	slt.s32 s18, s20;
	p1 =	slt.s32 s22, s16  }
0x218: {  	s20 =	smov.u32 @p0 s18;
	s16 =	smov.u32 @p1 s22  }
0x219: {  	p0 =	slt.s32 s20, s16  }
0x21a: {  	s16 =	smov.u32 @p0 s20  }
0x21b: {  	v41 =	vmov s16  }
0x21c: {  	vm6 =	veq.s32 v41, v0;
	vm7 =	veq.s32 v41, v3  }
0x21d: {  	vm8 =	veq.s32 v41, v2;
	v15 =	vsel vm6, $0xF149F2CA, v10;
	v11 =	vsel vm7, $0xF149F2CA, v11  }
0x21e: {  	vm9 =	veq.s32 v41, v1;
	v12 =	vsel vm8, $0xF149F2CA, v12;
	v10 =	vmax.f32 v15, v11  }
0x21f: {  	v13 =	vsel vm9, $0xF149F2CA, v13;
	v10 =	vmax.f32 v10, v12  }
0x220: {  	v10 =	vmax.f32 v10, v13  }
0x221: {  	(v2sf) =	vpush v10, $0x0  }
0x222: {  	(v2sf) =	vpush v10, $0x1  }
0x223: {  	(v2sf) =	vpush v10, $0x2  }
0x224: {  	(v2sf) =	vpush v10, $0x3  }
0x225: {  	(v2sf) =	vpush v10, $0x4  }
0x226: {  	(v2sf) =	vpush v10, $0x5  }
0x227: {  	(v2sf) =	vpush v10, $0x6  }
0x228: {  	(v2sf) =	vpush v10, $0x7  }
0x229: {  	(v2sf) =	vpush v10, $0x8  }
0x22a: {  	(v2sf) =	vpush v10, $0x9  }
0x22b: {  	(v2sf) =	vpush v10, $0xA  }
0x22c: {  	(v2sf) =	vpush v10, $0xB  }
0x22d: {  	(v2sf) =	vpush v10, $0xC  }
0x22e: {  	(v2sf) =	vpush v10, $0xD  }
0x22f: {  	(v2sf) =	vpush v10, $0xE  }
0x230: {  	s18 =	spop (v2sf);
	(v2sf) =	vpush v10, $0xF  }
0x231: {  	s19 =	spop (v2sf)  }
0x232: {  	s20 =	spop (v2sf)  }
0x233: {  	s0 =	spop (v2sf)  }
0x234: {  	s21 =	spop (v2sf)  }
0x235: {  	s22 =	spop (v2sf)  }
0x236: {  	s23 =	spop (v2sf)  }
0x237: {  	s24 =	spop (v2sf)  }
0x238: {  	s17 =	smax.f32 s18, s19;
	s25 =	spop (v2sf)  }
0x239: {  	s19 =	smax.f32 s20, s0;
	s26 =	spop (v2sf)  }
0x23a: {  	s17 =	smax.f32 s17, s19;
	s28 =	spop (v2sf)  }
0x23b: {  	s21 =	smax.f32 s21, s22;
	s29 =	spop (v2sf)  }
0x23c: {  	s24 =	smax.f32 s23, s24;
	s30 =	spop (v2sf)  }
0x23d: {  	s26 =	smax.f32 s25, s26;
	s31 =	spop (v2sf)  }
0x23e: {  	s29 =	smax.f32 s28, s29;
	s18 =	spop (v2sf)  }
0x23f: {  	s30 =	smax.f32 s30, s31;
	s0 =	spop (v2sf)  }
0x240: {  	s31 =	smax.f32 s21, s24;
	s18 =	smax.f32 s18, s0  }
0x241: {  	s0 =	smax.f32 s26, s29;
	s18 =	smax.f32 s30, s18  }
0x242: {  	s17 =	smax.f32 s17, s31;
	s18 =	smax.f32 s0, s18  }
0x243: {  	s17 =	smax.f32 s17, s18  }
0x244: {  	v42 =	vmov s17  }
0x245: {  	v10 =	vadd.f32 $0.0e+00, v42;
	_ =	sdelay $0x1  }
0x246: {  	v10 =	vbroadcast v10, $0x0;
	_ =	sdelay $0x1  }
0x247: {  	vm0 =	veq.f32 v13, v10  }
0x248: {  	vm10 =	veq.f32 v12, v10;
	v43 =	vnsel vm0, $0x80, v1  }
0x249: {  	vm11 =	veq.f32 v11, v10;
	v14 =	vsel vm10, v2, v43  }
0x24a: {  	vm12 =	veq.f32 v15, v10;
	v14 =	vsel vm11, v3, v14  }
0x24b: {  	v14 =	vsel vm12, v0, v14  }
0x24c: {  	(v2sf) =	vpush v14, $0x0  }
0x24d: {  	(v2sf) =	vpush v14, $0x1  }
0x24e: {  	(v2sf) =	vpush v14, $0x2  }
0x24f: {  	(v2sf) =	vpush v14, $0x3  }
0x250: {  	(v2sf) =	vpush v14, $0x4  }
0x251: {  	(v2sf) =	vpush v14, $0x5  }
0x252: {  	(v2sf) =	vpush v14, $0x6  }
0x253: {  	(v2sf) =	vpush v14, $0x7  }
0x254: {  	(v2sf) =	vpush v14, $0x8  }
0x255: {  	(v2sf) =	vpush v14, $0x9  }
0x256: {  	(v2sf) =	vpush v14, $0xA  }
0x257: {  	(v2sf) =	vpush v14, $0xB  }
0x258: {  	(v2sf) =	vpush v14, $0xC  }
0x259: {  	(v2sf) =	vpush v14, $0xD  }
0x25a: {  	(v2sf) =	vpush v14, $0xE  }
0x25b: {  	s19 =	spop (v2sf);
	(v2sf) =	vpush v14, $0xF  }
0x25c: {  	s20 =	spop (v2sf)  }
0x25d: {  	s21 =	spop (v2sf)  }
0x25e: {  	s22 =	spop (v2sf)  }
0x25f: {  	s23 =	spop (v2sf)  }
0x260: {  	s0 =	spop (v2sf)  }
0x261: {  	s24 =	spop (v2sf)  }
0x262: {  	s25 =	spop (v2sf)  }
0x263: {  	s26 =	spop (v2sf)  }
0x264: {  	s28 =	spop (v2sf)  }
0x265: {  	s29 =	spop (v2sf)  }
0x266: {  	s30 =	spop (v2sf)  }
0x267: {  	s19 =	smin.u32 s19, s20;
	s20 =	smin.u32 s21, s22;
	s31 =	spop (v2sf)  }
0x268: {  	p0 =	slt.s32 s19, s20;
	s22 =	smin.u32 s23, s0;
	s18 =	spop (v2sf)  }
0x269: {  	s20 =	smov.u32 @p0 s19;
	s24 =	smin.u32 s24, s25;
	s21 =	spop (v2sf)  }
0x26a: {  	p0 =	slt.s32 s22, s24;
	s25 =	smin.u32 s26, s28;
	s0 =	spop (v2sf)  }
0x26b: {  	s26 =	smin.u32 s29, s30;
	s28 =	smin.u32 s31, s18;
	s18 =	smin.u32 s21, s0  }
0x26c: {  	s24 =	smov.u32 @p0 s22;
	p0 =	slt.s32 s25, s26;
	p1 =	slt.s32 s28, s18  }
0x26d: {  	s26 =	smov.u32 @p0 s25;
	s18 =	smov.u32 @p1 s28  }
0x26e: {  	p0 =	slt.s32 s20, s24;
	p1 =	slt.s32 s26, s18  }
0x26f: {  	s24 =	smov.u32 @p0 s20;
	s18 =	smov.u32 @p1 s26  }
0x270: {  	p0 =	slt.s32 s24, s18  }
0x271: {  	s18 =	smov.u32 @p0 s24  }
0x272: {  	v44 =	vmov s18  }
0x273: {  	vm13 =	veq.s32 v44, v0;
	vm14 =	veq.s32 v44, v3  }
0x274: {  	vm15 =	veq.s32 v44, v2;
	v15 =	vsel vm13, $0xF149F2CA, v15;
	v11 =	vsel vm14, $0xF149F2CA, v11  }
0x275: {  	vm4 =	veq.s32 v44, v1;
	v16 =	vsel vm15, $0xF149F2CA, v12;
	v45 =	vmax.f32 v15, v11  }
0x276: {  	v13 =	vsel vm4, $0xF149F2CA, v13;
	v12 =	vmax.f32 v45, v16  }
0x277: {  	v12 =	vmax.f32 v12, v13  }
0x278: {  	(v2sf) =	vpush v12, $0x0  }
0x279: {  	(v2sf) =	vpush v12, $0x1  }
0x27a: {  	(v2sf) =	vpush v12, $0x2  }
0x27b: {  	(v2sf) =	vpush v12, $0x3  }
0x27c: {  	(v2sf) =	vpush v12, $0x4  }
0x27d: {  	(v2sf) =	vpush v12, $0x5  }
0x27e: {  	(v2sf) =	vpush v12, $0x6  }
0x27f: {  	(v2sf) =	vpush v12, $0x7  }
0x280: {  	(v2sf) =	vpush v12, $0x8  }
0x281: {  	(v2sf) =	vpush v12, $0x9  }
0x282: {  	(v2sf) =	vpush v12, $0xA  }
0x283: {  	(v2sf) =	vpush v12, $0xB  }
0x284: {  	(v2sf) =	vpush v12, $0xC  }
0x285: {  	(v2sf) =	vpush v12, $0xD  }
0x286: {  	(v2sf) =	vpush v12, $0xE  }
0x287: {  	s19 =	spop (v2sf);
	(v2sf) =	vpush v12, $0xF  }
0x288: {  	s20 =	spop (v2sf)  }
0x289: {  	s21 =	spop (v2sf)  }
0x28a: {  	s22 =	spop (v2sf)  }
0x28b: {  	s23 =	spop (v2sf)  }
0x28c: {  	s24 =	spop (v2sf)  }
0x28d: {  	s25 =	spop (v2sf)  }
0x28e: {  	s26 =	spop (v2sf)  }
0x28f: {  	s19 =	smax.f32 s19, s20;
	s28 =	spop (v2sf)  }
0x290: {  	s21 =	smax.f32 s21, s22;
	s29 =	spop (v2sf)  }
0x291: {  	s19 =	smax.f32 s19, s21;
	s30 =	spop (v2sf)  }
0x292: {  	s23 =	smax.f32 s23, s24;
	s0 =	spop (v2sf)  }
0x293: {  	s25 =	smax.f32 s25, s26;
	s20 =	spop (v2sf)  }
0x294: {  	s28 =	smax.f32 s28, s29;
	s22 =	spop (v2sf)  }
0x295: {  	s0 =	smax.f32 s30, s0;
	s24 =	spop (v2sf)  }
0x296: {  	s28 =	smax.f32 s28, s0;
	s26 =	spop (v2sf)  }
0x297: {  	s20 =	smax.f32 s20, s22;
	s24 =	smax.f32 s24, s26  }
0x298: {  	s26 =	smax.f32 s23, s25;
	s20 =	smax.f32 s20, s24  }
0x299: {  	s19 =	smax.f32 s19, s26;
	s20 =	smax.f32 s28, s20  }
0x29a: {  	s19 =	smax.f32 s19, s20  }
0x29b: {  	v46 =	vmov s19  }
0x29c: {  	v12 =	vadd.f32 $0.0e+00, v46;
	_ =	sdelay $0x1  }
0x29d: {  	v12 =	vbroadcast v12, $0x0;
	_ =	sdelay $0x1  }
0x29e: {  	vm0 =	veq.f32 v13, v12  }
0x29f: {  	vm5 =	veq.f32 v16, v12;
	v13 =	vnsel vm0, $0x80, v1  }
0x2a0: {  	vm6 =	veq.f32 v11, v12;
	v47 =	vsel vm5, v2, v13  }
0x2a1: {  	vm7 =	veq.f32 v15, v12;
	v11 =	vsel vm6, v3, v47  }
0x2a2: {  	v11 =	vsel vm7, v0, v11  }
0x2a3: {  	(v2sf) =	vpush v11, $0x0  }
0x2a4: {  	(v2sf) =	vpush v11, $0x1  }
0x2a5: {  	(v2sf) =	vpush v11, $0x2  }
0x2a6: {  	(v2sf) =	vpush v11, $0x3  }
0x2a7: {  	(v2sf) =	vpush v11, $0x4  }
0x2a8: {  	(v2sf) =	vpush v11, $0x5  }
0x2a9: {  	(v2sf) =	vpush v11, $0x6  }
0x2aa: {  	(v2sf) =	vpush v11, $0x7  }
0x2ab: {  	(v2sf) =	vpush v11, $0x8  }
0x2ac: {  	(v2sf) =	vpush v11, $0x9  }
0x2ad: {  	(v2sf) =	vpush v11, $0xA  }
0x2ae: {  	(v2sf) =	vpush v11, $0xB  }
0x2af: {  	(v2sf) =	vpush v11, $0xC  }
0x2b0: {  	(v2sf) =	vpush v11, $0xD  }
0x2b1: {  	(v2sf) =	vpush v11, $0xE  }
0x2b2: {  	s20 =	spop (v2sf);
	(v2sf) =	vpush v11, $0xF  }
0x2b3: {  	s21 =	spop (v2sf)  }
0x2b4: {  	s22 =	spop (v2sf)  }
0x2b5: {  	s23 =	spop (v2sf)  }
0x2b6: {  	s24 =	spop (v2sf)  }
0x2b7: {  	s25 =	spop (v2sf)  }
0x2b8: {  	s5 =	sadd.f32 s8, s5;
	s26 =	spop (v2sf)  }
0x2b9: {  	s28 =	spop (v2sf)  }
0x2ba: {  	s5 =	sadd.f32 s10, s5;
	s29 =	spop (v2sf)  }
0x2bb: {  	s20 =	smin.u32 s20, s21;
	s21 =	smin.u32 s22, s23;
	s30 =	spop (v2sf)  }
0x2bc: {  	s12 =	sadd.f32 s12, s5;
	p0 =	slt.s32 s20, s21;
	s31 =	spop (v2sf)  }
0x2bd: {  	s23 =	smin.u32 s24, s25;
	s25 =	smin.u32 s26, s28;
	s0 =	spop (v2sf)  }
0x2be: {  	s21 =	smov.u32 @p0 s20;
	p0 =	slt.s32 s23, s25;
	s8 =	spop (v2sf)  }
0x2bf: {  	s26 =	smin.u32 s29, s30;
	s29 =	sadd.f32 s13, s12;
	s22 =	spop (v2sf)  }
0x2c0: {  	s25 =	smov.u32 @p0 s23;
	s24 =	spop (v2sf)  }
0x2c1: {  	s0 =	smin.u32 s31, s0;
	s30 =	sadd.f32 s15, s29;
	s10 =	spop (v2sf)  }
0x2c2: {  	p1 =	slt.s32 s26, s0;
	s8 =	smin.u32 s8, s22;
	s5 =	smin.u32 s24, s10  }
0x2c3: {  	s12 =	smov.u32 s9;
	s0 =	smov.u32 @p1 s26;
	p0 =	slt.s32 s8, s5  }
0x2c4: {  	s31 =	sadd.f32 s17, s30;
	s5 =	smov.u32 @p0 s8;
	p0 =	slt.s32 s21, s25  }
0x2c5: {  	p1 =	slt.s32 s11, s9;
	s25 =	smov.u32 @p0 s21;
	p0 =	slt.s32 s0, s5  }
0x2c6: {  	s12 =	smov.u32 @p1 s11;
	p1 =	sgt.s32 s14, s16;
	s5 =	smov.u32 @p0 s0  }
0x2c7: {  	s10 =	smov.u32 s16;
	s0 =	sadd.f32 s19, s31;
	p0 =	slt.s32 s25, s5  }
0x2c8: {  	s8 =	smov.u32 s7;
	s5 =	smov.u32 @p0 s25;
	p0 =	slt.s32 s6, s7  }
0x2c9: {  	v48 =	vmov s0;
	s0 =	smov.u32 s12;
	s8 =	smov.u32 @p0 s6;
	p0 =	sgt.s32 s6, s7  }
0x2ca: {  	s7 =	smov.u32 @p0 s6;
	p0 =	sgt.s32 s11, s9;
	s6 =	smov.u32 s5  }
0x2cb: {  	v11 =	vadd.f32 $0.0e+00, v48;
	s9 =	smov.u32 @p0 s11;
	p0 =	slt.s32 s14, s16;
	s16 =	smov.u32 @p1 s14  }
0x2cc: {  	p1 =	slt.s32 s8, s12;
	s10 =	smov.u32 @p0 s14;
	p0 =	slt.s32 s18, s5  }
0x2cd: {  	v11 =	vbroadcast v11, $0x0;
	s0 =	smov.u32 @p1 s8;
	s6 =	smov.u32 @p0 s18;
	p0 =	sgt.s32 s18, s5  }
0x2ce: {  	p1 =	sgt.s32 s7, s9;
	s5 =	smov.u32 @p0 s18;
	p0 =	sgt.s32 s8, s12  }
0x2cf: {  	(erf) = vrcp.f32 v11;
	s12 =	smov.u32 @p0 s8;
	p0 =	slt.s32 s7, s9;
	s8 =	smov.u32 s9  }
0x2d0: {  	s9 =	smov.u32 @p1 s7;
	p1 =	slt.s32 s16, s5;
	s11 =	smov.u32 s5  }
0x2d1: {  	s8 =	smov.u32 @p0 s7;
	p0 =	slt.s32 s10, s6;
	s7 =	smov.u32 s6  }
0x2d2: {  	s11 =	smov.u32 @p1 s16;
	s7 =	smov.u32 @p0 s10;
	p0 =	sgt.s32 s10, s6  }
0x2d3: {  	s13 =	smov.u32 s12;
	s6 =	smov.u32 @p0 s10;
	p0 =	sgt.s32 s16, s5  }
0x2d4: {  	p1 =	sgt.s32 s8, s12;
	s14 =	smov.u32 s7;
	s5 =	smov.u32 @p0 s16  }
0x2d5: {  	p0 =	slt.s32 s8, s12;
	s12 =	smov.u32 @p1 s8;
	p1 =	slt.s32 s0, s7  }
0x2d6: {  	s13 =	smov.u32 @p0 s8;
	p0 =	slt.s32 s11, s6;
	s8 =	smov.u32 s6  }
0x2d7: {  	s14 =	smov.u32 @p1 s0;
	s8 =	smov.u32 @p0 s11;
	p0 =	sgt.s32 s11, s6  }
0x2d8: {  	v50 =	vld [tilespmem:$0x80];
	s10 =	smov.u32 s5;
	s6 =	smov.u32 @p0 s11;
	p0 =	sgt.s32 s0, s7;
	v49 =	vpop (erf)  }
0x2d9: {  	v17 =	vmov s14;
	p1 =	slt.s32 s13, s8;
	s7 =	smov.u32 @p0 s0;
	p0 =	slt.s32 s9, s5;
	v51 =	vmul.f32 v49, v5;
	v5 =	vld [tilespmem:$0x90]  }
0x2da: {  	v54 =	vld [tilespmem:$0xA0];
	vm8 =	veq.s32 v17, v0;
	s0 =	smov.u32 s8;
	s11 =	smov.u32 s6;
	v4 =	vmul.f32 v49, v4;
	s10 =	smov.u32 @p0 s9  }
0x2db: {  	v55 =	vld [tilespmem:$0xB0];
	vm12 =	veq.s32 v17, v3;
	v52 =	vmul.f32 v49, v6;
	v53 =	vmul.f32 v49, v7;
	s0 =	smov.u32 @p1 s13;
	p0 =	sgt.s32 s13, s8;
	p1 =	sgt.s32 s12, s6  }
0x2dc: {  	vm14 =	veq.s32 v17, v2;
	v8 =	vmul.f32 v49, v8;
	v9 =	vmul.f32 v49, v9;
	s8 =	smov.u32 @p0 s13;
	p0 =	slt.s32 s12, s6;
	s6 =	smov.u32 @p1 s12  }
0x2dd: {  	vm15 =	veq.s32 v17, v1;
	v10 =	vmul.f32 v49, v10;
	v12 =	vmul.f32 v49, v12;
	s11 =	smov.u32 @p0 s12;
	p0 =	slt.s32 s0, s7;
	s12 =	smov.u32 s7  }
0x2de: {  	v56 =	vnsel vm8, $0x0, v4;
	v22 =	vnsel vm12, $0x0, v4;
	s12 =	smov.u32 @p0 s0;
	v20 =	vmax.f32 v50, v5  }
0x2df: {  	v57 =	vnsel vm14, $0x0, v4;
	v18 =	vmov s12;
	v20 =	vmax.f32 v20, v54  }
0x2e0: {  	v4 =	vnsel vm15, $0x0, v4;
	p1 =	slt.s32 s10, s6;
	p0 =	sgt.s32 s0, s7;
	vm9 =	veq.s32 v18, v0;
	v20 =	vmax.f32 v20, v55  }
0x2e1: {  	s13 =	smov.u32 s6;
	s15 =	smov.u32 s8;
	s7 =	smov.u32 @p0 s0;
	vm13 =	veq.s32 v18, v3;
	vm4 =	veq.s32 v18, v2;
	(v2sf) =	vpush v20, $0x0  }
0x2e2: {  	s13 =	smov.u32 @p1 s10;
	p0 =	slt.s32 s11, s7;
	s0 =	smov.u32 s7;
	vm2 =	veq.s32 v18, v1;
	v13 =	vsel vm9, v51, v56;
	(v2sf) =	vpush v20, $0x1  }
0x2e3: {  	p2 =	slt.s32 s13, s8;
	p1 =	sgt.s32 s11, s7;
	s0 =	smov.u32 @p0 s11;
	v22 =	vsel vm13, v51, v22;
	v17 =	vsel vm4, v51, v57;
	(v2sf) =	vpush v20, $0x2  }
0x2e4: {  	s15 =	smov.u32 @p2 s13;
	s7 =	smov.u32 @p1 s11;
	v4 =	vsel vm2, v51, v4;
	v19 =	vmov s0;
	(v2sf) =	vpush v20, $0x3  }
0x2e5: {  	p0 =	slt.s32 s15, s7;
	s11 =	smov.u32 s7;
	vm10 =	veq.s32 v19, v0;
	vm7 =	veq.s32 v19, v3;
	(v2sf) =	vpush v20, $0x4  }
0x2e6: {  	s11 =	smov.u32 @p0 s15;
	vm8 =	veq.s32 v19, v2;
	vm9 =	veq.s32 v19, v1;
	(v2sf) =	vpush v20, $0x5  }
0x2e7: {  	v21 =	vmov s11;
	v13 =	vsel vm10, v52, v13;
	(v2sf) =	vpush v20, $0x6  }
0x2e8: {  	p0 =	sgt.s32 s15, s7;
	v22 =	vsel vm7, v52, v22;
	v17 =	vsel vm8, v52, v17;
	(v2sf) =	vpush v20, $0x7  }
0x2e9: {  	s7 =	smov.u32 @p0 s15;
	v4 =	vsel vm9, v52, v4;
	vm11 =	veq.s32 v21, v0;
	(v2sf) =	vpush v20, $0x8  }
0x2ea: {  	p0 =	sgt.s32 s13, s8;
	v58 =	vmov s7;
	vm13 =	veq.s32 v21, v2;
	(v2sf) =	vpush v20, $0x9  }
0x2eb: {  	s8 =	smov.u32 @p0 s13;
	vm14 =	veq.s32 v21, v1;
	v13 =	vsel vm11, v53, v13;
	(v2sf) =	vpush v20, $0xA  }
0x2ec: {  	vm5 =	veq.s32 v58, v0;
	v59 =	vmov s8;
	(v2sf) =	vpush v20, $0xB  }
0x2ed: {  	p0 =	sgt.s32 s10, s6;
	vm11 =	veq.s32 v21, v3;
	vm12 =	veq.s32 v58, v3;
	v17 =	vsel vm13, v53, v17  }
0x2ee: {  	s6 =	smov.u32 @p0 s10;
	v4 =	vsel vm14, v53, v4;
	v13 =	vsel vm5, v8, v13;
	vm6 =	veq.s32 v59, v0  }
0x2ef: {  	p0 =	sgt.s32 s9, s5;
	v60 =	vmov s6;
	v61 =	vsel vm11, v53, v22;
	vm15 =	veq.s32 v59, v3  }
0x2f0: {  	s5 =	smov.u32 @p0 s9;
	vm8 =	veq.s32 v59, v2;
	vm11 =	veq.s32 v59, v1;
	v13 =	vsel vm6, v9, v13;
	s8 =	spop (v2sf)  }
0x2f1: {  	vm10 =	veq.s32 v60, v0;
	v62 =	vmov s5;
	v15 =	vsel vm12, v8, v61;
	s9 =	spop (v2sf)  }
0x2f2: {  	vm5 =	veq.s32 v60, v3;
	vm6 =	veq.s32 v58, v2;
	vm9 =	veq.s32 v60, v2;
	s10 =	spop (v2sf)  }
0x2f3: {  	vm13 =	veq.s32 v60, v1;
	v13 =	vsel vm10, v10, v13;
	vm3 =	veq.s32 v62, v0;
	s11 =	spop (v2sf)  }
0x2f4: {  	v15 =	vsel vm15, v9, v15;
	vm7 =	veq.s32 v62, v3;
	v17 =	vsel vm6, v8, v17;
	s12 =	spop (v2sf)  }
0x2f5: {  	vm10 =	veq.s32 v58, v1;
	vm12 =	veq.s32 v62, v2;
	v15 =	vsel vm5, v10, v15;
	s13 =	spop (v2sf)  }
0x2f6: {  	v13 =	vsel vm3, v12, v13;
	v17 =	vsel vm8, v9, v17;
	v4 =	vsel vm10, v8, v4;
	s14 =	spop (v2sf)  }
0x2f7: {  	v15 =	vsel vm7, v12, v15;
	v63 =	vsel vm9, v10, v17;
	[tilespmem:$0x100] =	vst v13;
	v4 =	vsel vm11, v9, v4;
	s15 =	spop (v2sf)  }
0x2f8: {  	vm14 =	veq.s32 v62, v1;
	[tilespmem:$0x110] =	vst v15;
	v15 =	vsel vm12, v12, v63;
	v4 =	vsel vm13, v10, v4;
	s16 =	spop (v2sf)  }
0x2f9: {  	[tilespmem:$0x120] =	vst v15;
	v4 =	vsel vm14, v12, v4;
	s17 =	spop (v2sf)  }
0x2fa: {  	[tilespmem:$0x130] =	vst v4;
	s18 =	spop (v2sf)  }
0x2fb: {  	s19 =	spop (v2sf)  }
0x2fc: {  	(v2sf) =	vpush v20, $0xC  }
0x2fd: {  	(v2sf) =	vpush v20, $0xD  }
0x2fe: {  	(v2sf) =	vpush v20, $0xE  }
0x2ff: {  	(v2sf) =	vpush v20, $0xF;
	_ =	sdelay $0x9  }
0x300: {  	s0 =	smax.f32 s8, s9;
	s24 =	smax.f32 s10, s11  }
0x301: {  	s0 =	smax.f32 s0, s24;
	s25 =	smax.f32 s12, s13  }
0x302: {  	s26 =	smax.f32 s14, s15;
	s20 =	spop (v2sf)  }
0x303: {  	s7 =	smax.f32 s25, s26;
	s21 =	spop (v2sf)  }
0x304: {  	s28 =	smax.f32 s16, s17;
	s22 =	spop (v2sf)  }
0x305: {  	s29 =	smax.f32 s18, s19;
	s23 =	spop (v2sf)  }
0x306: {  	s30 =	smax.f32 s20, s21;
	s31 =	smax.f32 s22, s23  }
0x307: {  	s12 =	smax.f32 s28, s29;
	s13 =	smax.f32 s30, s31  }
0x308: {  	s0 =	smax.f32 s0, s7;
	s14 =	smax.f32 s12, s13  }
0x309: {  	s5 =	smax.f32 s0, s14  }
0x30a: {  	v4 =	vmov s5  }
0x30b: {  	v4 =	vadd.f32 $0.0e+00, v4;
	_ =	sdelay $0x1  }
0x30c: {  	v4 =	vbroadcast v4, $0x0;
	_ =	sdelay $0x1  }
0x30d: {  	vm15 =	veq.f32 v55, v4  }
0x30e: {  	vm4 =	veq.f32 v54, v4;
	v16 =	vnsel vm15, $0x80, v1  }
0x30f: {  	vm5 =	veq.f32 v5, v4;
	v8 =	vsel vm4, v2, v16  }
0x310: {  	vm6 =	veq.f32 v50, v4;
	v8 =	vsel vm5, v3, v8  }
0x311: {  	v8 =	vsel vm6, v0, v8  }
0x312: {  	(v2sf) =	vpush v8, $0x0  }
0x313: {  	(v2sf) =	vpush v8, $0x1  }
0x314: {  	(v2sf) =	vpush v8, $0x2  }
0x315: {  	(v2sf) =	vpush v8, $0x3  }
0x316: {  	(v2sf) =	vpush v8, $0x4  }
0x317: {  	(v2sf) =	vpush v8, $0x5  }
0x318: {  	(v2sf) =	vpush v8, $0x6  }
0x319: {  	(v2sf) =	vpush v8, $0x7  }
0x31a: {  	(v2sf) =	vpush v8, $0x8  }
0x31b: {  	(v2sf) =	vpush v8, $0x9  }
0x31c: {  	(v2sf) =	vpush v8, $0xA  }
0x31d: {  	(v2sf) =	vpush v8, $0xB  }
0x31e: {  	(v2sf) =	vpush v8, $0xC  }
0x31f: {  	(v2sf) =	vpush v8, $0xD  }
0x320: {  	(v2sf) =	vpush v8, $0xE  }
0x321: {  	s15 =	spop (v2sf);
	(v2sf) =	vpush v8, $0xF  }
0x322: {  	s16 =	spop (v2sf)  }
0x323: {  	s17 =	spop (v2sf)  }
0x324: {  	s18 =	spop (v2sf)  }
0x325: {  	s19 =	spop (v2sf)  }
0x326: {  	s20 =	spop (v2sf)  }
0x327: {  	s21 =	spop (v2sf)  }
0x328: {  	s22 =	spop (v2sf)  }
0x329: {  	s23 =	spop (v2sf)  }
0x32a: {  	s24 =	spop (v2sf)  }
0x32b: {  	s25 =	spop (v2sf)  }
0x32c: {  	s26 =	spop (v2sf)  }
0x32d: {  	s0 =	smin.u32 s15, s16;
	s7 =	smin.u32 s17, s18;
	s28 =	spop (v2sf)  }
0x32e: {  	p0 =	slt.s32 s0, s7;
	s8 =	smin.u32 s19, s20;
	s29 =	spop (v2sf)  }
0x32f: {  	s7 =	smov.u32 @p0 s0;
	s9 =	smin.u32 s21, s22;
	s30 =	spop (v2sf)  }
0x330: {  	p0 =	slt.s32 s8, s9;
	s10 =	smin.u32 s23, s24;
	s31 =	spop (v2sf)  }
0x331: {  	s11 =	smin.u32 s25, s26;
	s12 =	smin.u32 s28, s29;
	s6 =	smin.u32 s30, s31  }
0x332: {  	s9 =	smov.u32 @p0 s8;
	p0 =	slt.s32 s10, s11;
	p1 =	slt.s32 s12, s6  }
0x333: {  	s11 =	smov.u32 @p0 s10;
	s6 =	smov.u32 @p1 s12  }
0x334: {  	p0 =	slt.s32 s7, s9;
	p1 =	slt.s32 s11, s6  }
0x335: {  	s9 =	smov.u32 @p0 s7;
	s6 =	smov.u32 @p1 s11  }
0x336: {  	p0 =	slt.s32 s9, s6  }
0x337: {  	s6 =	smov.u32 @p0 s9  }
0x338: {  	v17 =	vmov s6  }
0x339: {  	vm7 =	veq.s32 v17, v0;
	vm8 =	veq.s32 v17, v3  }
0x33a: {  	vm9 =	veq.s32 v17, v2;
	v18 =	vsel vm7, $0xF149F2CA, v50;
	v19 =	vsel vm8, $0xF149F2CA, v5  }
0x33b: {  	vm10 =	veq.s32 v17, v1;
	v6 =	vsel vm9, $0xF149F2CA, v54;
	v5 =	vmax.f32 v18, v19  }
0x33c: {  	v7 =	vsel vm10, $0xF149F2CA, v55;
	v5 =	vmax.f32 v5, v6  }
0x33d: {  	v5 =	vmax.f32 v5, v7  }
0x33e: {  	(v2sf) =	vpush v5, $0x0  }
0x33f: {  	(v2sf) =	vpush v5, $0x1  }
0x340: {  	(v2sf) =	vpush v5, $0x2  }
0x341: {  	(v2sf) =	vpush v5, $0x3  }
0x342: {  	(v2sf) =	vpush v5, $0x4  }
0x343: {  	(v2sf) =	vpush v5, $0x5  }
0x344: {  	(v2sf) =	vpush v5, $0x6  }
0x345: {  	(v2sf) =	vpush v5, $0x7  }
0x346: {  	(v2sf) =	vpush v5, $0x8  }
0x347: {  	(v2sf) =	vpush v5, $0x9  }
0x348: {  	(v2sf) =	vpush v5, $0xA  }
0x349: {  	(v2sf) =	vpush v5, $0xB  }
0x34a: {  	(v2sf) =	vpush v5, $0xC  }
0x34b: {  	(v2sf) =	vpush v5, $0xD  }
0x34c: {  	(v2sf) =	vpush v5, $0xE  }
0x34d: {  	s8 =	spop (v2sf);
	(v2sf) =	vpush v5, $0xF  }
0x34e: {  	s9 =	spop (v2sf)  }
0x34f: {  	s10 =	spop (v2sf)  }
0x350: {  	s11 =	spop (v2sf)  }
0x351: {  	s12 =	spop (v2sf)  }
0x352: {  	s13 =	spop (v2sf)  }
0x353: {  	s14 =	spop (v2sf)  }
0x354: {  	s15 =	spop (v2sf)  }
0x355: {  	s0 =	smax.f32 s8, s9;
	s16 =	spop (v2sf)  }
0x356: {  	s24 =	smax.f32 s10, s11;
	s17 =	spop (v2sf)  }
0x357: {  	s0 =	smax.f32 s0, s24;
	s18 =	spop (v2sf)  }
0x358: {  	s25 =	smax.f32 s12, s13;
	s19 =	spop (v2sf)  }
0x359: {  	s26 =	smax.f32 s14, s15;
	s20 =	spop (v2sf)  }
0x35a: {  	s9 =	smax.f32 s25, s26;
	s21 =	spop (v2sf)  }
0x35b: {  	s28 =	smax.f32 s16, s17;
	s22 =	spop (v2sf)  }
0x35c: {  	s29 =	smax.f32 s18, s19;
	s23 =	spop (v2sf)  }
0x35d: {  	s30 =	smax.f32 s20, s21;
	s31 =	smax.f32 s22, s23  }
0x35e: {  	s11 =	smax.f32 s28, s29;
	s13 =	smax.f32 s30, s31  }
0x35f: {  	s0 =	smax.f32 s0, s9;
	s14 =	smax.f32 s11, s13  }
0x360: {  	s8 =	smax.f32 s0, s14  }
0x361: {  	v5 =	vmov s8  }
0x362: {  	v5 =	vadd.f32 $0.0e+00, v5;
	_ =	sdelay $0x1  }
0x363: {  	v5 =	vbroadcast v5, $0x0;
	_ =	sdelay $0x1  }
0x364: {  	vm0 =	veq.f32 v7, v5  }
0x365: {  	vm11 =	veq.f32 v6, v5;
	v20 =	vnsel vm0, $0x80, v1  }
0x366: {  	vm12 =	veq.f32 v19, v5;
	v8 =	vsel vm11, v2, v20  }
0x367: {  	vm13 =	veq.f32 v18, v5;
	v8 =	vsel vm12, v3, v8  }
0x368: {  	v8 =	vsel vm13, v0, v8  }
0x369: {  	(v2sf) =	vpush v8, $0x0  }
0x36a: {  	(v2sf) =	vpush v8, $0x1  }
0x36b: {  	(v2sf) =	vpush v8, $0x2  }
0x36c: {  	(v2sf) =	vpush v8, $0x3  }
0x36d: {  	(v2sf) =	vpush v8, $0x4  }
0x36e: {  	(v2sf) =	vpush v8, $0x5  }
0x36f: {  	(v2sf) =	vpush v8, $0x6  }
0x370: {  	(v2sf) =	vpush v8, $0x7  }
0x371: {  	(v2sf) =	vpush v8, $0x8  }
0x372: {  	(v2sf) =	vpush v8, $0x9  }
0x373: {  	(v2sf) =	vpush v8, $0xA  }
0x374: {  	(v2sf) =	vpush v8, $0xB  }
0x375: {  	(v2sf) =	vpush v8, $0xC  }
0x376: {  	(v2sf) =	vpush v8, $0xD  }
0x377: {  	(v2sf) =	vpush v8, $0xE  }
0x378: {  	s15 =	spop (v2sf);
	(v2sf) =	vpush v8, $0xF  }
0x379: {  	s16 =	spop (v2sf)  }
0x37a: {  	s17 =	spop (v2sf)  }
0x37b: {  	s18 =	spop (v2sf)  }
0x37c: {  	s19 =	spop (v2sf)  }
0x37d: {  	s20 =	spop (v2sf)  }
0x37e: {  	s21 =	spop (v2sf)  }
0x37f: {  	s22 =	spop (v2sf)  }
0x380: {  	s23 =	spop (v2sf)  }
0x381: {  	s24 =	spop (v2sf)  }
0x382: {  	s25 =	spop (v2sf)  }
0x383: {  	s26 =	spop (v2sf)  }
0x384: {  	s0 =	smin.u32 s15, s16;
	s9 =	smin.u32 s17, s18;
	s28 =	spop (v2sf)  }
0x385: {  	p0 =	slt.s32 s0, s9;
	s10 =	smin.u32 s19, s20;
	s29 =	spop (v2sf)  }
0x386: {  	s9 =	smov.u32 @p0 s0;
	s11 =	smin.u32 s21, s22;
	s30 =	spop (v2sf)  }
0x387: {  	p0 =	slt.s32 s10, s11;
	s12 =	smin.u32 s23, s24;
	s31 =	spop (v2sf)  }
0x388: {  	s13 =	smin.u32 s25, s26;
	s14 =	smin.u32 s28, s29;
	s7 =	smin.u32 s30, s31  }
0x389: {  	s11 =	smov.u32 @p0 s10;
	p0 =	slt.s32 s12, s13;
	p1 =	slt.s32 s14, s7  }
0x38a: {  	s13 =	smov.u32 @p0 s12;
	s7 =	smov.u32 @p1 s14  }
0x38b: {  	p0 =	slt.s32 s9, s11;
	p1 =	slt.s32 s13, s7  }
0x38c: {  	s11 =	smov.u32 @p0 s9;
	s7 =	smov.u32 @p1 s13  }
0x38d: {  	p0 =	slt.s32 s11, s7  }
0x38e: {  	s7 =	smov.u32 @p0 s11  }
0x38f: {  	v21 =	vmov s7  }
0x390: {  	vm14 =	veq.s32 v21, v0;
	vm15 =	veq.s32 v21, v3  }
0x391: {  	vm4 =	veq.s32 v21, v2;
	v9 =	vsel vm14, $0xF149F2CA, v18;
	v10 =	vsel vm15, $0xF149F2CA, v19  }
0x392: {  	vm5 =	veq.s32 v21, v1;
	v22 =	vsel vm4, $0xF149F2CA, v6;
	v23 =	vmax.f32 v9, v10  }
0x393: {  	v7 =	vsel vm5, $0xF149F2CA, v7;
	v6 =	vmax.f32 v23, v22  }
0x394: {  	v6 =	vmax.f32 v6, v7  }
0x395: {  	(v2sf) =	vpush v6, $0x0  }
0x396: {  	(v2sf) =	vpush v6, $0x1  }
0x397: {  	(v2sf) =	vpush v6, $0x2  }
0x398: {  	(v2sf) =	vpush v6, $0x3  }
0x399: {  	(v2sf) =	vpush v6, $0x4  }
0x39a: {  	(v2sf) =	vpush v6, $0x5  }
0x39b: {  	(v2sf) =	vpush v6, $0x6  }
0x39c: {  	(v2sf) =	vpush v6, $0x7  }
0x39d: {  	(v2sf) =	vpush v6, $0x8  }
0x39e: {  	(v2sf) =	vpush v6, $0x9  }
0x39f: {  	(v2sf) =	vpush v6, $0xA  }
0x3a0: {  	(v2sf) =	vpush v6, $0xB  }
0x3a1: {  	(v2sf) =	vpush v6, $0xC  }
0x3a2: {  	(v2sf) =	vpush v6, $0xD  }
0x3a3: {  	(v2sf) =	vpush v6, $0xE  }
0x3a4: {  	s9 =	spop (v2sf);
	(v2sf) =	vpush v6, $0xF  }
0x3a5: {  	s10 =	spop (v2sf)  }
0x3a6: {  	s11 =	spop (v2sf)  }
0x3a7: {  	s12 =	spop (v2sf)  }
0x3a8: {  	s13 =	spop (v2sf)  }
0x3a9: {  	s14 =	spop (v2sf)  }
0x3aa: {  	s15 =	spop (v2sf)  }
0x3ab: {  	s16 =	spop (v2sf)  }
0x3ac: {  	s0 =	smax.f32 s9, s10;
	s17 =	spop (v2sf)  }
0x3ad: {  	s24 =	smax.f32 s11, s12;
	s18 =	spop (v2sf)  }
0x3ae: {  	s0 =	smax.f32 s0, s24;
	s19 =	spop (v2sf)  }
0x3af: {  	s25 =	smax.f32 s13, s14;
	s20 =	spop (v2sf)  }
0x3b0: {  	s26 =	smax.f32 s15, s16;
	s21 =	spop (v2sf)  }
0x3b1: {  	s11 =	smax.f32 s25, s26;
	s22 =	spop (v2sf)  }
0x3b2: {  	s28 =	smax.f32 s17, s18;
	s23 =	spop (v2sf)  }
0x3b3: {  	s29 =	smax.f32 s19, s20;
	s31 =	spop (v2sf)  }
0x3b4: {  	s30 =	smax.f32 s21, s22;
	s31 =	smax.f32 s23, s31  }
0x3b5: {  	s12 =	smax.f32 s28, s29;
	s13 =	smax.f32 s30, s31  }
0x3b6: {  	s0 =	smax.f32 s0, s11;
	s14 =	smax.f32 s12, s13  }
0x3b7: {  	s9 =	smax.f32 s0, s14  }
0x3b8: {  	v24 =	vmov s9  }
0x3b9: {  	v6 =	vadd.f32 $0.0e+00, v24;
	_ =	sdelay $0x1  }
0x3ba: {  	v6 =	vbroadcast v6, $0x0;
	_ =	sdelay $0x1  }
0x3bb: {  	vm0 =	veq.f32 v7, v6  }
0x3bc: {  	vm6 =	veq.f32 v22, v6;
	v25 =	vnsel vm0, $0x80, v1  }
0x3bd: {  	vm7 =	veq.f32 v10, v6;
	v8 =	vsel vm6, v2, v25  }
0x3be: {  	vm8 =	veq.f32 v9, v6;
	v8 =	vsel vm7, v3, v8  }
0x3bf: {  	v8 =	vsel vm8, v0, v8  }
0x3c0: {  	(v2sf) =	vpush v8, $0x0  }
0x3c1: {  	(v2sf) =	vpush v8, $0x1  }
0x3c2: {  	(v2sf) =	vpush v8, $0x2  }
0x3c3: {  	(v2sf) =	vpush v8, $0x3  }
0x3c4: {  	(v2sf) =	vpush v8, $0x4  }
0x3c5: {  	(v2sf) =	vpush v8, $0x5  }
0x3c6: {  	(v2sf) =	vpush v8, $0x6  }
0x3c7: {  	(v2sf) =	vpush v8, $0x7  }
0x3c8: {  	(v2sf) =	vpush v8, $0x8  }
0x3c9: {  	(v2sf) =	vpush v8, $0x9  }
0x3ca: {  	(v2sf) =	vpush v8, $0xA  }
0x3cb: {  	(v2sf) =	vpush v8, $0xB  }
0x3cc: {  	(v2sf) =	vpush v8, $0xC  }
0x3cd: {  	(v2sf) =	vpush v8, $0xD  }
0x3ce: {  	(v2sf) =	vpush v8, $0xE  }
0x3cf: {  	s15 =	spop (v2sf);
	(v2sf) =	vpush v8, $0xF  }
0x3d0: {  	s16 =	spop (v2sf)  }
0x3d1: {  	s17 =	spop (v2sf)  }
0x3d2: {  	s18 =	spop (v2sf)  }
0x3d3: {  	s19 =	spop (v2sf)  }
0x3d4: {  	s20 =	spop (v2sf)  }
0x3d5: {  	s21 =	spop (v2sf)  }
0x3d6: {  	s22 =	spop (v2sf)  }
0x3d7: {  	s23 =	spop (v2sf)  }
0x3d8: {  	s24 =	spop (v2sf)  }
0x3d9: {  	s25 =	spop (v2sf)  }
0x3da: {  	s26 =	spop (v2sf)  }
0x3db: {  	s0 =	smin.u32 s15, s16;
	s11 =	smin.u32 s17, s18;
	s28 =	spop (v2sf)  }
0x3dc: {  	p0 =	slt.s32 s0, s11;
	s12 =	smin.u32 s19, s20;
	s29 =	spop (v2sf)  }
0x3dd: {  	s11 =	smov.u32 @p0 s0;
	s13 =	smin.u32 s21, s22;
	s30 =	spop (v2sf)  }
0x3de: {  	p0 =	slt.s32 s12, s13;
	s14 =	smin.u32 s23, s24;
	s31 =	spop (v2sf)  }
0x3df: {  	s15 =	smin.u32 s25, s26;
	s16 =	smin.u32 s28, s29;
	s10 =	smin.u32 s30, s31  }
0x3e0: {  	s13 =	smov.u32 @p0 s12;
	p0 =	slt.s32 s14, s15;
	p1 =	slt.s32 s16, s10  }
0x3e1: {  	s15 =	smov.u32 @p0 s14;
	s10 =	smov.u32 @p1 s16  }
0x3e2: {  	p0 =	slt.s32 s11, s13;
	p1 =	slt.s32 s15, s10  }
0x3e3: {  	s13 =	smov.u32 @p0 s11;
	s10 =	smov.u32 @p1 s15  }
0x3e4: {  	p0 =	slt.s32 s13, s10  }
0x3e5: {  	s10 =	smov.u32 @p0 s13  }
0x3e6: {  	v26 =	vmov s10  }
0x3e7: {  	vm9 =	veq.s32 v26, v0;
	vm10 =	veq.s32 v26, v3  }
0x3e8: {  	vm11 =	veq.s32 v26, v2;
	v9 =	vsel vm9, $0xF149F2CA, v9;
	v10 =	vsel vm10, $0xF149F2CA, v10  }
0x3e9: {  	vm12 =	veq.s32 v26, v1;
	v11 =	vsel vm11, $0xF149F2CA, v22;
	v27 =	vmax.f32 v9, v10  }
0x3ea: {  	v28 =	vsel vm12, $0xF149F2CA, v7;
	v29 =	vmax.f32 v27, v11  }
0x3eb: {  	v7 =	vmax.f32 v29, v28  }
0x3ec: {  	(v2sf) =	vpush v7, $0x0  }
0x3ed: {  	(v2sf) =	vpush v7, $0x1  }
0x3ee: {  	(v2sf) =	vpush v7, $0x2  }
0x3ef: {  	(v2sf) =	vpush v7, $0x3  }
0x3f0: {  	(v2sf) =	vpush v7, $0x4  }
0x3f1: {  	(v2sf) =	vpush v7, $0x5  }
0x3f2: {  	(v2sf) =	vpush v7, $0x6  }
0x3f3: {  	(v2sf) =	vpush v7, $0x7  }
0x3f4: {  	(v2sf) =	vpush v7, $0x8  }
0x3f5: {  	(v2sf) =	vpush v7, $0x9  }
0x3f6: {  	(v2sf) =	vpush v7, $0xA  }
0x3f7: {  	(v2sf) =	vpush v7, $0xB  }
0x3f8: {  	(v2sf) =	vpush v7, $0xC  }
0x3f9: {  	(v2sf) =	vpush v7, $0xD  }
0x3fa: {  	(v2sf) =	vpush v7, $0xE  }
0x3fb: {  	s15 =	spop (v2sf);
	(v2sf) =	vpush v7, $0xF  }
0x3fc: {  	s16 =	spop (v2sf)  }
0x3fd: {  	s17 =	spop (v2sf)  }
0x3fe: {  	s18 =	spop (v2sf)  }
0x3ff: {  	s19 =	spop (v2sf)  }
0x400: {  	s20 =	spop (v2sf)  }
0x401: {  	s21 =	spop (v2sf)  }
0x402: {  	s22 =	spop (v2sf)  }
0x403: {  	s0 =	smax.f32 s15, s16;
	s23 =	spop (v2sf)  }
0x404: {  	s13 =	smax.f32 s17, s18;
	s24 =	spop (v2sf)  }
0x405: {  	s0 =	smax.f32 s0, s13;
	s25 =	spop (v2sf)  }
0x406: {  	s15 =	smax.f32 s19, s20;
	s26 =	spop (v2sf)  }
0x407: {  	s17 =	smax.f32 s21, s22;
	s28 =	spop (v2sf)  }
0x408: {  	s19 =	smax.f32 s23, s24;
	s29 =	spop (v2sf)  }
0x409: {  	s21 =	smax.f32 s25, s26;
	s30 =	spop (v2sf)  }
0x40a: {  	s26 =	smax.f32 s28, s29;
	s31 =	spop (v2sf)  }
0x40b: {  	s29 =	smax.f32 s15, s17;
	s28 =	smax.f32 s30, s31  }
0x40c: {  	s30 =	smax.f32 s19, s21;
	s31 =	smax.f32 s26, s28  }
0x40d: {  	s0 =	smax.f32 s0, s29;
	s14 =	smax.f32 s30, s31  }
0x40e: {  	s12 =	smax.f32 s0, s14  }
0x40f: {  	v30 =	vmov s12  }
0x410: {  	v7 =	vadd.f32 $0.0e+00, v30;
	_ =	sdelay $0x1  }
0x411: {  	v7 =	vbroadcast v7, $0x0;
	_ =	sdelay $0x1  }
0x412: {  	vm0 =	veq.f32 v28, v7  }
0x413: {  	vm13 =	veq.f32 v11, v7;
	v31 =	vnsel vm0, $0x80, v1  }
0x414: {  	vm14 =	veq.f32 v10, v7;
	v8 =	vsel vm13, v2, v31  }
0x415: {  	vm15 =	veq.f32 v9, v7;
	v8 =	vsel vm14, v3, v8  }
0x416: {  	v8 =	vsel vm15, v0, v8  }
0x417: {  	(v2sf) =	vpush v8, $0x0  }
0x418: {  	(v2sf) =	vpush v8, $0x1  }
0x419: {  	(v2sf) =	vpush v8, $0x2  }
0x41a: {  	(v2sf) =	vpush v8, $0x3  }
0x41b: {  	(v2sf) =	vpush v8, $0x4  }
0x41c: {  	(v2sf) =	vpush v8, $0x5  }
0x41d: {  	(v2sf) =	vpush v8, $0x6  }
0x41e: {  	(v2sf) =	vpush v8, $0x7  }
0x41f: {  	(v2sf) =	vpush v8, $0x8  }
0x420: {  	(v2sf) =	vpush v8, $0x9  }
0x421: {  	(v2sf) =	vpush v8, $0xA  }
0x422: {  	(v2sf) =	vpush v8, $0xB  }
0x423: {  	(v2sf) =	vpush v8, $0xC  }
0x424: {  	(v2sf) =	vpush v8, $0xD  }
0x425: {  	(v2sf) =	vpush v8, $0xE  }
0x426: {  	s15 =	spop (v2sf);
	(v2sf) =	vpush v8, $0xF  }
0x427: {  	s16 =	spop (v2sf)  }
0x428: {  	s17 =	spop (v2sf)  }
0x429: {  	s18 =	spop (v2sf)  }
0x42a: {  	s19 =	spop (v2sf)  }
0x42b: {  	s20 =	spop (v2sf)  }
0x42c: {  	s21 =	spop (v2sf)  }
0x42d: {  	s22 =	spop (v2sf)  }
0x42e: {  	s23 =	spop (v2sf)  }
0x42f: {  	s24 =	spop (v2sf)  }
0x430: {  	s25 =	spop (v2sf)  }
0x431: {  	s26 =	spop (v2sf)  }
0x432: {  	s0 =	smin.u32 s15, s16;
	s13 =	smin.u32 s17, s18;
	s28 =	spop (v2sf)  }
0x433: {  	p0 =	slt.s32 s0, s13;
	s14 =	smin.u32 s19, s20;
	s29 =	spop (v2sf)  }
0x434: {  	s13 =	smov.u32 @p0 s0;
	s15 =	smin.u32 s21, s22;
	s30 =	spop (v2sf)  }
0x435: {  	p0 =	slt.s32 s14, s15;
	s16 =	smin.u32 s23, s24;
	s31 =	spop (v2sf)  }
0x436: {  	s17 =	smin.u32 s25, s26;
	s18 =	smin.u32 s28, s29;
	s11 =	smin.u32 s30, s31  }
0x437: {  	s15 =	smov.u32 @p0 s14;
	p0 =	slt.s32 s16, s17;
	p1 =	slt.s32 s18, s11  }
0x438: {  	s17 =	smov.u32 @p0 s16;
	s11 =	smov.u32 @p1 s18  }
0x439: {  	p0 =	slt.s32 s13, s15;
	p1 =	slt.s32 s17, s11  }
0x43a: {  	s15 =	smov.u32 @p0 s13;
	s11 =	smov.u32 @p1 s17  }
0x43b: {  	p0 =	slt.s32 s15, s11  }
0x43c: {  	s11 =	smov.u32 @p0 s15  }
0x43d: {  	v32 =	vmov s11  }
0x43e: {  	vm4 =	veq.s32 v32, v0;
	vm5 =	veq.s32 v32, v3  }
0x43f: {  	vm6 =	veq.s32 v32, v2;
	v9 =	vsel vm4, $0xF149F2CA, v9;
	v10 =	vsel vm5, $0xF149F2CA, v10  }
0x440: {  	vm7 =	veq.s32 v32, v1;
	v11 =	vsel vm6, $0xF149F2CA, v11;
	v33 =	vmax.f32 v9, v10  }
0x441: {  	v12 =	vsel vm7, $0xF149F2CA, v28;
	v8 =	vmax.f32 v33, v11  }
0x442: {  	v8 =	vmax.f32 v8, v12  }
0x443: {  	(v2sf) =	vpush v8, $0x0  }
0x444: {  	(v2sf) =	vpush v8, $0x1  }
0x445: {  	(v2sf) =	vpush v8, $0x2  }
0x446: {  	(v2sf) =	vpush v8, $0x3  }
0x447: {  	(v2sf) =	vpush v8, $0x4  }
0x448: {  	(v2sf) =	vpush v8, $0x5  }
0x449: {  	(v2sf) =	vpush v8, $0x6  }
0x44a: {  	(v2sf) =	vpush v8, $0x7  }
0x44b: {  	(v2sf) =	vpush v8, $0x8  }
0x44c: {  	(v2sf) =	vpush v8, $0x9  }
0x44d: {  	(v2sf) =	vpush v8, $0xA  }
0x44e: {  	(v2sf) =	vpush v8, $0xB  }
0x44f: {  	(v2sf) =	vpush v8, $0xC  }
0x450: {  	(v2sf) =	vpush v8, $0xD  }
0x451: {  	(v2sf) =	vpush v8, $0xE  }
0x452: {  	s14 =	spop (v2sf);
	(v2sf) =	vpush v8, $0xF  }
0x453: {  	s15 =	spop (v2sf)  }
0x454: {  	s16 =	spop (v2sf)  }
0x455: {  	s17 =	spop (v2sf)  }
0x456: {  	s18 =	spop (v2sf)  }
0x457: {  	s19 =	spop (v2sf)  }
0x458: {  	s20 =	spop (v2sf)  }
0x459: {  	s21 =	spop (v2sf)  }
0x45a: {  	s0 =	smax.f32 s14, s15;
	s22 =	spop (v2sf)  }
0x45b: {  	s15 =	smax.f32 s16, s17;
	s23 =	spop (v2sf)  }
0x45c: {  	s0 =	smax.f32 s0, s15;
	s24 =	spop (v2sf)  }
0x45d: {  	s17 =	smax.f32 s18, s19;
	s25 =	spop (v2sf)  }
0x45e: {  	s19 =	smax.f32 s20, s21;
	s26 =	spop (v2sf)  }
0x45f: {  	s21 =	smax.f32 s22, s23;
	s29 =	spop (v2sf)  }
0x460: {  	s23 =	smax.f32 s24, s25;
	s30 =	spop (v2sf)  }
0x461: {  	s28 =	smax.f32 s21, s23;
	s31 =	spop (v2sf)  }
0x462: {  	s24 =	smax.f32 s26, s29;
	s25 =	smax.f32 s30, s31  }
0x463: {  	s26 =	smax.f32 s17, s19;
	s29 =	smax.f32 s24, s25  }
0x464: {  	s0 =	smax.f32 s0, s26;
	s30 =	smax.f32 s28, s29  }
0x465: {  	s13 =	smax.f32 s0, s30  }
0x466: {  	v34 =	vmov s13  }
0x467: {  	v8 =	vadd.f32 $0.0e+00, v34;
	_ =	sdelay $0x1  }
0x468: {  	v8 =	vbroadcast v8, $0x0;
	_ =	sdelay $0x1  }
0x469: {  	vm0 =	veq.f32 v12, v8  }
0x46a: {  	vm8 =	veq.f32 v11, v8;
	v35 =	vnsel vm0, $0x80, v1  }
0x46b: {  	vm9 =	veq.f32 v10, v8;
	v13 =	vsel vm8, v2, v35  }
0x46c: {  	vm10 =	veq.f32 v9, v8;
	v13 =	vsel vm9, v3, v13  }
0x46d: {  	v13 =	vsel vm10, v0, v13  }
0x46e: {  	(v2sf) =	vpush v13, $0x0  }
0x46f: {  	(v2sf) =	vpush v13, $0x1  }
0x470: {  	(v2sf) =	vpush v13, $0x2  }
0x471: {  	(v2sf) =	vpush v13, $0x3  }
0x472: {  	(v2sf) =	vpush v13, $0x4  }
0x473: {  	(v2sf) =	vpush v13, $0x5  }
0x474: {  	(v2sf) =	vpush v13, $0x6  }
0x475: {  	(v2sf) =	vpush v13, $0x7  }
0x476: {  	(v2sf) =	vpush v13, $0x8  }
0x477: {  	(v2sf) =	vpush v13, $0x9  }
0x478: {  	(v2sf) =	vpush v13, $0xA  }
0x479: {  	(v2sf) =	vpush v13, $0xB  }
0x47a: {  	(v2sf) =	vpush v13, $0xC  }
0x47b: {  	(v2sf) =	vpush v13, $0xD  }
0x47c: {  	(v2sf) =	vpush v13, $0xE  }
0x47d: {  	s0 =	spop (v2sf);
	(v2sf) =	vpush v13, $0xF  }
0x47e: {  	s14 =	spop (v2sf)  }
0x47f: {  	s15 =	spop (v2sf)  }
0x480: {  	s16 =	spop (v2sf)  }
0x481: {  	s17 =	spop (v2sf)  }
0x482: {  	s18 =	spop (v2sf)  }
0x483: {  	s19 =	spop (v2sf)  }
0x484: {  	s20 =	spop (v2sf)  }
0x485: {  	s21 =	spop (v2sf)  }
0x486: {  	s22 =	spop (v2sf)  }
0x487: {  	s23 =	spop (v2sf)  }
0x488: {  	s24 =	spop (v2sf)  }
0x489: {  	s0 =	smin.u32 s0, s14;
	s15 =	smin.u32 s15, s16;
	s25 =	spop (v2sf)  }
0x48a: {  	p0 =	slt.s32 s0, s15;
	s16 =	smin.u32 s17, s18;
	s26 =	spop (v2sf)  }
0x48b: {  	s15 =	smov.u32 @p0 s0;
	s17 =	smin.u32 s19, s20;
	s31 =	spop (v2sf)  }
0x48c: {  	p0 =	slt.s32 s16, s17;
	s18 =	smin.u32 s21, s22;
	s30 =	spop (v2sf)  }
0x48d: {  	s19 =	smin.u32 s23, s24;
	s20 =	smin.u32 s25, s26;
	s14 =	smin.u32 s31, s30  }
0x48e: {  	s17 =	smov.u32 @p0 s16;
	p0 =	slt.s32 s18, s19;
	p1 =	slt.s32 s20, s14  }
0x48f: {  	s19 =	smov.u32 @p0 s18;
	s14 =	smov.u32 @p1 s20  }
0x490: {  	p0 =	slt.s32 s15, s17;
	p1 =	slt.s32 s19, s14  }
0x491: {  	s17 =	smov.u32 @p0 s15;
	s14 =	smov.u32 @p1 s19  }
0x492: {  	p0 =	slt.s32 s17, s14  }
0x493: {  	s14 =	smov.u32 @p0 s17  }
0x494: {  	v36 =	vmov s14  }
0x495: {  	vm11 =	veq.s32 v36, v0;
	vm12 =	veq.s32 v36, v3  }
0x496: {  	vm13 =	veq.s32 v36, v2;
	v37 =	vsel vm11, $0xF149F2CA, v9;
	v10 =	vsel vm12, $0xF149F2CA, v10  }
0x497: {  	vm14 =	veq.s32 v36, v1;
	v11 =	vsel vm13, $0xF149F2CA, v11;
	v9 =	vmax.f32 v37, v10  }
0x498: {  	v12 =	vsel vm14, $0xF149F2CA, v12;
	v9 =	vmax.f32 v9, v11  }
0x499: {  	v9 =	vmax.f32 v9, v12  }
0x49a: {  	(v2sf) =	vpush v9, $0x0  }
0x49b: {  	(v2sf) =	vpush v9, $0x1  }
0x49c: {  	(v2sf) =	vpush v9, $0x2  }
0x49d: {  	(v2sf) =	vpush v9, $0x3  }
0x49e: {  	(v2sf) =	vpush v9, $0x4  }
0x49f: {  	(v2sf) =	vpush v9, $0x5  }
0x4a0: {  	(v2sf) =	vpush v9, $0x6  }
0x4a1: {  	(v2sf) =	vpush v9, $0x7  }
0x4a2: {  	(v2sf) =	vpush v9, $0x8  }
0x4a3: {  	(v2sf) =	vpush v9, $0x9  }
0x4a4: {  	(v2sf) =	vpush v9, $0xA  }
0x4a5: {  	(v2sf) =	vpush v9, $0xB  }
0x4a6: {  	(v2sf) =	vpush v9, $0xC  }
0x4a7: {  	(v2sf) =	vpush v9, $0xD  }
0x4a8: {  	(v2sf) =	vpush v9, $0xE  }
0x4a9: {  	s0 =	spop (v2sf);
	(v2sf) =	vpush v9, $0xF  }
0x4aa: {  	s15 =	spop (v2sf)  }
0x4ab: {  	s16 =	spop (v2sf)  }
0x4ac: {  	s17 =	spop (v2sf)  }
0x4ad: {  	s18 =	spop (v2sf)  }
0x4ae: {  	s19 =	spop (v2sf)  }
0x4af: {  	s20 =	spop (v2sf)  }
0x4b0: {  	s21 =	spop (v2sf)  }
0x4b1: {  	s0 =	smax.f32 s0, s15;
	s22 =	spop (v2sf)  }
0x4b2: {  	s17 =	smax.f32 s16, s17;
	s23 =	spop (v2sf)  }
0x4b3: {  	s0 =	smax.f32 s0, s17;
	s24 =	spop (v2sf)  }
0x4b4: {  	s19 =	smax.f32 s18, s19;
	s25 =	spop (v2sf)  }
0x4b5: {  	s21 =	smax.f32 s20, s21;
	s26 =	spop (v2sf)  }
0x4b6: {  	s23 =	smax.f32 s22, s23;
	s28 =	spop (v2sf)  }
0x4b7: {  	s24 =	smax.f32 s24, s25;
	s29 =	spop (v2sf)  }
0x4b8: {  	s25 =	smax.f32 s26, s28;
	s31 =	spop (v2sf)  }
0x4b9: {  	s28 =	smax.f32 s19, s21;
	s26 =	smax.f32 s29, s31  }
0x4ba: {  	s29 =	smax.f32 s23, s24;
	s30 =	smax.f32 s25, s26  }
0x4bb: {  	s0 =	smax.f32 s0, s28;
	s31 =	smax.f32 s29, s30  }
0x4bc: {  	s15 =	smax.f32 s0, s31  }
0x4bd: {  	v38 =	vmov s15  }
0x4be: {  	v9 =	vadd.f32 $0.0e+00, v38;
	_ =	sdelay $0x1  }
0x4bf: {  	v9 =	vbroadcast v9, $0x0;
	_ =	sdelay $0x1  }
0x4c0: {  	vm0 =	veq.f32 v12, v9  }
0x4c1: {  	vm15 =	veq.f32 v11, v9;
	v39 =	vnsel vm0, $0x80, v1  }
0x4c2: {  	vm4 =	veq.f32 v10, v9;
	v13 =	vsel vm15, v2, v39  }
0x4c3: {  	vm5 =	veq.f32 v37, v9;
	v13 =	vsel vm4, v3, v13  }
0x4c4: {  	v13 =	vsel vm5, v0, v13  }
0x4c5: {  	(v2sf) =	vpush v13, $0x0  }
0x4c6: {  	(v2sf) =	vpush v13, $0x1  }
0x4c7: {  	(v2sf) =	vpush v13, $0x2  }
0x4c8: {  	(v2sf) =	vpush v13, $0x3  }
0x4c9: {  	(v2sf) =	vpush v13, $0x4  }
0x4ca: {  	(v2sf) =	vpush v13, $0x5  }
0x4cb: {  	(v2sf) =	vpush v13, $0x6  }
0x4cc: {  	(v2sf) =	vpush v13, $0x7  }
0x4cd: {  	(v2sf) =	vpush v13, $0x8  }
0x4ce: {  	(v2sf) =	vpush v13, $0x9  }
0x4cf: {  	(v2sf) =	vpush v13, $0xA  }
0x4d0: {  	(v2sf) =	vpush v13, $0xB  }
0x4d1: {  	(v2sf) =	vpush v13, $0xC  }
0x4d2: {  	(v2sf) =	vpush v13, $0xD  }
0x4d3: {  	(v2sf) =	vpush v13, $0xE  }
0x4d4: {  	s16 =	spop (v2sf);
	(v2sf) =	vpush v13, $0xF  }
0x4d5: {  	s31 =	spop (v2sf)  }
0x4d6: {  	s17 =	spop (v2sf)  }
0x4d7: {  	s18 =	spop (v2sf)  }
0x4d8: {  	s19 =	spop (v2sf)  }
0x4d9: {  	s20 =	spop (v2sf)  }
0x4da: {  	s21 =	spop (v2sf)  }
0x4db: {  	s22 =	spop (v2sf)  }
0x4dc: {  	s23 =	spop (v2sf)  }
0x4dd: {  	s24 =	spop (v2sf)  }
0x4de: {  	s25 =	spop (v2sf)  }
0x4df: {  	s26 =	spop (v2sf)  }
0x4e0: {  	s0 =	smin.u32 s16, s31;
	s17 =	smin.u32 s17, s18;
	s28 =	spop (v2sf)  }
0x4e1: {  	p0 =	slt.s32 s0, s17;
	s18 =	smin.u32 s19, s20;
	s29 =	spop (v2sf)  }
0x4e2: {  	s17 =	smov.u32 @p0 s0;
	s19 =	smin.u32 s21, s22;
	s30 =	spop (v2sf)  }
0x4e3: {  	p0 =	slt.s32 s18, s19;
	s20 =	smin.u32 s23, s24;
	s31 =	spop (v2sf)  }
0x4e4: {  	s21 =	smin.u32 s25, s26;
	s22 =	smin.u32 s28, s29;
	s16 =	smin.u32 s30, s31  }
0x4e5: {  	s19 =	smov.u32 @p0 s18;
	p0 =	slt.s32 s20, s21;
	p1 =	slt.s32 s22, s16  }
0x4e6: {  	s21 =	smov.u32 @p0 s20;
	s16 =	smov.u32 @p1 s22  }
0x4e7: {  	p0 =	slt.s32 s17, s19;
	p1 =	slt.s32 s21, s16  }
0x4e8: {  	s19 =	smov.u32 @p0 s17;
	s16 =	smov.u32 @p1 s21  }
0x4e9: {  	p0 =	slt.s32 s19, s16  }
0x4ea: {  	s16 =	smov.u32 @p0 s19  }
0x4eb: {  	v40 =	vmov s16  }
0x4ec: {  	vm6 =	veq.s32 v40, v0;
	vm7 =	veq.s32 v40, v3  }
0x4ed: {  	vm8 =	veq.s32 v40, v2;
	v14 =	vsel vm6, $0xF149F2CA, v37;
	v41 =	vsel vm7, $0xF149F2CA, v10  }
0x4ee: {  	vm9 =	veq.s32 v40, v1;
	v11 =	vsel vm8, $0xF149F2CA, v11;
	v10 =	vmax.f32 v14, v41  }
0x4ef: {  	v12 =	vsel vm9, $0xF149F2CA, v12;
	v10 =	vmax.f32 v10, v11  }
0x4f0: {  	v10 =	vmax.f32 v10, v12  }
0x4f1: {  	(v2sf) =	vpush v10, $0x0  }
0x4f2: {  	(v2sf) =	vpush v10, $0x1  }
0x4f3: {  	(v2sf) =	vpush v10, $0x2  }
0x4f4: {  	(v2sf) =	vpush v10, $0x3  }
0x4f5: {  	(v2sf) =	vpush v10, $0x4  }
0x4f6: {  	(v2sf) =	vpush v10, $0x5  }
0x4f7: {  	(v2sf) =	vpush v10, $0x6  }
0x4f8: {  	(v2sf) =	vpush v10, $0x7  }
0x4f9: {  	(v2sf) =	vpush v10, $0x8  }
0x4fa: {  	(v2sf) =	vpush v10, $0x9  }
0x4fb: {  	(v2sf) =	vpush v10, $0xA  }
0x4fc: {  	(v2sf) =	vpush v10, $0xB  }
0x4fd: {  	(v2sf) =	vpush v10, $0xC  }
0x4fe: {  	(v2sf) =	vpush v10, $0xD  }
0x4ff: {  	(v2sf) =	vpush v10, $0xE  }
0x500: {  	s17 =	spop (v2sf);
	(v2sf) =	vpush v10, $0xF  }
0x501: {  	s18 =	spop (v2sf)  }
0x502: {  	s19 =	spop (v2sf)  }
0x503: {  	s31 =	spop (v2sf)  }
0x504: {  	s20 =	spop (v2sf)  }
0x505: {  	s21 =	spop (v2sf)  }
0x506: {  	s22 =	spop (v2sf)  }
0x507: {  	s23 =	spop (v2sf)  }
0x508: {  	s0 =	smax.f32 s17, s18;
	s24 =	spop (v2sf)  }
0x509: {  	s18 =	smax.f32 s19, s31;
	s25 =	spop (v2sf)  }
0x50a: {  	s0 =	smax.f32 s0, s18;
	s26 =	spop (v2sf)  }
0x50b: {  	s20 =	smax.f32 s20, s21;
	s28 =	spop (v2sf)  }
0x50c: {  	s23 =	smax.f32 s22, s23;
	s29 =	spop (v2sf)  }
0x50d: {  	s25 =	smax.f32 s24, s25;
	s30 =	spop (v2sf)  }
0x50e: {  	s28 =	smax.f32 s26, s28;
	s17 =	spop (v2sf)  }
0x50f: {  	s29 =	smax.f32 s29, s30;
	s31 =	spop (v2sf)  }
0x510: {  	s30 =	smax.f32 s20, s23;
	s17 =	smax.f32 s17, s31  }
0x511: {  	s31 =	smax.f32 s25, s28;
	s17 =	smax.f32 s29, s17  }
0x512: {  	s0 =	smax.f32 s0, s30;
	s17 =	smax.f32 s31, s17  }
0x513: {  	s17 =	smax.f32 s0, s17  }
0x514: {  	v42 =	vmov s17  }
0x515: {  	v10 =	vadd.f32 $0.0e+00, v42;
	_ =	sdelay $0x1  }
0x516: {  	v10 =	vbroadcast v10, $0x0;
	_ =	sdelay $0x1  }
0x517: {  	vm0 =	veq.f32 v12, v10  }
0x518: {  	vm10 =	veq.f32 v11, v10;
	v43 =	vnsel vm0, $0x80, v1  }
0x519: {  	vm11 =	veq.f32 v41, v10;
	v13 =	vsel vm10, v2, v43  }
0x51a: {  	vm12 =	veq.f32 v14, v10;
	v13 =	vsel vm11, v3, v13  }
0x51b: {  	v13 =	vsel vm12, v0, v13  }
0x51c: {  	(v2sf) =	vpush v13, $0x0  }
0x51d: {  	(v2sf) =	vpush v13, $0x1  }
0x51e: {  	(v2sf) =	vpush v13, $0x2  }
0x51f: {  	(v2sf) =	vpush v13, $0x3  }
0x520: {  	(v2sf) =	vpush v13, $0x4  }
0x521: {  	(v2sf) =	vpush v13, $0x5  }
0x522: {  	(v2sf) =	vpush v13, $0x6  }
0x523: {  	(v2sf) =	vpush v13, $0x7  }
0x524: {  	(v2sf) =	vpush v13, $0x8  }
0x525: {  	(v2sf) =	vpush v13, $0x9  }
0x526: {  	(v2sf) =	vpush v13, $0xA  }
0x527: {  	(v2sf) =	vpush v13, $0xB  }
0x528: {  	(v2sf) =	vpush v13, $0xC  }
0x529: {  	(v2sf) =	vpush v13, $0xD  }
0x52a: {  	(v2sf) =	vpush v13, $0xE  }
0x52b: {  	s18 =	spop (v2sf);
	(v2sf) =	vpush v13, $0xF  }
0x52c: {  	s19 =	spop (v2sf)  }
0x52d: {  	s20 =	spop (v2sf)  }
0x52e: {  	s21 =	spop (v2sf)  }
0x52f: {  	s22 =	spop (v2sf)  }
0x530: {  	s31 =	spop (v2sf)  }
0x531: {  	s23 =	spop (v2sf)  }
0x532: {  	s24 =	spop (v2sf)  }
0x533: {  	s25 =	spop (v2sf)  }
0x534: {  	s26 =	spop (v2sf)  }
0x535: {  	s28 =	spop (v2sf)  }
0x536: {  	s29 =	spop (v2sf)  }
0x537: {  	s0 =	smin.u32 s18, s19;
	s19 =	smin.u32 s20, s21;
	s30 =	spop (v2sf)  }
0x538: {  	p0 =	slt.s32 s0, s19;
	s21 =	smin.u32 s22, s31;
	s18 =	spop (v2sf)  }
0x539: {  	s19 =	smov.u32 @p0 s0;
	s23 =	smin.u32 s23, s24;
	s20 =	spop (v2sf)  }
0x53a: {  	p0 =	slt.s32 s21, s23;
	s24 =	smin.u32 s25, s26;
	s31 =	spop (v2sf)  }
0x53b: {  	s25 =	smin.u32 s28, s29;
	s26 =	smin.u32 s30, s18;
	s18 =	smin.u32 s20, s31  }
0x53c: {  	s23 =	smov.u32 @p0 s21;
	p0 =	slt.s32 s24, s25;
	p1 =	slt.s32 s26, s18  }
0x53d: {  	s25 =	smov.u32 @p0 s24;
	s18 =	smov.u32 @p1 s26  }
0x53e: {  	p0 =	slt.s32 s19, s23;
	p1 =	slt.s32 s25, s18  }
0x53f: {  	s23 =	smov.u32 @p0 s19;
	s18 =	smov.u32 @p1 s25  }
0x540: {  	p0 =	slt.s32 s23, s18  }
0x541: {  	s18 =	smov.u32 @p0 s23  }
0x542: {  	v44 =	vmov s18  }
0x543: {  	vm13 =	veq.s32 v44, v0;
	vm14 =	veq.s32 v44, v3  }
0x544: {  	vm15 =	veq.s32 v44, v2;
	v14 =	vsel vm13, $0xF149F2CA, v14;
	v15 =	vsel vm14, $0xF149F2CA, v41  }
0x545: {  	vm4 =	veq.s32 v44, v1;
	v45 =	vsel vm15, $0xF149F2CA, v11;
	v46 =	vmax.f32 v14, v15  }
0x546: {  	v12 =	vsel vm4, $0xF149F2CA, v12;
	v11 =	vmax.f32 v46, v45  }
0x547: {  	v11 =	vmax.f32 v11, v12  }
0x548: {  	(v2sf) =	vpush v11, $0x0  }
0x549: {  	(v2sf) =	vpush v11, $0x1  }
0x54a: {  	(v2sf) =	vpush v11, $0x2  }
0x54b: {  	(v2sf) =	vpush v11, $0x3  }
0x54c: {  	(v2sf) =	vpush v11, $0x4  }
0x54d: {  	(v2sf) =	vpush v11, $0x5  }
0x54e: {  	(v2sf) =	vpush v11, $0x6  }
0x54f: {  	(v2sf) =	vpush v11, $0x7  }
0x550: {  	(v2sf) =	vpush v11, $0x8  }
0x551: {  	(v2sf) =	vpush v11, $0x9  }
0x552: {  	(v2sf) =	vpush v11, $0xA  }
0x553: {  	(v2sf) =	vpush v11, $0xB  }
0x554: {  	(v2sf) =	vpush v11, $0xC  }
0x555: {  	(v2sf) =	vpush v11, $0xD  }
0x556: {  	(v2sf) =	vpush v11, $0xE  }
0x557: {  	s0 =	spop (v2sf);
	(v2sf) =	vpush v11, $0xF  }
0x558: {  	s19 =	spop (v2sf)  }
0x559: {  	s20 =	spop (v2sf)  }
0x55a: {  	s21 =	spop (v2sf)  }
0x55b: {  	s22 =	spop (v2sf)  }
0x55c: {  	s23 =	spop (v2sf)  }
0x55d: {  	s24 =	spop (v2sf)  }
0x55e: {  	s25 =	spop (v2sf)  }
0x55f: {  	s0 =	smax.f32 s0, s19;
	s26 =	spop (v2sf)  }
0x560: {  	s20 =	smax.f32 s20, s21;
	s28 =	spop (v2sf)  }
0x561: {  	s0 =	smax.f32 s0, s20;
	s29 =	spop (v2sf)  }
0x562: {  	s22 =	smax.f32 s22, s23;
	s31 =	spop (v2sf)  }
0x563: {  	s24 =	smax.f32 s24, s25;
	s19 =	spop (v2sf)  }
0x564: {  	s30 =	smax.f32 s22, s24;
	s21 =	spop (v2sf)  }
0x565: {  	s26 =	smax.f32 s26, s28;
	s23 =	spop (v2sf)  }
0x566: {  	s31 =	smax.f32 s29, s31;
	s25 =	spop (v2sf)  }
0x567: {  	s19 =	smax.f32 s19, s21;
	s29 =	smax.f32 s23, s25  }
0x568: {  	s31 =	smax.f32 s26, s31;
	s19 =	smax.f32 s19, s29  }
0x569: {  	s0 =	smax.f32 s0, s30;
	s19 =	smax.f32 s31, s19  }
0x56a: {  	s19 =	smax.f32 s0, s19  }
0x56b: {  	v47 =	vmov s19  }
0x56c: {  	v11 =	vadd.f32 $0.0e+00, v47;
	_ =	sdelay $0x1  }
0x56d: {  	v11 =	vbroadcast v11, $0x0;
	_ =	sdelay $0x1  }
0x56e: {  	vm0 =	veq.f32 v12, v11  }
0x56f: {  	vm5 =	veq.f32 v45, v11;
	v12 =	vnsel vm0, $0x80, v1  }
0x570: {  	vm6 =	veq.f32 v15, v11;
	v12 =	vsel vm5, v2, v12  }
0x571: {  	vm7 =	veq.f32 v14, v11;
	v12 =	vsel vm6, v3, v12  }
0x572: {  	v12 =	vsel vm7, v0, v12  }
0x573: {  	(v2sf) =	vpush v12, $0x0  }
0x574: {  	(v2sf) =	vpush v12, $0x1  }
0x575: {  	(v2sf) =	vpush v12, $0x2  }
0x576: {  	(v2sf) =	vpush v12, $0x3  }
0x577: {  	(v2sf) =	vpush v12, $0x4  }
0x578: {  	(v2sf) =	vpush v12, $0x5  }
0x579: {  	(v2sf) =	vpush v12, $0x6  }
0x57a: {  	(v2sf) =	vpush v12, $0x7  }
0x57b: {  	(v2sf) =	vpush v12, $0x8  }
0x57c: {  	(v2sf) =	vpush v12, $0x9  }
0x57d: {  	(v2sf) =	vpush v12, $0xA  }
0x57e: {  	(v2sf) =	vpush v12, $0xB  }
0x57f: {  	(v2sf) =	vpush v12, $0xC  }
0x580: {  	(v2sf) =	vpush v12, $0xD  }
0x581: {  	(v2sf) =	vpush v12, $0xE  }
0x582: {  	s20 =	spop (v2sf);
	(v2sf) =	vpush v12, $0xF  }
0x583: {  	s21 =	spop (v2sf)  }
0x584: {  	s22 =	spop (v2sf)  }
0x585: {  	s23 =	spop (v2sf)  }
0x586: {  	s24 =	spop (v2sf)  }
0x587: {  	s31 =	spop (v2sf)  }
0x588: {  	s5 =	sadd.f32 s8, s5;
	s25 =	spop (v2sf)  }
0x589: {  	s26 =	spop (v2sf)  }
0x58a: {  	s5 =	sadd.f32 s9, s5;
	s28 =	spop (v2sf)  }
0x58b: {  	s29 =	spop (v2sf)  }
0x58c: {  	s12 =	sadd.f32 s12, s5;
	s30 =	spop (v2sf)  }
0x58d: {  	s0 =	smin.u32 s20, s21;
	s20 =	smin.u32 s22, s23;
	s8 =	spop (v2sf)  }
0x58e: {  	p0 =	slt.s32 s0, s20;
	s21 =	smin.u32 s24, s31;
	s31 =	spop (v2sf)  }
0x58f: {  	s20 =	smov.u32 @p0 s0;
	s23 =	smin.u32 s25, s26;
	s25 =	spop (v2sf)  }
0x590: {  	p0 =	slt.s32 s21, s23;
	s24 =	smin.u32 s28, s29;
	s26 =	spop (v2sf)  }
0x591: {  	s29 =	sadd.f32 s13, s12;
	s23 =	smov.u32 @p0 s21;
	s28 =	spop (v2sf)  }
0x592: {  	s8 =	smin.u32 s30, s8;
	s9 =	smin.u32 s31, s25;
	s5 =	smin.u32 s26, s28  }
0x593: {  	s0 =	sadd.f32 s15, s29;
	p1 =	slt.s32 s24, s8;
	p0 =	slt.s32 s9, s5  }
0x594: {  	s8 =	smov.u32 @p1 s24;
	s5 =	smov.u32 @p0 s9;
	p0 =	slt.s32 s20, s23  }
0x595: {  	s0 =	sadd.f32 s17, s0;
	s23 =	smov.u32 @p0 s20;
	p0 =	slt.s32 s8, s5  }
0x596: {  	p1 =	slt.s32 s10, s11;
	s5 =	smov.u32 @p0 s8  }
0x597: {  	s0 =	sadd.f32 s19, s0;
	s9 =	smov.u32 s7;
	p0 =	slt.s32 s23, s5  }
0x598: {  	s8 =	smov.u32 s11;
	s5 =	smov.u32 @p0 s23;
	p0 =	slt.s32 s6, s7  }
0x599: {  	s8 =	smov.u32 @p1 s10;
	s9 =	smov.u32 @p0 s6;
	p0 =	sgt.s32 s6, s7  }
0x59a: {  	p1 =	sgt.s32 s14, s16;
	s7 =	smov.u32 @p0 s6;
	p0 =	sgt.s32 s10, s11  }
0x59b: {  	s12 =	smov.u32 s8;
	s6 =	smov.u32 s5;
	s11 =	smov.u32 @p0 s10  }
0x59c: {  	p0 =	slt.s32 s14, s16;
	s10 =	smov.u32 s16;
	s16 =	smov.u32 @p1 s14  }
0x59d: {  	p1 =	slt.s32 s9, s8;
	s10 =	smov.u32 @p0 s14;
	p0 =	slt.s32 s18, s5  }
0x59e: {  	s12 =	smov.u32 @p1 s9;
	s6 =	smov.u32 @p0 s18;
	p0 =	sgt.s32 s18, s5  }
0x59f: {  	v48 =	vmov s0;
	p1 =	sgt.s32 s7, s11;
	s5 =	smov.u32 @p0 s18;
	p0 =	sgt.s32 s9, s8  }
0x5a0: {  	v12 =	vadd.f32 $0.0e+00, v48;
	s8 =	smov.u32 @p0 s9;
	p0 =	slt.s32 s7, s11;
	s9 =	smov.u32 s11  }
0x5a1: {  	s11 =	smov.u32 @p1 s7;
	p1 =	slt.s32 s16, s5;
	s13 =	smov.u32 s5  }
0x5a2: {  	v12 =	vbroadcast v12, $0x0;
	s9 =	smov.u32 @p0 s7;
	p0 =	slt.s32 s10, s6;
	s7 =	smov.u32 s6  }
0x5a3: {  	s13 =	smov.u32 @p1 s16;
	s7 =	smov.u32 @p0 s10;
	p0 =	sgt.s32 s10, s6  }
0x5a4: {  	(erf) = vrcp.f32 v12;
	s0 =	smov.u32 s8;
	s6 =	smov.u32 @p0 s10;
	p0 =	sgt.s32 s16, s5  }
0x5a5: {  	p1 =	sgt.s32 s9, s8;
	s10 =	smov.u32 s7;
	s5 =	smov.u32 @p0 s16  }
0x5a6: {  	p0 =	slt.s32 s9, s8;
	s8 =	smov.u32 @p1 s9;
	p1 =	slt.s32 s12, s7  }
0x5a7: {  	s0 =	smov.u32 @p0 s9;
	p0 =	slt.s32 s13, s6;
	s9 =	smov.u32 s6  }
0x5a8: {  	s10 =	smov.u32 @p1 s12;
	s9 =	smov.u32 @p0 s13;
	p0 =	sgt.s32 s13, s6  }
0x5a9: {  	s6 =	smov.u32 @p0 s13;
	p0 =	sgt.s32 s12, s7;
	p1 =	slt.s32 s0, s9  }
0x5aa: {  	s7 =	smov.u32 @p0 s12;
	p0 =	slt.s32 s11, s5;
	s12 =	smov.u32 s5  }
0x5ab: {  	s13 =	smov.u32 s9;
	s12 =	smov.u32 @p0 s11;
	p0 =	sgt.s32 s0, s9  }
0x5ac: {  	s13 =	smov.u32 @p1 s0;
	p1 =	sgt.s32 s8, s6;
	s9 =	smov.u32 @p0 s0  }
0x5ad: {  	v53 =	vpop (erf);
	p0 =	slt.s32 s8, s6;
	s0 =	smov.u32 s6;
	s6 =	smov.u32 @p1 s8  }
0x5ae: {  	v4 =	vmul.f32 v53, v4;
	v5 =	vmul.f32 v53, v5;
	p1 =	sgt.s32 s13, s7;
	s0 =	smov.u32 @p0 s8;
	p0 =	slt.s32 s13, s7  }
0x5af: {  	v6 =	vmul.f32 v53, v6;
	v7 =	vmul.f32 v53, v7;
	s8 =	smov.u32 s7;
	p2 =	slt.s32 s12, s6;
	s14 =	smov.u32 s6  }
0x5b0: {  	v8 =	vmul.f32 v53, v8;
	v9 =	vmul.f32 v53, v9;
	v49 =	vmov s10;
	s7 =	smov.u32 @p1 s13;
	s16 =	smov.u32 s9;
	s14 =	smov.u32 @p2 s12  }
0x5b1: {  	v10 =	vmul.f32 v53, v10;
	v11 =	vmul.f32 v53, v11;
	vm8 =	veq.s32 v49, v0;
	p1 =	slt.s32 s0, s7;
	s15 =	smov.u32 s7;
	s8 =	smov.u32 @p0 s13  }
0x5b2: {  	vm14 =	veq.s32 v49, v3;
	v57 =	vnsel vm8, $0x0, v4;
	p2 =	sgt.s32 s0, s7;
	p3 =	slt.s32 s14, s9;
	s15 =	smov.u32 @p1 s0;
	v50 =	vmov s8  }
0x5b3: {  	v59 =	vnsel vm14, $0x0, v4;
	s7 =	smov.u32 @p2 s0;
	p1 =	sgt.s32 s14, s9;
	s16 =	smov.u32 @p3 s14;
	v51 =	vmov s15;
	vm9 =	veq.s32 v50, v0  }
0x5b4: {  	s0 =	smov.u32 s7;
	s9 =	smov.u32 @p1 s14;
	vm4 =	veq.s32 v50, v3;
	p0 =	slt.s32 s16, s7;
	v20 =	vsel vm9, v5, v57;
	vm10 =	veq.s32 v51, v0  }
0x5b5: {  	v55 =	vmov s9;
	vm5 =	veq.s32 v51, v3;
	s0 =	smov.u32 @p0 s16;
	p0 =	sgt.s32 s16, s7;
	v20 =	vsel vm10, v6, v20  }
0x5b6: {  	vm13 =	veq.s32 v55, v0;
	vm9 =	veq.s32 v55, v3;
	vm10 =	veq.s32 v49, v2;
	s7 =	smov.u32 @p0 s16;
	p0 =	sgt.s32 s12, s6  }
0x5b7: {  	v52 =	vmov s0;
	v63 =	vnsel vm10, $0x0, v4;
	s6 =	smov.u32 @p0 s12;
	v54 =	vmov s7  }
0x5b8: {  	vm11 =	veq.s32 v52, v0;
	vm6 =	veq.s32 v52, v3;
	v56 =	vmov s6  }
0x5b9: {  	p0 =	sgt.s32 s11, s5;
	v20 =	vsel vm11, v7, v20;
	vm12 =	veq.s32 v54, v0;
	vm8 =	veq.s32 v54, v3  }
0x5ba: {  	s5 =	smov.u32 @p0 s11;
	vm11 =	veq.s32 v49, v1;
	v20 =	vsel vm12, v8, v20;
	vm15 =	veq.s32 v56, v0  }
0x5bb: {  	v60 =	vmov s5;
	vm12 =	veq.s32 v50, v2;
	vm14 =	veq.s32 v56, v3  }
0x5bc: {  	v4 =	vnsel vm11, $0x0, v4;
	vm10 =	veq.s32 v56, v2;
	vm11 =	veq.s32 v54, v1  }
0x5bd: {  	v58 =	vsel vm13, v9, v20;
	v20 =	vsel vm4, v5, v59;
	vm7 =	veq.s32 v60, v0  }
0x5be: {  	vm13 =	veq.s32 v50, v1;
	v13 =	vsel vm12, v5, v63;
	vm4 =	veq.s32 v52, v2  }
0x5bf: {  	vm12 =	veq.s32 v55, v1;
	v16 =	vsel vm15, v10, v58;
	v20 =	vsel vm5, v6, v20  }
0x5c0: {  	vm15 =	veq.s32 v51, v2;
	vm5 =	veq.s32 v60, v3;
	v4 =	vsel vm13, v5, v4  }
0x5c1: {  	vm13 =	veq.s32 v60, v2;
	v20 =	vsel vm6, v7, v20;
	v61 =	vsel vm7, v11, v16  }
0x5c2: {  	v13 =	vsel vm15, v6, v13;
	vm6 =	veq.s32 v54, v2;
	vm7 =	veq.s32 v55, v2  }
0x5c3: {  	v20 =	vsel vm8, v8, v20;
	v13 =	vsel vm4, v7, v13;
	vm8 =	veq.s32 v51, v1  }
0x5c4: {  	v62 =	vsel vm9, v9, v20;
	v4 =	vsel vm8, v6, v4;
	vm9 =	veq.s32 v52, v1  }
0x5c5: {  	v13 =	vsel vm6, v8, v13;
	v16 =	vsel vm14, v10, v62;
	v4 =	vsel vm9, v7, v4  }
0x5c6: {  	v5 =	vsel vm7, v9, v13;
	vm14 =	veq.s32 v56, v1;
	v4 =	vsel vm11, v8, v4  }
0x5c7: {  	[tilespmem:$0x180] =	vst v61;
	v16 =	vsel vm5, v11, v16;
	v5 =	vsel vm10, v10, v5;
	v4 =	vsel vm12, v9, v4  }
0x5c8: {  	vm15 =	veq.s32 v60, v1;
	[tilespmem:$0x190] =	vst v16;
	v5 =	vsel vm13, v11, v5;
	v4 =	vsel vm14, v10, v4  }
0x5c9: {  	s30 =	rddreg [dreg:$0x4];
	p0 =	sne.s32 s3, $0x1;
	[tilespmem:$0x1A0] =	vst v5;
	v4 =	vsel vm15, v11, v4  }
.Ltmp0:
0x5ca: {  	s31 =	rddreg [dreg:$0x5];
	[tilespmem:$0x1B0] =	vst v4;
	(pc) =	sbr.rel @p0 .LBB2_1-.Ltmp0, $4  }
0x5cb: {  	[hbm4b:s30+s2] =	stream.linear.scatter [tilespmem:s31], [sflag:$0x1], $0x100, $0x38;
	[tilespmem:$0x200] =	vst v63  }
0x5cc: {  	_ =	swait.ge [sflag:s4], $0x100  }
0x5cd: {  	[sflag:s4] =	ssyncset.done $0x0  }
0x5ce: {  	s3 =	sadd.s32 $0xFFFFFFFF, s3;
	[sflag:s4] =	ssyncadd.s32 $0xFFFFFF00  }
0x5cf: {  	_ =	sfence.sel $0x180000  }
0x5d0: {  	[bflag:$0x0] =	sbarrier.arrive $0xFFFF  }
0x5d1: {  	_ =	strace $0x90000047  }
0x5d2: {  	[bflag:$0x2] =	sbarrier.arrive $0xFFFF  }
0x5d3: {  	p0 =	sne.s32 s1, $0x0;
	s0 =	rddreg [dreg:$0x2]  }
0x5d4: {  	s0 =	sadd.s32 @!p0 $0x100000, s0  }
0x5d5: {  	[sflag:s0] =	ssyncadd.tile.s32 @!p0 $0x1;
	_ =	shalt  }
.Lfunc_end2:
_tile_overlayer_lowered:
.L_overlay_start_2:
0x5d6: {  	(tag) =	ssettag $0x2  }
0x5d7: {  	s0 =	rddreg [dreg:$0x0];
	s2 =	stileid.u32  }
0x5d8: {  	s1 =	rddreg [dreg:$0x1];
	p0 =	sne.s32 s2, $0x0  }
0x5d9: {  	s3 =	rddreg [dreg:$0x2];
	[bflag:$0x3] =	sbarrier.arrive $0xFFFF;
	s2 =	simm.s32 @!p0 $0x1C01  }
0x5da: {  	[timem:s3], [sflag:s2] =	dma.local @!p0 [hbm:s0], s1  }
0x5db: {  	s0 =	simm.s32 @!p0 $0x1  }
0x5dc: {  	_ =	swait.ge @!p0 [sflag:s0], s1  }
0x5dd: {  	s1 =	ssub.s32 @!p0 $0x0, s1;
	[sflag:s0] =	ssyncset.done @!p0 $0x0  }
0x5de: {  	[sflag:s0] =	ssyncadd.s32 @!p0 s1  }
0x5df: {  	[bflag:$0x3] =	sbarrier.arrive $0xFFFF  }
0x5e0: {  	_ =	shalt  }

</sc_bundles>
